<compile_context>
chip_gen: v7x
topology: tpu7x:2x2x1
jax: 0.10.2.dev20260603
libtpu: 0.0.44.dev20260713+nightly
codegen_flags: <defaults>
</compile_context>

<pallas_src>
import functools

import jax
import jax.numpy as jnp
from jax import lax
from jax.experimental import pallas as pl
from jax.experimental.pallas import tpu as pltpu
from jax.experimental.pallas import tpu_sc as plsc

N = 10000
E = 320000
D = 128

NC = 2
NS = 16
NW = NC * NS

CH = 80
CPW = 125

ACH = 128
ACPW = 80
HCH = ACPW // 2
EPAD = NW * ACPW * ACH
NTRASH = 480
NACC = N + NTRASH
RPA = 656
RPL = NACC - 15 * RPA
CPL = N - 15 * RPA

NPAD = 10240
RPT = NPAD // NS

_mesh = plsc.VectorSubcoreMesh(
    core_axis_name="c", subcore_axis_name="s", num_cores=NC, num_subcores=NS
)


@functools.partial(
    pl.kernel,
    out_type=jax.ShapeDtypeStruct((NC, 2, NPAD), jnp.float32),
    mesh=_mesh,
    scratch_types=[
        pltpu.VMEM((CPW, CH), jnp.int32),
        pltpu.VMEM((CPW, CH), jnp.int32),
        pltpu.VMEM((RPT,), jnp.float32),
        pltpu.VMEM((CH,), jnp.float32),
        pltpu.VMEM_SHARED((NPAD,), jnp.float32),
        pltpu.VMEM_SHARED((NPAD,), jnp.float32),
        pltpu.SemaphoreType.DMA,
        pltpu.SemaphoreType.DMA,
    ],
)
def _deg_sc(src_hbm, dst_hbm, out_hbm, src_v, dst_v, zbuf, ones_v,
            dego_acc, degi_acc, sd, si):
    c = lax.axis_index("c")
    s = lax.axis_index("s")
    w = c * NS + s
    z16 = jnp.zeros((16,), jnp.float32)
    o16 = jnp.ones((16,), jnp.float32)

    hs = pltpu.async_copy(src_hbm.at[w], src_v, si)
    hd = pltpu.async_copy(dst_hbm.at[w], dst_v, si)

    def zrow(i, carry):
        zbuf[pl.ds(i * 16, 16)] = z16
        return carry
    lax.fori_loop(0, RPT // 16, zrow, 0)
    for q in range(CH // 16):
        ones_v[pl.ds(q * 16, 16)] = o16

    pltpu.sync_copy(zbuf, dego_acc.at[pl.ds(s * RPT, RPT)])
    pltpu.sync_copy(zbuf, degi_acc.at[pl.ds(s * RPT, RPT)])
    hs.wait()
    hd.wait()
    plsc.subcore_barrier()

    def group(g, carry):
        for b in range(25):
            j = 25 * g + b
            pltpu.async_copy(ones_v, dego_acc.at[src_v.at[j]], sd, add=True)
            pltpu.async_copy(ones_v, degi_acc.at[dst_v.at[j]], sd, add=True)
        for b in range(25):
            j = 25 * g + b
            pltpu.make_async_copy(ones_v, dego_acc.at[src_v.at[j]],
                                  sd).wait()
            pltpu.make_async_copy(ones_v, degi_acc.at[dst_v.at[j]],
                                  sd).wait()
        return carry
    lax.fori_loop(0, CPW // 25, group, 0)
    plsc.subcore_barrier()

    pltpu.sync_copy(dego_acc.at[pl.ds(s * RPT, RPT)],
                    out_hbm.at[c, 0, pl.ds(s * RPT, RPT)])
    pltpu.sync_copy(degi_acc.at[pl.ds(s * RPT, RPT)],
                    out_hbm.at[c, 1, pl.ds(s * RPT, RPT)])


@functools.partial(
    pl.kernel,
    out_type=jax.ShapeDtypeStruct((NC, N, D), jnp.float32),
    mesh=_mesh,
    scratch_types=[
        pltpu.VMEM((HCH, ACH), jnp.int32),
        pltpu.VMEM((HCH, ACH), jnp.int32),
        pltpu.VMEM((2, ACH, D), jnp.float32),
        pltpu.VMEM_SHARED((NACC, D), jnp.float32),
        pltpu.SemaphoreType.DMA,
        pltpu.SemaphoreType.DMA,
        pltpu.SemaphoreType.DMA,
        pltpu.SemaphoreType.DMA,
        pltpu.SemaphoreType.DMA,
    ],
)
def _agg_sc(table_hbm, src_hbm, dst_hbm, zeros_hbm, out_hbm, src_v, dst_v,
            rows_v, acc, sg0, sg1, ss0, ss1, si):
    c = lax.axis_index("c")
    s = lax.axis_index("s")
    w = c * NS + s
    sg = (sg0, sg1)
    ss = (ss0, ss1)

    hs = pltpu.async_copy(src_hbm.at[w, pl.ds(0, HCH), :], src_v, si)
    hd = pltpu.async_copy(dst_hbm.at[w, pl.ds(0, HCH), :], dst_v, si)
    base = s * RPA

    @pl.when(s < NS - 1)
    def _():
        pltpu.async_copy(zeros_hbm.at[pl.ds(base, RPA), :],
                         acc.at[pl.ds(base, RPA), :], si)

    @pl.when(s == NS - 1)
    def _():
        pltpu.async_copy(zeros_hbm.at[pl.ds(base, RPL), :],
                         acc.at[pl.ds(base, RPL), :], si)
    hs.wait()
    hd.wait()

    @pl.when(s < NS - 1)
    def _():
        pltpu.make_async_copy(zeros_hbm.at[pl.ds(base, RPA), :],
                              acc.at[pl.ds(base, RPA), :], si).wait()

    @pl.when(s == NS - 1)
    def _():
        pltpu.make_async_copy(zeros_hbm.at[pl.ds(base, RPL), :],
                              acc.at[pl.ds(base, RPL), :], si).wait()
    plsc.subcore_barrier()

    def gather(j, b):
        pltpu.async_copy(table_hbm.at[src_v.at[j]], rows_v.at[b], sg[b])

    def gather_wait(j, b):
        pltpu.make_async_copy(table_hbm.at[src_v.at[j]], rows_v.at[b],
                              sg[b]).wait()

    def scatter(j, b):
        pltpu.async_copy(rows_v.at[b], acc.at[dst_v.at[j]], ss[b],
                         add=True)

    def scatter_wait(j, b):
        pltpu.make_async_copy(rows_v.at[b], acc.at[dst_v.at[j]],
                              ss[b]).wait()

    for p in range(2):
        if p == 1:
            pltpu.sync_copy(src_hbm.at[w, pl.ds(HCH, HCH), :], src_v)
            pltpu.sync_copy(dst_hbm.at[w, pl.ds(HCH, HCH), :], dst_v)
        gather(0, 0)
        gather_wait(0, 0)
        scatter(0, 0)
        gather(1, 1)

        def group(g, carry):
            for b in range(2):
                j = 2 * g + 1 + b
                gather_wait(j, 1 - b)
                scatter(j, 1 - b)
                scatter_wait(j - 1, b)
                gather(j + 1, b)
            return carry
        lax.fori_loop(0, (HCH - 2) // 2, group, 0)
        gather_wait(HCH - 1, 1)
        scatter(HCH - 1, 1)
        scatter_wait(HCH - 2, 0)
        scatter_wait(HCH - 1, 1)
    plsc.subcore_barrier()

    @pl.when(s < NS - 1)
    def _():
        pltpu.sync_copy(acc.at[pl.ds(s * RPA, RPA), :],
                        out_hbm.at[c, pl.ds(s * RPA, RPA), :])

    @pl.when(s == NS - 1)
    def _():
        pltpu.sync_copy(acc.at[pl.ds(s * RPA, CPL), :],
                        out_hbm.at[c, pl.ds(s * RPA, CPL), :])


_B = 2048


def _rs(col):
    return lax.rsqrt(jnp.maximum(col, 1.0))


def _deg_cols(dg_ref, i):
    dsl = pl.ds(i * _B, _B)
    d_out = (dg_ref[0, 0, dsl] + dg_ref[1, 0, dsl]).reshape(1, _B)
    d_in = (dg_ref[0, 1, dsl] + dg_ref[1, 1, dsl]).reshape(1, _B)
    return jnp.transpose(d_out), jnp.transpose(d_in)


def _t1_body(x_ref, w_ref, b_ref, dg_ref, o_ref):
    d_out, _ = _deg_cols(dg_ref, pl.program_id(0))
    rs_out = _rs(d_out)
    o_ref[...] = (jnp.dot(x_ref[...], w_ref[...],
                          preferred_element_type=jnp.float32)
                  + b_ref[...]) * rs_out


def _t2_body(a_ref, w_ref, b_ref, dg_ref, o_ref):
    d_out, d_in = _deg_cols(dg_ref, pl.program_id(0))
    rs_in = _rs(d_in)
    rs_out = _rs(d_out)
    h = jnp.maximum((a_ref[0] + a_ref[1]) * rs_in, 0.0)
    o_ref[...] = (jnp.dot(h, w_ref[...],
                          preferred_element_type=jnp.float32)
                  + b_ref[...]) * rs_out


def _t3_body(a_ref, dg_ref, f1_ref, g1_ref, f2_ref, g2_ref, f3_ref, g3_ref,
             fs_ref, gs_ref, o_ref):
    _, d_in = _deg_cols(dg_ref, pl.program_id(0))
    rs_in = _rs(d_in)
    h = (a_ref[0] + a_ref[1]) * rs_in
    ff = jnp.maximum(jnp.dot(h, f1_ref[...],
                             preferred_element_type=jnp.float32)
                     + g1_ref[...], 0.0)
    ff = jnp.maximum(jnp.dot(ff, f2_ref[...],
                             preferred_element_type=jnp.float32)
                     + g2_ref[...], 0.0)
    ff = jnp.maximum(jnp.dot(ff, f3_ref[...],
                             preferred_element_type=jnp.float32)
                     + g3_ref[...], 0.0)
    o_ref[...] = ff + jnp.dot(h, fs_ref[...],
                              preferred_element_type=jnp.float32) + gs_ref[...]


def _row_spec():
    return pl.BlockSpec((_B, D), lambda i: (i, 0))


def _full_spec(shape):
    return pl.BlockSpec(shape, lambda i: tuple(0 for _ in shape))


def _dg_spec():
    return pl.BlockSpec((NC, 2, NPAD), lambda i: (0, 0, 0))


def _agg_spec():
    return pl.BlockSpec((NC, _B, D), lambda i: (0, i, 0))


_GRID = ((N + _B - 1) // _B,)


def _t1(x, W, b, degT):
    return pl.pallas_call(
        _t1_body,
        grid=_GRID,
        in_specs=[_row_spec(), _full_spec((D, D)), _full_spec((1, D)),
                  _dg_spec()],
        out_specs=_row_spec(),
        out_shape=jax.ShapeDtypeStruct((N, D), jnp.float32),
    )(x, W, b, degT)


def _t2(a, W, b, degT):
    return pl.pallas_call(
        _t2_body,
        grid=_GRID,
        in_specs=[_agg_spec(), _full_spec((D, D)), _full_spec((1, D)),
                  _dg_spec()],
        out_specs=_row_spec(),
        out_shape=jax.ShapeDtypeStruct((N, D), jnp.float32),
    )(a, W, b, degT)


def _t3(a, degT, F1, g1, F2, g2, F3, g3, Fs, gs):
    fw = _full_spec((D, D))
    fb = _full_spec((1, D))
    return pl.pallas_call(
        _t3_body,
        grid=_GRID,
        in_specs=[_agg_spec(), _dg_spec(), fw, fb, fw, fb, fw, fb, fw, fb],
        out_specs=_row_spec(),
        out_shape=jax.ShapeDtypeStruct((N, D), jnp.float32),
    )(a, degT, F1, g1, F2, g2, F3, g3, Fs, gs)


def kernel(x, edge_index, W1, b1, W2, b2, F1, fb1, F2, fb2, F3, fb3, Fs, fbs):
    src_d = edge_index[0].reshape(NW, CPW, CH)
    dst_d = edge_index[1].reshape(NW, CPW, CH)
    npd = EPAD - E
    pad_pair = jnp.stack([
        jnp.arange(npd, dtype=jnp.int32) % N,
        N + jnp.arange(npd, dtype=jnp.int32) % NTRASH,
    ])
    ea = jnp.concatenate([edge_index, pad_pair], axis=1)
    src_a = ea[0].reshape(NW, ACPW, ACH)
    dst_a = ea[1].reshape(NW, ACPW, ACH)

    zrows = jnp.zeros((NACC, D), jnp.float32)

    deg = _deg_sc(src_d, dst_d)

    s1 = _t1(x, W1, b1.reshape(1, D), deg)
    a1 = _agg_sc(s1, src_a, dst_a, zrows)
    s2 = _t2(a1, W2, b2.reshape(1, D), deg)
    a2 = _agg_sc(s2, src_a, dst_a, zrows)
    return _t3(a2, deg, F1, fb1.reshape(1, D), F2, fb2.reshape(1, D),
               F3, fb3.reshape(1, D), Fs, fbs.reshape(1, D))

# --- scband reference (transcript-rebuilt; emitter-appended) ---
"""Pipeline reference for scband-encoder-41686952575046 (READ-ONLY COPY).

The authoritative reference and input builder live on the scoring server;
editing this copy changes nothing except your own understanding.
"""

import jax, jax.numpy as jnp
import numpy as np

N = 10000
E = 320000
D = 128


def setup_inputs(seed: int = 0) -> dict:
    key = jax.random.key(seed)
    ks = jax.random.split(key, 16)
    inp = {}
    inp["x"] = jax.random.normal(ks[0], (N, D), dtype=jnp.float32)
    inp["edge_index"] = jax.random.randint(ks[1], (2, E), 0, N, dtype=jnp.int32)
    scale = 0.05
    param_shapes = [
        ("W1", (D, D)), ("b1", (D,)),
        ("W2", (D, D)), ("b2", (D,)),
        ("F1", (D, D)), ("fb1", (D,)),
        ("F2", (D, D)), ("fb2", (D,)),
        ("F3", (D, D)), ("fb3", (D,)),
        ("Fs", (D, D)), ("fbs", (D,)),
    ]
    for i, (nm, shp) in enumerate(param_shapes):
        inp[nm] = jax.random.normal(ks[2 + i], shp, dtype=jnp.float32) * scale
    return inp


def _sym_norm(src, dst):
    # symmetric normalization coefficients per edge (GCN-style)
    deg_out = jnp.zeros((N,), jnp.float32).at[src].add(1.0)
    deg_in = jnp.zeros((N,), jnp.float32).at[dst].add(1.0)
    d_src = jnp.maximum(deg_out[src], 1.0)
    d_dst = jnp.maximum(deg_in[dst], 1.0)
    return jax.lax.rsqrt(d_src * d_dst)


def reference(x, edge_index, W1, b1, W2, b2, F1, fb1, F2, fb2, F3, fb3, Fs, fbs):
    src = edge_index[0]
    dst = edge_index[1]
    norm = _sym_norm(src, dst)

    def gcn_layer(h, W, b, act):
        # GraphConvolution: linear transform, then sparse aggregation over adj
        support = h @ W + b
        msgs = support[src] * norm[:, None]          # gather (memory-bound)
        agg = jax.ops.segment_sum(msgs, dst, num_segments=N)  # scatter-add
        return act(agg)

    h = gcn_layer(x, W1, b1, jax.nn.relu)            # hidden GCN layer
    h = gcn_layer(h, W2, b2, lambda t: t)            # final GCN layer (identity act)

    # local_d = FF(output_dim): 3-layer MLP block + linear shortcut (InfoGraph-style)
    ff = jax.nn.relu(h @ F1 + fb1)
    ff = jax.nn.relu(ff @ F2 + fb2)
    ff = jax.nn.relu(ff @ F3 + fb3)
    out = ff + (h @ Fs + fbs)
    return out

if __name__ == "__main__":
    import jax
    _d = setup_inputs()
    print(jax.jit(kernel)(*tuple(_d.values())))

</pallas_src>

<mosaic_0001>
#map = affine_map<(d0, d1) -> (0, 0, 0)>
module attributes {stable_mosaic.version = 14 : i64} {
  func.func @_deg_sc(%arg0: i32, %arg1: i32, %arg2: memref<32x125x80xi32, #tpu.memory_space<hbm>>, %arg3: memref<32x125x80xi32, #tpu.memory_space<hbm>>, %arg4: memref<2x2x10240xf32, #tpu.memory_space<hbm>>, %arg5: memref<125x80xi32, #tpu.memory_space<vmem>>, %arg6: memref<125x80xi32, #tpu.memory_space<vmem>>, %arg7: memref<640xf32, #tpu.memory_space<vmem>>, %arg8: memref<80xf32, #tpu.memory_space<vmem>>, %arg9: memref<10240xf32, #tpu.memory_space<vmem_shared>>, %arg10: memref<10240xf32, #tpu.memory_space<vmem_shared>>, %arg11: memref<!tpu.dma_semaphore, #tpu.memory_space<semaphore_mem>>, %arg12: memref<!tpu.dma_semaphore, #tpu.memory_space<semaphore_mem>>) attributes {dimension_semantics = [#tpu.dimension_semantics<core_parallel>, #tpu.dimension_semantics<subcore_parallel>], iteration_bounds = array<i64: 2, 16>, scalar_prefetch = 0 : i64, scratch_operands = 8 : i64, tpu.core_type = #tpu.core_type<sc_vector_subcore>, window_params = [{transform_indices = #map}, {transform_indices = #map}, {transform_indices = #map}]} {
    %mul3A = arith.constant 16 : i32
    %mul3A_0 = arith.muli %arg0, %mul3A : i32
    %add3A = arith.addi %mul3A_0, %arg1 : i32
    %broadcast_in_dim3A = arith.constant 0.000000e+00 : f32
    %broadcast_in_dim3A_1 = vector.broadcast %broadcast_in_dim3A : f32 to vector<16xf32>
    %broadcast_in_dim3A_2 = arith.constant 1.000000e+00 : f32
    %broadcast_in_dim3A_3 = vector.broadcast %broadcast_in_dim3A_2 : f32 to vector<16xf32>
    %dma_start3A = arith.constant 0 : i32
    %dma_start3A_4 = arith.constant 0 : i32
    %dma_start3A_5 = tpu.memref_slice %arg2[%add3A, %dma_start3A, %dma_start3A_4] : memref<32x125x80xi32, #tpu.memory_space<hbm>> -> memref<1x125x80xi32, #tpu.memory_space<hbm>>
    %dma_start3A_6 = tpu.memref_squeeze %dma_start3A_5 : memref<1x125x80xi32, #tpu.memory_space<hbm>> -> memref<125x80xi32, #tpu.memory_space<hbm>>
    %dma_start3A_7 = arith.constant 0 : i32
    %dma_start3A_8 = arith.constant 0 : i32
    %dma_start3A_9 = tpu.memref_slice %arg2[%add3A, %dma_start3A_7, %dma_start3A_8] : memref<32x125x80xi32, #tpu.memory_space<hbm>> -> memref<1x125x80xi32, #tpu.memory_space<hbm>>
    %dma_start3A_10 = tpu.memref_squeeze %dma_start3A_9 : memref<1x125x80xi32, #tpu.memory_space<hbm>> -> memref<125x80xi32, #tpu.memory_space<hbm>>
    tpu.enqueue_dma source(%dma_start3A_10 : memref<125x80xi32, #tpu.memory_space<hbm>>) target(%arg5 : memref<125x80xi32, #tpu.memory_space<vmem>>) target_semaphore(%arg12 : memref<!tpu.dma_semaphore, #tpu.memory_space<semaphore_mem>>)
    %dma_start3A_11 = arith.constant 0 : i32
    %dma_start3A_12 = arith.constant 0 : i32
    %dma_start3A_13 = tpu.memref_slice %arg3[%add3A, %dma_start3A_11, %dma_start3A_12] : memref<32x125x80xi32, #tpu.memory_space<hbm>> -> memref<1x125x80xi32, #tpu.memory_space<hbm>>
    %dma_start3A_14 = tpu.memref_squeeze %dma_start3A_13 : memref<1x125x80xi32, #tpu.memory_space<hbm>> -> memref<125x80xi32, #tpu.memory_space<hbm>>
    %dma_start3A_15 = arith.constant 0 : i32
    %dma_start3A_16 = arith.constant 0 : i32
    %dma_start3A_17 = tpu.memref_slice %arg3[%add3A, %dma_start3A_15, %dma_start3A_16] : memref<32x125x80xi32, #tpu.memory_space<hbm>> -> memref<1x125x80xi32, #tpu.memory_space<hbm>>
    %dma_start3A_18 = tpu.memref_squeeze %dma_start3A_17 : memref<1x125x80xi32, #tpu.memory_space<hbm>> -> memref<125x80xi32, #tpu.memory_space<hbm>>
    tpu.enqueue_dma source(%dma_start3A_18 : memref<125x80xi32, #tpu.memory_space<hbm>>) target(%arg6 : memref<125x80xi32, #tpu.memory_space<vmem>>) target_semaphore(%arg12 : memref<!tpu.dma_semaphore, #tpu.memory_space<semaphore_mem>>)
    %scan3A = arith.constant 0 : i32
    %scan3A_19 = arith.constant 0 : i32
    %scan3A_20 = arith.constant 40 : i32
    %scan3A_21 = arith.addi %scan3A_19, %scan3A_20 : i32
    %scan3A_22 = arith.constant 1 : i32
    scf.for %scan3A_78 = %scan3A_19 to %scan3A_21 step %scan3A_22  : i32 {
      %mul3A_79 = arith.constant 16 : i32
      %mul3A_80 = arith.muli %scan3A_78, %mul3A_79 : i32
      %swap3A_81 = arith.index_cast %mul3A_80 : i32 to index
      %swap3A_82 = tpu.vector_load %arg7[%swap3A_81] {strides = array<i32>} : memref<640xf32, #tpu.memory_space<vmem>>, vector<16xf32>,
      %swap3A_83 = vector.shape_cast %swap3A_82 : vector<16xf32> to vector<16xf32>
      %swap3A_84 = vector.shape_cast %broadcast_in_dim3A_1 : vector<16xf32> to vector<16xf32>
      tpu.vector_store %arg7[%swap3A_81], %swap3A_84 {strides = array<i32>} : memref<640xf32, #tpu.memory_space<vmem>>, vector<16xf32>,
    }
    %scan3A_23 = arith.constant 40 : i32
    %swap3A = arith.constant 0 : index
    %swap3A_24 = tpu.vector_load %arg8[%swap3A] {strides = array<i32>} : memref<80xf32, #tpu.memory_space<vmem>>, vector<16xf32>,
    %swap3A_25 = vector.shape_cast %swap3A_24 : vector<16xf32> to vector<16xf32>
    %swap3A_26 = vector.shape_cast %broadcast_in_dim3A_3 : vector<16xf32> to vector<16xf32>
    tpu.vector_store %arg8[%swap3A], %swap3A_26 {strides = array<i32>} : memref<80xf32, #tpu.memory_space<vmem>>, vector<16xf32>,
    %swap3A_27 = arith.constant 16 : index
    %swap3A_28 = tpu.vector_load %arg8[%swap3A_27] {strides = array<i32>} : memref<80xf32, #tpu.memory_space<vmem>>, vector<16xf32>,
    %swap3A_29 = vector.shape_cast %swap3A_28 : vector<16xf32> to vector<16xf32>
    %swap3A_30 = vector.shape_cast %broadcast_in_dim3A_3 : vector<16xf32> to vector<16xf32>
    tpu.vector_store %arg8[%swap3A_27], %swap3A_30 {strides = array<i32>} : memref<80xf32, #tpu.memory_space<vmem>>, vector<16xf32>,
    %swap3A_31 = arith.constant 32 : index
    %swap3A_32 = tpu.vector_load %arg8[%swap3A_31] {strides = array<i32>} : memref<80xf32, #tpu.memory_space<vmem>>, vector<16xf32>,
    %swap3A_33 = vector.shape_cast %swap3A_32 : vector<16xf32> to vector<16xf32>
    %swap3A_34 = vector.shape_cast %broadcast_in_dim3A_3 : vector<16xf32> to vector<16xf32>
    tpu.vector_store %arg8[%swap3A_31], %swap3A_34 {strides = array<i32>} : memref<80xf32, #tpu.memory_space<vmem>>, vector<16xf32>,
    %swap3A_35 = arith.constant 48 : index
    %swap3A_36 = tpu.vector_load %arg8[%swap3A_35] {strides = array<i32>} : memref<80xf32, #tpu.memory_space<vmem>>, vector<16xf32>,
    %swap3A_37 = vector.shape_cast %swap3A_36 : vector<16xf32> to vector<16xf32>
    %swap3A_38 = vector.shape_cast %broadcast_in_dim3A_3 : vector<16xf32> to vector<16xf32>
    tpu.vector_store %arg8[%swap3A_35], %swap3A_38 {strides = array<i32>} : memref<80xf32, #tpu.memory_space<vmem>>, vector<16xf32>,
    %swap3A_39 = arith.constant 64 : index
    %swap3A_40 = tpu.vector_load %arg8[%swap3A_39] {strides = array<i32>} : memref<80xf32, #tpu.memory_space<vmem>>, vector<16xf32>,
    %swap3A_41 = vector.shape_cast %swap3A_40 : vector<16xf32> to vector<16xf32>
    %swap3A_42 = vector.shape_cast %broadcast_in_dim3A_3 : vector<16xf32> to vector<16xf32>
    tpu.vector_store %arg8[%swap3A_39], %swap3A_42 {strides = array<i32>} : memref<80xf32, #tpu.memory_space<vmem>>, vector<16xf32>,
    %mul3A_43 = arith.constant 640 : i32
    %mul3A_44 = arith.muli %arg1, %mul3A_43 : i32
    "tpu.region"() ({
      %run_scoped3A_78 = tpu.sem_alloc : memref<!tpu.dma_semaphore, #tpu.memory_space<semaphore_mem>>
      %dma_start3A_79 = tpu.memref_slice %arg9[%mul3A_44] : memref<10240xf32, #tpu.memory_space<vmem_shared>> -> memref<640xf32, #tpu.memory_space<vmem_shared>>
      %dma_start3A_80 = tpu.memref_slice %arg9[%mul3A_44] : memref<10240xf32, #tpu.memory_space<vmem_shared>> -> memref<640xf32, #tpu.memory_space<vmem_shared>>
      tpu.enqueue_dma source(%arg7 : memref<640xf32, #tpu.memory_space<vmem>>) target(%dma_start3A_80 : memref<640xf32, #tpu.memory_space<vmem_shared>>) target_semaphore(%run_scoped3A_78 : memref<!tpu.dma_semaphore, #tpu.memory_space<semaphore_mem>>)
      %dma_wait3A_81 = tpu.memref_slice %arg9[%mul3A_44] : memref<10240xf32, #tpu.memory_space<vmem_shared>> -> memref<640xf32, #tpu.memory_space<vmem_shared>>
      %dma_wait3A_82 = tpu.memref_slice %arg9[%mul3A_44] : memref<10240xf32, #tpu.memory_space<vmem_shared>> -> memref<640xf32, #tpu.memory_space<vmem_shared>>
      tpu.wait_dma2 semaphore(%run_scoped3A_78 : memref<!tpu.dma_semaphore, #tpu.memory_space<semaphore_mem>>) src(%arg7 : memref<640xf32, #tpu.memory_space<vmem>>) dst(%dma_wait3A_82 : memref<640xf32, #tpu.memory_space<vmem_shared>>)
      tpu.yield
    }) : () -> ()
    %mul3A_45 = arith.constant 640 : i32
    %mul3A_46 = arith.muli %arg1, %mul3A_45 : i32
    "tpu.region"() ({
      %run_scoped3A_78 = tpu.sem_alloc : memref<!tpu.dma_semaphore, #tpu.memory_space<semaphore_mem>>
      %dma_start3A_79 = tpu.memref_slice %arg10[%mul3A_46] : memref<10240xf32, #tpu.memory_space<vmem_shared>> -> memref<640xf32, #tpu.memory_space<vmem_shared>>
      %dma_start3A_80 = tpu.memref_slice %arg10[%mul3A_46] : memref<10240xf32, #tpu.memory_space<vmem_shared>> -> memref<640xf32, #tpu.memory_space<vmem_shared>>
      tpu.enqueue_dma source(%arg7 : memref<640xf32, #tpu.memory_space<vmem>>) target(%dma_start3A_80 : memref<640xf32, #tpu.memory_space<vmem_shared>>) target_semaphore(%run_scoped3A_78 : memref<!tpu.dma_semaphore, #tpu.memory_space<semaphore_mem>>)
      %dma_wait3A_81 = tpu.memref_slice %arg10[%mul3A_46] : memref<10240xf32, #tpu.memory_space<vmem_shared>> -> memref<640xf32, #tpu.memory_space<vmem_shared>>
      %dma_wait3A_82 = tpu.memref_slice %arg10[%mul3A_46] : memref<10240xf32, #tpu.memory_space<vmem_shared>> -> memref<640xf32, #tpu.memory_space<vmem_shared>>
      tpu.wait_dma2 semaphore(%run_scoped3A_78 : memref<!tpu.dma_semaphore, #tpu.memory_space<semaphore_mem>>) src(%arg7 : memref<640xf32, #tpu.memory_space<vmem>>) dst(%dma_wait3A_82 : memref<640xf32, #tpu.memory_space<vmem_shared>>)
      tpu.yield
    }) : () -> ()
    %dma_wait3A = arith.constant 0 : i32
    %dma_wait3A_47 = arith.constant 0 : i32
    %dma_wait3A_48 = tpu.memref_slice %arg2[%add3A, %dma_wait3A, %dma_wait3A_47] : memref<32x125x80xi32, #tpu.memory_space<hbm>> -> memref<1x125x80xi32, #tpu.memory_space<hbm>>
    %dma_wait3A_49 = tpu.memref_squeeze %dma_wait3A_48 : memref<1x125x80xi32, #tpu.memory_space<hbm>> -> memref<125x80xi32, #tpu.memory_space<hbm>>
    %dma_wait3A_50 = arith.constant 0 : i32
    %dma_wait3A_51 = arith.constant 0 : i32
    %dma_wait3A_52 = tpu.memref_slice %arg2[%add3A, %dma_wait3A_50, %dma_wait3A_51] : memref<32x125x80xi32, #tpu.memory_space<hbm>> -> memref<1x125x80xi32, #tpu.memory_space<hbm>>
    %dma_wait3A_53 = tpu.memref_squeeze %dma_wait3A_52 : memref<1x125x80xi32, #tpu.memory_space<hbm>> -> memref<125x80xi32, #tpu.memory_space<hbm>>
    tpu.wait_dma2 semaphore(%arg12 : memref<!tpu.dma_semaphore, #tpu.memory_space<semaphore_mem>>) src(%dma_wait3A_53 : memref<125x80xi32, #tpu.memory_space<hbm>>) dst(%arg5 : memref<125x80xi32, #tpu.memory_space<vmem>>)
    %dma_wait3A_54 = arith.constant 0 : i32
    %dma_wait3A_55 = arith.constant 0 : i32
    %dma_wait3A_56 = tpu.memref_slice %arg3[%add3A, %dma_wait3A_54, %dma_wait3A_55] : memref<32x125x80xi32, #tpu.memory_space<hbm>> -> memref<1x125x80xi32, #tpu.memory_space<hbm>>
    %dma_wait3A_57 = tpu.memref_squeeze %dma_wait3A_56 : memref<1x125x80xi32, #tpu.memory_space<hbm>> -> memref<125x80xi32, #tpu.memory_space<hbm>>
    %dma_wait3A_58 = arith.constant 0 : i32
    %dma_wait3A_59 = arith.constant 0 : i32
    %dma_wait3A_60 = tpu.memref_slice %arg3[%add3A, %dma_wait3A_58, %dma_wait3A_59] : memref<32x125x80xi32, #tpu.memory_space<hbm>> -> memref<1x125x80xi32, #tpu.memory_space<hbm>>
    %dma_wait3A_61 = tpu.memref_squeeze %dma_wait3A_60 : memref<1x125x80xi32, #tpu.memory_space<hbm>> -> memref<125x80xi32, #tpu.memory_space<hbm>>
    tpu.wait_dma2 semaphore(%arg12 : memref<!tpu.dma_semaphore, #tpu.memory_space<semaphore_mem>>) src(%dma_wait3A_61 : memref<125x80xi32, #tpu.memory_space<hbm>>) dst(%arg6 : memref<125x80xi32, #tpu.memory_space<vmem>>)
    %barrier3A = arith.constant 0 : index
    tpu.barrier barrier_id(%barrier3A)
    %scan3A_62 = arith.constant 0 : i32
    %scan3A_63 = arith.constant 0 : i32
    %scan3A_64 = arith.constant 5 : i32
    %scan3A_65 = arith.addi %scan3A_63, %scan3A_64 : i32
    %scan3A_66 = arith.constant 1 : i32
    scf.for %scan3A_78 = %scan3A_63 to %scan3A_65 step %scan3A_66  : i32 {
      %mul3A_79 = arith.constant 25 : i32
      %mul3A_80 = arith.muli %mul3A_79, %scan3A_78 : i32
      %add3A_81 = arith.constant 0 : i32
      %add3A_82 = arith.addi %mul3A_80, %add3A_81 : i32
      %dma_start3A_83 = arith.constant 0 : i32
      %dma_start3A_84 = tpu.memref_slice %arg5[%add3A_82, %dma_start3A_83] : memref<125x80xi32, #tpu.memory_space<vmem>> -> memref<1x80xi32, #tpu.memory_space<vmem>>
      %dma_start3A_85 = tpu.memref_squeeze %dma_start3A_84 : memref<1x80xi32, #tpu.memory_space<vmem>> -> memref<80xi32, #tpu.memory_space<vmem>>
      %dma_start3A_86 = arith.constant 0 : i32
      %dma_start3A_87 = tpu.memref_slice %arg9[%dma_start3A_86] : memref<10240xf32, #tpu.memory_space<vmem_shared>> -> memref<10240xf32, #tpu.memory_space<vmem_shared>>
      tpu.enqueue_indirect_dma source(%arg8 : memref<80xf32, #tpu.memory_space<vmem>>) target(%dma_start3A_87 : memref<10240xf32, #tpu.memory_space<vmem_shared>>) offsets(%dma_start3A_85 : memref<80xi32, #tpu.memory_space<vmem>>) semaphore(%arg11 : memref<!tpu.dma_semaphore, #tpu.memory_space<semaphore_mem>>) {add = true}
      %dma_start3A_88 = arith.constant 0 : i32
      %dma_start3A_89 = tpu.memref_slice %arg6[%add3A_82, %dma_start3A_88] : memref<125x80xi32, #tpu.memory_space<vmem>> -> memref<1x80xi32, #tpu.memory_space<vmem>>
      %dma_start3A_90 = tpu.memref_squeeze %dma_start3A_89 : memref<1x80xi32, #tpu.memory_space<vmem>> -> memref<80xi32, #tpu.memory_space<vmem>>
      %dma_start3A_91 = arith.constant 0 : i32
      %dma_start3A_92 = tpu.memref_slice %arg10[%dma_start3A_91] : memref<10240xf32, #tpu.memory_space<vmem_shared>> -> memref<10240xf32, #tpu.memory_space<vmem_shared>>
      tpu.enqueue_indirect_dma source(%arg8 : memref<80xf32, #tpu.memory_space<vmem>>) target(%dma_start3A_92 : memref<10240xf32, #tpu.memory_space<vmem_shared>>) offsets(%dma_start3A_90 : memref<80xi32, #tpu.memory_space<vmem>>) semaphore(%arg11 : memref<!tpu.dma_semaphore, #tpu.memory_space<semaphore_mem>>) {add = true}
      %mul3A_93 = arith.constant 25 : i32
      %mul3A_94 = arith.muli %mul3A_93, %scan3A_78 : i32
      %add3A_95 = arith.constant 1 : i32
      %add3A_96 = arith.addi %mul3A_94, %add3A_95 : i32
      %dma_start3A_97 = arith.constant 0 : i32
      %dma_start3A_98 = tpu.memref_slice %arg5[%add3A_96, %dma_start3A_97] : memref<125x80xi32, #tpu.memory_space<vmem>> -> memref<1x80xi32, #tpu.memory_space<vmem>>
      %dma_start3A_99 = tpu.memref_squeeze %dma_start3A_98 : memref<1x80xi32, #tpu.memory_space<vmem>> -> memref<80xi32, #tpu.memory_space<vmem>>
      %dma_start3A_100 = arith.constant 0 : i32
      %dma_start3A_101 = tpu.memref_slice %arg9[%dma_start3A_100] : memref<10240xf32, #tpu.memory_space<vmem_shared>> -> memref<10240xf32, #tpu.memory_space<vmem_shared>>
      tpu.enqueue_indirect_dma source(%arg8 : memref<80xf32, #tpu.memory_space<vmem>>) target(%dma_start3A_101 : memref<10240xf32, #tpu.memory_space<vmem_shared>>) offsets(%dma_start3A_99 : memref<80xi32, #tpu.memory_space<vmem>>) semaphore(%arg11 : memref<!tpu.dma_semaphore, #tpu.memory_space<semaphore_mem>>) {add = true}
      %dma_start3A_102 = arith.constant 0 : i32
      %dma_start3A_103 = tpu.memref_slice %arg6[%add3A_96, %dma_start3A_102] : memref<125x80xi32, #tpu.memory_space<vmem>> -> memref<1x80xi32, #tpu.memory_space<vmem>>
      %dma_start3A_104 = tpu.memref_squeeze %dma_start3A_103 : memref<1x80xi32, #tpu.memory_space<vmem>> -> memref<80xi32, #tpu.memory_space<vmem>>
      %dma_start3A_105 = arith.constant 0 : i32
      %dma_start3A_106 = tpu.memref_slice %arg10[%dma_start3A_105] : memref<10240xf32, #tpu.memory_space<vmem_shared>> -> memref<10240xf32, #tpu.memory_space<vmem_shared>>
      tpu.enqueue_indirect_dma source(%arg8 : memref<80xf32, #tpu.memory_space<vmem>>) target(%dma_start3A_106 : memref<10240xf32, #tpu.memory_space<vmem_shared>>) offsets(%dma_start3A_104 : memref<80xi32, #tpu.memory_space<vmem>>) semaphore(%arg11 : memref<!tpu.dma_semaphore, #tpu.memory_space<semaphore_mem>>) {add = true}
      %mul3A_107 = arith.constant 25 : i32
      %mul3A_108 = arith.muli %mul3A_107, %scan3A_78 : i32
      %add3A_109 = arith.constant 2 : i32
      %add3A_110 = arith.addi %mul3A_108, %add3A_109 : i32
      %dma_start3A_111 = arith.constant 0 : i32
      %dma_start3A_112 = tpu.memref_slice %arg5[%add3A_110, %dma_start3A_111] : memref<125x80xi32, #tpu.memory_space<vmem>> -> memref<1x80xi32, #tpu.memory_space<vmem>>
      %dma_start3A_113 = tpu.memref_squeeze %dma_start3A_112 : memref<1x80xi32, #tpu.memory_space<vmem>> -> memref<80xi32, #tpu.memory_space<vmem>>
      %dma_start3A_114 = arith.constant 0 : i32
      %dma_start3A_115 = tpu.memref_slice %arg9[%dma_start3A_114] : memref<10240xf32, #tpu.memory_space<vmem_shared>> -> memref<10240xf32, #tpu.memory_space<vmem_shared>>
      tpu.enqueue_indirect_dma source(%arg8 : memref<80xf32, #tpu.memory_space<vmem>>) target(%dma_start3A_115 : memref<10240xf32, #tpu.memory_space<vmem_shared>>) offsets(%dma_start3A_113 : memref<80xi32, #tpu.memory_space<vmem>>) semaphore(%arg11 : memref<!tpu.dma_semaphore, #tpu.memory_space<semaphore_mem>>) {add = true}
      %dma_start3A_116 = arith.constant 0 : i32
      %dma_start3A_117 = tpu.memref_slice %arg6[%add3A_110, %dma_start3A_116] : memref<125x80xi32, #tpu.memory_space<vmem>> -> memref<1x80xi32, #tpu.memory_space<vmem>>
      %dma_start3A_118 = tpu.memref_squeeze %dma_start3A_117 : memref<1x80xi32, #tpu.memory_space<vmem>> -> memref<80xi32, #tpu.memory_space<vmem>>
      %dma_start3A_119 = arith.constant 0 : i32
      %dma_start3A_120 = tpu.memref_slice %arg10[%dma_start3A_119] : memref<10240xf32, #tpu.memory_space<vmem_shared>> -> memref<10240xf32, #tpu.memory_space<vmem_shared>>
      tpu.enqueue_indirect_dma source(%arg8 : memref<80xf32, #tpu.memory_space<vmem>>) target(%dma_start3A_120 : memref<10240xf32, #tpu.memory_space<vmem_shared>>) offsets(%dma_start3A_118 : memref<80xi32, #tpu.memory_space<vmem>>) semaphore(%arg11 : memref<!tpu.dma_semaphore, #tpu.memory_space<semaphore_mem>>) {add = true}
      %mul3A_121 = arith.constant 25 : i32
      %mul3A_122 = arith.muli %mul3A_121, %scan3A_78 : i32
      %add3A_123 = arith.constant 3 : i32
      %add3A_124 = arith.addi %mul3A_122, %add3A_123 : i32
      %dma_start3A_125 = arith.constant 0 : i32
      %dma_start3A_126 = tpu.memref_slice %arg5[%add3A_124, %dma_start3A_125] : memref<125x80xi32, #tpu.memory_space<vmem>> -> memref<1x80xi32, #tpu.memory_space<vmem>>
      %dma_start3A_127 = tpu.memref_squeeze %dma_start3A_126 : memref<1x80xi32, #tpu.memory_space<vmem>> -> memref<80xi32, #tpu.memory_space<vmem>>
      %dma_start3A_128 = arith.constant 0 : i32
      %dma_start3A_129 = tpu.memref_slice %arg9[%dma_start3A_128] : memref<10240xf32, #tpu.memory_space<vmem_shared>> -> memref<10240xf32, #tpu.memory_space<vmem_shared>>
      tpu.enqueue_indirect_dma source(%arg8 : memref<80xf32, #tpu.memory_space<vmem>>) target(%dma_start3A_129 : memref<10240xf32, #tpu.memory_space<vmem_shared>>) offsets(%dma_start3A_127 : memref<80xi32, #tpu.memory_space<vmem>>) semaphore(%arg11 : memref<!tpu.dma_semaphore, #tpu.memory_space<semaphore_mem>>) {add = true}
      %dma_start3A_130 = arith.constant 0 : i32
      %dma_start3A_131 = tpu.memref_slice %arg6[%add3A_124, %dma_start3A_130] : memref<125x80xi32, #tpu.memory_space<vmem>> -> memref<1x80xi32, #tpu.memory_space<vmem>>
      %dma_start3A_132 = tpu.memref_squeeze %dma_start3A_131 : memref<1x80xi32, #tpu.memory_space<vmem>> -> memref<80xi32, #tpu.memory_space<vmem>>
      %dma_start3A_133 = arith.constant 0 : i32
      %dma_start3A_134 = tpu.memref_slice %arg10[%dma_start3A_133] : memref<10240xf32, #tpu.memory_space<vmem_shared>> -> memref<10240xf32, #tpu.memory_space<vmem_shared>>
      tpu.enqueue_indirect_dma source(%arg8 : memref<80xf32, #tpu.memory_space<vmem>>) target(%dma_start3A_134 : memref<10240xf32, #tpu.memory_space<vmem_shared>>) offsets(%dma_start3A_132 : memref<80xi32, #tpu.memory_space<vmem>>) semaphore(%arg11 : memref<!tpu.dma_semaphore, #tpu.memory_space<semaphore_mem>>) {add = true}
      %mul3A_135 = arith.constant 25 : i32
      %mul3A_136 = arith.muli %mul3A_135, %scan3A_78 : i32
      %add3A_137 = arith.constant 4 : i32
      %add3A_138 = arith.addi %mul3A_136, %add3A_137 : i32
      %dma_start3A_139 = arith.constant 0 : i32
      %dma_start3A_140 = tpu.memref_slice %arg5[%add3A_138, %dma_start3A_139] : memref<125x80xi32, #tpu.memory_space<vmem>> -> memref<1x80xi32, #tpu.memory_space<vmem>>
      %dma_start3A_141 = tpu.memref_squeeze %dma_start3A_140 : memref<1x80xi32, #tpu.memory_space<vmem>> -> memref<80xi32, #tpu.memory_space<vmem>>
      %dma_start3A_142 = arith.constant 0 : i32
      %dma_start3A_143 = tpu.memref_slice %arg9[%dma_start3A_142] : memref<10240xf32, #tpu.memory_space<vmem_shared>> -> memref<10240xf32, #tpu.memory_space<vmem_shared>>
      tpu.enqueue_indirect_dma source(%arg8 : memref<80xf32, #tpu.memory_space<vmem>>) target(%dma_start3A_143 : memref<10240xf32, #tpu.memory_space<vmem_shared>>) offsets(%dma_start3A_141 : memref<80xi32, #tpu.memory_space<vmem>>) semaphore(%arg11 : memref<!tpu.dma_semaphore, #tpu.memory_space<semaphore_mem>>) {add = true}
      %dma_start3A_144 = arith.constant 0 : i32
      %dma_start3A_145 = tpu.memref_slice %arg6[%add3A_138, %dma_start3A_144] : memref<125x80xi32, #tpu.memory_space<vmem>> -> memref<1x80xi32, #tpu.memory_space<vmem>>
      %dma_start3A_146 = tpu.memref_squeeze %dma_start3A_145 : memref<1x80xi32, #tpu.memory_space<vmem>> -> memref<80xi32, #tpu.memory_space<vmem>>
      %dma_start3A_147 = arith.constant 0 : i32
      %dma_start3A_148 = tpu.memref_slice %arg10[%dma_start3A_147] : memref<10240xf32, #tpu.memory_space<vmem_shared>> -> memref<10240xf32, #tpu.memory_space<vmem_shared>>
      tpu.enqueue_indirect_dma source(%arg8 : memref<80xf32, #tpu.memory_space<vmem>>) target(%dma_start3A_148 : memref<10240xf32, #tpu.memory_space<vmem_shared>>) offsets(%dma_start3A_146 : memref<80xi32, #tpu.memory_space<vmem>>) semaphore(%arg11 : memref<!tpu.dma_semaphore, #tpu.memory_space<semaphore_mem>>) {add = true}
      %mul3A_149 = arith.constant 25 : i32
      %mul3A_150 = arith.muli %mul3A_149, %scan3A_78 : i32
      %add3A_151 = arith.constant 5 : i32
      %add3A_152 = arith.addi %mul3A_150, %add3A_151 : i32
      %dma_start3A_153 = arith.constant 0 : i32
      %dma_start3A_154 = tpu.memref_slice %arg5[%add3A_152, %dma_start3A_153] : memref<125x80xi32, #tpu.memory_space<vmem>> -> memref<1x80xi32, #tpu.memory_space<vmem>>
      %dma_start3A_155 = tpu.memref_squeeze %dma_start3A_154 : memref<1x80xi32, #tpu.memory_space<vmem>> -> memref<80xi32, #tpu.memory_space<vmem>>
      %dma_start3A_156 = arith.constant 0 : i32
      %dma_start3A_157 = tpu.memref_slice %arg9[%dma_start3A_156] : memref<10240xf32, #tpu.memory_space<vmem_shared>> -> memref<10240xf32, #tpu.memory_space<vmem_shared>>
      tpu.enqueue_indirect_dma source(%arg8 : memref<80xf32, #tpu.memory_space<vmem>>) target(%dma_start3A_157 : memref<10240xf32, #tpu.memory_space<vmem_shared>>) offsets(%dma_start3A_155 : memref<80xi32, #tpu.memory_space<vmem>>) semaphore(%arg11 : memref<!tpu.dma_semaphore, #tpu.memory_space<semaphore_mem>>) {add = true}
      %dma_start3A_158 = arith.constant 0 : i32
      %dma_start3A_159 = tpu.memref_slice %arg6[%add3A_152, %dma_start3A_158] : memref<125x80xi32, #tpu.memory_space<vmem>> -> memref<1x80xi32, #tpu.memory_space<vmem>>
      %dma_start3A_160 = tpu.memref_squeeze %dma_start3A_159 : memref<1x80xi32, #tpu.memory_space<vmem>> -> memref<80xi32, #tpu.memory_space<vmem>>
      %dma_start3A_161 = arith.constant 0 : i32
      %dma_start3A_162 = tpu.memref_slice %arg10[%dma_start3A_161] : memref<10240xf32, #tpu.memory_space<vmem_shared>> -> memref<10240xf32, #tpu.memory_space<vmem_shared>>
      tpu.enqueue_indirect_dma source(%arg8 : memref<80xf32, #tpu.memory_space<vmem>>) target(%dma_start3A_162 : memref<10240xf32, #tpu.memory_space<vmem_shared>>) offsets(%dma_start3A_160 : memref<80xi32, #tpu.memory_space<vmem>>) semaphore(%arg11 : memref<!tpu.dma_semaphore, #tpu.memory_space<semaphore_mem>>) {add = true}
      %mul3A_163 = arith.constant 25 : i32
      %mul3A_164 = arith.muli %mul3A_163, %scan3A_78 : i32
      %add3A_165 = arith.constant 6 : i32
      %add3A_166 = arith.addi %mul3A_164, %add3A_165 : i32
      %dma_start3A_167 = arith.constant 0 : i32
      %dma_start3A_168 = tpu.memref_slice %arg5[%add3A_166, %dma_start3A_167] : memref<125x80xi32, #tpu.memory_space<vmem>> -> memref<1x80xi32, #tpu.memory_space<vmem>>
      %dma_start3A_169 = tpu.memref_squeeze %dma_start3A_168 : memref<1x80xi32, #tpu.memory_space<vmem>> -> memref<80xi32, #tpu.memory_space<vmem>>
      %dma_start3A_170 = arith.constant 0 : i32
      %dma_start3A_171 = tpu.memref_slice %arg9[%dma_start3A_170] : memref<10240xf32, #tpu.memory_space<vmem_shared>> -> memref<10240xf32, #tpu.memory_space<vmem_shared>>
      tpu.enqueue_indirect_dma source(%arg8 : memref<80xf32, #tpu.memory_space<vmem>>) target(%dma_start3A_171 : memref<10240xf32, #tpu.memory_space<vmem_shared>>) offsets(%dma_start3A_169 : memref<80xi32, #tpu.memory_space<vmem>>) semaphore(%arg11 : memref<!tpu.dma_semaphore, #tpu.memory_space<semaphore_mem>>) {add = true}
      %dma_start3A_172 = arith.constant 0 : i32
      %dma_start3A_173 = tpu.memref_slice %arg6[%add3A_166, %dma_start3A_172] : memref<125x80xi32, #tpu.memory_space<vmem>> -> memref<1x80xi32, #tpu.memory_space<vmem>>
      %dma_start3A_174 = tpu.memref_squeeze %dma_start3A_173 : memref<1x80xi32, #tpu.memory_space<vmem>> -> memref<80xi32, #tpu.memory_space<vmem>>
      %dma_start3A_175 = arith.constant 0 : i32
      %dma_start3A_176 = tpu.memref_slice %arg10[%dma_start3A_175] : memref<10240xf32, #tpu.memory_space<vmem_shared>> -> memref<10240xf32, #tpu.memory_space<vmem_shared>>
      tpu.enqueue_indirect_dma source(%arg8 : memref<80xf32, #tpu.memory_space<vmem>>) target(%dma_start3A_176 : memref<10240xf32, #tpu.memory_space<vmem_shared>>) offsets(%dma_start3A_174 : memref<80xi32, #tpu.memory_space<vmem>>) semaphore(%arg11 : memref<!tpu.dma_semaphore, #tpu.memory_space<semaphore_mem>>) {add = true}
      %mul3A_177 = arith.constant 25 : i32
      %mul3A_178 = arith.muli %mul3A_177, %scan3A_78 : i32
      %add3A_179 = arith.constant 7 : i32
      %add3A_180 = arith.addi %mul3A_178, %add3A_179 : i32
      %dma_start3A_181 = arith.constant 0 : i32
      %dma_start3A_182 = tpu.memref_slice %arg5[%add3A_180, %dma_start3A_181] : memref<125x80xi32, #tpu.memory_space<vmem>> -> memref<1x80xi32, #tpu.memory_space<vmem>>
      %dma_start3A_183 = tpu.memref_squeeze %dma_start3A_182 : memref<1x80xi32, #tpu.memory_space<vmem>> -> memref<80xi32, #tpu.memory_space<vmem>>
      %dma_start3A_184 = arith.constant 0 : i32
      %dma_start3A_185 = tpu.memref_slice %arg9[%dma_start3A_184] : memref<10240xf32, #tpu.memory_space<vmem_shared>> -> memref<10240xf32, #tpu.memory_space<vmem_shared>>
      tpu.enqueue_indirect_dma source(%arg8 : memref<80xf32, #tpu.memory_space<vmem>>) target(%dma_start3A_185 : memref<10240xf32, #tpu.memory_space<vmem_shared>>) offsets(%dma_start3A_183 : memref<80xi32, #tpu.memory_space<vmem>>) semaphore(%arg11 : memref<!tpu.dma_semaphore, #tpu.memory_space<semaphore_mem>>) {add = true}
      %dma_start3A_186 = arith.constant 0 : i32
      %dma_start3A_187 = tpu.memref_slice %arg6[%add3A_180, %dma_start3A_186] : memref<125x80xi32, #tpu.memory_space<vmem>> -> memref<1x80xi32, #tpu.memory_space<vmem>>
      %dma_start3A_188 = tpu.memref_squeeze %dma_start3A_187 : memref<1x80xi32, #tpu.memory_space<vmem>> -> memref<80xi32, #tpu.memory_space<vmem>>
      %dma_start3A_189 = arith.constant 0 : i32
      %dma_start3A_190 = tpu.memref_slice %arg10[%dma_start3A_189] : memref<10240xf32, #tpu.memory_space<vmem_shared>> -> memref<10240xf32, #tpu.memory_space<vmem_shared>>
      tpu.enqueue_indirect_dma source(%arg8 : memref<80xf32, #tpu.memory_space<vmem>>) target(%dma_start3A_190 : memref<10240xf32, #tpu.memory_space<vmem_shared>>) offsets(%dma_start3A_188 : memref<80xi32, #tpu.memory_space<vmem>>) semaphore(%arg11 : memref<!tpu.dma_semaphore, #tpu.memory_space<semaphore_mem>>) {add = true}
      %mul3A_191 = arith.constant 25 : i32
      %mul3A_192 = arith.muli %mul3A_191, %scan3A_78 : i32
      %add3A_193 = arith.constant 8 : i32
      %add3A_194 = arith.addi %mul3A_192, %add3A_193 : i32
      %dma_start3A_195 = arith.constant 0 : i32
      %dma_start3A_196 = tpu.memref_slice %arg5[%add3A_194, %dma_start3A_195] : memref<125x80xi32, #tpu.memory_space<vmem>> -> memref<1x80xi32, #tpu.memory_space<vmem>>
      %dma_start3A_197 = tpu.memref_squeeze %dma_start3A_196 : memref<1x80xi32, #tpu.memory_space<vmem>> -> memref<80xi32, #tpu.memory_space<vmem>>
      %dma_start3A_198 = arith.constant 0 : i32
      %dma_start3A_199 = tpu.memref_slice %arg9[%dma_start3A_198] : memref<10240xf32, #tpu.memory_space<vmem_shared>> -> memref<10240xf32, #tpu.memory_space<vmem_shared>>
      tpu.enqueue_indirect_dma source(%arg8 : memref<80xf32, #tpu.memory_space<vmem>>) target(%dma_start3A_199 : memref<10240xf32, #tpu.memory_space<vmem_shared>>) offsets(%dma_start3A_197 : memref<80xi32, #tpu.memory_space<vmem>>) semaphore(%arg11 : memref<!tpu.dma_semaphore, #tpu.memory_space<semaphore_mem>>) {add = true}
      %dma_start3A_200 = arith.constant 0 : i32
      %dma_start3A_201 = tpu.memref_slice %arg6[%add3A_194, %dma_start3A_200] : memref<125x80xi32, #tpu.memory_space<vmem>> -> memref<1x80xi32, #tpu.memory_space<vmem>>
      %dma_start3A_202 = tpu.memref_squeeze %dma_start3A_201 : memref<1x80xi32, #tpu.memory_space<vmem>> -> memref<80xi32, #tpu.memory_space<vmem>>
      %dma_start3A_203 = arith.constant 0 : i32
      %dma_start3A_204 = tpu.memref_slice %arg10[%dma_start3A_203] : memref<10240xf32, #tpu.memory_space<vmem_shared>> -> memref<10240xf32, #tpu.memory_space<vmem_shared>>
      tpu.enqueue_indirect_dma source(%arg8 : memref<80xf32, #tpu.memory_space<vmem>>) target(%dma_start3A_204 : memref<10240xf32, #tpu.memory_space<vmem_shared>>) offsets(%dma_start3A_202 : memref<80xi32, #tpu.memory_space<vmem>>) semaphore(%arg11 : memref<!tpu.dma_semaphore, #tpu.memory_space<semaphore_mem>>) {add = true}
      %mul3A_205 = arith.constant 25 : i32
      %mul3A_206 = arith.muli %mul3A_205, %scan3A_78 : i32
      %add3A_207 = arith.constant 9 : i32
      %add3A_208 = arith.addi %mul3A_206, %add3A_207 : i32
      %dma_start3A_209 = arith.constant 0 : i32
      %dma_start3A_210 = tpu.memref_slice %arg5[%add3A_208, %dma_start3A_209] : memref<125x80xi32, #tpu.memory_space<vmem>> -> memref<1x80xi32, #tpu.memory_space<vmem>>
      %dma_start3A_211 = tpu.memref_squeeze %dma_start3A_210 : memref<1x80xi32, #tpu.memory_space<vmem>> -> memref<80xi32, #tpu.memory_space<vmem>>
      %dma_start3A_212 = arith.constant 0 : i32
      %dma_start3A_213 = tpu.memref_slice %arg9[%dma_start3A_212] : memref<10240xf32, #tpu.memory_space<vmem_shared>> -> memref<10240xf32, #tpu.memory_space<vmem_shared>>
      tpu.enqueue_indirect_dma source(%arg8 : memref<80xf32, #tpu.memory_space<vmem>>) target(%dma_start3A_213 : memref<10240xf32, #tpu.memory_space<vmem_shared>>) offsets(%dma_start3A_211 : memref<80xi32, #tpu.memory_space<vmem>>) semaphore(%arg11 : memref<!tpu.dma_semaphore, #tpu.memory_space<semaphore_mem>>) {add = true}
      %dma_start3A_214 = arith.constant 0 : i32
      %dma_start3A_215 = tpu.memref_slice %arg6[%add3A_208, %dma_start3A_214] : memref<125x80xi32, #tpu.memory_space<vmem>> -> memref<1x80xi32, #tpu.memory_space<vmem>>
      %dma_start3A_216 = tpu.memref_squeeze %dma_start3A_215 : memref<1x80xi32, #tpu.memory_space<vmem>> -> memref<80xi32, #tpu.memory_space<vmem>>
      %dma_start3A_217 = arith.constant 0 : i32
      %dma_start3A_218 = tpu.memref_slice %arg10[%dma_start3A_217] : memref<10240xf32, #tpu.memory_space<vmem_shared>> -> memref<10240xf32, #tpu.memory_space<vmem_shared>>
      tpu.enqueue_indirect_dma source(%arg8 : memref<80xf32, #tpu.memory_space<vmem>>) target(%dma_start3A_218 : memref<10240xf32, #tpu.memory_space<vmem_shared>>) offsets(%dma_start3A_216 : memref<80xi32, #tpu.memory_space<vmem>>) semaphore(%arg11 : memref<!tpu.dma_semaphore, #tpu.memory_space<semaphore_mem>>) {add = true}
      %mul3A_219 = arith.constant 25 : i32
      %mul3A_220 = arith.muli %mul3A_219, %scan3A_78 : i32
      %add3A_221 = arith.constant 10 : i32
      %add3A_222 = arith.addi %mul3A_220, %add3A_221 : i32
      %dma_start3A_223 = arith.constant 0 : i32
      %dma_start3A_224 = tpu.memref_slice %arg5[%add3A_222, %dma_start3A_223] : memref<125x80xi32, #tpu.memory_space<vmem>> -> memref<1x80xi32, #tpu.memory_space<vmem>>
      %dma_start3A_225 = tpu.memref_squeeze %dma_start3A_224 : memref<1x80xi32, #tpu.memory_space<vmem>> -> memref<80xi32, #tpu.memory_space<vmem>>
      %dma_start3A_226 = arith.constant 0 : i32
      %dma_start3A_227 = tpu.memref_slice %arg9[%dma_start3A_226] : memref<10240xf32, #tpu.memory_space<vmem_shared>> -> memref<10240xf32, #tpu.memory_space<vmem_shared>>
      tpu.enqueue_indirect_dma source(%arg8 : memref<80xf32, #tpu.memory_space<vmem>>) target(%dma_start3A_227 : memref<10240xf32, #tpu.memory_space<vmem_shared>>) offsets(%dma_start3A_225 : memref<80xi32, #tpu.memory_space<vmem>>) semaphore(%arg11 : memref<!tpu.dma_semaphore, #tpu.memory_space<semaphore_mem>>) {add = true}
      %dma_start3A_228 = arith.constant 0 : i32
      %dma_start3A_229 = tpu.memref_slice %arg6[%add3A_222, %dma_start3A_228] : memref<125x80xi32, #tpu.memory_space<vmem>> -> memref<1x80xi32, #tpu.memory_space<vmem>>
      %dma_start3A_230 = tpu.memref_squeeze %dma_start3A_229 : memref<1x80xi32, #tpu.memory_space<vmem>> -> memref<80xi32, #tpu.memory_space<vmem>>
      %dma_start3A_231 = arith.constant 0 : i32
      %dma_start3A_232 = tpu.memref_slice %arg10[%dma_start3A_231] : memref<10240xf32, #tpu.memory_space<vmem_shared>> -> memref<10240xf32, #tpu.memory_space<vmem_shared>>
      tpu.enqueue_indirect_dma source(%arg8 : memref<80xf32, #tpu.memory_space<vmem>>) target(%dma_start3A_232 : memref<10240xf32, #tpu.memory_space<vmem_shared>>) offsets(%dma_start3A_230 : memref<80xi32, #tpu.memory_space<vmem>>) semaphore(%arg11 : memref<!tpu.dma_semaphore, #tpu.memory_space<semaphore_mem>>) {add = true}
      %mul3A_233 = arith.constant 25 : i32
      %mul3A_234 = arith.muli %mul3A_233, %scan3A_78 : i32
      %add3A_235 = arith.constant 11 : i32
      %add3A_236 = arith.addi %mul3A_234, %add3A_235 : i32
      %dma_start3A_237 = arith.constant 0 : i32
      %dma_start3A_238 = tpu.memref_slice %arg5[%add3A_236, %dma_start3A_237] : memref<125x80xi32, #tpu.memory_space<vmem>> -> memref<1x80xi32, #tpu.memory_space<vmem>>
      %dma_start3A_239 = tpu.memref_squeeze %dma_start3A_238 : memref<1x80xi32, #tpu.memory_space<vmem>> -> memref<80xi32, #tpu.memory_space<vmem>>
      %dma_start3A_240 = arith.constant 0 : i32
      %dma_start3A_241 = tpu.memref_slice %arg9[%dma_start3A_240] : memref<10240xf32, #tpu.memory_space<vmem_shared>> -> memref<10240xf32, #tpu.memory_space<vmem_shared>>
      tpu.enqueue_indirect_dma source(%arg8 : memref<80xf32, #tpu.memory_space<vmem>>) target(%dma_start3A_241 : memref<10240xf32, #tpu.memory_space<vmem_shared>>) offsets(%dma_start3A_239 : memref<80xi32, #tpu.memory_space<vmem>>) semaphore(%arg11 : memref<!tpu.dma_semaphore, #tpu.memory_space<semaphore_mem>>) {add = true}
      %dma_start3A_242 = arith.constant 0 : i32
      %dma_start3A_243 = tpu.memref_slice %arg6[%add3A_236, %dma_start3A_242] : memref<125x80xi32, #tpu.memory_space<vmem>> -> memref<1x80xi32, #tpu.memory_space<vmem>>
      %dma_start3A_244 = tpu.memref_squeeze %dma_start3A_243 : memref<1x80xi32, #tpu.memory_space<vmem>> -> memref<80xi32, #tpu.memory_space<vmem>>
      %dma_start3A_245 = arith.constant 0 : i32
      %dma_start3A_246 = tpu.memref_slice %arg10[%dma_start3A_245] : memref<10240xf32, #tpu.memory_space<vmem_shared>> -> memref<10240xf32, #tpu.memory_space<vmem_shared>>
      tpu.enqueue_indirect_dma source(%arg8 : memref<80xf32, #tpu.memory_space<vmem>>) target(%dma_start3A_246 : memref<10240xf32, #tpu.memory_space<vmem_shared>>) offsets(%dma_start3A_244 : memref<80xi32, #tpu.memory_space<vmem>>) semaphore(%arg11 : memref<!tpu.dma_semaphore, #tpu.memory_space<semaphore_mem>>) {add = true}
      %mul3A_247 = arith.constant 25 : i32
      %mul3A_248 = arith.muli %mul3A_247, %scan3A_78 : i32
      %add3A_249 = arith.constant 12 : i32
      %add3A_250 = arith.addi %mul3A_248, %add3A_249 : i32
      %dma_start3A_251 = arith.constant 0 : i32
      %dma_start3A_252 = tpu.memref_slice %arg5[%add3A_250, %dma_start3A_251] : memref<125x80xi32, #tpu.memory_space<vmem>> -> memref<1x80xi32, #tpu.memory_space<vmem>>
      %dma_start3A_253 = tpu.memref_squeeze %dma_start3A_252 : memref<1x80xi32, #tpu.memory_space<vmem>> -> memref<80xi32, #tpu.memory_space<vmem>>
      %dma_start3A_254 = arith.constant 0 : i32
      %dma_start3A_255 = tpu.memref_slice %arg9[%dma_start3A_254] : memref<10240xf32, #tpu.memory_space<vmem_shared>> -> memref<10240xf32, #tpu.memory_space<vmem_shared>>
      tpu.enqueue_indirect_dma source(%arg8 : memref<80xf32, #tpu.memory_space<vmem>>) target(%dma_start3A_255 : memref<10240xf32, #tpu.memory_space<vmem_shared>>) offsets(%dma_start3A_253 : memref<80xi32, #tpu.memory_space<vmem>>) semaphore(%arg11 : memref<!tpu.dma_semaphore, #tpu.memory_space<semaphore_mem>>) {add = true}
      %dma_start3A_256 = arith.constant 0 : i32
      %dma_start3A_257 = tpu.memref_slice %arg6[%add3A_250, %dma_start3A_256] : memref<125x80xi32, #tpu.memory_space<vmem>> -> memref<1x80xi32, #tpu.memory_space<vmem>>
      %dma_start3A_258 = tpu.memref_squeeze %dma_start3A_257 : memref<1x80xi32, #tpu.memory_space<vmem>> -> memref<80xi32, #tpu.memory_space<vmem>>
      %dma_start3A_259 = arith.constant 0 : i32
      %dma_start3A_260 = tpu.memref_slice %arg10[%dma_start3A_259] : memref<10240xf32, #tpu.memory_space<vmem_shared>> -> memref<10240xf32, #tpu.memory_space<vmem_shared>>
      tpu.enqueue_indirect_dma source(%arg8 : memref<80xf32, #tpu.memory_space<vmem>>) target(%dma_start3A_260 : memref<10240xf32, #tpu.memory_space<vmem_shared>>) offsets(%dma_start3A_258 : memref<80xi32, #tpu.memory_space<vmem>>) semaphore(%arg11 : memref<!tpu.dma_semaphore, #tpu.memory_space<semaphore_mem>>) {add = true}
      %mul3A_261 = arith.constant 25 : i32
      %mul3A_262 = arith.muli %mul3A_261, %scan3A_78 : i32
      %add3A_263 = arith.constant 13 : i32
      %add3A_264 = arith.addi %mul3A_262, %add3A_263 : i32
      %dma_start3A_265 = arith.constant 0 : i32
      %dma_start3A_266 = tpu.memref_slice %arg5[%add3A_264, %dma_start3A_265] : memref<125x80xi32, #tpu.memory_space<vmem>> -> memref<1x80xi32, #tpu.memory_space<vmem>>
      %dma_start3A_267 = tpu.memref_squeeze %dma_start3A_266 : memref<1x80xi32, #tpu.memory_space<vmem>> -> memref<80xi32, #tpu.memory_space<vmem>>
      %dma_start3A_268 = arith.constant 0 : i32
      %dma_start3A_269 = tpu.memref_slice %arg9[%dma_start3A_268] : memref<10240xf32, #tpu.memory_space<vmem_shared>> -> memref<10240xf32, #tpu.memory_space<vmem_shared>>
      tpu.enqueue_indirect_dma source(%arg8 : memref<80xf32, #tpu.memory_space<vmem>>) target(%dma_start3A_269 : memref<10240xf32, #tpu.memory_space<vmem_shared>>) offsets(%dma_start3A_267 : memref<80xi32, #tpu.memory_space<vmem>>) semaphore(%arg11 : memref<!tpu.dma_semaphore, #tpu.memory_space<semaphore_mem>>) {add = true}
      %dma_start3A_270 = arith.constant 0 : i32
      %dma_start3A_271 = tpu.memref_slice %arg6[%add3A_264, %dma_start3A_270] : memref<125x80xi32, #tpu.memory_space<vmem>> -> memref<1x80xi32, #tpu.memory_space<vmem>>
      %dma_start3A_272 = tpu.memref_squeeze %dma_start3A_271 : memref<1x80xi32, #tpu.memory_space<vmem>> -> memref<80xi32, #tpu.memory_space<vmem>>
      %dma_start3A_273 = arith.constant 0 : i32
      %dma_start3A_274 = tpu.memref_slice %arg10[%dma_start3A_273] : memref<10240xf32, #tpu.memory_space<vmem_shared>> -> memref<10240xf32, #tpu.memory_space<vmem_shared>>
      tpu.enqueue_indirect_dma source(%arg8 : memref<80xf32, #tpu.memory_space<vmem>>) target(%dma_start3A_274 : memref<10240xf32, #tpu.memory_space<vmem_shared>>) offsets(%dma_start3A_272 : memref<80xi32, #tpu.memory_space<vmem>>) semaphore(%arg11 : memref<!tpu.dma_semaphore, #tpu.memory_space<semaphore_mem>>) {add = true}
      %mul3A_275 = arith.constant 25 : i32
      %mul3A_276 = arith.muli %mul3A_275, %scan3A_78 : i32
      %add3A_277 = arith.constant 14 : i32
      %add3A_278 = arith.addi %mul3A_276, %add3A_277 : i32
      %dma_start3A_279 = arith.constant 0 : i32
      %dma_start3A_280 = tpu.memref_slice %arg5[%add3A_278, %dma_start3A_279] : memref<125x80xi32, #tpu.memory_space<vmem>> -> memref<1x80xi32, #tpu.memory_space<vmem>>
      %dma_start3A_281 = tpu.memref_squeeze %dma_start3A_280 : memref<1x80xi32, #tpu.memory_space<vmem>> -> memref<80xi32, #tpu.memory_space<vmem>>
      %dma_start3A_282 = arith.constant 0 : i32
      %dma_start3A_283 = tpu.memref_slice %arg9[%dma_start3A_282] : memref<10240xf32, #tpu.memory_space<vmem_shared>> -> memref<10240xf32, #tpu.memory_space<vmem_shared>>
      tpu.enqueue_indirect_dma source(%arg8 : memref<80xf32, #tpu.memory_space<vmem>>) target(%dma_start3A_283 : memref<10240xf32, #tpu.memory_space<vmem_shared>>) offsets(%dma_start3A_281 : memref<80xi32, #tpu.memory_space<vmem>>) semaphore(%arg11 : memref<!tpu.dma_semaphore, #tpu.memory_space<semaphore_mem>>) {add = true}
      %dma_start3A_284 = arith.constant 0 : i32
      %dma_start3A_285 = tpu.memref_slice %arg6[%add3A_278, %dma_start3A_284] : memref<125x80xi32, #tpu.memory_space<vmem>> -> memref<1x80xi32, #tpu.memory_space<vmem>>
      %dma_start3A_286 = tpu.memref_squeeze %dma_start3A_285 : memref<1x80xi32, #tpu.memory_space<vmem>> -> memref<80xi32, #tpu.memory_space<vmem>>
      %dma_start3A_287 = arith.constant 0 : i32
      %dma_start3A_288 = tpu.memref_slice %arg10[%dma_start3A_287] : memref<10240xf32, #tpu.memory_space<vmem_shared>> -> memref<10240xf32, #tpu.memory_space<vmem_shared>>
      tpu.enqueue_indirect_dma source(%arg8 : memref<80xf32, #tpu.memory_space<vmem>>) target(%dma_start3A_288 : memref<10240xf32, #tpu.memory_space<vmem_shared>>) offsets(%dma_start3A_286 : memref<80xi32, #tpu.memory_space<vmem>>) semaphore(%arg11 : memref<!tpu.dma_semaphore, #tpu.memory_space<semaphore_mem>>) {add = true}
      %mul3A_289 = arith.constant 25 : i32
      %mul3A_290 = arith.muli %mul3A_289, %scan3A_78 : i32
      %add3A_291 = arith.constant 15 : i32
      %add3A_292 = arith.addi %mul3A_290, %add3A_291 : i32
      %dma_start3A_293 = arith.constant 0 : i32
      %dma_start3A_294 = tpu.memref_slice %arg5[%add3A_292, %dma_start3A_293] : memref<125x80xi32, #tpu.memory_space<vmem>> -> memref<1x80xi32, #tpu.memory_space<vmem>>
      %dma_start3A_295 = tpu.memref_squeeze %dma_start3A_294 : memref<1x80xi32, #tpu.memory_space<vmem>> -> memref<80xi32, #tpu.memory_space<vmem>>
      %dma_start3A_296 = arith.constant 0 : i32
      %dma_start3A_297 = tpu.memref_slice %arg9[%dma_start3A_296] : memref<10240xf32, #tpu.memory_space<vmem_shared>> -> memref<10240xf32, #tpu.memory_space<vmem_shared>>
      tpu.enqueue_indirect_dma source(%arg8 : memref<80xf32, #tpu.memory_space<vmem>>) target(%dma_start3A_297 : memref<10240xf32, #tpu.memory_space<vmem_shared>>) offsets(%dma_start3A_295 : memref<80xi32, #tpu.memory_space<vmem>>) semaphore(%arg11 : memref<!tpu.dma_semaphore, #tpu.memory_space<semaphore_mem>>) {add = true}
      %dma_start3A_298 = arith.constant 0 : i32
      %dma_start3A_299 = tpu.memref_slice %arg6[%add3A_292, %dma_start3A_298] : memref<125x80xi32, #tpu.memory_space<vmem>> -> memref<1x80xi32, #tpu.memory_space<vmem>>
      %dma_start3A_300 = tpu.memref_squeeze %dma_start3A_299 : memref<1x80xi32, #tpu.memory_space<vmem>> -> memref<80xi32, #tpu.memory_space<vmem>>
      %dma_start3A_301 = arith.constant 0 : i32
      %dma_start3A_302 = tpu.memref_slice %arg10[%dma_start3A_301] : memref<10240xf32, #tpu.memory_space<vmem_shared>> -> memref<10240xf32, #tpu.memory_space<vmem_shared>>
      tpu.enqueue_indirect_dma source(%arg8 : memref<80xf32, #tpu.memory_space<vmem>>) target(%dma_start3A_302 : memref<10240xf32, #tpu.memory_space<vmem_shared>>) offsets(%dma_start3A_300 : memref<80xi32, #tpu.memory_space<vmem>>) semaphore(%arg11 : memref<!tpu.dma_semaphore, #tpu.memory_space<semaphore_mem>>) {add = true}
      %mul3A_303 = arith.constant 25 : i32
      %mul3A_304 = arith.muli %mul3A_303, %scan3A_78 : i32
      %add3A_305 = arith.constant 16 : i32
      %add3A_306 = arith.addi %mul3A_304, %add3A_305 : i32
      %dma_start3A_307 = arith.constant 0 : i32
      %dma_start3A_308 = tpu.memref_slice %arg5[%add3A_306, %dma_start3A_307] : memref<125x80xi32, #tpu.memory_space<vmem>> -> memref<1x80xi32, #tpu.memory_space<vmem>>
      %dma_start3A_309 = tpu.memref_squeeze %dma_start3A_308 : memref<1x80xi32, #tpu.memory_space<vmem>> -> memref<80xi32, #tpu.memory_space<vmem>>
      %dma_start3A_310 = arith.constant 0 : i32
      %dma_start3A_311 = tpu.memref_slice %arg9[%dma_start3A_310] : memref<10240xf32, #tpu.memory_space<vmem_shared>> -> memref<10240xf32, #tpu.memory_space<vmem_shared>>
      tpu.enqueue_indirect_dma source(%arg8 : memref<80xf32, #tpu.memory_space<vmem>>) target(%dma_start3A_311 : memref<10240xf32, #tpu.memory_space<vmem_shared>>) offsets(%dma_start3A_309 : memref<80xi32, #tpu.memory_space<vmem>>) semaphore(%arg11 : memref<!tpu.dma_semaphore, #tpu.memory_space<semaphore_mem>>) {add = true}
      %dma_start3A_312 = arith.constant 0 : i32
      %dma_start3A_313 = tpu.memref_slice %arg6[%add3A_306, %dma_start3A_312] : memref<125x80xi32, #tpu.memory_space<vmem>> -> memref<1x80xi32, #tpu.memory_space<vmem>>
      %dma_start3A_314 = tpu.memref_squeeze %dma_start3A_313 : memref<1x80xi32, #tpu.memory_space<vmem>> -> memref<80xi32, #tpu.memory_space<vmem>>
      %dma_start3A_315 = arith.constant 0 : i32
      %dma_start3A_316 = tpu.memref_slice %arg10[%dma_start3A_315] : memref<10240xf32, #tpu.memory_space<vmem_shared>> -> memref<10240xf32, #tpu.memory_space<vmem_shared>>
      tpu.enqueue_indirect_dma source(%arg8 : memref<80xf32, #tpu.memory_space<vmem>>) target(%dma_start3A_316 : memref<10240xf32, #tpu.memory_space<vmem_shared>>) offsets(%dma_start3A_314 : memref<80xi32, #tpu.memory_space<vmem>>) semaphore(%arg11 : memref<!tpu.dma_semaphore, #tpu.memory_space<semaphore_mem>>) {add = true}
      %mul3A_317 = arith.constant 25 : i32
      %mul3A_318 = arith.muli %mul3A_317, %scan3A_78 : i32
      %add3A_319 = arith.constant 17 : i32
      %add3A_320 = arith.addi %mul3A_318, %add3A_319 : i32
      %dma_start3A_321 = arith.constant 0 : i32
      %dma_start3A_322 = tpu.memref_slice %arg5[%add3A_320, %dma_start3A_321] : memref<125x80xi32, #tpu.memory_space<vmem>> -> memref<1x80xi32, #tpu.memory_space<vmem>>
      %dma_start3A_323 = tpu.memref_squeeze %dma_start3A_322 : memref<1x80xi32, #tpu.memory_space<vmem>> -> memref<80xi32, #tpu.memory_space<vmem>>
      %dma_start3A_324 = arith.constant 0 : i32
      %dma_start3A_325 = tpu.memref_slice %arg9[%dma_start3A_324] : memref<10240xf32, #tpu.memory_space<vmem_shared>> -> memref<10240xf32, #tpu.memory_space<vmem_shared>>
      tpu.enqueue_indirect_dma source(%arg8 : memref<80xf32, #tpu.memory_space<vmem>>) target(%dma_start3A_325 : memref<10240xf32, #tpu.memory_space<vmem_shared>>) offsets(%dma_start3A_323 : memref<80xi32, #tpu.memory_space<vmem>>) semaphore(%arg11 : memref<!tpu.dma_semaphore, #tpu.memory_space<semaphore_mem>>) {add = true}
      %dma_start3A_326 = arith.constant 0 : i32
      %dma_start3A_327 = tpu.memref_slice %arg6[%add3A_320, %dma_start3A_326] : memref<125x80xi32, #tpu.memory_space<vmem>> -> memref<1x80xi32, #tpu.memory_space<vmem>>
      %dma_start3A_328 = tpu.memref_squeeze %dma_start3A_327 : memref<1x80xi32, #tpu.memory_space<vmem>> -> memref<80xi32, #tpu.memory_space<vmem>>
      %dma_start3A_329 = arith.constant 0 : i32
      %dma_start3A_330 = tpu.memref_slice %arg10[%dma_start3A_329] : memref<10240xf32, #tpu.memory_space<vmem_shared>> -> memref<10240xf32, #tpu.memory_space<vmem_shared>>
      tpu.enqueue_indirect_dma source(%arg8 : memref<80xf32, #tpu.memory_space<vmem>>) target(%dma_start3A_330 : memref<10240xf32, #tpu.memory_space<vmem_shared>>) offsets(%dma_start3A_328 : memref<80xi32, #tpu.memory_space<vmem>>) semaphore(%arg11 : memref<!tpu.dma_semaphore, #tpu.memory_space<semaphore_mem>>) {add = true}
      %mul3A_331 = arith.constant 25 : i32
      %mul3A_332 = arith.muli %mul3A_331, %scan3A_78 : i32
      %add3A_333 = arith.constant 18 : i32
      %add3A_334 = arith.addi %mul3A_332, %add3A_333 : i32
      %dma_start3A_335 = arith.constant 0 : i32
      %dma_start3A_336 = tpu.memref_slice %arg5[%add3A_334, %dma_start3A_335] : memref<125x80xi32, #tpu.memory_space<vmem>> -> memref<1x80xi32, #tpu.memory_space<vmem>>
      %dma_start3A_337 = tpu.memref_squeeze %dma_start3A_336 : memref<1x80xi32, #tpu.memory_space<vmem>> -> memref<80xi32, #tpu.memory_space<vmem>>
      %dma_start3A_338 = arith.constant 0 : i32
      %dma_start3A_339 = tpu.memref_slice %arg9[%dma_start3A_338] : memref<10240xf32, #tpu.memory_space<vmem_shared>> -> memref<10240xf32, #tpu.memory_space<vmem_shared>>
      tpu.enqueue_indirect_dma source(%arg8 : memref<80xf32, #tpu.memory_space<vmem>>) target(%dma_start3A_339 : memref<10240xf32, #tpu.memory_space<vmem_shared>>) offsets(%dma_start3A_337 : memref<80xi32, #tpu.memory_space<vmem>>) semaphore(%arg11 : memref<!tpu.dma_semaphore, #tpu.memory_space<semaphore_mem>>) {add = true}
      %dma_start3A_340 = arith.constant 0 : i32
      %dma_start3A_341 = tpu.memref_slice %arg6[%add3A_334, %dma_start3A_340] : memref<125x80xi32, #tpu.memory_space<vmem>> -> memref<1x80xi32, #tpu.memory_space<vmem>>
      %dma_start3A_342 = tpu.memref_squeeze %dma_start3A_341 : memref<1x80xi32, #tpu.memory_space<vmem>> -> memref<80xi32, #tpu.memory_space<vmem>>
      %dma_start3A_343 = arith.constant 0 : i32
      %dma_start3A_344 = tpu.memref_slice %arg10[%dma_start3A_343] : memref<10240xf32, #tpu.memory_space<vmem_shared>> -> memref<10240xf32, #tpu.memory_space<vmem_shared>>
      tpu.enqueue_indirect_dma source(%arg8 : memref<80xf32, #tpu.memory_space<vmem>>) target(%dma_start3A_344 : memref<10240xf32, #tpu.memory_space<vmem_shared>>) offsets(%dma_start3A_342 : memref<80xi32, #tpu.memory_space<vmem>>) semaphore(%arg11 : memref<!tpu.dma_semaphore, #tpu.memory_space<semaphore_mem>>) {add = true}
      %mul3A_345 = arith.constant 25 : i32
      %mul3A_346 = arith.muli %mul3A_345, %scan3A_78 : i32
      %add3A_347 = arith.constant 19 : i32
      %add3A_348 = arith.addi %mul3A_346, %add3A_347 : i32
      %dma_start3A_349 = arith.constant 0 : i32
      %dma_start3A_350 = tpu.memref_slice %arg5[%add3A_348, %dma_start3A_349] : memref<125x80xi32, #tpu.memory_space<vmem>> -> memref<1x80xi32, #tpu.memory_space<vmem>>
      %dma_start3A_351 = tpu.memref_squeeze %dma_start3A_350 : memref<1x80xi32, #tpu.memory_space<vmem>> -> memref<80xi32, #tpu.memory_space<vmem>>
      %dma_start3A_352 = arith.constant 0 : i32
      %dma_start3A_353 = tpu.memref_slice %arg9[%dma_start3A_352] : memref<10240xf32, #tpu.memory_space<vmem_shared>> -> memref<10240xf32, #tpu.memory_space<vmem_shared>>
      tpu.enqueue_indirect_dma source(%arg8 : memref<80xf32, #tpu.memory_space<vmem>>) target(%dma_start3A_353 : memref<10240xf32, #tpu.memory_space<vmem_shared>>) offsets(%dma_start3A_351 : memref<80xi32, #tpu.memory_space<vmem>>) semaphore(%arg11 : memref<!tpu.dma_semaphore, #tpu.memory_space<semaphore_mem>>) {add = true}
      %dma_start3A_354 = arith.constant 0 : i32
      %dma_start3A_355 = tpu.memref_slice %arg6[%add3A_348, %dma_start3A_354] : memref<125x80xi32, #tpu.memory_space<vmem>> -> memref<1x80xi32, #tpu.memory_space<vmem>>
      %dma_start3A_356 = tpu.memref_squeeze %dma_start3A_355 : memref<1x80xi32, #tpu.memory_space<vmem>> -> memref<80xi32, #tpu.memory_space<vmem>>
      %dma_start3A_357 = arith.constant 0 : i32
      %dma_start3A_358 = tpu.memref_slice %arg10[%dma_start3A_357] : memref<10240xf32, #tpu.memory_space<vmem_shared>> -> memref<10240xf32, #tpu.memory_space<vmem_shared>>
      tpu.enqueue_indirect_dma source(%arg8 : memref<80xf32, #tpu.memory_space<vmem>>) target(%dma_start3A_358 : memref<10240xf32, #tpu.memory_space<vmem_shared>>) offsets(%dma_start3A_356 : memref<80xi32, #tpu.memory_space<vmem>>) semaphore(%arg11 : memref<!tpu.dma_semaphore, #tpu.memory_space<semaphore_mem>>) {add = true}
      %mul3A_359 = arith.constant 25 : i32
      %mul3A_360 = arith.muli %mul3A_359, %scan3A_78 : i32
      %add3A_361 = arith.constant 20 : i32
      %add3A_362 = arith.addi %mul3A_360, %add3A_361 : i32
      %dma_start3A_363 = arith.constant 0 : i32
      %dma_start3A_364 = tpu.memref_slice %arg5[%add3A_362, %dma_start3A_363] : memref<125x80xi32, #tpu.memory_space<vmem>> -> memref<1x80xi32, #tpu.memory_space<vmem>>
      %dma_start3A_365 = tpu.memref_squeeze %dma_start3A_364 : memref<1x80xi32, #tpu.memory_space<vmem>> -> memref<80xi32, #tpu.memory_space<vmem>>
      %dma_start3A_366 = arith.constant 0 : i32
      %dma_start3A_367 = tpu.memref_slice %arg9[%dma_start3A_366] : memref<10240xf32, #tpu.memory_space<vmem_shared>> -> memref<10240xf32, #tpu.memory_space<vmem_shared>>
      tpu.enqueue_indirect_dma source(%arg8 : memref<80xf32, #tpu.memory_space<vmem>>) target(%dma_start3A_367 : memref<10240xf32, #tpu.memory_space<vmem_shared>>) offsets(%dma_start3A_365 : memref<80xi32, #tpu.memory_space<vmem>>) semaphore(%arg11 : memref<!tpu.dma_semaphore, #tpu.memory_space<semaphore_mem>>) {add = true}
      %dma_start3A_368 = arith.constant 0 : i32
      %dma_start3A_369 = tpu.memref_slice %arg6[%add3A_362, %dma_start3A_368] : memref<125x80xi32, #tpu.memory_space<vmem>> -> memref<1x80xi32, #tpu.memory_space<vmem>>
      %dma_start3A_370 = tpu.memref_squeeze %dma_start3A_369 : memref<1x80xi32, #tpu.memory_space<vmem>> -> memref<80xi32, #tpu.memory_space<vmem>>
      %dma_start3A_371 = arith.constant 0 : i32
      %dma_start3A_372 = tpu.memref_slice %arg10[%dma_start3A_371] : memref<10240xf32, #tpu.memory_space<vmem_shared>> -> memref<10240xf32, #tpu.memory_space<vmem_shared>>
      tpu.enqueue_indirect_dma source(%arg8 : memref<80xf32, #tpu.memory_space<vmem>>) target(%dma_start3A_372 : memref<10240xf32, #tpu.memory_space<vmem_shared>>) offsets(%dma_start3A_370 : memref<80xi32, #tpu.memory_space<vmem>>) semaphore(%arg11 : memref<!tpu.dma_semaphore, #tpu.memory_space<semaphore_mem>>) {add = true}
      %mul3A_373 = arith.constant 25 : i32
      %mul3A_374 = arith.muli %mul3A_373, %scan3A_78 : i32
      %add3A_375 = arith.constant 21 : i32
      %add3A_376 = arith.addi %mul3A_374, %add3A_375 : i32
      %dma_start3A_377 = arith.constant 0 : i32
      %dma_start3A_378 = tpu.memref_slice %arg5[%add3A_376, %dma_start3A_377] : memref<125x80xi32, #tpu.memory_space<vmem>> -> memref<1x80xi32, #tpu.memory_space<vmem>>
      %dma_start3A_379 = tpu.memref_squeeze %dma_start3A_378 : memref<1x80xi32, #tpu.memory_space<vmem>> -> memref<80xi32, #tpu.memory_space<vmem>>
      %dma_start3A_380 = arith.constant 0 : i32
      %dma_start3A_381 = tpu.memref_slice %arg9[%dma_start3A_380] : memref<10240xf32, #tpu.memory_space<vmem_shared>> -> memref<10240xf32, #tpu.memory_space<vmem_shared>>
      tpu.enqueue_indirect_dma source(%arg8 : memref<80xf32, #tpu.memory_space<vmem>>) target(%dma_start3A_381 : memref<10240xf32, #tpu.memory_space<vmem_shared>>) offsets(%dma_start3A_379 : memref<80xi32, #tpu.memory_space<vmem>>) semaphore(%arg11 : memref<!tpu.dma_semaphore, #tpu.memory_space<semaphore_mem>>) {add = true}
      %dma_start3A_382 = arith.constant 0 : i32
      %dma_start3A_383 = tpu.memref_slice %arg6[%add3A_376, %dma_start3A_382] : memref<125x80xi32, #tpu.memory_space<vmem>> -> memref<1x80xi32, #tpu.memory_space<vmem>>
      %dma_start3A_384 = tpu.memref_squeeze %dma_start3A_383 : memref<1x80xi32, #tpu.memory_space<vmem>> -> memref<80xi32, #tpu.memory_space<vmem>>
      %dma_start3A_385 = arith.constant 0 : i32
      %dma_start3A_386 = tpu.memref_slice %arg10[%dma_start3A_385] : memref<10240xf32, #tpu.memory_space<vmem_shared>> -> memref<10240xf32, #tpu.memory_space<vmem_shared>>
      tpu.enqueue_indirect_dma source(%arg8 : memref<80xf32, #tpu.memory_space<vmem>>) target(%dma_start3A_386 : memref<10240xf32, #tpu.memory_space<vmem_shared>>) offsets(%dma_start3A_384 : memref<80xi32, #tpu.memory_space<vmem>>) semaphore(%arg11 : memref<!tpu.dma_semaphore, #tpu.memory_space<semaphore_mem>>) {add = true}
      %mul3A_387 = arith.constant 25 : i32
      %mul3A_388 = arith.muli %mul3A_387, %scan3A_78 : i32
      %add3A_389 = arith.constant 22 : i32
      %add3A_390 = arith.addi %mul3A_388, %add3A_389 : i32
      %dma_start3A_391 = arith.constant 0 : i32
      %dma_start3A_392 = tpu.memref_slice %arg5[%add3A_390, %dma_start3A_391] : memref<125x80xi32, #tpu.memory_space<vmem>> -> memref<1x80xi32, #tpu.memory_space<vmem>>
      %dma_start3A_393 = tpu.memref_squeeze %dma_start3A_392 : memref<1x80xi32, #tpu.memory_space<vmem>> -> memref<80xi32, #tpu.memory_space<vmem>>
      %dma_start3A_394 = arith.constant 0 : i32
      %dma_start3A_395 = tpu.memref_slice %arg9[%dma_start3A_394] : memref<10240xf32, #tpu.memory_space<vmem_shared>> -> memref<10240xf32, #tpu.memory_space<vmem_shared>>
      tpu.enqueue_indirect_dma source(%arg8 : memref<80xf32, #tpu.memory_space<vmem>>) target(%dma_start3A_395 : memref<10240xf32, #tpu.memory_space<vmem_shared>>) offsets(%dma_start3A_393 : memref<80xi32, #tpu.memory_space<vmem>>) semaphore(%arg11 : memref<!tpu.dma_semaphore, #tpu.memory_space<semaphore_mem>>) {add = true}
      %dma_start3A_396 = arith.constant 0 : i32
      %dma_start3A_397 = tpu.memref_slice %arg6[%add3A_390, %dma_start3A_396] : memref<125x80xi32, #tpu.memory_space<vmem>> -> memref<1x80xi32, #tpu.memory_space<vmem>>
      %dma_start3A_398 = tpu.memref_squeeze %dma_start3A_397 : memref<1x80xi32, #tpu.memory_space<vmem>> -> memref<80xi32, #tpu.memory_space<vmem>>
      %dma_start3A_399 = arith.constant 0 : i32
      %dma_start3A_400 = tpu.memref_slice %arg10[%dma_start3A_399] : memref<10240xf32, #tpu.memory_space<vmem_shared>> -> memref<10240xf32, #tpu.memory_space<vmem_shared>>
      tpu.enqueue_indirect_dma source(%arg8 : memref<80xf32, #tpu.memory_space<vmem>>) target(%dma_start3A_400 : memref<10240xf32, #tpu.memory_space<vmem_shared>>) offsets(%dma_start3A_398 : memref<80xi32, #tpu.memory_space<vmem>>) semaphore(%arg11 : memref<!tpu.dma_semaphore, #tpu.memory_space<semaphore_mem>>) {add = true}
      %mul3A_401 = arith.constant 25 : i32
      %mul3A_402 = arith.muli %mul3A_401, %scan3A_78 : i32
      %add3A_403 = arith.constant 23 : i32
      %add3A_404 = arith.addi %mul3A_402, %add3A_403 : i32
      %dma_start3A_405 = arith.constant 0 : i32
      %dma_start3A_406 = tpu.memref_slice %arg5[%add3A_404, %dma_start3A_405] : memref<125x80xi32, #tpu.memory_space<vmem>> -> memref<1x80xi32, #tpu.memory_space<vmem>>
      %dma_start3A_407 = tpu.memref_squeeze %dma_start3A_406 : memref<1x80xi32, #tpu.memory_space<vmem>> -> memref<80xi32, #tpu.memory_space<vmem>>
      %dma_start3A_408 = arith.constant 0 : i32
      %dma_start3A_409 = tpu.memref_slice %arg9[%dma_start3A_408] : memref<10240xf32, #tpu.memory_space<vmem_shared>> -> memref<10240xf32, #tpu.memory_space<vmem_shared>>
      tpu.enqueue_indirect_dma source(%arg8 : memref<80xf32, #tpu.memory_space<vmem>>) target(%dma_start3A_409 : memref<10240xf32, #tpu.memory_space<vmem_shared>>) offsets(%dma_start3A_407 : memref<80xi32, #tpu.memory_space<vmem>>) semaphore(%arg11 : memref<!tpu.dma_semaphore, #tpu.memory_space<semaphore_mem>>) {add = true}
      %dma_start3A_410 = arith.constant 0 : i32
      %dma_start3A_411 = tpu.memref_slice %arg6[%add3A_404, %dma_start3A_410] : memref<125x80xi32, #tpu.memory_space<vmem>> -> memref<1x80xi32, #tpu.memory_space<vmem>>
      %dma_start3A_412 = tpu.memref_squeeze %dma_start3A_411 : memref<1x80xi32, #tpu.memory_space<vmem>> -> memref<80xi32, #tpu.memory_space<vmem>>
      %dma_start3A_413 = arith.constant 0 : i32
      %dma_start3A_414 = tpu.memref_slice %arg10[%dma_start3A_413] : memref<10240xf32, #tpu.memory_space<vmem_shared>> -> memref<10240xf32, #tpu.memory_space<vmem_shared>>
      tpu.enqueue_indirect_dma source(%arg8 : memref<80xf32, #tpu.memory_space<vmem>>) target(%dma_start3A_414 : memref<10240xf32, #tpu.memory_space<vmem_shared>>) offsets(%dma_start3A_412 : memref<80xi32, #tpu.memory_space<vmem>>) semaphore(%arg11 : memref<!tpu.dma_semaphore, #tpu.memory_space<semaphore_mem>>) {add = true}
      %mul3A_415 = arith.constant 25 : i32
      %mul3A_416 = arith.muli %mul3A_415, %scan3A_78 : i32
      %add3A_417 = arith.constant 24 : i32
      %add3A_418 = arith.addi %mul3A_416, %add3A_417 : i32
      %dma_start3A_419 = arith.constant 0 : i32
      %dma_start3A_420 = tpu.memref_slice %arg5[%add3A_418, %dma_start3A_419] : memref<125x80xi32, #tpu.memory_space<vmem>> -> memref<1x80xi32, #tpu.memory_space<vmem>>
      %dma_start3A_421 = tpu.memref_squeeze %dma_start3A_420 : memref<1x80xi32, #tpu.memory_space<vmem>> -> memref<80xi32, #tpu.memory_space<vmem>>
      %dma_start3A_422 = arith.constant 0 : i32
      %dma_start3A_423 = tpu.memref_slice %arg9[%dma_start3A_422] : memref<10240xf32, #tpu.memory_space<vmem_shared>> -> memref<10240xf32, #tpu.memory_space<vmem_shared>>
      tpu.enqueue_indirect_dma source(%arg8 : memref<80xf32, #tpu.memory_space<vmem>>) target(%dma_start3A_423 : memref<10240xf32, #tpu.memory_space<vmem_shared>>) offsets(%dma_start3A_421 : memref<80xi32, #tpu.memory_space<vmem>>) semaphore(%arg11 : memref<!tpu.dma_semaphore, #tpu.memory_space<semaphore_mem>>) {add = true}
      %dma_start3A_424 = arith.constant 0 : i32
      %dma_start3A_425 = tpu.memref_slice %arg6[%add3A_418, %dma_start3A_424] : memref<125x80xi32, #tpu.memory_space<vmem>> -> memref<1x80xi32, #tpu.memory_space<vmem>>
      %dma_start3A_426 = tpu.memref_squeeze %dma_start3A_425 : memref<1x80xi32, #tpu.memory_space<vmem>> -> memref<80xi32, #tpu.memory_space<vmem>>
      %dma_start3A_427 = arith.constant 0 : i32
      %dma_start3A_428 = tpu.memref_slice %arg10[%dma_start3A_427] : memref<10240xf32, #tpu.memory_space<vmem_shared>> -> memref<10240xf32, #tpu.memory_space<vmem_shared>>
      tpu.enqueue_indirect_dma source(%arg8 : memref<80xf32, #tpu.memory_space<vmem>>) target(%dma_start3A_428 : memref<10240xf32, #tpu.memory_space<vmem_shared>>) offsets(%dma_start3A_426 : memref<80xi32, #tpu.memory_space<vmem>>) semaphore(%arg11 : memref<!tpu.dma_semaphore, #tpu.memory_space<semaphore_mem>>) {add = true}
      %mul3A_429 = arith.constant 25 : i32
      %mul3A_430 = arith.muli %mul3A_429, %scan3A_78 : i32
      %add3A_431 = arith.constant 0 : i32
      %add3A_432 = arith.addi %mul3A_430, %add3A_431 : i32
      %dma_wait3A_433 = arith.constant 0 : i32
      %dma_wait3A_434 = tpu.memref_slice %arg5[%add3A_432, %dma_wait3A_433] : memref<125x80xi32, #tpu.memory_space<vmem>> -> memref<1x80xi32, #tpu.memory_space<vmem>>
      %dma_wait3A_435 = tpu.memref_squeeze %dma_wait3A_434 : memref<1x80xi32, #tpu.memory_space<vmem>> -> memref<80xi32, #tpu.memory_space<vmem>>
      %dma_wait3A_436 = arith.constant 0 : i32
      %dma_wait3A_437 = tpu.memref_slice %arg9[%dma_wait3A_436] : memref<10240xf32, #tpu.memory_space<vmem_shared>> -> memref<10240xf32, #tpu.memory_space<vmem_shared>>
      tpu.wait_indirect_dma semaphore(%arg11 : memref<!tpu.dma_semaphore, #tpu.memory_space<semaphore_mem>>) src(%arg8 : memref<80xf32, #tpu.memory_space<vmem>>) dst(%dma_wait3A_437 : memref<10240xf32, #tpu.memory_space<vmem_shared>>)
      %dma_wait3A_438 = arith.constant 0 : i32
      %dma_wait3A_439 = tpu.memref_slice %arg6[%add3A_432, %dma_wait3A_438] : memref<125x80xi32, #tpu.memory_space<vmem>> -> memref<1x80xi32, #tpu.memory_space<vmem>>
      %dma_wait3A_440 = tpu.memref_squeeze %dma_wait3A_439 : memref<1x80xi32, #tpu.memory_space<vmem>> -> memref<80xi32, #tpu.memory_space<vmem>>
      %dma_wait3A_441 = arith.constant 0 : i32
      %dma_wait3A_442 = tpu.memref_slice %arg10[%dma_wait3A_441] : memref<10240xf32, #tpu.memory_space<vmem_shared>> -> memref<10240xf32, #tpu.memory_space<vmem_shared>>
      tpu.wait_indirect_dma semaphore(%arg11 : memref<!tpu.dma_semaphore, #tpu.memory_space<semaphore_mem>>) src(%arg8 : memref<80xf32, #tpu.memory_space<vmem>>) dst(%dma_wait3A_442 : memref<10240xf32, #tpu.memory_space<vmem_shared>>)
      %mul3A_443 = arith.constant 25 : i32
      %mul3A_444 = arith.muli %mul3A_443, %scan3A_78 : i32
      %add3A_445 = arith.constant 1 : i32
      %add3A_446 = arith.addi %mul3A_444, %add3A_445 : i32
      %dma_wait3A_447 = arith.constant 0 : i32
      %dma_wait3A_448 = tpu.memref_slice %arg5[%add3A_446, %dma_wait3A_447] : memref<125x80xi32, #tpu.memory_space<vmem>> -> memref<1x80xi32, #tpu.memory_space<vmem>>
      %dma_wait3A_449 = tpu.memref_squeeze %dma_wait3A_448 : memref<1x80xi32, #tpu.memory_space<vmem>> -> memref<80xi32, #tpu.memory_space<vmem>>
      %dma_wait3A_450 = arith.constant 0 : i32
      %dma_wait3A_451 = tpu.memref_slice %arg9[%dma_wait3A_450] : memref<10240xf32, #tpu.memory_space<vmem_shared>> -> memref<10240xf32, #tpu.memory_space<vmem_shared>>
      tpu.wait_indirect_dma semaphore(%arg11 : memref<!tpu.dma_semaphore, #tpu.memory_space<semaphore_mem>>) src(%arg8 : memref<80xf32, #tpu.memory_space<vmem>>) dst(%dma_wait3A_451 : memref<10240xf32, #tpu.memory_space<vmem_shared>>)
      %dma_wait3A_452 = arith.constant 0 : i32
      %dma_wait3A_453 = tpu.memref_slice %arg6[%add3A_446, %dma_wait3A_452] : memref<125x80xi32, #tpu.memory_space<vmem>> -> memref<1x80xi32, #tpu.memory_space<vmem>>
      %dma_wait3A_454 = tpu.memref_squeeze %dma_wait3A_453 : memref<1x80xi32, #tpu.memory_space<vmem>> -> memref<80xi32, #tpu.memory_space<vmem>>
      %dma_wait3A_455 = arith.constant 0 : i32
      %dma_wait3A_456 = tpu.memref_slice %arg10[%dma_wait3A_455] : memref<10240xf32, #tpu.memory_space<vmem_shared>> -> memref<10240xf32, #tpu.memory_space<vmem_shared>>
      tpu.wait_indirect_dma semaphore(%arg11 : memref<!tpu.dma_semaphore, #tpu.memory_space<semaphore_mem>>) src(%arg8 : memref<80xf32, #tpu.memory_space<vmem>>) dst(%dma_wait3A_456 : memref<10240xf32, #tpu.memory_space<vmem_shared>>)
      %mul3A_457 = arith.constant 25 : i32
      %mul3A_458 = arith.muli %mul3A_457, %scan3A_78 : i32
      %add3A_459 = arith.constant 2 : i32
      %add3A_460 = arith.addi %mul3A_458, %add3A_459 : i32
      %dma_wait3A_461 = arith.constant 0 : i32
      %dma_wait3A_462 = tpu.memref_slice %arg5[%add3A_460, %dma_wait3A_461] : memref<125x80xi32, #tpu.memory_space<vmem>> -> memref<1x80xi32, #tpu.memory_space<vmem>>
      %dma_wait3A_463 = tpu.memref_squeeze %dma_wait3A_462 : memref<1x80xi32, #tpu.memory_space<vmem>> -> memref<80xi32, #tpu.memory_space<vmem>>
      %dma_wait3A_464 = arith.constant 0 : i32
      %dma_wait3A_465 = tpu.memref_slice %arg9[%dma_wait3A_464] : memref<10240xf32, #tpu.memory_space<vmem_shared>> -> memref<10240xf32, #tpu.memory_space<vmem_shared>>
      tpu.wait_indirect_dma semaphore(%arg11 : memref<!tpu.dma_semaphore, #tpu.memory_space<semaphore_mem>>) src(%arg8 : memref<80xf32, #tpu.memory_space<vmem>>) dst(%dma_wait3A_465 : memref<10240xf32, #tpu.memory_space<vmem_shared>>)
      %dma_wait3A_466 = arith.constant 0 : i32
      %dma_wait3A_467 = tpu.memref_slice %arg6[%add3A_460, %dma_wait3A_466] : memref<125x80xi32, #tpu.memory_space<vmem>> -> memref<1x80xi32, #tpu.memory_space<vmem>>
      %dma_wait3A_468 = tpu.memref_squeeze %dma_wait3A_467 : memref<1x80xi32, #tpu.memory_space<vmem>> -> memref<80xi32, #tpu.memory_space<vmem>>
      %dma_wait3A_469 = arith.constant 0 : i32
      %dma_wait3A_470 = tpu.memref_slice %arg10[%dma_wait3A_469] : memref<10240xf32, #tpu.memory_space<vmem_shared>> -> memref<10240xf32, #tpu.memory_space<vmem_shared>>
      tpu.wait_indirect_dma semaphore(%arg11 : memref<!tpu.dma_semaphore, #tpu.memory_space<semaphore_mem>>) src(%arg8 : memref<80xf32, #tpu.memory_space<vmem>>) dst(%dma_wait3A_470 : memref<10240xf32, #tpu.memory_space<vmem_shared>>)
      %mul3A_471 = arith.constant 25 : i32
      %mul3A_472 = arith.muli %mul3A_471, %scan3A_78 : i32
      %add3A_473 = arith.constant 3 : i32
      %add3A_474 = arith.addi %mul3A_472, %add3A_473 : i32
      %dma_wait3A_475 = arith.constant 0 : i32
      %dma_wait3A_476 = tpu.memref_slice %arg5[%add3A_474, %dma_wait3A_475] : memref<125x80xi32, #tpu.memory_space<vmem>> -> memref<1x80xi32, #tpu.memory_space<vmem>>
      %dma_wait3A_477 = tpu.memref_squeeze %dma_wait3A_476 : memref<1x80xi32, #tpu.memory_space<vmem>> -> memref<80xi32, #tpu.memory_space<vmem>>
      %dma_wait3A_478 = arith.constant 0 : i32
      %dma_wait3A_479 = tpu.memref_slice %arg9[%dma_wait3A_478] : memref<10240xf32, #tpu.memory_space<vmem_shared>> -> memref<10240xf32, #tpu.memory_space<vmem_shared>>
      tpu.wait_indirect_dma semaphore(%arg11 : memref<!tpu.dma_semaphore, #tpu.memory_space<semaphore_mem>>) src(%arg8 : memref<80xf32, #tpu.memory_space<vmem>>) dst(%dma_wait3A_479 : memref<10240xf32, #tpu.memory_space<vmem_shared>>)
      %dma_wait3A_480 = arith.constant 0 : i32
      %dma_wait3A_481 = tpu.memref_slice %arg6[%add3A_474, %dma_wait3A_480] : memref<125x80xi32, #tpu.memory_space<vmem>> -> memref<1x80xi32, #tpu.memory_space<vmem>>
      %dma_wait3A_482 = tpu.memref_squeeze %dma_wait3A_481 : memref<1x80xi32, #tpu.memory_space<vmem>> -> memref<80xi32, #tpu.memory_space<vmem>>
      %dma_wait3A_483 = arith.constant 0 : i32
      %dma_wait3A_484 = tpu.memref_slice %arg10[%dma_wait3A_483] : memref<10240xf32, #tpu.memory_space<vmem_shared>> -> memref<10240xf32, #tpu.memory_space<vmem_shared>>
      tpu.wait_indirect_dma semaphore(%arg11 : memref<!tpu.dma_semaphore, #tpu.memory_space<semaphore_mem>>) src(%arg8 : memref<80xf32, #tpu.memory_space<vmem>>) dst(%dma_wait3A_484 : memref<10240xf32, #tpu.memory_space<vmem_shared>>)
      %mul3A_485 = arith.constant 25 : i32
      %mul3A_486 = arith.muli %mul3A_485, %scan3A_78 : i32
      %add3A_487 = arith.constant 4 : i32
      %add3A_488 = arith.addi %mul3A_486, %add3A_487 : i32
      %dma_wait3A_489 = arith.constant 0 : i32
      %dma_wait3A_490 = tpu.memref_slice %arg5[%add3A_488, %dma_wait3A_489] : memref<125x80xi32, #tpu.memory_space<vmem>> -> memref<1x80xi32, #tpu.memory_space<vmem>>
      %dma_wait3A_491 = tpu.memref_squeeze %dma_wait3A_490 : memref<1x80xi32, #tpu.memory_space<vmem>> -> memref<80xi32, #tpu.memory_space<vmem>>
      %dma_wait3A_492 = arith.constant 0 : i32
      %dma_wait3A_493 = tpu.memref_slice %arg9[%dma_wait3A_492] : memref<10240xf32, #tpu.memory_space<vmem_shared>> -> memref<10240xf32, #tpu.memory_space<vmem_shared>>
      tpu.wait_indirect_dma semaphore(%arg11 : memref<!tpu.dma_semaphore, #tpu.memory_space<semaphore_mem>>) src(%arg8 : memref<80xf32, #tpu.memory_space<vmem>>) dst(%dma_wait3A_493 : memref<10240xf32, #tpu.memory_space<vmem_shared>>)
      %dma_wait3A_494 = arith.constant 0 : i32
      %dma_wait3A_495 = tpu.memref_slice %arg6[%add3A_488, %dma_wait3A_494] : memref<125x80xi32, #tpu.memory_space<vmem>> -> memref<1x80xi32, #tpu.memory_space<vmem>>
      %dma_wait3A_496 = tpu.memref_squeeze %dma_wait3A_495 : memref<1x80xi32, #tpu.memory_space<vmem>> -> memref<80xi32, #tpu.memory_space<vmem>>
      %dma_wait3A_497 = arith.constant 0 : i32
      %dma_wait3A_498 = tpu.memref_slice %arg10[%dma_wait3A_497] : memref<10240xf32, #tpu.memory_space<vmem_shared>> -> memref<10240xf32, #tpu.memory_space<vmem_shared>>
      tpu.wait_indirect_dma semaphore(%arg11 : memref<!tpu.dma_semaphore, #tpu.memory_space<semaphore_mem>>) src(%arg8 : memref<80xf32, #tpu.memory_space<vmem>>) dst(%dma_wait3A_498 : memref<10240xf32, #tpu.memory_space<vmem_shared>>)
      %mul3A_499 = arith.constant 25 : i32
      %mul3A_500 = arith.muli %mul3A_499, %scan3A_78 : i32
      %add3A_501 = arith.constant 5 : i32
      %add3A_502 = arith.addi %mul3A_500, %add3A_501 : i32
      %dma_wait3A_503 = arith.constant 0 : i32
      %dma_wait3A_504 = tpu.memref_slice %arg5[%add3A_502, %dma_wait3A_503] : memref<125x80xi32, #tpu.memory_space<vmem>> -> memref<1x80xi32, #tpu.memory_space<vmem>>
      %dma_wait3A_505 = tpu.memref_squeeze %dma_wait3A_504 : memref<1x80xi32, #tpu.memory_space<vmem>> -> memref<80xi32, #tpu.memory_space<vmem>>
      %dma_wait3A_506 = arith.constant 0 : i32
      %dma_wait3A_507 = tpu.memref_slice %arg9[%dma_wait3A_506] : memref<10240xf32, #tpu.memory_space<vmem_shared>> -> memref<10240xf32, #tpu.memory_space<vmem_shared>>
      tpu.wait_indirect_dma semaphore(%arg11 : memref<!tpu.dma_semaphore, #tpu.memory_space<semaphore_mem>>) src(%arg8 : memref<80xf32, #tpu.memory_space<vmem>>) dst(%dma_wait3A_507 : memref<10240xf32, #tpu.memory_space<vmem_shared>>)
      %dma_wait3A_508 = arith.constant 0 : i32
      %dma_wait3A_509 = tpu.memref_slice %arg6[%add3A_502, %dma_wait3A_508] : memref<125x80xi32, #tpu.memory_space<vmem>> -> memref<1x80xi32, #tpu.memory_space<vmem>>
      %dma_wait3A_510 = tpu.memref_squeeze %dma_wait3A_509 : memref<1x80xi32, #tpu.memory_space<vmem>> -> memref<80xi32, #tpu.memory_space<vmem>>
      %dma_wait3A_511 = arith.constant 0 : i32
      %dma_wait3A_512 = tpu.memref_slice %arg10[%dma_wait3A_511] : memref<10240xf32, #tpu.memory_space<vmem_shared>> -> memref<10240xf32, #tpu.memory_space<vmem_shared>>
      tpu.wait_indirect_dma semaphore(%arg11 : memref<!tpu.dma_semaphore, #tpu.memory_space<semaphore_mem>>) src(%arg8 : memref<80xf32, #tpu.memory_space<vmem>>) dst(%dma_wait3A_512 : memref<10240xf32, #tpu.memory_space<vmem_shared>>)
      %mul3A_513 = arith.constant 25 : i32
      %mul3A_514 = arith.muli %mul3A_513, %scan3A_78 : i32
      %add3A_515 = arith.constant 6 : i32
      %add3A_516 = arith.addi %mul3A_514, %add3A_515 : i32
      %dma_wait3A_517 = arith.constant 0 : i32
      %dma_wait3A_518 = tpu.memref_slice %arg5[%add3A_516, %dma_wait3A_517] : memref<125x80xi32, #tpu.memory_space<vmem>> -> memref<1x80xi32, #tpu.memory_space<vmem>>
      %dma_wait3A_519 = tpu.memref_squeeze %dma_wait3A_518 : memref<1x80xi32, #tpu.memory_space<vmem>> -> memref<80xi32, #tpu.memory_space<vmem>>
      %dma_wait3A_520 = arith.constant 0 : i32
      %dma_wait3A_521 = tpu.memref_slice %arg9[%dma_wait3A_520] : memref<10240xf32, #tpu.memory_space<vmem_shared>> -> memref<10240xf32, #tpu.memory_space<vmem_shared>>
      tpu.wait_indirect_dma semaphore(%arg11 : memref<!tpu.dma_semaphore, #tpu.memory_space<semaphore_mem>>) src(%arg8 : memref<80xf32, #tpu.memory_space<vmem>>) dst(%dma_wait3A_521 : memref<10240xf32, #tpu.memory_space<vmem_shared>>)
      %dma_wait3A_522 = arith.constant 0 : i32
      %dma_wait3A_523 = tpu.memref_slice %arg6[%add3A_516, %dma_wait3A_522] : memref<125x80xi32, #tpu.memory_space<vmem>> -> memref<1x80xi32, #tpu.memory_space<vmem>>
      %dma_wait3A_524 = tpu.memref_squeeze %dma_wait3A_523 : memref<1x80xi32, #tpu.memory_space<vmem>> -> memref<80xi32, #tpu.memory_space<vmem>>
      %dma_wait3A_525 = arith.constant 0 : i32
      %dma_wait3A_526 = tpu.memref_slice %arg10[%dma_wait3A_525] : memref<10240xf32, #tpu.memory_space<vmem_shared>> -> memref<10240xf32, #tpu.memory_space<vmem_shared>>
      tpu.wait_indirect_dma semaphore(%arg11 : memref<!tpu.dma_semaphore, #tpu.memory_space<semaphore_mem>>) src(%arg8 : memref<80xf32, #tpu.memory_space<vmem>>) dst(%dma_wait3A_526 : memref<10240xf32, #tpu.memory_space<vmem_shared>>)
      %mul3A_527 = arith.constant 25 : i32
      %mul3A_528 = arith.muli %mul3A_527, %scan3A_78 : i32
      %add3A_529 = arith.constant 7 : i32
      %add3A_530 = arith.addi %mul3A_528, %add3A_529 : i32
      %dma_wait3A_531 = arith.constant 0 : i32
      %dma_wait3A_532 = tpu.memref_slice %arg5[%add3A_530, %dma_wait3A_531] : memref<125x80xi32, #tpu.memory_space<vmem>> -> memref<1x80xi32, #tpu.memory_space<vmem>>
      %dma_wait3A_533 = tpu.memref_squeeze %dma_wait3A_532 : memref<1x80xi32, #tpu.memory_space<vmem>> -> memref<80xi32, #tpu.memory_space<vmem>>
      %dma_wait3A_534 = arith.constant 0 : i32
      %dma_wait3A_535 = tpu.memref_slice %arg9[%dma_wait3A_534] : memref<10240xf32, #tpu.memory_space<vmem_shared>> -> memref<10240xf32, #tpu.memory_space<vmem_shared>>
      tpu.wait_indirect_dma semaphore(%arg11 : memref<!tpu.dma_semaphore, #tpu.memory_space<semaphore_mem>>) src(%arg8 : memref<80xf32, #tpu.memory_space<vmem>>) dst(%dma_wait3A_535 : memref<10240xf32, #tpu.memory_space<vmem_shared>>)
      %dma_wait3A_536 = arith.constant 0 : i32
      %dma_wait3A_537 = tpu.memref_slice %arg6[%add3A_530, %dma_wait3A_536] : memref<125x80xi32, #tpu.memory_space<vmem>> -> memref<1x80xi32, #tpu.memory_space<vmem>>
      %dma_wait3A_538 = tpu.memref_squeeze %dma_wait3A_537 : memref<1x80xi32, #tpu.memory_space<vmem>> -> memref<80xi32, #tpu.memory_space<vmem>>
      %dma_wait3A_539 = arith.constant 0 : i32
      %dma_wait3A_540 = tpu.memref_slice %arg10[%dma_wait3A_539] : memref<10240xf32, #tpu.memory_space<vmem_shared>> -> memref<10240xf32, #tpu.memory_space<vmem_shared>>
      tpu.wait_indirect_dma semaphore(%arg11 : memref<!tpu.dma_semaphore, #tpu.memory_space<semaphore_mem>>) src(%arg8 : memref<80xf32, #tpu.memory_space<vmem>>) dst(%dma_wait3A_540 : memref<10240xf32, #tpu.memory_space<vmem_shared>>)
      %mul3A_541 = arith.constant 25 : i32
      %mul3A_542 = arith.muli %mul3A_541, %scan3A_78 : i32
      %add3A_543 = arith.constant 8 : i32
      %add3A_544 = arith.addi %mul3A_542, %add3A_543 : i32
      %dma_wait3A_545 = arith.constant 0 : i32
      %dma_wait3A_546 = tpu.memref_slice %arg5[%add3A_544, %dma_wait3A_545] : memref<125x80xi32, #tpu.memory_space<vmem>> -> memref<1x80xi32, #tpu.memory_space<vmem>>
      %dma_wait3A_547 = tpu.memref_squeeze %dma_wait3A_546 : memref<1x80xi32, #tpu.memory_space<vmem>> -> memref<80xi32, #tpu.memory_space<vmem>>
      %dma_wait3A_548 = arith.constant 0 : i32
      %dma_wait3A_549 = tpu.memref_slice %arg9[%dma_wait3A_548] : memref<10240xf32, #tpu.memory_space<vmem_shared>> -> memref<10240xf32, #tpu.memory_space<vmem_shared>>
      tpu.wait_indirect_dma semaphore(%arg11 : memref<!tpu.dma_semaphore, #tpu.memory_space<semaphore_mem>>) src(%arg8 : memref<80xf32, #tpu.memory_space<vmem>>) dst(%dma_wait3A_549 : memref<10240xf32, #tpu.memory_space<vmem_shared>>)
      %dma_wait3A_550 = arith.constant 0 : i32
      %dma_wait3A_551 = tpu.memref_slice %arg6[%add3A_544, %dma_wait3A_550] : memref<125x80xi32, #tpu.memory_space<vmem>> -> memref<1x80xi32, #tpu.memory_space<vmem>>
      %dma_wait3A_552 = tpu.memref_squeeze %dma_wait3A_551 : memref<1x80xi32, #tpu.memory_space<vmem>> -> memref<80xi32, #tpu.memory_space<vmem>>
      %dma_wait3A_553 = arith.constant 0 : i32
      %dma_wait3A_554 = tpu.memref_slice %arg10[%dma_wait3A_553] : memref<10240xf32, #tpu.memory_space<vmem_shared>> -> memref<10240xf32, #tpu.memory_space<vmem_shared>>
      tpu.wait_indirect_dma semaphore(%arg11 : memref<!tpu.dma_semaphore, #tpu.memory_space<semaphore_mem>>) src(%arg8 : memref<80xf32, #tpu.memory_space<vmem>>) dst(%dma_wait3A_554 : memref<10240xf32, #tpu.memory_space<vmem_shared>>)
      %mul3A_555 = arith.constant 25 : i32
      %mul3A_556 = arith.muli %mul3A_555, %scan3A_78 : i32
      %add3A_557 = arith.constant 9 : i32
      %add3A_558 = arith.addi %mul3A_556, %add3A_557 : i32
      %dma_wait3A_559 = arith.constant 0 : i32
      %dma_wait3A_560 = tpu.memref_slice %arg5[%add3A_558, %dma_wait3A_559] : memref<125x80xi32, #tpu.memory_space<vmem>> -> memref<1x80xi32, #tpu.memory_space<vmem>>
      %dma_wait3A_561 = tpu.memref_squeeze %dma_wait3A_560 : memref<1x80xi32, #tpu.memory_space<vmem>> -> memref<80xi32, #tpu.memory_space<vmem>>
      %dma_wait3A_562 = arith.constant 0 : i32
      %dma_wait3A_563 = tpu.memref_slice %arg9[%dma_wait3A_562] : memref<10240xf32, #tpu.memory_space<vmem_shared>> -> memref<10240xf32, #tpu.memory_space<vmem_shared>>
      tpu.wait_indirect_dma semaphore(%arg11 : memref<!tpu.dma_semaphore, #tpu.memory_space<semaphore_mem>>) src(%arg8 : memref<80xf32, #tpu.memory_space<vmem>>) dst(%dma_wait3A_563 : memref<10240xf32, #tpu.memory_space<vmem_shared>>)
      %dma_wait3A_564 = arith.constant 0 : i32
      %dma_wait3A_565 = tpu.memref_slice %arg6[%add3A_558, %dma_wait3A_564] : memref<125x80xi32, #tpu.memory_space<vmem>> -> memref<1x80xi32, #tpu.memory_space<vmem>>
      %dma_wait3A_566 = tpu.memref_squeeze %dma_wait3A_565 : memref<1x80xi32, #tpu.memory_space<vmem>> -> memref<80xi32, #tpu.memory_space<vmem>>
      %dma_wait3A_567 = arith.constant 0 : i32
      %dma_wait3A_568 = tpu.memref_slice %arg10[%dma_wait3A_567] : memref<10240xf32, #tpu.memory_space<vmem_shared>> -> memref<10240xf32, #tpu.memory_space<vmem_shared>>
      tpu.wait_indirect_dma semaphore(%arg11 : memref<!tpu.dma_semaphore, #tpu.memory_space<semaphore_mem>>) src(%arg8 : memref<80xf32, #tpu.memory_space<vmem>>) dst(%dma_wait3A_568 : memref<10240xf32, #tpu.memory_space<vmem_shared>>)
      %mul3A_569 = arith.constant 25 : i32
      %mul3A_570 = arith.muli %mul3A_569, %scan3A_78 : i32
      %add3A_571 = arith.constant 10 : i32
      %add3A_572 = arith.addi %mul3A_570, %add3A_571 : i32
      %dma_wait3A_573 = arith.constant 0 : i32
      %dma_wait3A_574 = tpu.memref_slice %arg5[%add3A_572, %dma_wait3A_573] : memref<125x80xi32, #tpu.memory_space<vmem>> -> memref<1x80xi32, #tpu.memory_space<vmem>>
      %dma_wait3A_575 = tpu.memref_squeeze %dma_wait3A_574 : memref<1x80xi32, #tpu.memory_space<vmem>> -> memref<80xi32, #tpu.memory_space<vmem>>
      %dma_wait3A_576 = arith.constant 0 : i32
      %dma_wait3A_577 = tpu.memref_slice %arg9[%dma_wait3A_576] : memref<10240xf32, #tpu.memory_space<vmem_shared>> -> memref<10240xf32, #tpu.memory_space<vmem_shared>>
      tpu.wait_indirect_dma semaphore(%arg11 : memref<!tpu.dma_semaphore, #tpu.memory_space<semaphore_mem>>) src(%arg8 : memref<80xf32, #tpu.memory_space<vmem>>) dst(%dma_wait3A_577 : memref<10240xf32, #tpu.memory_space<vmem_shared>>)
      %dma_wait3A_578 = arith.constant 0 : i32
      %dma_wait3A_579 = tpu.memref_slice %arg6[%add3A_572, %dma_wait3A_578] : memref<125x80xi32, #tpu.memory_space<vmem>> -> memref<1x80xi32, #tpu.memory_space<vmem>>
      %dma_wait3A_580 = tpu.memref_squeeze %dma_wait3A_579 : memref<1x80xi32, #tpu.memory_space<vmem>> -> memref<80xi32, #tpu.memory_space<vmem>>
      %dma_wait3A_581 = arith.constant 0 : i32
      %dma_wait3A_582 = tpu.memref_slice %arg10[%dma_wait3A_581] : memref<10240xf32, #tpu.memory_space<vmem_shared>> -> memref<10240xf32, #tpu.memory_space<vmem_shared>>
      tpu.wait_indirect_dma semaphore(%arg11 : memref<!tpu.dma_semaphore, #tpu.memory_space<semaphore_mem>>) src(%arg8 : memref<80xf32, #tpu.memory_space<vmem>>) dst(%dma_wait3A_582 : memref<10240xf32, #tpu.memory_space<vmem_shared>>)
      %mul3A_583 = arith.constant 25 : i32
      %mul3A_584 = arith.muli %mul3A_583, %scan3A_78 : i32
      %add3A_585 = arith.constant 11 : i32
      %add3A_586 = arith.addi %mul3A_584, %add3A_585 : i32
      %dma_wait3A_587 = arith.constant 0 : i32
      %dma_wait3A_588 = tpu.memref_slice %arg5[%add3A_586, %dma_wait3A_587] : memref<125x80xi32, #tpu.memory_space<vmem>> -> memref<1x80xi32, #tpu.memory_space<vmem>>
      %dma_wait3A_589 = tpu.memref_squeeze %dma_wait3A_588 : memref<1x80xi32, #tpu.memory_space<vmem>> -> memref<80xi32, #tpu.memory_space<vmem>>
      %dma_wait3A_590 = arith.constant 0 : i32
      %dma_wait3A_591 = tpu.memref_slice %arg9[%dma_wait3A_590] : memref<10240xf32, #tpu.memory_space<vmem_shared>> -> memref<10240xf32, #tpu.memory_space<vmem_shared>>
      tpu.wait_indirect_dma semaphore(%arg11 : memref<!tpu.dma_semaphore, #tpu.memory_space<semaphore_mem>>) src(%arg8 : memref<80xf32, #tpu.memory_space<vmem>>) dst(%dma_wait3A_591 : memref<10240xf32, #tpu.memory_space<vmem_shared>>)
      %dma_wait3A_592 = arith.constant 0 : i32
      %dma_wait3A_593 = tpu.memref_slice %arg6[%add3A_586, %dma_wait3A_592] : memref<125x80xi32, #tpu.memory_space<vmem>> -> memref<1x80xi32, #tpu.memory_space<vmem>>
      %dma_wait3A_594 = tpu.memref_squeeze %dma_wait3A_593 : memref<1x80xi32, #tpu.memory_space<vmem>> -> memref<80xi32, #tpu.memory_space<vmem>>
      %dma_wait3A_595 = arith.constant 0 : i32
      %dma_wait3A_596 = tpu.memref_slice %arg10[%dma_wait3A_595] : memref<10240xf32, #tpu.memory_space<vmem_shared>> -> memref<10240xf32, #tpu.memory_space<vmem_shared>>
      tpu.wait_indirect_dma semaphore(%arg11 : memref<!tpu.dma_semaphore, #tpu.memory_space<semaphore_mem>>) src(%arg8 : memref<80xf32, #tpu.memory_space<vmem>>) dst(%dma_wait3A_596 : memref<10240xf32, #tpu.memory_space<vmem_shared>>)
      %mul3A_597 = arith.constant 25 : i32
      %mul3A_598 = arith.muli %mul3A_597, %scan3A_78 : i32
      %add3A_599 = arith.constant 12 : i32
      %add3A_600 = arith.addi %mul3A_598, %add3A_599 : i32
      %dma_wait3A_601 = arith.constant 0 : i32
      %dma_wait3A_602 = tpu.memref_slice %arg5[%add3A_600, %dma_wait3A_601] : memref<125x80xi32, #tpu.memory_space<vmem>> -> memref<1x80xi32, #tpu.memory_space<vmem>>
      %dma_wait3A_603 = tpu.memref_squeeze %dma_wait3A_602 : memref<1x80xi32, #tpu.memory_space<vmem>> -> memref<80xi32, #tpu.memory_space<vmem>>
      %dma_wait3A_604 = arith.constant 0 : i32
      %dma_wait3A_605 = tpu.memref_slice %arg9[%dma_wait3A_604] : memref<10240xf32, #tpu.memory_space<vmem_shared>> -> memref<10240xf32, #tpu.memory_space<vmem_shared>>
      tpu.wait_indirect_dma semaphore(%arg11 : memref<!tpu.dma_semaphore, #tpu.memory_space<semaphore_mem>>) src(%arg8 : memref<80xf32, #tpu.memory_space<vmem>>) dst(%dma_wait3A_605 : memref<10240xf32, #tpu.memory_space<vmem_shared>>)
      %dma_wait3A_606 = arith.constant 0 : i32
      %dma_wait3A_607 = tpu.memref_slice %arg6[%add3A_600, %dma_wait3A_606] : memref<125x80xi32, #tpu.memory_space<vmem>> -> memref<1x80xi32, #tpu.memory_space<vmem>>
      %dma_wait3A_608 = tpu.memref_squeeze %dma_wait3A_607 : memref<1x80xi32, #tpu.memory_space<vmem>> -> memref<80xi32, #tpu.memory_space<vmem>>
      %dma_wait3A_609 = arith.constant 0 : i32
      %dma_wait3A_610 = tpu.memref_slice %arg10[%dma_wait3A_609] : memref<10240xf32, #tpu.memory_space<vmem_shared>> -> memref<10240xf32, #tpu.memory_space<vmem_shared>>
      tpu.wait_indirect_dma semaphore(%arg11 : memref<!tpu.dma_semaphore, #tpu.memory_space<semaphore_mem>>) src(%arg8 : memref<80xf32, #tpu.memory_space<vmem>>) dst(%dma_wait3A_610 : memref<10240xf32, #tpu.memory_space<vmem_shared>>)
      %mul3A_611 = arith.constant 25 : i32
      %mul3A_612 = arith.muli %mul3A_611, %scan3A_78 : i32
      %add3A_613 = arith.constant 13 : i32
      %add3A_614 = arith.addi %mul3A_612, %add3A_613 : i32
      %dma_wait3A_615 = arith.constant 0 : i32
      %dma_wait3A_616 = tpu.memref_slice %arg5[%add3A_614, %dma_wait3A_615] : memref<125x80xi32, #tpu.memory_space<vmem>> -> memref<1x80xi32, #tpu.memory_space<vmem>>
      %dma_wait3A_617 = tpu.memref_squeeze %dma_wait3A_616 : memref<1x80xi32, #tpu.memory_space<vmem>> -> memref<80xi32, #tpu.memory_space<vmem>>
      %dma_wait3A_618 = arith.constant 0 : i32
      %dma_wait3A_619 = tpu.memref_slice %arg9[%dma_wait3A_618] : memref<10240xf32, #tpu.memory_space<vmem_shared>> -> memref<10240xf32, #tpu.memory_space<vmem_shared>>
      tpu.wait_indirect_dma semaphore(%arg11 : memref<!tpu.dma_semaphore, #tpu.memory_space<semaphore_mem>>) src(%arg8 : memref<80xf32, #tpu.memory_space<vmem>>) dst(%dma_wait3A_619 : memref<10240xf32, #tpu.memory_space<vmem_shared>>)
      %dma_wait3A_620 = arith.constant 0 : i32
      %dma_wait3A_621 = tpu.memref_slice %arg6[%add3A_614, %dma_wait3A_620] : memref<125x80xi32, #tpu.memory_space<vmem>> -> memref<1x80xi32, #tpu.memory_space<vmem>>
      %dma_wait3A_622 = tpu.memref_squeeze %dma_wait3A_621 : memref<1x80xi32, #tpu.memory_space<vmem>> -> memref<80xi32, #tpu.memory_space<vmem>>
      %dma_wait3A_623 = arith.constant 0 : i32
      %dma_wait3A_624 = tpu.memref_slice %arg10[%dma_wait3A_623] : memref<10240xf32, #tpu.memory_space<vmem_shared>> -> memref<10240xf32, #tpu.memory_space<vmem_shared>>
      tpu.wait_indirect_dma semaphore(%arg11 : memref<!tpu.dma_semaphore, #tpu.memory_space<semaphore_mem>>) src(%arg8 : memref<80xf32, #tpu.memory_space<vmem>>) dst(%dma_wait3A_624 : memref<10240xf32, #tpu.memory_space<vmem_shared>>)
      %mul3A_625 = arith.constant 25 : i32
      %mul3A_626 = arith.muli %mul3A_625, %scan3A_78 : i32
      %add3A_627 = arith.constant 14 : i32
      %add3A_628 = arith.addi %mul3A_626, %add3A_627 : i32
      %dma_wait3A_629 = arith.constant 0 : i32
      %dma_wait3A_630 = tpu.memref_slice %arg5[%add3A_628, %dma_wait3A_629] : memref<125x80xi32, #tpu.memory_space<vmem>> -> memref<1x80xi32, #tpu.memory_space<vmem>>
      %dma_wait3A_631 = tpu.memref_squeeze %dma_wait3A_630 : memref<1x80xi32, #tpu.memory_space<vmem>> -> memref<80xi32, #tpu.memory_space<vmem>>
      %dma_wait3A_632 = arith.constant 0 : i32
      %dma_wait3A_633 = tpu.memref_slice %arg9[%dma_wait3A_632] : memref<10240xf32, #tpu.memory_space<vmem_shared>> -> memref<10240xf32, #tpu.memory_space<vmem_shared>>
      tpu.wait_indirect_dma semaphore(%arg11 : memref<!tpu.dma_semaphore, #tpu.memory_space<semaphore_mem>>) src(%arg8 : memref<80xf32, #tpu.memory_space<vmem>>) dst(%dma_wait3A_633 : memref<10240xf32, #tpu.memory_space<vmem_shared>>)
      %dma_wait3A_634 = arith.constant 0 : i32
      %dma_wait3A_635 = tpu.memref_slice %arg6[%add3A_628, %dma_wait3A_634] : memref<125x80xi32, #tpu.memory_space<vmem>> -> memref<1x80xi32, #tpu.memory_space<vmem>>
      %dma_wait3A_636 = tpu.memref_squeeze %dma_wait3A_635 : memref<1x80xi32, #tpu.memory_space<vmem>> -> memref<80xi32, #tpu.memory_space<vmem>>
      %dma_wait3A_637 = arith.constant 0 : i32
      %dma_wait3A_638 = tpu.memref_slice %arg10[%dma_wait3A_637] : memref<10240xf32, #tpu.memory_space<vmem_shared>> -> memref<10240xf32, #tpu.memory_space<vmem_shared>>
      tpu.wait_indirect_dma semaphore(%arg11 : memref<!tpu.dma_semaphore, #tpu.memory_space<semaphore_mem>>) src(%arg8 : memref<80xf32, #tpu.memory_space<vmem>>) dst(%dma_wait3A_638 : memref<10240xf32, #tpu.memory_space<vmem_shared>>)
      %mul3A_639 = arith.constant 25 : i32
      %mul3A_640 = arith.muli %mul3A_639, %scan3A_78 : i32
      %add3A_641 = arith.constant 15 : i32
      %add3A_642 = arith.addi %mul3A_640, %add3A_641 : i32
      %dma_wait3A_643 = arith.constant 0 : i32
      %dma_wait3A_644 = tpu.memref_slice %arg5[%add3A_642, %dma_wait3A_643] : memref<125x80xi32, #tpu.memory_space<vmem>> -> memref<1x80xi32, #tpu.memory_space<vmem>>
      %dma_wait3A_645 = tpu.memref_squeeze %dma_wait3A_644 : memref<1x80xi32, #tpu.memory_space<vmem>> -> memref<80xi32, #tpu.memory_space<vmem>>
      %dma_wait3A_646 = arith.constant 0 : i32
      %dma_wait3A_647 = tpu.memref_slice %arg9[%dma_wait3A_646] : memref<10240xf32, #tpu.memory_space<vmem_shared>> -> memref<10240xf32, #tpu.memory_space<vmem_shared>>
      tpu.wait_indirect_dma semaphore(%arg11 : memref<!tpu.dma_semaphore, #tpu.memory_space<semaphore_mem>>) src(%arg8 : memref<80xf32, #tpu.memory_space<vmem>>) dst(%dma_wait3A_647 : memref<10240xf32, #tpu.memory_space<vmem_shared>>)
      %dma_wait3A_648 = arith.constant 0 : i32
      %dma_wait3A_649 = tpu.memref_slice %arg6[%add3A_642, %dma_wait3A_648] : memref<125x80xi32, #tpu.memory_space<vmem>> -> memref<1x80xi32, #tpu.memory_space<vmem>>
      %dma_wait3A_650 = tpu.memref_squeeze %dma_wait3A_649 : memref<1x80xi32, #tpu.memory_space<vmem>> -> memref<80xi32, #tpu.memory_space<vmem>>
      %dma_wait3A_651 = arith.constant 0 : i32
      %dma_wait3A_652 = tpu.memref_slice %arg10[%dma_wait3A_651] : memref<10240xf32, #tpu.memory_space<vmem_shared>> -> memref<10240xf32, #tpu.memory_space<vmem_shared>>
      tpu.wait_indirect_dma semaphore(%arg11 : memref<!tpu.dma_semaphore, #tpu.memory_space<semaphore_mem>>) src(%arg8 : memref<80xf32, #tpu.memory_space<vmem>>) dst(%dma_wait3A_652 : memref<10240xf32, #tpu.memory_space<vmem_shared>>)
      %mul3A_653 = arith.constant 25 : i32
      %mul3A_654 = arith.muli %mul3A_653, %scan3A_78 : i32
      %add3A_655 = arith.constant 16 : i32
      %add3A_656 = arith.addi %mul3A_654, %add3A_655 : i32
      %dma_wait3A_657 = arith.constant 0 : i32
      %dma_wait3A_658 = tpu.memref_slice %arg5[%add3A_656, %dma_wait3A_657] : memref<125x80xi32, #tpu.memory_space<vmem>> -> memref<1x80xi32, #tpu.memory_space<vmem>>
      %dma_wait3A_659 = tpu.memref_squeeze %dma_wait3A_658 : memref<1x80xi32, #tpu.memory_space<vmem>> -> memref<80xi32, #tpu.memory_space<vmem>>
      %dma_wait3A_660 = arith.constant 0 : i32
      %dma_wait3A_661 = tpu.memref_slice %arg9[%dma_wait3A_660] : memref<10240xf32, #tpu.memory_space<vmem_shared>> -> memref<10240xf32, #tpu.memory_space<vmem_shared>>
      tpu.wait_indirect_dma semaphore(%arg11 : memref<!tpu.dma_semaphore, #tpu.memory_space<semaphore_mem>>) src(%arg8 : memref<80xf32, #tpu.memory_space<vmem>>) dst(%dma_wait3A_661 : memref<10240xf32, #tpu.memory_space<vmem_shared>>)
      %dma_wait3A_662 = arith.constant 0 : i32
      %dma_wait3A_663 = tpu.memref_slice %arg6[%add3A_656, %dma_wait3A_662] : memref<125x80xi32, #tpu.memory_space<vmem>> -> memref<1x80xi32, #tpu.memory_space<vmem>>
      %dma_wait3A_664 = tpu.memref_squeeze %dma_wait3A_663 : memref<1x80xi32, #tpu.memory_space<vmem>> -> memref<80xi32, #tpu.memory_space<vmem>>
      %dma_wait3A_665 = arith.constant 0 : i32
      %dma_wait3A_666 = tpu.memref_slice %arg10[%dma_wait3A_665] : memref<10240xf32, #tpu.memory_space<vmem_shared>> -> memref<10240xf32, #tpu.memory_space<vmem_shared>>
      tpu.wait_indirect_dma semaphore(%arg11 : memref<!tpu.dma_semaphore, #tpu.memory_space<semaphore_mem>>) src(%arg8 : memref<80xf32, #tpu.memory_space<vmem>>) dst(%dma_wait3A_666 : memref<10240xf32, #tpu.memory_space<vmem_shared>>)
      %mul3A_667 = arith.constant 25 : i32
      %mul3A_668 = arith.muli %mul3A_667, %scan3A_78 : i32
      %add3A_669 = arith.constant 17 : i32
      %add3A_670 = arith.addi %mul3A_668, %add3A_669 : i32
      %dma_wait3A_671 = arith.constant 0 : i32
      %dma_wait3A_672 = tpu.memref_slice %arg5[%add3A_670, %dma_wait3A_671] : memref<125x80xi32, #tpu.memory_space<vmem>> -> memref<1x80xi32, #tpu.memory_space<vmem>>
      %dma_wait3A_673 = tpu.memref_squeeze %dma_wait3A_672 : memref<1x80xi32, #tpu.memory_space<vmem>> -> memref<80xi32, #tpu.memory_space<vmem>>
      %dma_wait3A_674 = arith.constant 0 : i32
      %dma_wait3A_675 = tpu.memref_slice %arg9[%dma_wait3A_674] : memref<10240xf32, #tpu.memory_space<vmem_shared>> -> memref<10240xf32, #tpu.memory_space<vmem_shared>>
      tpu.wait_indirect_dma semaphore(%arg11 : memref<!tpu.dma_semaphore, #tpu.memory_space<semaphore_mem>>) src(%arg8 : memref<80xf32, #tpu.memory_space<vmem>>) dst(%dma_wait3A_675 : memref<10240xf32, #tpu.memory_space<vmem_shared>>)
      %dma_wait3A_676 = arith.constant 0 : i32
      %dma_wait3A_677 = tpu.memref_slice %arg6[%add3A_670, %dma_wait3A_676] : memref<125x80xi32, #tpu.memory_space<vmem>> -> memref<1x80xi32, #tpu.memory_space<vmem>>
      %dma_wait3A_678 = tpu.memref_squeeze %dma_wait3A_677 : memref<1x80xi32, #tpu.memory_space<vmem>> -> memref<80xi32, #tpu.memory_space<vmem>>
      %dma_wait3A_679 = arith.constant 0 : i32
      %dma_wait3A_680 = tpu.memref_slice %arg10[%dma_wait3A_679] : memref<10240xf32, #tpu.memory_space<vmem_shared>> -> memref<10240xf32, #tpu.memory_space<vmem_shared>>
      tpu.wait_indirect_dma semaphore(%arg11 : memref<!tpu.dma_semaphore, #tpu.memory_space<semaphore_mem>>) src(%arg8 : memref<80xf32, #tpu.memory_space<vmem>>) dst(%dma_wait3A_680 : memref<10240xf32, #tpu.memory_space<vmem_shared>>)
      %mul3A_681 = arith.constant 25 : i32
      %mul3A_682 = arith.muli %mul3A_681, %scan3A_78 : i32
      %add3A_683 = arith.constant 18 : i32
      %add3A_684 = arith.addi %mul3A_682, %add3A_683 : i32
      %dma_wait3A_685 = arith.constant 0 : i32
      %dma_wait3A_686 = tpu.memref_slice %arg5[%add3A_684, %dma_wait3A_685] : memref<125x80xi32, #tpu.memory_space<vmem>> -> memref<1x80xi32, #tpu.memory_space<vmem>>
      %dma_wait3A_687 = tpu.memref_squeeze %dma_wait3A_686 : memref<1x80xi32, #tpu.memory_space<vmem>> -> memref<80xi32, #tpu.memory_space<vmem>>
      %dma_wait3A_688 = arith.constant 0 : i32
      %dma_wait3A_689 = tpu.memref_slice %arg9[%dma_wait3A_688] : memref<10240xf32, #tpu.memory_space<vmem_shared>> -> memref<10240xf32, #tpu.memory_space<vmem_shared>>
      tpu.wait_indirect_dma semaphore(%arg11 : memref<!tpu.dma_semaphore, #tpu.memory_space<semaphore_mem>>) src(%arg8 : memref<80xf32, #tpu.memory_space<vmem>>) dst(%dma_wait3A_689 : memref<10240xf32, #tpu.memory_space<vmem_shared>>)
      %dma_wait3A_690 = arith.constant 0 : i32
      %dma_wait3A_691 = tpu.memref_slice %arg6[%add3A_684, %dma_wait3A_690] : memref<125x80xi32, #tpu.memory_space<vmem>> -> memref<1x80xi32, #tpu.memory_space<vmem>>
      %dma_wait3A_692 = tpu.memref_squeeze %dma_wait3A_691 : memref<1x80xi32, #tpu.memory_space<vmem>> -> memref<80xi32, #tpu.memory_space<vmem>>
      %dma_wait3A_693 = arith.constant 0 : i32
      %dma_wait3A_694 = tpu.memref_slice %arg10[%dma_wait3A_693] : memref<10240xf32, #tpu.memory_space<vmem_shared>> -> memref<10240xf32, #tpu.memory_space<vmem_shared>>
      tpu.wait_indirect_dma semaphore(%arg11 : memref<!tpu.dma_semaphore, #tpu.memory_space<semaphore_mem>>) src(%arg8 : memref<80xf32, #tpu.memory_space<vmem>>) dst(%dma_wait3A_694 : memref<10240xf32, #tpu.memory_space<vmem_shared>>)
      %mul3A_695 = arith.constant 25 : i32
      %mul3A_696 = arith.muli %mul3A_695, %scan3A_78 : i32
      %add3A_697 = arith.constant 19 : i32
      %add3A_698 = arith.addi %mul3A_696, %add3A_697 : i32
      %dma_wait3A_699 = arith.constant 0 : i32
      %dma_wait3A_700 = tpu.memref_slice %arg5[%add3A_698, %dma_wait3A_699] : memref<125x80xi32, #tpu.memory_space<vmem>> -> memref<1x80xi32, #tpu.memory_space<vmem>>
      %dma_wait3A_701 = tpu.memref_squeeze %dma_wait3A_700 : memref<1x80xi32, #tpu.memory_space<vmem>> -> memref<80xi32, #tpu.memory_space<vmem>>
      %dma_wait3A_702 = arith.constant 0 : i32
      %dma_wait3A_703 = tpu.memref_slice %arg9[%dma_wait3A_702] : memref<10240xf32, #tpu.memory_space<vmem_shared>> -> memref<10240xf32, #tpu.memory_space<vmem_shared>>
      tpu.wait_indirect_dma semaphore(%arg11 : memref<!tpu.dma_semaphore, #tpu.memory_space<semaphore_mem>>) src(%arg8 : memref<80xf32, #tpu.memory_space<vmem>>) dst(%dma_wait3A_703 : memref<10240xf32, #tpu.memory_space<vmem_shared>>)
      %dma_wait3A_704 = arith.constant 0 : i32
      %dma_wait3A_705 = tpu.memref_slice %arg6[%add3A_698, %dma_wait3A_704] : memref<125x80xi32, #tpu.memory_space<vmem>> -> memref<1x80xi32, #tpu.memory_space<vmem>>
      %dma_wait3A_706 = tpu.memref_squeeze %dma_wait3A_705 : memref<1x80xi32, #tpu.memory_space<vmem>> -> memref<80xi32, #tpu.memory_space<vmem>>
      %dma_wait3A_707 = arith.constant 0 : i32
      %dma_wait3A_708 = tpu.memref_slice %arg10[%dma_wait3A_707] : memref<10240xf32, #tpu.memory_space<vmem_shared>> -> memref<10240xf32, #tpu.memory_space<vmem_shared>>
      tpu.wait_indirect_dma semaphore(%arg11 : memref<!tpu.dma_semaphore, #tpu.memory_space<semaphore_mem>>) src(%arg8 : memref<80xf32, #tpu.memory_space<vmem>>) dst(%dma_wait3A_708 : memref<10240xf32, #tpu.memory_space<vmem_shared>>)
      %mul3A_709 = arith.constant 25 : i32
      %mul3A_710 = arith.muli %mul3A_709, %scan3A_78 : i32
      %add3A_711 = arith.constant 20 : i32
      %add3A_712 = arith.addi %mul3A_710, %add3A_711 : i32
      %dma_wait3A_713 = arith.constant 0 : i32
      %dma_wait3A_714 = tpu.memref_slice %arg5[%add3A_712, %dma_wait3A_713] : memref<125x80xi32, #tpu.memory_space<vmem>> -> memref<1x80xi32, #tpu.memory_space<vmem>>
      %dma_wait3A_715 = tpu.memref_squeeze %dma_wait3A_714 : memref<1x80xi32, #tpu.memory_space<vmem>> -> memref<80xi32, #tpu.memory_space<vmem>>
      %dma_wait3A_716 = arith.constant 0 : i32
      %dma_wait3A_717 = tpu.memref_slice %arg9[%dma_wait3A_716] : memref<10240xf32, #tpu.memory_space<vmem_shared>> -> memref<10240xf32, #tpu.memory_space<vmem_shared>>
      tpu.wait_indirect_dma semaphore(%arg11 : memref<!tpu.dma_semaphore, #tpu.memory_space<semaphore_mem>>) src(%arg8 : memref<80xf32, #tpu.memory_space<vmem>>) dst(%dma_wait3A_717 : memref<10240xf32, #tpu.memory_space<vmem_shared>>)
      %dma_wait3A_718 = arith.constant 0 : i32
      %dma_wait3A_719 = tpu.memref_slice %arg6[%add3A_712, %dma_wait3A_718] : memref<125x80xi32, #tpu.memory_space<vmem>> -> memref<1x80xi32, #tpu.memory_space<vmem>>
      %dma_wait3A_720 = tpu.memref_squeeze %dma_wait3A_719 : memref<1x80xi32, #tpu.memory_space<vmem>> -> memref<80xi32, #tpu.memory_space<vmem>>
      %dma_wait3A_721 = arith.constant 0 : i32
      %dma_wait3A_722 = tpu.memref_slice %arg10[%dma_wait3A_721] : memref<10240xf32, #tpu.memory_space<vmem_shared>> -> memref<10240xf32, #tpu.memory_space<vmem_shared>>
      tpu.wait_indirect_dma semaphore(%arg11 : memref<!tpu.dma_semaphore, #tpu.memory_space<semaphore_mem>>) src(%arg8 : memref<80xf32, #tpu.memory_space<vmem>>) dst(%dma_wait3A_722 : memref<10240xf32, #tpu.memory_space<vmem_shared>>)
      %mul3A_723 = arith.constant 25 : i32
      %mul3A_724 = arith.muli %mul3A_723, %scan3A_78 : i32
      %add3A_725 = arith.constant 21 : i32
      %add3A_726 = arith.addi %mul3A_724, %add3A_725 : i32
      %dma_wait3A_727 = arith.constant 0 : i32
      %dma_wait3A_728 = tpu.memref_slice %arg5[%add3A_726, %dma_wait3A_727] : memref<125x80xi32, #tpu.memory_space<vmem>> -> memref<1x80xi32, #tpu.memory_space<vmem>>
      %dma_wait3A_729 = tpu.memref_squeeze %dma_wait3A_728 : memref<1x80xi32, #tpu.memory_space<vmem>> -> memref<80xi32, #tpu.memory_space<vmem>>
      %dma_wait3A_730 = arith.constant 0 : i32
      %dma_wait3A_731 = tpu.memref_slice %arg9[%dma_wait3A_730] : memref<10240xf32, #tpu.memory_space<vmem_shared>> -> memref<10240xf32, #tpu.memory_space<vmem_shared>>
      tpu.wait_indirect_dma semaphore(%arg11 : memref<!tpu.dma_semaphore, #tpu.memory_space<semaphore_mem>>) src(%arg8 : memref<80xf32, #tpu.memory_space<vmem>>) dst(%dma_wait3A_731 : memref<10240xf32, #tpu.memory_space<vmem_shared>>)
      %dma_wait3A_732 = arith.constant 0 : i32
      %dma_wait3A_733 = tpu.memref_slice %arg6[%add3A_726, %dma_wait3A_732] : memref<125x80xi32, #tpu.memory_space<vmem>> -> memref<1x80xi32, #tpu.memory_space<vmem>>
      %dma_wait3A_734 = tpu.memref_squeeze %dma_wait3A_733 : memref<1x80xi32, #tpu.memory_space<vmem>> -> memref<80xi32, #tpu.memory_space<vmem>>
      %dma_wait3A_735 = arith.constant 0 : i32
      %dma_wait3A_736 = tpu.memref_slice %arg10[%dma_wait3A_735] : memref<10240xf32, #tpu.memory_space<vmem_shared>> -> memref<10240xf32, #tpu.memory_space<vmem_shared>>
      tpu.wait_indirect_dma semaphore(%arg11 : memref<!tpu.dma_semaphore, #tpu.memory_space<semaphore_mem>>) src(%arg8 : memref<80xf32, #tpu.memory_space<vmem>>) dst(%dma_wait3A_736 : memref<10240xf32, #tpu.memory_space<vmem_shared>>)
      %mul3A_737 = arith.constant 25 : i32
      %mul3A_738 = arith.muli %mul3A_737, %scan3A_78 : i32
      %add3A_739 = arith.constant 22 : i32
      %add3A_740 = arith.addi %mul3A_738, %add3A_739 : i32
      %dma_wait3A_741 = arith.constant 0 : i32
      %dma_wait3A_742 = tpu.memref_slice %arg5[%add3A_740, %dma_wait3A_741] : memref<125x80xi32, #tpu.memory_space<vmem>> -> memref<1x80xi32, #tpu.memory_space<vmem>>
      %dma_wait3A_743 = tpu.memref_squeeze %dma_wait3A_742 : memref<1x80xi32, #tpu.memory_space<vmem>> -> memref<80xi32, #tpu.memory_space<vmem>>
      %dma_wait3A_744 = arith.constant 0 : i32
      %dma_wait3A_745 = tpu.memref_slice %arg9[%dma_wait3A_744] : memref<10240xf32, #tpu.memory_space<vmem_shared>> -> memref<10240xf32, #tpu.memory_space<vmem_shared>>
      tpu.wait_indirect_dma semaphore(%arg11 : memref<!tpu.dma_semaphore, #tpu.memory_space<semaphore_mem>>) src(%arg8 : memref<80xf32, #tpu.memory_space<vmem>>) dst(%dma_wait3A_745 : memref<10240xf32, #tpu.memory_space<vmem_shared>>)
      %dma_wait3A_746 = arith.constant 0 : i32
      %dma_wait3A_747 = tpu.memref_slice %arg6[%add3A_740, %dma_wait3A_746] : memref<125x80xi32, #tpu.memory_space<vmem>> -> memref<1x80xi32, #tpu.memory_space<vmem>>
      %dma_wait3A_748 = tpu.memref_squeeze %dma_wait3A_747 : memref<1x80xi32, #tpu.memory_space<vmem>> -> memref<80xi32, #tpu.memory_space<vmem>>
      %dma_wait3A_749 = arith.constant 0 : i32
      %dma_wait3A_750 = tpu.memref_slice %arg10[%dma_wait3A_749] : memref<10240xf32, #tpu.memory_space<vmem_shared>> -> memref<10240xf32, #tpu.memory_space<vmem_shared>>
      tpu.wait_indirect_dma semaphore(%arg11 : memref<!tpu.dma_semaphore, #tpu.memory_space<semaphore_mem>>) src(%arg8 : memref<80xf32, #tpu.memory_space<vmem>>) dst(%dma_wait3A_750 : memref<10240xf32, #tpu.memory_space<vmem_shared>>)
      %mul3A_751 = arith.constant 25 : i32
      %mul3A_752 = arith.muli %mul3A_751, %scan3A_78 : i32
      %add3A_753 = arith.constant 23 : i32
      %add3A_754 = arith.addi %mul3A_752, %add3A_753 : i32
      %dma_wait3A_755 = arith.constant 0 : i32
      %dma_wait3A_756 = tpu.memref_slice %arg5[%add3A_754, %dma_wait3A_755] : memref<125x80xi32, #tpu.memory_space<vmem>> -> memref<1x80xi32, #tpu.memory_space<vmem>>
      %dma_wait3A_757 = tpu.memref_squeeze %dma_wait3A_756 : memref<1x80xi32, #tpu.memory_space<vmem>> -> memref<80xi32, #tpu.memory_space<vmem>>
      %dma_wait3A_758 = arith.constant 0 : i32
      %dma_wait3A_759 = tpu.memref_slice %arg9[%dma_wait3A_758] : memref<10240xf32, #tpu.memory_space<vmem_shared>> -> memref<10240xf32, #tpu.memory_space<vmem_shared>>
      tpu.wait_indirect_dma semaphore(%arg11 : memref<!tpu.dma_semaphore, #tpu.memory_space<semaphore_mem>>) src(%arg8 : memref<80xf32, #tpu.memory_space<vmem>>) dst(%dma_wait3A_759 : memref<10240xf32, #tpu.memory_space<vmem_shared>>)
      %dma_wait3A_760 = arith.constant 0 : i32
      %dma_wait3A_761 = tpu.memref_slice %arg6[%add3A_754, %dma_wait3A_760] : memref<125x80xi32, #tpu.memory_space<vmem>> -> memref<1x80xi32, #tpu.memory_space<vmem>>
      %dma_wait3A_762 = tpu.memref_squeeze %dma_wait3A_761 : memref<1x80xi32, #tpu.memory_space<vmem>> -> memref<80xi32, #tpu.memory_space<vmem>>
      %dma_wait3A_763 = arith.constant 0 : i32
      %dma_wait3A_764 = tpu.memref_slice %arg10[%dma_wait3A_763] : memref<10240xf32, #tpu.memory_space<vmem_shared>> -> memref<10240xf32, #tpu.memory_space<vmem_shared>>
      tpu.wait_indirect_dma semaphore(%arg11 : memref<!tpu.dma_semaphore, #tpu.memory_space<semaphore_mem>>) src(%arg8 : memref<80xf32, #tpu.memory_space<vmem>>) dst(%dma_wait3A_764 : memref<10240xf32, #tpu.memory_space<vmem_shared>>)
      %mul3A_765 = arith.constant 25 : i32
      %mul3A_766 = arith.muli %mul3A_765, %scan3A_78 : i32
      %add3A_767 = arith.constant 24 : i32
      %add3A_768 = arith.addi %mul3A_766, %add3A_767 : i32
      %dma_wait3A_769 = arith.constant 0 : i32
      %dma_wait3A_770 = tpu.memref_slice %arg5[%add3A_768, %dma_wait3A_769] : memref<125x80xi32, #tpu.memory_space<vmem>> -> memref<1x80xi32, #tpu.memory_space<vmem>>
      %dma_wait3A_771 = tpu.memref_squeeze %dma_wait3A_770 : memref<1x80xi32, #tpu.memory_space<vmem>> -> memref<80xi32, #tpu.memory_space<vmem>>
      %dma_wait3A_772 = arith.constant 0 : i32
      %dma_wait3A_773 = tpu.memref_slice %arg9[%dma_wait3A_772] : memref<10240xf32, #tpu.memory_space<vmem_shared>> -> memref<10240xf32, #tpu.memory_space<vmem_shared>>
      tpu.wait_indirect_dma semaphore(%arg11 : memref<!tpu.dma_semaphore, #tpu.memory_space<semaphore_mem>>) src(%arg8 : memref<80xf32, #tpu.memory_space<vmem>>) dst(%dma_wait3A_773 : memref<10240xf32, #tpu.memory_space<vmem_shared>>)
      %dma_wait3A_774 = arith.constant 0 : i32
      %dma_wait3A_775 = tpu.memref_slice %arg6[%add3A_768, %dma_wait3A_774] : memref<125x80xi32, #tpu.memory_space<vmem>> -> memref<1x80xi32, #tpu.memory_space<vmem>>
      %dma_wait3A_776 = tpu.memref_squeeze %dma_wait3A_775 : memref<1x80xi32, #tpu.memory_space<vmem>> -> memref<80xi32, #tpu.memory_space<vmem>>
      %dma_wait3A_777 = arith.constant 0 : i32
      %dma_wait3A_778 = tpu.memref_slice %arg10[%dma_wait3A_777] : memref<10240xf32, #tpu.memory_space<vmem_shared>> -> memref<10240xf32, #tpu.memory_space<vmem_shared>>
      tpu.wait_indirect_dma semaphore(%arg11 : memref<!tpu.dma_semaphore, #tpu.memory_space<semaphore_mem>>) src(%arg8 : memref<80xf32, #tpu.memory_space<vmem>>) dst(%dma_wait3A_778 : memref<10240xf32, #tpu.memory_space<vmem_shared>>)
    }
    %scan3A_67 = arith.constant 5 : i32
    %barrier3A_68 = arith.constant 0 : index
    tpu.barrier barrier_id(%barrier3A_68)
    %mul3A_69 = arith.constant 640 : i32
    %mul3A_70 = arith.muli %arg1, %mul3A_69 : i32
    %mul3A_71 = arith.constant 640 : i32
    %mul3A_72 = arith.muli %arg1, %mul3A_71 : i32
    %run_scoped3A = arith.constant 0 : i32
    "tpu.region"() ({
      %run_scoped3A_78 = tpu.sem_alloc : memref<!tpu.dma_semaphore, #tpu.memory_space<semaphore_mem>>
      %dma_start3A_79 = tpu.memref_slice %arg4[%arg0, %run_scoped3A, %mul3A_72] : memref<2x2x10240xf32, #tpu.memory_space<hbm>> -> memref<1x1x640xf32, #tpu.memory_space<hbm>>
      %dma_start3A_80 = tpu.memref_squeeze %dma_start3A_79 : memref<1x1x640xf32, #tpu.memory_space<hbm>> -> memref<640xf32, #tpu.memory_space<hbm>>
      %dma_start3A_81 = tpu.memref_slice %arg9[%mul3A_70] : memref<10240xf32, #tpu.memory_space<vmem_shared>> -> memref<640xf32, #tpu.memory_space<vmem_shared>>
      tpu.enqueue_dma source(%dma_start3A_81 : memref<640xf32, #tpu.memory_space<vmem_shared>>) target(%dma_start3A_80 : memref<640xf32, #tpu.memory_space<hbm>>) target_semaphore(%run_scoped3A_78 : memref<!tpu.dma_semaphore, #tpu.memory_space<semaphore_mem>>)
      %dma_wait3A_82 = tpu.memref_slice %arg4[%arg0, %run_scoped3A, %mul3A_72] : memref<2x2x10240xf32, #tpu.memory_space<hbm>> -> memref<1x1x640xf32, #tpu.memory_space<hbm>>
      %dma_wait3A_83 = tpu.memref_squeeze %dma_wait3A_82 : memref<1x1x640xf32, #tpu.memory_space<hbm>> -> memref<640xf32, #tpu.memory_space<hbm>>
      %dma_wait3A_84 = tpu.memref_slice %arg9[%mul3A_70] : memref<10240xf32, #tpu.memory_space<vmem_shared>> -> memref<640xf32, #tpu.memory_space<vmem_shared>>
      tpu.wait_dma2 semaphore(%run_scoped3A_78 : memref<!tpu.dma_semaphore, #tpu.memory_space<semaphore_mem>>) src(%dma_wait3A_84 : memref<640xf32, #tpu.memory_space<vmem_shared>>) dst(%dma_wait3A_83 : memref<640xf32, #tpu.memory_space<hbm>>)
      tpu.yield
    }) : () -> ()
    %mul3A_73 = arith.constant 640 : i32
    %mul3A_74 = arith.muli %arg1, %mul3A_73 : i32
    %mul3A_75 = arith.constant 640 : i32
    %mul3A_76 = arith.muli %arg1, %mul3A_75 : i32
    %run_scoped3A_77 = arith.constant 1 : i32
    "tpu.region"() ({
      %run_scoped3A_78 = tpu.sem_alloc : memref<!tpu.dma_semaphore, #tpu.memory_space<semaphore_mem>>
      %dma_start3A_79 = tpu.memref_slice %arg4[%arg0, %run_scoped3A_77, %mul3A_76] : memref<2x2x10240xf32, #tpu.memory_space<hbm>> -> memref<1x1x640xf32, #tpu.memory_space<hbm>>
      %dma_start3A_80 = tpu.memref_squeeze %dma_start3A_79 : memref<1x1x640xf32, #tpu.memory_space<hbm>> -> memref<640xf32, #tpu.memory_space<hbm>>
      %dma_start3A_81 = tpu.memref_slice %arg10[%mul3A_74] : memref<10240xf32, #tpu.memory_space<vmem_shared>> -> memref<640xf32, #tpu.memory_space<vmem_shared>>
      tpu.enqueue_dma source(%dma_start3A_81 : memref<640xf32, #tpu.memory_space<vmem_shared>>) target(%dma_start3A_80 : memref<640xf32, #tpu.memory_space<hbm>>) target_semaphore(%run_scoped3A_78 : memref<!tpu.dma_semaphore, #tpu.memory_space<semaphore_mem>>)
      %dma_wait3A_82 = tpu.memref_slice %arg4[%arg0, %run_scoped3A_77, %mul3A_76] : memref<2x2x10240xf32, #tpu.memory_space<hbm>> -> memref<1x1x640xf32, #tpu.memory_space<hbm>>
      %dma_wait3A_83 = tpu.memref_squeeze %dma_wait3A_82 : memref<1x1x640xf32, #tpu.memory_space<hbm>> -> memref<640xf32, #tpu.memory_space<hbm>>
      %dma_wait3A_84 = tpu.memref_slice %arg10[%mul3A_74] : memref<10240xf32, #tpu.memory_space<vmem_shared>> -> memref<640xf32, #tpu.memory_space<vmem_shared>>
      tpu.wait_dma2 semaphore(%run_scoped3A_78 : memref<!tpu.dma_semaphore, #tpu.memory_space<semaphore_mem>>) src(%dma_wait3A_84 : memref<640xf32, #tpu.memory_space<vmem_shared>>) dst(%dma_wait3A_83 : memref<640xf32, #tpu.memory_space<hbm>>)
      tpu.yield
    }) : () -> ()
    return
  }
}

#map = affine_map<(d0, d1) -> (0, 0)>
#map1 = affine_map<(d0, d1) -> (0, 0, 0)>
module attributes {stable_mosaic.version = 14 : i64} {
  func.func @_agg_sc(%arg0: i32, %arg1: i32, %arg2: memref<10000x128xf32, #tpu.memory_space<hbm>>, %arg3: memref<32x80x128xi32, #tpu.memory_space<hbm>>, %arg4: memref<32x80x128xi32, #tpu.memory_space<hbm>>, %arg5: memref<10480x128xf32, #tpu.memory_space<hbm>>, %arg6: memref<2x10000x128xf32, #tpu.memory_space<hbm>>, %arg7: memref<40x128xi32, #tpu.memory_space<vmem>>, %arg8: memref<40x128xi32, #tpu.memory_space<vmem>>, %arg9: memref<2x128x128xf32, #tpu.memory_space<vmem>>, %arg10: memref<10480x128xf32, #tpu.memory_space<vmem_shared>>, %arg11: memref<!tpu.dma_semaphore, #tpu.memory_space<semaphore_mem>>, %arg12: memref<!tpu.dma_semaphore, #tpu.memory_space<semaphore_mem>>, %arg13: memref<!tpu.dma_semaphore, #tpu.memory_space<semaphore_mem>>, %arg14: memref<!tpu.dma_semaphore, #tpu.memory_space<semaphore_mem>>, %arg15: memref<!tpu.dma_semaphore, #tpu.memory_space<semaphore_mem>>) attributes {dimension_semantics = [#tpu.dimension_semantics<core_parallel>, #tpu.dimension_semantics<subcore_parallel>], iteration_bounds = array<i64: 2, 16>, scalar_prefetch = 0 : i64, scratch_operands = 9 : i64, tpu.core_type = #tpu.core_type<sc_vector_subcore>, window_params = [{transform_indices = #map}, {transform_indices = #map1}, {transform_indices = #map1}, {transform_indices = #map}, {transform_indices = #map1}]} {
    %mul3A = arith.constant 16 : i32
    %mul3A_0 = arith.muli %arg0, %mul3A : i32
    %add3A = arith.addi %mul3A_0, %arg1 : i32
    %dma_start3A = arith.constant 0 : i32
    %dma_start3A_1 = arith.constant 0 : i32
    %dma_start3A_2 = tpu.memref_slice %arg3[%add3A, %dma_start3A, %dma_start3A_1] : memref<32x80x128xi32, #tpu.memory_space<hbm>> -> memref<1x40x128xi32, #tpu.memory_space<hbm>>
    %dma_start3A_3 = tpu.memref_squeeze %dma_start3A_2 : memref<1x40x128xi32, #tpu.memory_space<hbm>> -> memref<40x128xi32, #tpu.memory_space<hbm>>
    %dma_start3A_4 = arith.constant 0 : i32
    %dma_start3A_5 = arith.constant 0 : i32
    %dma_start3A_6 = tpu.memref_slice %arg3[%add3A, %dma_start3A_4, %dma_start3A_5] : memref<32x80x128xi32, #tpu.memory_space<hbm>> -> memref<1x40x128xi32, #tpu.memory_space<hbm>>
    %dma_start3A_7 = tpu.memref_squeeze %dma_start3A_6 : memref<1x40x128xi32, #tpu.memory_space<hbm>> -> memref<40x128xi32, #tpu.memory_space<hbm>>
    tpu.enqueue_dma source(%dma_start3A_7 : memref<40x128xi32, #tpu.memory_space<hbm>>) target(%arg7 : memref<40x128xi32, #tpu.memory_space<vmem>>) target_semaphore(%arg15 : memref<!tpu.dma_semaphore, #tpu.memory_space<semaphore_mem>>)
    %dma_start3A_8 = arith.constant 0 : i32
    %dma_start3A_9 = arith.constant 0 : i32
    %dma_start3A_10 = tpu.memref_slice %arg4[%add3A, %dma_start3A_8, %dma_start3A_9] : memref<32x80x128xi32, #tpu.memory_space<hbm>> -> memref<1x40x128xi32, #tpu.memory_space<hbm>>
    %dma_start3A_11 = tpu.memref_squeeze %dma_start3A_10 : memref<1x40x128xi32, #tpu.memory_space<hbm>> -> memref<40x128xi32, #tpu.memory_space<hbm>>
    %dma_start3A_12 = arith.constant 0 : i32
    %dma_start3A_13 = arith.constant 0 : i32
    %dma_start3A_14 = tpu.memref_slice %arg4[%add3A, %dma_start3A_12, %dma_start3A_13] : memref<32x80x128xi32, #tpu.memory_space<hbm>> -> memref<1x40x128xi32, #tpu.memory_space<hbm>>
    %dma_start3A_15 = tpu.memref_squeeze %dma_start3A_14 : memref<1x40x128xi32, #tpu.memory_space<hbm>> -> memref<40x128xi32, #tpu.memory_space<hbm>>
    tpu.enqueue_dma source(%dma_start3A_15 : memref<40x128xi32, #tpu.memory_space<hbm>>) target(%arg8 : memref<40x128xi32, #tpu.memory_space<vmem>>) target_semaphore(%arg15 : memref<!tpu.dma_semaphore, #tpu.memory_space<semaphore_mem>>)
    %mul3A_16 = arith.constant 656 : i32
    %mul3A_17 = arith.muli %arg1, %mul3A_16 : i32
    %lt3A = arith.constant 15 : i32
    %lt3A_18 = arith.cmpi slt, %arg1, %lt3A : i32
    %convert_element_type3A = arith.extui %lt3A_18 : i1 to i32
    %cond3A = arith.constant 0 : i32
    %cond3A_19 = arith.cmpi ne, %convert_element_type3A, %cond3A : i32
    scf.if %cond3A_19 {
      %dma_start3A_263 = arith.constant 0 : i32
      %dma_start3A_264 = tpu.memref_slice %arg10[%mul3A_17, %dma_start3A_263] : memref<10480x128xf32, #tpu.memory_space<vmem_shared>> -> memref<656x128xf32, #tpu.memory_space<vmem_shared>>
      %dma_start3A_265 = arith.constant 0 : i32
      %dma_start3A_266 = tpu.memref_slice %arg5[%mul3A_17, %dma_start3A_265] : memref<10480x128xf32, #tpu.memory_space<hbm>> -> memref<656x128xf32, #tpu.memory_space<hbm>>
      tpu.enqueue_dma source(%dma_start3A_266 : memref<656x128xf32, #tpu.memory_space<hbm>>) target(%dma_start3A_264 : memref<656x128xf32, #tpu.memory_space<vmem_shared>>) target_semaphore(%arg15 : memref<!tpu.dma_semaphore, #tpu.memory_space<semaphore_mem>>)
    } else {
    }
    %eq3A = arith.constant 15 : i32
    %eq3A_20 = arith.cmpi eq, %arg1, %eq3A : i32
    %convert_element_type3A_21 = arith.extui %eq3A_20 : i1 to i32
    %cond3A_22 = arith.constant 0 : i32
    %cond3A_23 = arith.cmpi ne, %convert_element_type3A_21, %cond3A_22 : i32
    scf.if %cond3A_23 {
      %dma_start3A_263 = arith.constant 0 : i32
      %dma_start3A_264 = tpu.memref_slice %arg10[%mul3A_17, %dma_start3A_263] : memref<10480x128xf32, #tpu.memory_space<vmem_shared>> -> memref<640x128xf32, #tpu.memory_space<vmem_shared>>
      %dma_start3A_265 = arith.constant 0 : i32
      %dma_start3A_266 = tpu.memref_slice %arg5[%mul3A_17, %dma_start3A_265] : memref<10480x128xf32, #tpu.memory_space<hbm>> -> memref<640x128xf32, #tpu.memory_space<hbm>>
      tpu.enqueue_dma source(%dma_start3A_266 : memref<640x128xf32, #tpu.memory_space<hbm>>) target(%dma_start3A_264 : memref<640x128xf32, #tpu.memory_space<vmem_shared>>) target_semaphore(%arg15 : memref<!tpu.dma_semaphore, #tpu.memory_space<semaphore_mem>>)
    } else {
    }
    %dma_wait3A = arith.constant 0 : i32
    %dma_wait3A_24 = arith.constant 0 : i32
    %dma_wait3A_25 = tpu.memref_slice %arg3[%add3A, %dma_wait3A, %dma_wait3A_24] : memref<32x80x128xi32, #tpu.memory_space<hbm>> -> memref<1x40x128xi32, #tpu.memory_space<hbm>>
    %dma_wait3A_26 = tpu.memref_squeeze %dma_wait3A_25 : memref<1x40x128xi32, #tpu.memory_space<hbm>> -> memref<40x128xi32, #tpu.memory_space<hbm>>
    %dma_wait3A_27 = arith.constant 0 : i32
    %dma_wait3A_28 = arith.constant 0 : i32
    %dma_wait3A_29 = tpu.memref_slice %arg3[%add3A, %dma_wait3A_27, %dma_wait3A_28] : memref<32x80x128xi32, #tpu.memory_space<hbm>> -> memref<1x40x128xi32, #tpu.memory_space<hbm>>
    %dma_wait3A_30 = tpu.memref_squeeze %dma_wait3A_29 : memref<1x40x128xi32, #tpu.memory_space<hbm>> -> memref<40x128xi32, #tpu.memory_space<hbm>>
    tpu.wait_dma2 semaphore(%arg15 : memref<!tpu.dma_semaphore, #tpu.memory_space<semaphore_mem>>) src(%dma_wait3A_30 : memref<40x128xi32, #tpu.memory_space<hbm>>) dst(%arg7 : memref<40x128xi32, #tpu.memory_space<vmem>>)
    %dma_wait3A_31 = arith.constant 0 : i32
    %dma_wait3A_32 = arith.constant 0 : i32
    %dma_wait3A_33 = tpu.memref_slice %arg4[%add3A, %dma_wait3A_31, %dma_wait3A_32] : memref<32x80x128xi32, #tpu.memory_space<hbm>> -> memref<1x40x128xi32, #tpu.memory_space<hbm>>
    %dma_wait3A_34 = tpu.memref_squeeze %dma_wait3A_33 : memref<1x40x128xi32, #tpu.memory_space<hbm>> -> memref<40x128xi32, #tpu.memory_space<hbm>>
    %dma_wait3A_35 = arith.constant 0 : i32
    %dma_wait3A_36 = arith.constant 0 : i32
    %dma_wait3A_37 = tpu.memref_slice %arg4[%add3A, %dma_wait3A_35, %dma_wait3A_36] : memref<32x80x128xi32, #tpu.memory_space<hbm>> -> memref<1x40x128xi32, #tpu.memory_space<hbm>>
    %dma_wait3A_38 = tpu.memref_squeeze %dma_wait3A_37 : memref<1x40x128xi32, #tpu.memory_space<hbm>> -> memref<40x128xi32, #tpu.memory_space<hbm>>
    tpu.wait_dma2 semaphore(%arg15 : memref<!tpu.dma_semaphore, #tpu.memory_space<semaphore_mem>>) src(%dma_wait3A_38 : memref<40x128xi32, #tpu.memory_space<hbm>>) dst(%arg8 : memref<40x128xi32, #tpu.memory_space<vmem>>)
    %lt3A_39 = arith.constant 15 : i32
    %lt3A_40 = arith.cmpi slt, %arg1, %lt3A_39 : i32
    %convert_element_type3A_41 = arith.extui %lt3A_40 : i1 to i32
    %cond3A_42 = arith.constant 0 : i32
    %cond3A_43 = arith.cmpi ne, %convert_element_type3A_41, %cond3A_42 : i32
    scf.if %cond3A_43 {
      %dma_wait3A_263 = arith.constant 0 : i32
      %dma_wait3A_264 = tpu.memref_slice %arg10[%mul3A_17, %dma_wait3A_263] : memref<10480x128xf32, #tpu.memory_space<vmem_shared>> -> memref<656x128xf32, #tpu.memory_space<vmem_shared>>
      %dma_wait3A_265 = arith.constant 0 : i32
      %dma_wait3A_266 = tpu.memref_slice %arg5[%mul3A_17, %dma_wait3A_265] : memref<10480x128xf32, #tpu.memory_space<hbm>> -> memref<656x128xf32, #tpu.memory_space<hbm>>
      tpu.wait_dma2 semaphore(%arg15 : memref<!tpu.dma_semaphore, #tpu.memory_space<semaphore_mem>>) src(%dma_wait3A_266 : memref<656x128xf32, #tpu.memory_space<hbm>>) dst(%dma_wait3A_264 : memref<656x128xf32, #tpu.memory_space<vmem_shared>>)
    } else {
    }
    %eq3A_44 = arith.constant 15 : i32
    %eq3A_45 = arith.cmpi eq, %arg1, %eq3A_44 : i32
    %convert_element_type3A_46 = arith.extui %eq3A_45 : i1 to i32
    %cond3A_47 = arith.constant 0 : i32
    %cond3A_48 = arith.cmpi ne, %convert_element_type3A_46, %cond3A_47 : i32
    scf.if %cond3A_48 {
      %dma_wait3A_263 = arith.constant 0 : i32
      %dma_wait3A_264 = tpu.memref_slice %arg10[%mul3A_17, %dma_wait3A_263] : memref<10480x128xf32, #tpu.memory_space<vmem_shared>> -> memref<640x128xf32, #tpu.memory_space<vmem_shared>>
      %dma_wait3A_265 = arith.constant 0 : i32
      %dma_wait3A_266 = tpu.memref_slice %arg5[%mul3A_17, %dma_wait3A_265] : memref<10480x128xf32, #tpu.memory_space<hbm>> -> memref<640x128xf32, #tpu.memory_space<hbm>>
      tpu.wait_dma2 semaphore(%arg15 : memref<!tpu.dma_semaphore, #tpu.memory_space<semaphore_mem>>) src(%dma_wait3A_266 : memref<640x128xf32, #tpu.memory_space<hbm>>) dst(%dma_wait3A_264 : memref<640x128xf32, #tpu.memory_space<vmem_shared>>)
    } else {
    }
    %barrier3A = arith.constant 0 : index
    tpu.barrier barrier_id(%barrier3A)
    %dma_start3A_49 = arith.constant 0 : i32
    %dma_start3A_50 = arith.constant 0 : i32
    %dma_start3A_51 = arith.constant 0 : i32
    %dma_start3A_52 = arith.constant 0 : i32
    %dma_start3A_53 = tpu.memref_slice %arg9[%dma_start3A_50, %dma_start3A_51, %dma_start3A_52] : memref<2x128x128xf32, #tpu.memory_space<vmem>> -> memref<1x128x128xf32, #tpu.memory_space<vmem>>
    %dma_start3A_54 = tpu.memref_squeeze %dma_start3A_53 : memref<1x128x128xf32, #tpu.memory_space<vmem>> -> memref<128x128xf32, #tpu.memory_space<vmem>>
    %dma_start3A_55 = arith.constant 0 : i32
    %dma_start3A_56 = tpu.memref_slice %arg7[%dma_start3A_49, %dma_start3A_55] : memref<40x128xi32, #tpu.memory_space<vmem>> -> memref<1x128xi32, #tpu.memory_space<vmem>>
    %dma_start3A_57 = tpu.memref_squeeze %dma_start3A_56 : memref<1x128xi32, #tpu.memory_space<vmem>> -> memref<128xi32, #tpu.memory_space<vmem>>
    %dma_start3A_58 = arith.constant 0 : i32
    %dma_start3A_59 = arith.constant 0 : i32
    %dma_start3A_60 = tpu.memref_slice %arg2[%dma_start3A_58, %dma_start3A_59] : memref<10000x128xf32, #tpu.memory_space<hbm>> -> memref<10000x128xf32, #tpu.memory_space<hbm>>
    tpu.enqueue_indirect_dma source(%dma_start3A_60 : memref<10000x128xf32, #tpu.memory_space<hbm>>) target(%dma_start3A_54 : memref<128x128xf32, #tpu.memory_space<vmem>>) offsets(%dma_start3A_57 : memref<128xi32, #tpu.memory_space<vmem>>) semaphore(%arg11 : memref<!tpu.dma_semaphore, #tpu.memory_space<semaphore_mem>>)
    %dma_wait3A_61 = arith.constant 0 : i32
    %dma_wait3A_62 = arith.constant 0 : i32
    %dma_wait3A_63 = arith.constant 0 : i32
    %dma_wait3A_64 = arith.constant 0 : i32
    %dma_wait3A_65 = tpu.memref_slice %arg9[%dma_wait3A_62, %dma_wait3A_63, %dma_wait3A_64] : memref<2x128x128xf32, #tpu.memory_space<vmem>> -> memref<1x128x128xf32, #tpu.memory_space<vmem>>
    %dma_wait3A_66 = tpu.memref_squeeze %dma_wait3A_65 : memref<1x128x128xf32, #tpu.memory_space<vmem>> -> memref<128x128xf32, #tpu.memory_space<vmem>>
    %dma_wait3A_67 = arith.constant 0 : i32
    %dma_wait3A_68 = tpu.memref_slice %arg7[%dma_wait3A_61, %dma_wait3A_67] : memref<40x128xi32, #tpu.memory_space<vmem>> -> memref<1x128xi32, #tpu.memory_space<vmem>>
    %dma_wait3A_69 = tpu.memref_squeeze %dma_wait3A_68 : memref<1x128xi32, #tpu.memory_space<vmem>> -> memref<128xi32, #tpu.memory_space<vmem>>
    %dma_wait3A_70 = arith.constant 0 : i32
    %dma_wait3A_71 = arith.constant 0 : i32
    %dma_wait3A_72 = tpu.memref_slice %arg2[%dma_wait3A_70, %dma_wait3A_71] : memref<10000x128xf32, #tpu.memory_space<hbm>> -> memref<10000x128xf32, #tpu.memory_space<hbm>>
    tpu.wait_indirect_dma semaphore(%arg11 : memref<!tpu.dma_semaphore, #tpu.memory_space<semaphore_mem>>) src(%dma_wait3A_72 : memref<10000x128xf32, #tpu.memory_space<hbm>>) dst(%dma_wait3A_66 : memref<128x128xf32, #tpu.memory_space<vmem>>)
    %dma_start3A_73 = arith.constant 0 : i32
    %dma_start3A_74 = arith.constant 0 : i32
    %dma_start3A_75 = arith.constant 0 : i32
    %dma_start3A_76 = arith.constant 0 : i32
    %dma_start3A_77 = tpu.memref_slice %arg9[%dma_start3A_73, %dma_start3A_75, %dma_start3A_76] : memref<2x128x128xf32, #tpu.memory_space<vmem>> -> memref<1x128x128xf32, #tpu.memory_space<vmem>>
    %dma_start3A_78 = tpu.memref_squeeze %dma_start3A_77 : memref<1x128x128xf32, #tpu.memory_space<vmem>> -> memref<128x128xf32, #tpu.memory_space<vmem>>
    %dma_start3A_79 = arith.constant 0 : i32
    %dma_start3A_80 = tpu.memref_slice %arg8[%dma_start3A_74, %dma_start3A_79] : memref<40x128xi32, #tpu.memory_space<vmem>> -> memref<1x128xi32, #tpu.memory_space<vmem>>
    %dma_start3A_81 = tpu.memref_squeeze %dma_start3A_80 : memref<1x128xi32, #tpu.memory_space<vmem>> -> memref<128xi32, #tpu.memory_space<vmem>>
    %dma_start3A_82 = arith.constant 0 : i32
    %dma_start3A_83 = arith.constant 0 : i32
    %dma_start3A_84 = tpu.memref_slice %arg10[%dma_start3A_82, %dma_start3A_83] : memref<10480x128xf32, #tpu.memory_space<vmem_shared>> -> memref<10480x128xf32, #tpu.memory_space<vmem_shared>>
    tpu.enqueue_indirect_dma source(%dma_start3A_78 : memref<128x128xf32, #tpu.memory_space<vmem>>) target(%dma_start3A_84 : memref<10480x128xf32, #tpu.memory_space<vmem_shared>>) offsets(%dma_start3A_81 : memref<128xi32, #tpu.memory_space<vmem>>) semaphore(%arg13 : memref<!tpu.dma_semaphore, #tpu.memory_space<semaphore_mem>>) {add = true}
    %dma_start3A_85 = arith.constant 1 : i32
    %dma_start3A_86 = arith.constant 1 : i32
    %dma_start3A_87 = arith.constant 0 : i32
    %dma_start3A_88 = arith.constant 0 : i32
    %dma_start3A_89 = tpu.memref_slice %arg9[%dma_start3A_86, %dma_start3A_87, %dma_start3A_88] : memref<2x128x128xf32, #tpu.memory_space<vmem>> -> memref<1x128x128xf32, #tpu.memory_space<vmem>>
    %dma_start3A_90 = tpu.memref_squeeze %dma_start3A_89 : memref<1x128x128xf32, #tpu.memory_space<vmem>> -> memref<128x128xf32, #tpu.memory_space<vmem>>
    %dma_start3A_91 = arith.constant 0 : i32
    %dma_start3A_92 = tpu.memref_slice %arg7[%dma_start3A_85, %dma_start3A_91] : memref<40x128xi32, #tpu.memory_space<vmem>> -> memref<1x128xi32, #tpu.memory_space<vmem>>
    %dma_start3A_93 = tpu.memref_squeeze %dma_start3A_92 : memref<1x128xi32, #tpu.memory_space<vmem>> -> memref<128xi32, #tpu.memory_space<vmem>>
    %dma_start3A_94 = arith.constant 0 : i32
    %dma_start3A_95 = arith.constant 0 : i32
    %dma_start3A_96 = tpu.memref_slice %arg2[%dma_start3A_94, %dma_start3A_95] : memref<10000x128xf32, #tpu.memory_space<hbm>> -> memref<10000x128xf32, #tpu.memory_space<hbm>>
    tpu.enqueue_indirect_dma source(%dma_start3A_96 : memref<10000x128xf32, #tpu.memory_space<hbm>>) target(%dma_start3A_90 : memref<128x128xf32, #tpu.memory_space<vmem>>) offsets(%dma_start3A_93 : memref<128xi32, #tpu.memory_space<vmem>>) semaphore(%arg12 : memref<!tpu.dma_semaphore, #tpu.memory_space<semaphore_mem>>)
    %scan3A = arith.constant 0 : i32
    %scan3A_97 = arith.constant 0 : i32
    %scan3A_98 = arith.constant 19 : i32
    %scan3A_99 = arith.addi %scan3A_97, %scan3A_98 : i32
    %scan3A_100 = arith.constant 1 : i32
    scf.for %scan3A_263 = %scan3A_97 to %scan3A_99 step %scan3A_100  : i32 {
      %mul3A_264 = arith.constant 2 : i32
      %mul3A_265 = arith.muli %mul3A_264, %scan3A_263 : i32
      %add3A_266 = arith.constant 1 : i32
      %add3A_267 = arith.addi %mul3A_265, %add3A_266 : i32
      %add3A_268 = arith.constant 0 : i32
      %add3A_269 = arith.addi %add3A_267, %add3A_268 : i32
      %dma_wait3A_270 = arith.constant 1 : i32
      %dma_wait3A_271 = arith.constant 0 : i32
      %dma_wait3A_272 = arith.constant 0 : i32
      %dma_wait3A_273 = tpu.memref_slice %arg9[%dma_wait3A_270, %dma_wait3A_271, %dma_wait3A_272] : memref<2x128x128xf32, #tpu.memory_space<vmem>> -> memref<1x128x128xf32, #tpu.memory_space<vmem>>
      %dma_wait3A_274 = tpu.memref_squeeze %dma_wait3A_273 : memref<1x128x128xf32, #tpu.memory_space<vmem>> -> memref<128x128xf32, #tpu.memory_space<vmem>>
      %dma_wait3A_275 = arith.constant 0 : i32
      %dma_wait3A_276 = tpu.memref_slice %arg7[%add3A_269, %dma_wait3A_275] : memref<40x128xi32, #tpu.memory_space<vmem>> -> memref<1x128xi32, #tpu.memory_space<vmem>>
      %dma_wait3A_277 = tpu.memref_squeeze %dma_wait3A_276 : memref<1x128xi32, #tpu.memory_space<vmem>> -> memref<128xi32, #tpu.memory_space<vmem>>
      %dma_wait3A_278 = arith.constant 0 : i32
      %dma_wait3A_279 = arith.constant 0 : i32
      %dma_wait3A_280 = tpu.memref_slice %arg2[%dma_wait3A_278, %dma_wait3A_279] : memref<10000x128xf32, #tpu.memory_space<hbm>> -> memref<10000x128xf32, #tpu.memory_space<hbm>>
      tpu.wait_indirect_dma semaphore(%arg12 : memref<!tpu.dma_semaphore, #tpu.memory_space<semaphore_mem>>) src(%dma_wait3A_280 : memref<10000x128xf32, #tpu.memory_space<hbm>>) dst(%dma_wait3A_274 : memref<128x128xf32, #tpu.memory_space<vmem>>)
      %dma_start3A_281 = arith.constant 1 : i32
      %dma_start3A_282 = arith.constant 0 : i32
      %dma_start3A_283 = arith.constant 0 : i32
      %dma_start3A_284 = tpu.memref_slice %arg9[%dma_start3A_281, %dma_start3A_282, %dma_start3A_283] : memref<2x128x128xf32, #tpu.memory_space<vmem>> -> memref<1x128x128xf32, #tpu.memory_space<vmem>>
      %dma_start3A_285 = tpu.memref_squeeze %dma_start3A_284 : memref<1x128x128xf32, #tpu.memory_space<vmem>> -> memref<128x128xf32, #tpu.memory_space<vmem>>
      %dma_start3A_286 = arith.constant 0 : i32
      %dma_start3A_287 = tpu.memref_slice %arg8[%add3A_269, %dma_start3A_286] : memref<40x128xi32, #tpu.memory_space<vmem>> -> memref<1x128xi32, #tpu.memory_space<vmem>>
      %dma_start3A_288 = tpu.memref_squeeze %dma_start3A_287 : memref<1x128xi32, #tpu.memory_space<vmem>> -> memref<128xi32, #tpu.memory_space<vmem>>
      %dma_start3A_289 = arith.constant 0 : i32
      %dma_start3A_290 = arith.constant 0 : i32
      %dma_start3A_291 = tpu.memref_slice %arg10[%dma_start3A_289, %dma_start3A_290] : memref<10480x128xf32, #tpu.memory_space<vmem_shared>> -> memref<10480x128xf32, #tpu.memory_space<vmem_shared>>
      tpu.enqueue_indirect_dma source(%dma_start3A_285 : memref<128x128xf32, #tpu.memory_space<vmem>>) target(%dma_start3A_291 : memref<10480x128xf32, #tpu.memory_space<vmem_shared>>) offsets(%dma_start3A_288 : memref<128xi32, #tpu.memory_space<vmem>>) semaphore(%arg14 : memref<!tpu.dma_semaphore, #tpu.memory_space<semaphore_mem>>) {add = true}
      %sub3A = arith.constant 1 : i32
      %sub3A_292 = arith.subi %add3A_269, %sub3A : i32
      %dma_wait3A_293 = arith.constant 0 : i32
      %dma_wait3A_294 = arith.constant 0 : i32
      %dma_wait3A_295 = arith.constant 0 : i32
      %dma_wait3A_296 = tpu.memref_slice %arg9[%dma_wait3A_293, %dma_wait3A_294, %dma_wait3A_295] : memref<2x128x128xf32, #tpu.memory_space<vmem>> -> memref<1x128x128xf32, #tpu.memory_space<vmem>>
      %dma_wait3A_297 = tpu.memref_squeeze %dma_wait3A_296 : memref<1x128x128xf32, #tpu.memory_space<vmem>> -> memref<128x128xf32, #tpu.memory_space<vmem>>
      %dma_wait3A_298 = arith.constant 0 : i32
      %dma_wait3A_299 = tpu.memref_slice %arg8[%sub3A_292, %dma_wait3A_298] : memref<40x128xi32, #tpu.memory_space<vmem>> -> memref<1x128xi32, #tpu.memory_space<vmem>>
      %dma_wait3A_300 = tpu.memref_squeeze %dma_wait3A_299 : memref<1x128xi32, #tpu.memory_space<vmem>> -> memref<128xi32, #tpu.memory_space<vmem>>
      %dma_wait3A_301 = arith.constant 0 : i32
      %dma_wait3A_302 = arith.constant 0 : i32
      %dma_wait3A_303 = tpu.memref_slice %arg10[%dma_wait3A_301, %dma_wait3A_302] : memref<10480x128xf32, #tpu.memory_space<vmem_shared>> -> memref<10480x128xf32, #tpu.memory_space<vmem_shared>>
      tpu.wait_indirect_dma semaphore(%arg13 : memref<!tpu.dma_semaphore, #tpu.memory_space<semaphore_mem>>) src(%dma_wait3A_297 : memref<128x128xf32, #tpu.memory_space<vmem>>) dst(%dma_wait3A_303 : memref<10480x128xf32, #tpu.memory_space<vmem_shared>>)
      %add3A_304 = arith.constant 1 : i32
      %add3A_305 = arith.addi %add3A_269, %add3A_304 : i32
      %dma_start3A_306 = arith.constant 0 : i32
      %dma_start3A_307 = arith.constant 0 : i32
      %dma_start3A_308 = arith.constant 0 : i32
      %dma_start3A_309 = tpu.memref_slice %arg9[%dma_start3A_306, %dma_start3A_307, %dma_start3A_308] : memref<2x128x128xf32, #tpu.memory_space<vmem>> -> memref<1x128x128xf32, #tpu.memory_space<vmem>>
      %dma_start3A_310 = tpu.memref_squeeze %dma_start3A_309 : memref<1x128x128xf32, #tpu.memory_space<vmem>> -> memref<128x128xf32, #tpu.memory_space<vmem>>
      %dma_start3A_311 = arith.constant 0 : i32
      %dma_start3A_312 = tpu.memref_slice %arg7[%add3A_305, %dma_start3A_311] : memref<40x128xi32, #tpu.memory_space<vmem>> -> memref<1x128xi32, #tpu.memory_space<vmem>>
      %dma_start3A_313 = tpu.memref_squeeze %dma_start3A_312 : memref<1x128xi32, #tpu.memory_space<vmem>> -> memref<128xi32, #tpu.memory_space<vmem>>
      %dma_start3A_314 = arith.constant 0 : i32
      %dma_start3A_315 = arith.constant 0 : i32
      %dma_start3A_316 = tpu.memref_slice %arg2[%dma_start3A_314, %dma_start3A_315] : memref<10000x128xf32, #tpu.memory_space<hbm>> -> memref<10000x128xf32, #tpu.memory_space<hbm>>
      tpu.enqueue_indirect_dma source(%dma_start3A_316 : memref<10000x128xf32, #tpu.memory_space<hbm>>) target(%dma_start3A_310 : memref<128x128xf32, #tpu.memory_space<vmem>>) offsets(%dma_start3A_313 : memref<128xi32, #tpu.memory_space<vmem>>) semaphore(%arg11 : memref<!tpu.dma_semaphore, #tpu.memory_space<semaphore_mem>>)
      %mul3A_317 = arith.constant 2 : i32
      %mul3A_318 = arith.muli %mul3A_317, %scan3A_263 : i32
      %add3A_319 = arith.constant 1 : i32
      %add3A_320 = arith.addi %mul3A_318, %add3A_319 : i32
      %add3A_321 = arith.constant 1 : i32
      %add3A_322 = arith.addi %add3A_320, %add3A_321 : i32
      %dma_wait3A_323 = arith.constant 0 : i32
      %dma_wait3A_324 = arith.constant 0 : i32
      %dma_wait3A_325 = arith.constant 0 : i32
      %dma_wait3A_326 = tpu.memref_slice %arg9[%dma_wait3A_323, %dma_wait3A_324, %dma_wait3A_325] : memref<2x128x128xf32, #tpu.memory_space<vmem>> -> memref<1x128x128xf32, #tpu.memory_space<vmem>>
      %dma_wait3A_327 = tpu.memref_squeeze %dma_wait3A_326 : memref<1x128x128xf32, #tpu.memory_space<vmem>> -> memref<128x128xf32, #tpu.memory_space<vmem>>
      %dma_wait3A_328 = arith.constant 0 : i32
      %dma_wait3A_329 = tpu.memref_slice %arg7[%add3A_322, %dma_wait3A_328] : memref<40x128xi32, #tpu.memory_space<vmem>> -> memref<1x128xi32, #tpu.memory_space<vmem>>
      %dma_wait3A_330 = tpu.memref_squeeze %dma_wait3A_329 : memref<1x128xi32, #tpu.memory_space<vmem>> -> memref<128xi32, #tpu.memory_space<vmem>>
      %dma_wait3A_331 = arith.constant 0 : i32
      %dma_wait3A_332 = arith.constant 0 : i32
      %dma_wait3A_333 = tpu.memref_slice %arg2[%dma_wait3A_331, %dma_wait3A_332] : memref<10000x128xf32, #tpu.memory_space<hbm>> -> memref<10000x128xf32, #tpu.memory_space<hbm>>
      tpu.wait_indirect_dma semaphore(%arg11 : memref<!tpu.dma_semaphore, #tpu.memory_space<semaphore_mem>>) src(%dma_wait3A_333 : memref<10000x128xf32, #tpu.memory_space<hbm>>) dst(%dma_wait3A_327 : memref<128x128xf32, #tpu.memory_space<vmem>>)
      %dma_start3A_334 = arith.constant 0 : i32
      %dma_start3A_335 = arith.constant 0 : i32
      %dma_start3A_336 = arith.constant 0 : i32
      %dma_start3A_337 = tpu.memref_slice %arg9[%dma_start3A_334, %dma_start3A_335, %dma_start3A_336] : memref<2x128x128xf32, #tpu.memory_space<vmem>> -> memref<1x128x128xf32, #tpu.memory_space<vmem>>
      %dma_start3A_338 = tpu.memref_squeeze %dma_start3A_337 : memref<1x128x128xf32, #tpu.memory_space<vmem>> -> memref<128x128xf32, #tpu.memory_space<vmem>>
      %dma_start3A_339 = arith.constant 0 : i32
      %dma_start3A_340 = tpu.memref_slice %arg8[%add3A_322, %dma_start3A_339] : memref<40x128xi32, #tpu.memory_space<vmem>> -> memref<1x128xi32, #tpu.memory_space<vmem>>
      %dma_start3A_341 = tpu.memref_squeeze %dma_start3A_340 : memref<1x128xi32, #tpu.memory_space<vmem>> -> memref<128xi32, #tpu.memory_space<vmem>>
      %dma_start3A_342 = arith.constant 0 : i32
      %dma_start3A_343 = arith.constant 0 : i32
      %dma_start3A_344 = tpu.memref_slice %arg10[%dma_start3A_342, %dma_start3A_343] : memref<10480x128xf32, #tpu.memory_space<vmem_shared>> -> memref<10480x128xf32, #tpu.memory_space<vmem_shared>>
      tpu.enqueue_indirect_dma source(%dma_start3A_338 : memref<128x128xf32, #tpu.memory_space<vmem>>) target(%dma_start3A_344 : memref<10480x128xf32, #tpu.memory_space<vmem_shared>>) offsets(%dma_start3A_341 : memref<128xi32, #tpu.memory_space<vmem>>) semaphore(%arg13 : memref<!tpu.dma_semaphore, #tpu.memory_space<semaphore_mem>>) {add = true}
      %sub3A_345 = arith.constant 1 : i32
      %sub3A_346 = arith.subi %add3A_322, %sub3A_345 : i32
      %dma_wait3A_347 = arith.constant 1 : i32
      %dma_wait3A_348 = arith.constant 0 : i32
      %dma_wait3A_349 = arith.constant 0 : i32
      %dma_wait3A_350 = tpu.memref_slice %arg9[%dma_wait3A_347, %dma_wait3A_348, %dma_wait3A_349] : memref<2x128x128xf32, #tpu.memory_space<vmem>> -> memref<1x128x128xf32, #tpu.memory_space<vmem>>
      %dma_wait3A_351 = tpu.memref_squeeze %dma_wait3A_350 : memref<1x128x128xf32, #tpu.memory_space<vmem>> -> memref<128x128xf32, #tpu.memory_space<vmem>>
      %dma_wait3A_352 = arith.constant 0 : i32
      %dma_wait3A_353 = tpu.memref_slice %arg8[%sub3A_346, %dma_wait3A_352] : memref<40x128xi32, #tpu.memory_space<vmem>> -> memref<1x128xi32, #tpu.memory_space<vmem>>
      %dma_wait3A_354 = tpu.memref_squeeze %dma_wait3A_353 : memref<1x128xi32, #tpu.memory_space<vmem>> -> memref<128xi32, #tpu.memory_space<vmem>>
      %dma_wait3A_355 = arith.constant 0 : i32
      %dma_wait3A_356 = arith.constant 0 : i32
      %dma_wait3A_357 = tpu.memref_slice %arg10[%dma_wait3A_355, %dma_wait3A_356] : memref<10480x128xf32, #tpu.memory_space<vmem_shared>> -> memref<10480x128xf32, #tpu.memory_space<vmem_shared>>
      tpu.wait_indirect_dma semaphore(%arg14 : memref<!tpu.dma_semaphore, #tpu.memory_space<semaphore_mem>>) src(%dma_wait3A_351 : memref<128x128xf32, #tpu.memory_space<vmem>>) dst(%dma_wait3A_357 : memref<10480x128xf32, #tpu.memory_space<vmem_shared>>)
      %add3A_358 = arith.constant 1 : i32
      %add3A_359 = arith.addi %add3A_322, %add3A_358 : i32
      %dma_start3A_360 = arith.constant 1 : i32
      %dma_start3A_361 = arith.constant 0 : i32
      %dma_start3A_362 = arith.constant 0 : i32
      %dma_start3A_363 = tpu.memref_slice %arg9[%dma_start3A_360, %dma_start3A_361, %dma_start3A_362] : memref<2x128x128xf32, #tpu.memory_space<vmem>> -> memref<1x128x128xf32, #tpu.memory_space<vmem>>
      %dma_start3A_364 = tpu.memref_squeeze %dma_start3A_363 : memref<1x128x128xf32, #tpu.memory_space<vmem>> -> memref<128x128xf32, #tpu.memory_space<vmem>>
      %dma_start3A_365 = arith.constant 0 : i32
      %dma_start3A_366 = tpu.memref_slice %arg7[%add3A_359, %dma_start3A_365] : memref<40x128xi32, #tpu.memory_space<vmem>> -> memref<1x128xi32, #tpu.memory_space<vmem>>
      %dma_start3A_367 = tpu.memref_squeeze %dma_start3A_366 : memref<1x128xi32, #tpu.memory_space<vmem>> -> memref<128xi32, #tpu.memory_space<vmem>>
      %dma_start3A_368 = arith.constant 0 : i32
      %dma_start3A_369 = arith.constant 0 : i32
      %dma_start3A_370 = tpu.memref_slice %arg2[%dma_start3A_368, %dma_start3A_369] : memref<10000x128xf32, #tpu.memory_space<hbm>> -> memref<10000x128xf32, #tpu.memory_space<hbm>>
      tpu.enqueue_indirect_dma source(%dma_start3A_370 : memref<10000x128xf32, #tpu.memory_space<hbm>>) target(%dma_start3A_364 : memref<128x128xf32, #tpu.memory_space<vmem>>) offsets(%dma_start3A_367 : memref<128xi32, #tpu.memory_space<vmem>>) semaphore(%arg12 : memref<!tpu.dma_semaphore, #tpu.memory_space<semaphore_mem>>)
    }
    %scan3A_101 = arith.constant 19 : i32
    %dma_wait3A_102 = arith.constant 39 : i32
    %dma_wait3A_103 = arith.constant 1 : i32
    %dma_wait3A_104 = arith.constant 0 : i32
    %dma_wait3A_105 = arith.constant 0 : i32
    %dma_wait3A_106 = tpu.memref_slice %arg9[%dma_wait3A_103, %dma_wait3A_104, %dma_wait3A_105] : memref<2x128x128xf32, #tpu.memory_space<vmem>> -> memref<1x128x128xf32, #tpu.memory_space<vmem>>
    %dma_wait3A_107 = tpu.memref_squeeze %dma_wait3A_106 : memref<1x128x128xf32, #tpu.memory_space<vmem>> -> memref<128x128xf32, #tpu.memory_space<vmem>>
    %dma_wait3A_108 = arith.constant 0 : i32
    %dma_wait3A_109 = tpu.memref_slice %arg7[%dma_wait3A_102, %dma_wait3A_108] : memref<40x128xi32, #tpu.memory_space<vmem>> -> memref<1x128xi32, #tpu.memory_space<vmem>>
    %dma_wait3A_110 = tpu.memref_squeeze %dma_wait3A_109 : memref<1x128xi32, #tpu.memory_space<vmem>> -> memref<128xi32, #tpu.memory_space<vmem>>
    %dma_wait3A_111 = arith.constant 0 : i32
    %dma_wait3A_112 = arith.constant 0 : i32
    %dma_wait3A_113 = tpu.memref_slice %arg2[%dma_wait3A_111, %dma_wait3A_112] : memref<10000x128xf32, #tpu.memory_space<hbm>> -> memref<10000x128xf32, #tpu.memory_space<hbm>>
    tpu.wait_indirect_dma semaphore(%arg12 : memref<!tpu.dma_semaphore, #tpu.memory_space<semaphore_mem>>) src(%dma_wait3A_113 : memref<10000x128xf32, #tpu.memory_space<hbm>>) dst(%dma_wait3A_107 : memref<128x128xf32, #tpu.memory_space<vmem>>)
    %dma_start3A_114 = arith.constant 1 : i32
    %dma_start3A_115 = arith.constant 39 : i32
    %dma_start3A_116 = arith.constant 0 : i32
    %dma_start3A_117 = arith.constant 0 : i32
    %dma_start3A_118 = tpu.memref_slice %arg9[%dma_start3A_114, %dma_start3A_116, %dma_start3A_117] : memref<2x128x128xf32, #tpu.memory_space<vmem>> -> memref<1x128x128xf32, #tpu.memory_space<vmem>>
    %dma_start3A_119 = tpu.memref_squeeze %dma_start3A_118 : memref<1x128x128xf32, #tpu.memory_space<vmem>> -> memref<128x128xf32, #tpu.memory_space<vmem>>
    %dma_start3A_120 = arith.constant 0 : i32
    %dma_start3A_121 = tpu.memref_slice %arg8[%dma_start3A_115, %dma_start3A_120] : memref<40x128xi32, #tpu.memory_space<vmem>> -> memref<1x128xi32, #tpu.memory_space<vmem>>
    %dma_start3A_122 = tpu.memref_squeeze %dma_start3A_121 : memref<1x128xi32, #tpu.memory_space<vmem>> -> memref<128xi32, #tpu.memory_space<vmem>>
    %dma_start3A_123 = arith.constant 0 : i32
    %dma_start3A_124 = arith.constant 0 : i32
    %dma_start3A_125 = tpu.memref_slice %arg10[%dma_start3A_123, %dma_start3A_124] : memref<10480x128xf32, #tpu.memory_space<vmem_shared>> -> memref<10480x128xf32, #tpu.memory_space<vmem_shared>>
    tpu.enqueue_indirect_dma source(%dma_start3A_119 : memref<128x128xf32, #tpu.memory_space<vmem>>) target(%dma_start3A_125 : memref<10480x128xf32, #tpu.memory_space<vmem_shared>>) offsets(%dma_start3A_122 : memref<128xi32, #tpu.memory_space<vmem>>) semaphore(%arg14 : memref<!tpu.dma_semaphore, #tpu.memory_space<semaphore_mem>>) {add = true}
    %dma_wait3A_126 = arith.constant 0 : i32
    %dma_wait3A_127 = arith.constant 38 : i32
    %dma_wait3A_128 = arith.constant 0 : i32
    %dma_wait3A_129 = arith.constant 0 : i32
    %dma_wait3A_130 = tpu.memref_slice %arg9[%dma_wait3A_126, %dma_wait3A_128, %dma_wait3A_129] : memref<2x128x128xf32, #tpu.memory_space<vmem>> -> memref<1x128x128xf32, #tpu.memory_space<vmem>>
    %dma_wait3A_131 = tpu.memref_squeeze %dma_wait3A_130 : memref<1x128x128xf32, #tpu.memory_space<vmem>> -> memref<128x128xf32, #tpu.memory_space<vmem>>
    %dma_wait3A_132 = arith.constant 0 : i32
    %dma_wait3A_133 = tpu.memref_slice %arg8[%dma_wait3A_127, %dma_wait3A_132] : memref<40x128xi32, #tpu.memory_space<vmem>> -> memref<1x128xi32, #tpu.memory_space<vmem>>
    %dma_wait3A_134 = tpu.memref_squeeze %dma_wait3A_133 : memref<1x128xi32, #tpu.memory_space<vmem>> -> memref<128xi32, #tpu.memory_space<vmem>>
    %dma_wait3A_135 = arith.constant 0 : i32
    %dma_wait3A_136 = arith.constant 0 : i32
    %dma_wait3A_137 = tpu.memref_slice %arg10[%dma_wait3A_135, %dma_wait3A_136] : memref<10480x128xf32, #tpu.memory_space<vmem_shared>> -> memref<10480x128xf32, #tpu.memory_space<vmem_shared>>
    tpu.wait_indirect_dma semaphore(%arg13 : memref<!tpu.dma_semaphore, #tpu.memory_space<semaphore_mem>>) src(%dma_wait3A_131 : memref<128x128xf32, #tpu.memory_space<vmem>>) dst(%dma_wait3A_137 : memref<10480x128xf32, #tpu.memory_space<vmem_shared>>)
    %dma_wait3A_138 = arith.constant 1 : i32
    %dma_wait3A_139 = arith.constant 39 : i32
    %dma_wait3A_140 = arith.constant 0 : i32
    %dma_wait3A_141 = arith.constant 0 : i32
    %dma_wait3A_142 = tpu.memref_slice %arg9[%dma_wait3A_138, %dma_wait3A_140, %dma_wait3A_141] : memref<2x128x128xf32, #tpu.memory_space<vmem>> -> memref<1x128x128xf32, #tpu.memory_space<vmem>>
    %dma_wait3A_143 = tpu.memref_squeeze %dma_wait3A_142 : memref<1x128x128xf32, #tpu.memory_space<vmem>> -> memref<128x128xf32, #tpu.memory_space<vmem>>
    %dma_wait3A_144 = arith.constant 0 : i32
    %dma_wait3A_145 = tpu.memref_slice %arg8[%dma_wait3A_139, %dma_wait3A_144] : memref<40x128xi32, #tpu.memory_space<vmem>> -> memref<1x128xi32, #tpu.memory_space<vmem>>
    %dma_wait3A_146 = tpu.memref_squeeze %dma_wait3A_145 : memref<1x128xi32, #tpu.memory_space<vmem>> -> memref<128xi32, #tpu.memory_space<vmem>>
    %dma_wait3A_147 = arith.constant 0 : i32
    %dma_wait3A_148 = arith.constant 0 : i32
    %dma_wait3A_149 = tpu.memref_slice %arg10[%dma_wait3A_147, %dma_wait3A_148] : memref<10480x128xf32, #tpu.memory_space<vmem_shared>> -> memref<10480x128xf32, #tpu.memory_space<vmem_shared>>
    tpu.wait_indirect_dma semaphore(%arg14 : memref<!tpu.dma_semaphore, #tpu.memory_space<semaphore_mem>>) src(%dma_wait3A_143 : memref<128x128xf32, #tpu.memory_space<vmem>>) dst(%dma_wait3A_149 : memref<10480x128xf32, #tpu.memory_space<vmem_shared>>)
    "tpu.region"() ({
      %run_scoped3A = tpu.sem_alloc : memref<!tpu.dma_semaphore, #tpu.memory_space<semaphore_mem>>
      %dma_start3A_263 = arith.constant 40 : i32
      %dma_start3A_264 = arith.constant 0 : i32
      %dma_start3A_265 = tpu.memref_slice %arg3[%add3A, %dma_start3A_263, %dma_start3A_264] : memref<32x80x128xi32, #tpu.memory_space<hbm>> -> memref<1x40x128xi32, #tpu.memory_space<hbm>>
      %dma_start3A_266 = tpu.memref_squeeze %dma_start3A_265 : memref<1x40x128xi32, #tpu.memory_space<hbm>> -> memref<40x128xi32, #tpu.memory_space<hbm>>
      %dma_start3A_267 = arith.constant 40 : i32
      %dma_start3A_268 = arith.constant 0 : i32
      %dma_start3A_269 = tpu.memref_slice %arg3[%add3A, %dma_start3A_267, %dma_start3A_268] : memref<32x80x128xi32, #tpu.memory_space<hbm>> -> memref<1x40x128xi32, #tpu.memory_space<hbm>>
      %dma_start3A_270 = tpu.memref_squeeze %dma_start3A_269 : memref<1x40x128xi32, #tpu.memory_space<hbm>> -> memref<40x128xi32, #tpu.memory_space<hbm>>
      tpu.enqueue_dma source(%dma_start3A_270 : memref<40x128xi32, #tpu.memory_space<hbm>>) target(%arg7 : memref<40x128xi32, #tpu.memory_space<vmem>>) target_semaphore(%run_scoped3A : memref<!tpu.dma_semaphore, #tpu.memory_space<semaphore_mem>>)
      %dma_wait3A_271 = arith.constant 40 : i32
      %dma_wait3A_272 = arith.constant 0 : i32
      %dma_wait3A_273 = tpu.memref_slice %arg3[%add3A, %dma_wait3A_271, %dma_wait3A_272] : memref<32x80x128xi32, #tpu.memory_space<hbm>> -> memref<1x40x128xi32, #tpu.memory_space<hbm>>
      %dma_wait3A_274 = tpu.memref_squeeze %dma_wait3A_273 : memref<1x40x128xi32, #tpu.memory_space<hbm>> -> memref<40x128xi32, #tpu.memory_space<hbm>>
      %dma_wait3A_275 = arith.constant 40 : i32
      %dma_wait3A_276 = arith.constant 0 : i32
      %dma_wait3A_277 = tpu.memref_slice %arg3[%add3A, %dma_wait3A_275, %dma_wait3A_276] : memref<32x80x128xi32, #tpu.memory_space<hbm>> -> memref<1x40x128xi32, #tpu.memory_space<hbm>>
      %dma_wait3A_278 = tpu.memref_squeeze %dma_wait3A_277 : memref<1x40x128xi32, #tpu.memory_space<hbm>> -> memref<40x128xi32, #tpu.memory_space<hbm>>
      tpu.wait_dma2 semaphore(%run_scoped3A : memref<!tpu.dma_semaphore, #tpu.memory_space<semaphore_mem>>) src(%dma_wait3A_278 : memref<40x128xi32, #tpu.memory_space<hbm>>) dst(%arg7 : memref<40x128xi32, #tpu.memory_space<vmem>>)
      tpu.yield
    }) : () -> ()
    "tpu.region"() ({
      %run_scoped3A = tpu.sem_alloc : memref<!tpu.dma_semaphore, #tpu.memory_space<semaphore_mem>>
      %dma_start3A_263 = arith.constant 40 : i32
      %dma_start3A_264 = arith.constant 0 : i32
      %dma_start3A_265 = tpu.memref_slice %arg4[%add3A, %dma_start3A_263, %dma_start3A_264] : memref<32x80x128xi32, #tpu.memory_space<hbm>> -> memref<1x40x128xi32, #tpu.memory_space<hbm>>
      %dma_start3A_266 = tpu.memref_squeeze %dma_start3A_265 : memref<1x40x128xi32, #tpu.memory_space<hbm>> -> memref<40x128xi32, #tpu.memory_space<hbm>>
      %dma_start3A_267 = arith.constant 40 : i32
      %dma_start3A_268 = arith.constant 0 : i32
      %dma_start3A_269 = tpu.memref_slice %arg4[%add3A, %dma_start3A_267, %dma_start3A_268] : memref<32x80x128xi32, #tpu.memory_space<hbm>> -> memref<1x40x128xi32, #tpu.memory_space<hbm>>
      %dma_start3A_270 = tpu.memref_squeeze %dma_start3A_269 : memref<1x40x128xi32, #tpu.memory_space<hbm>> -> memref<40x128xi32, #tpu.memory_space<hbm>>
      tpu.enqueue_dma source(%dma_start3A_270 : memref<40x128xi32, #tpu.memory_space<hbm>>) target(%arg8 : memref<40x128xi32, #tpu.memory_space<vmem>>) target_semaphore(%run_scoped3A : memref<!tpu.dma_semaphore, #tpu.memory_space<semaphore_mem>>)
      %dma_wait3A_271 = arith.constant 40 : i32
      %dma_wait3A_272 = arith.constant 0 : i32
      %dma_wait3A_273 = tpu.memref_slice %arg4[%add3A, %dma_wait3A_271, %dma_wait3A_272] : memref<32x80x128xi32, #tpu.memory_space<hbm>> -> memref<1x40x128xi32, #tpu.memory_space<hbm>>
      %dma_wait3A_274 = tpu.memref_squeeze %dma_wait3A_273 : memref<1x40x128xi32, #tpu.memory_space<hbm>> -> memref<40x128xi32, #tpu.memory_space<hbm>>
      %dma_wait3A_275 = arith.constant 40 : i32
      %dma_wait3A_276 = arith.constant 0 : i32
      %dma_wait3A_277 = tpu.memref_slice %arg4[%add3A, %dma_wait3A_275, %dma_wait3A_276] : memref<32x80x128xi32, #tpu.memory_space<hbm>> -> memref<1x40x128xi32, #tpu.memory_space<hbm>>
      %dma_wait3A_278 = tpu.memref_squeeze %dma_wait3A_277 : memref<1x40x128xi32, #tpu.memory_space<hbm>> -> memref<40x128xi32, #tpu.memory_space<hbm>>
      tpu.wait_dma2 semaphore(%run_scoped3A : memref<!tpu.dma_semaphore, #tpu.memory_space<semaphore_mem>>) src(%dma_wait3A_278 : memref<40x128xi32, #tpu.memory_space<hbm>>) dst(%arg8 : memref<40x128xi32, #tpu.memory_space<vmem>>)
      tpu.yield
    }) : () -> ()
    %dma_start3A_150 = arith.constant 0 : i32
    %dma_start3A_151 = arith.constant 0 : i32
    %dma_start3A_152 = arith.constant 0 : i32
    %dma_start3A_153 = arith.constant 0 : i32
    %dma_start3A_154 = tpu.memref_slice %arg9[%dma_start3A_151, %dma_start3A_152, %dma_start3A_153] : memref<2x128x128xf32, #tpu.memory_space<vmem>> -> memref<1x128x128xf32, #tpu.memory_space<vmem>>
    %dma_start3A_155 = tpu.memref_squeeze %dma_start3A_154 : memref<1x128x128xf32, #tpu.memory_space<vmem>> -> memref<128x128xf32, #tpu.memory_space<vmem>>
    %dma_start3A_156 = arith.constant 0 : i32
    %dma_start3A_157 = tpu.memref_slice %arg7[%dma_start3A_150, %dma_start3A_156] : memref<40x128xi32, #tpu.memory_space<vmem>> -> memref<1x128xi32, #tpu.memory_space<vmem>>
    %dma_start3A_158 = tpu.memref_squeeze %dma_start3A_157 : memref<1x128xi32, #tpu.memory_space<vmem>> -> memref<128xi32, #tpu.memory_space<vmem>>
    %dma_start3A_159 = arith.constant 0 : i32
    %dma_start3A_160 = arith.constant 0 : i32
    %dma_start3A_161 = tpu.memref_slice %arg2[%dma_start3A_159, %dma_start3A_160] : memref<10000x128xf32, #tpu.memory_space<hbm>> -> memref<10000x128xf32, #tpu.memory_space<hbm>>
    tpu.enqueue_indirect_dma source(%dma_start3A_161 : memref<10000x128xf32, #tpu.memory_space<hbm>>) target(%dma_start3A_155 : memref<128x128xf32, #tpu.memory_space<vmem>>) offsets(%dma_start3A_158 : memref<128xi32, #tpu.memory_space<vmem>>) semaphore(%arg11 : memref<!tpu.dma_semaphore, #tpu.memory_space<semaphore_mem>>)
    %dma_wait3A_162 = arith.constant 0 : i32
    %dma_wait3A_163 = arith.constant 0 : i32
    %dma_wait3A_164 = arith.constant 0 : i32
    %dma_wait3A_165 = arith.constant 0 : i32
    %dma_wait3A_166 = tpu.memref_slice %arg9[%dma_wait3A_163, %dma_wait3A_164, %dma_wait3A_165] : memref<2x128x128xf32, #tpu.memory_space<vmem>> -> memref<1x128x128xf32, #tpu.memory_space<vmem>>
    %dma_wait3A_167 = tpu.memref_squeeze %dma_wait3A_166 : memref<1x128x128xf32, #tpu.memory_space<vmem>> -> memref<128x128xf32, #tpu.memory_space<vmem>>
    %dma_wait3A_168 = arith.constant 0 : i32
    %dma_wait3A_169 = tpu.memref_slice %arg7[%dma_wait3A_162, %dma_wait3A_168] : memref<40x128xi32, #tpu.memory_space<vmem>> -> memref<1x128xi32, #tpu.memory_space<vmem>>
    %dma_wait3A_170 = tpu.memref_squeeze %dma_wait3A_169 : memref<1x128xi32, #tpu.memory_space<vmem>> -> memref<128xi32, #tpu.memory_space<vmem>>
    %dma_wait3A_171 = arith.constant 0 : i32
    %dma_wait3A_172 = arith.constant 0 : i32
    %dma_wait3A_173 = tpu.memref_slice %arg2[%dma_wait3A_171, %dma_wait3A_172] : memref<10000x128xf32, #tpu.memory_space<hbm>> -> memref<10000x128xf32, #tpu.memory_space<hbm>>
    tpu.wait_indirect_dma semaphore(%arg11 : memref<!tpu.dma_semaphore, #tpu.memory_space<semaphore_mem>>) src(%dma_wait3A_173 : memref<10000x128xf32, #tpu.memory_space<hbm>>) dst(%dma_wait3A_167 : memref<128x128xf32, #tpu.memory_space<vmem>>)
    %dma_start3A_174 = arith.constant 0 : i32
    %dma_start3A_175 = arith.constant 0 : i32
    %dma_start3A_176 = arith.constant 0 : i32
    %dma_start3A_177 = arith.constant 0 : i32
    %dma_start3A_178 = tpu.memref_slice %arg9[%dma_start3A_174, %dma_start3A_176, %dma_start3A_177] : memref<2x128x128xf32, #tpu.memory_space<vmem>> -> memref<1x128x128xf32, #tpu.memory_space<vmem>>
    %dma_start3A_179 = tpu.memref_squeeze %dma_start3A_178 : memref<1x128x128xf32, #tpu.memory_space<vmem>> -> memref<128x128xf32, #tpu.memory_space<vmem>>
    %dma_start3A_180 = arith.constant 0 : i32
    %dma_start3A_181 = tpu.memref_slice %arg8[%dma_start3A_175, %dma_start3A_180] : memref<40x128xi32, #tpu.memory_space<vmem>> -> memref<1x128xi32, #tpu.memory_space<vmem>>
    %dma_start3A_182 = tpu.memref_squeeze %dma_start3A_181 : memref<1x128xi32, #tpu.memory_space<vmem>> -> memref<128xi32, #tpu.memory_space<vmem>>
    %dma_start3A_183 = arith.constant 0 : i32
    %dma_start3A_184 = arith.constant 0 : i32
    %dma_start3A_185 = tpu.memref_slice %arg10[%dma_start3A_183, %dma_start3A_184] : memref<10480x128xf32, #tpu.memory_space<vmem_shared>> -> memref<10480x128xf32, #tpu.memory_space<vmem_shared>>
    tpu.enqueue_indirect_dma source(%dma_start3A_179 : memref<128x128xf32, #tpu.memory_space<vmem>>) target(%dma_start3A_185 : memref<10480x128xf32, #tpu.memory_space<vmem_shared>>) offsets(%dma_start3A_182 : memref<128xi32, #tpu.memory_space<vmem>>) semaphore(%arg13 : memref<!tpu.dma_semaphore, #tpu.memory_space<semaphore_mem>>) {add = true}
    %dma_start3A_186 = arith.constant 1 : i32
    %dma_start3A_187 = arith.constant 1 : i32
    %dma_start3A_188 = arith.constant 0 : i32
    %dma_start3A_189 = arith.constant 0 : i32
    %dma_start3A_190 = tpu.memref_slice %arg9[%dma_start3A_187, %dma_start3A_188, %dma_start3A_189] : memref<2x128x128xf32, #tpu.memory_space<vmem>> -> memref<1x128x128xf32, #tpu.memory_space<vmem>>
    %dma_start3A_191 = tpu.memref_squeeze %dma_start3A_190 : memref<1x128x128xf32, #tpu.memory_space<vmem>> -> memref<128x128xf32, #tpu.memory_space<vmem>>
    %dma_start3A_192 = arith.constant 0 : i32
    %dma_start3A_193 = tpu.memref_slice %arg7[%dma_start3A_186, %dma_start3A_192] : memref<40x128xi32, #tpu.memory_space<vmem>> -> memref<1x128xi32, #tpu.memory_space<vmem>>
    %dma_start3A_194 = tpu.memref_squeeze %dma_start3A_193 : memref<1x128xi32, #tpu.memory_space<vmem>> -> memref<128xi32, #tpu.memory_space<vmem>>
    %dma_start3A_195 = arith.constant 0 : i32
    %dma_start3A_196 = arith.constant 0 : i32
    %dma_start3A_197 = tpu.memref_slice %arg2[%dma_start3A_195, %dma_start3A_196] : memref<10000x128xf32, #tpu.memory_space<hbm>> -> memref<10000x128xf32, #tpu.memory_space<hbm>>
    tpu.enqueue_indirect_dma source(%dma_start3A_197 : memref<10000x128xf32, #tpu.memory_space<hbm>>) target(%dma_start3A_191 : memref<128x128xf32, #tpu.memory_space<vmem>>) offsets(%dma_start3A_194 : memref<128xi32, #tpu.memory_space<vmem>>) semaphore(%arg12 : memref<!tpu.dma_semaphore, #tpu.memory_space<semaphore_mem>>)
    %scan3A_198 = arith.constant 0 : i32
    %scan3A_199 = arith.constant 0 : i32
    %scan3A_200 = arith.constant 19 : i32
    %scan3A_201 = arith.addi %scan3A_199, %scan3A_200 : i32
    %scan3A_202 = arith.constant 1 : i32
    scf.for %scan3A_263 = %scan3A_199 to %scan3A_201 step %scan3A_202  : i32 {
      %mul3A_264 = arith.constant 2 : i32
      %mul3A_265 = arith.muli %mul3A_264, %scan3A_263 : i32
      %add3A_266 = arith.constant 1 : i32
      %add3A_267 = arith.addi %mul3A_265, %add3A_266 : i32
      %add3A_268 = arith.constant 0 : i32
      %add3A_269 = arith.addi %add3A_267, %add3A_268 : i32
      %dma_wait3A_270 = arith.constant 1 : i32
      %dma_wait3A_271 = arith.constant 0 : i32
      %dma_wait3A_272 = arith.constant 0 : i32
      %dma_wait3A_273 = tpu.memref_slice %arg9[%dma_wait3A_270, %dma_wait3A_271, %dma_wait3A_272] : memref<2x128x128xf32, #tpu.memory_space<vmem>> -> memref<1x128x128xf32, #tpu.memory_space<vmem>>
      %dma_wait3A_274 = tpu.memref_squeeze %dma_wait3A_273 : memref<1x128x128xf32, #tpu.memory_space<vmem>> -> memref<128x128xf32, #tpu.memory_space<vmem>>
      %dma_wait3A_275 = arith.constant 0 : i32
      %dma_wait3A_276 = tpu.memref_slice %arg7[%add3A_269, %dma_wait3A_275] : memref<40x128xi32, #tpu.memory_space<vmem>> -> memref<1x128xi32, #tpu.memory_space<vmem>>
      %dma_wait3A_277 = tpu.memref_squeeze %dma_wait3A_276 : memref<1x128xi32, #tpu.memory_space<vmem>> -> memref<128xi32, #tpu.memory_space<vmem>>
      %dma_wait3A_278 = arith.constant 0 : i32
      %dma_wait3A_279 = arith.constant 0 : i32
      %dma_wait3A_280 = tpu.memref_slice %arg2[%dma_wait3A_278, %dma_wait3A_279] : memref<10000x128xf32, #tpu.memory_space<hbm>> -> memref<10000x128xf32, #tpu.memory_space<hbm>>
      tpu.wait_indirect_dma semaphore(%arg12 : memref<!tpu.dma_semaphore, #tpu.memory_space<semaphore_mem>>) src(%dma_wait3A_280 : memref<10000x128xf32, #tpu.memory_space<hbm>>) dst(%dma_wait3A_274 : memref<128x128xf32, #tpu.memory_space<vmem>>)
      %dma_start3A_281 = arith.constant 1 : i32
      %dma_start3A_282 = arith.constant 0 : i32
      %dma_start3A_283 = arith.constant 0 : i32
      %dma_start3A_284 = tpu.memref_slice %arg9[%dma_start3A_281, %dma_start3A_282, %dma_start3A_283] : memref<2x128x128xf32, #tpu.memory_space<vmem>> -> memref<1x128x128xf32, #tpu.memory_space<vmem>>
      %dma_start3A_285 = tpu.memref_squeeze %dma_start3A_284 : memref<1x128x128xf32, #tpu.memory_space<vmem>> -> memref<128x128xf32, #tpu.memory_space<vmem>>
      %dma_start3A_286 = arith.constant 0 : i32
      %dma_start3A_287 = tpu.memref_slice %arg8[%add3A_269, %dma_start3A_286] : memref<40x128xi32, #tpu.memory_space<vmem>> -> memref<1x128xi32, #tpu.memory_space<vmem>>
      %dma_start3A_288 = tpu.memref_squeeze %dma_start3A_287 : memref<1x128xi32, #tpu.memory_space<vmem>> -> memref<128xi32, #tpu.memory_space<vmem>>
      %dma_start3A_289 = arith.constant 0 : i32
      %dma_start3A_290 = arith.constant 0 : i32
      %dma_start3A_291 = tpu.memref_slice %arg10[%dma_start3A_289, %dma_start3A_290] : memref<10480x128xf32, #tpu.memory_space<vmem_shared>> -> memref<10480x128xf32, #tpu.memory_space<vmem_shared>>
      tpu.enqueue_indirect_dma source(%dma_start3A_285 : memref<128x128xf32, #tpu.memory_space<vmem>>) target(%dma_start3A_291 : memref<10480x128xf32, #tpu.memory_space<vmem_shared>>) offsets(%dma_start3A_288 : memref<128xi32, #tpu.memory_space<vmem>>) semaphore(%arg14 : memref<!tpu.dma_semaphore, #tpu.memory_space<semaphore_mem>>) {add = true}
      %sub3A = arith.constant 1 : i32
      %sub3A_292 = arith.subi %add3A_269, %sub3A : i32
      %dma_wait3A_293 = arith.constant 0 : i32
      %dma_wait3A_294 = arith.constant 0 : i32
      %dma_wait3A_295 = arith.constant 0 : i32
      %dma_wait3A_296 = tpu.memref_slice %arg9[%dma_wait3A_293, %dma_wait3A_294, %dma_wait3A_295] : memref<2x128x128xf32, #tpu.memory_space<vmem>> -> memref<1x128x128xf32, #tpu.memory_space<vmem>>
      %dma_wait3A_297 = tpu.memref_squeeze %dma_wait3A_296 : memref<1x128x128xf32, #tpu.memory_space<vmem>> -> memref<128x128xf32, #tpu.memory_space<vmem>>
      %dma_wait3A_298 = arith.constant 0 : i32
      %dma_wait3A_299 = tpu.memref_slice %arg8[%sub3A_292, %dma_wait3A_298] : memref<40x128xi32, #tpu.memory_space<vmem>> -> memref<1x128xi32, #tpu.memory_space<vmem>>
      %dma_wait3A_300 = tpu.memref_squeeze %dma_wait3A_299 : memref<1x128xi32, #tpu.memory_space<vmem>> -> memref<128xi32, #tpu.memory_space<vmem>>
      %dma_wait3A_301 = arith.constant 0 : i32
      %dma_wait3A_302 = arith.constant 0 : i32
      %dma_wait3A_303 = tpu.memref_slice %arg10[%dma_wait3A_301, %dma_wait3A_302] : memref<10480x128xf32, #tpu.memory_space<vmem_shared>> -> memref<10480x128xf32, #tpu.memory_space<vmem_shared>>
      tpu.wait_indirect_dma semaphore(%arg13 : memref<!tpu.dma_semaphore, #tpu.memory_space<semaphore_mem>>) src(%dma_wait3A_297 : memref<128x128xf32, #tpu.memory_space<vmem>>) dst(%dma_wait3A_303 : memref<10480x128xf32, #tpu.memory_space<vmem_shared>>)
      %add3A_304 = arith.constant 1 : i32
      %add3A_305 = arith.addi %add3A_269, %add3A_304 : i32
      %dma_start3A_306 = arith.constant 0 : i32
      %dma_start3A_307 = arith.constant 0 : i32
      %dma_start3A_308 = arith.constant 0 : i32
      %dma_start3A_309 = tpu.memref_slice %arg9[%dma_start3A_306, %dma_start3A_307, %dma_start3A_308] : memref<2x128x128xf32, #tpu.memory_space<vmem>> -> memref<1x128x128xf32, #tpu.memory_space<vmem>>
      %dma_start3A_310 = tpu.memref_squeeze %dma_start3A_309 : memref<1x128x128xf32, #tpu.memory_space<vmem>> -> memref<128x128xf32, #tpu.memory_space<vmem>>
      %dma_start3A_311 = arith.constant 0 : i32
      %dma_start3A_312 = tpu.memref_slice %arg7[%add3A_305, %dma_start3A_311] : memref<40x128xi32, #tpu.memory_space<vmem>> -> memref<1x128xi32, #tpu.memory_space<vmem>>
      %dma_start3A_313 = tpu.memref_squeeze %dma_start3A_312 : memref<1x128xi32, #tpu.memory_space<vmem>> -> memref<128xi32, #tpu.memory_space<vmem>>
      %dma_start3A_314 = arith.constant 0 : i32
      %dma_start3A_315 = arith.constant 0 : i32
      %dma_start3A_316 = tpu.memref_slice %arg2[%dma_start3A_314, %dma_start3A_315] : memref<10000x128xf32, #tpu.memory_space<hbm>> -> memref<10000x128xf32, #tpu.memory_space<hbm>>
      tpu.enqueue_indirect_dma source(%dma_start3A_316 : memref<10000x128xf32, #tpu.memory_space<hbm>>) target(%dma_start3A_310 : memref<128x128xf32, #tpu.memory_space<vmem>>) offsets(%dma_start3A_313 : memref<128xi32, #tpu.memory_space<vmem>>) semaphore(%arg11 : memref<!tpu.dma_semaphore, #tpu.memory_space<semaphore_mem>>)
      %mul3A_317 = arith.constant 2 : i32
      %mul3A_318 = arith.muli %mul3A_317, %scan3A_263 : i32
      %add3A_319 = arith.constant 1 : i32
      %add3A_320 = arith.addi %mul3A_318, %add3A_319 : i32
      %add3A_321 = arith.constant 1 : i32
      %add3A_322 = arith.addi %add3A_320, %add3A_321 : i32
      %dma_wait3A_323 = arith.constant 0 : i32
      %dma_wait3A_324 = arith.constant 0 : i32
      %dma_wait3A_325 = arith.constant 0 : i32
      %dma_wait3A_326 = tpu.memref_slice %arg9[%dma_wait3A_323, %dma_wait3A_324, %dma_wait3A_325] : memref<2x128x128xf32, #tpu.memory_space<vmem>> -> memref<1x128x128xf32, #tpu.memory_space<vmem>>
      %dma_wait3A_327 = tpu.memref_squeeze %dma_wait3A_326 : memref<1x128x128xf32, #tpu.memory_space<vmem>> -> memref<128x128xf32, #tpu.memory_space<vmem>>
      %dma_wait3A_328 = arith.constant 0 : i32
      %dma_wait3A_329 = tpu.memref_slice %arg7[%add3A_322, %dma_wait3A_328] : memref<40x128xi32, #tpu.memory_space<vmem>> -> memref<1x128xi32, #tpu.memory_space<vmem>>
      %dma_wait3A_330 = tpu.memref_squeeze %dma_wait3A_329 : memref<1x128xi32, #tpu.memory_space<vmem>> -> memref<128xi32, #tpu.memory_space<vmem>>
      %dma_wait3A_331 = arith.constant 0 : i32
      %dma_wait3A_332 = arith.constant 0 : i32
      %dma_wait3A_333 = tpu.memref_slice %arg2[%dma_wait3A_331, %dma_wait3A_332] : memref<10000x128xf32, #tpu.memory_space<hbm>> -> memref<10000x128xf32, #tpu.memory_space<hbm>>
      tpu.wait_indirect_dma semaphore(%arg11 : memref<!tpu.dma_semaphore, #tpu.memory_space<semaphore_mem>>) src(%dma_wait3A_333 : memref<10000x128xf32, #tpu.memory_space<hbm>>) dst(%dma_wait3A_327 : memref<128x128xf32, #tpu.memory_space<vmem>>)
      %dma_start3A_334 = arith.constant 0 : i32
      %dma_start3A_335 = arith.constant 0 : i32
      %dma_start3A_336 = arith.constant 0 : i32
      %dma_start3A_337 = tpu.memref_slice %arg9[%dma_start3A_334, %dma_start3A_335, %dma_start3A_336] : memref<2x128x128xf32, #tpu.memory_space<vmem>> -> memref<1x128x128xf32, #tpu.memory_space<vmem>>
      %dma_start3A_338 = tpu.memref_squeeze %dma_start3A_337 : memref<1x128x128xf32, #tpu.memory_space<vmem>> -> memref<128x128xf32, #tpu.memory_space<vmem>>
      %dma_start3A_339 = arith.constant 0 : i32
      %dma_start3A_340 = tpu.memref_slice %arg8[%add3A_322, %dma_start3A_339] : memref<40x128xi32, #tpu.memory_space<vmem>> -> memref<1x128xi32, #tpu.memory_space<vmem>>
      %dma_start3A_341 = tpu.memref_squeeze %dma_start3A_340 : memref<1x128xi32, #tpu.memory_space<vmem>> -> memref<128xi32, #tpu.memory_space<vmem>>
      %dma_start3A_342 = arith.constant 0 : i32
      %dma_start3A_343 = arith.constant 0 : i32
      %dma_start3A_344 = tpu.memref_slice %arg10[%dma_start3A_342, %dma_start3A_343] : memref<10480x128xf32, #tpu.memory_space<vmem_shared>> -> memref<10480x128xf32, #tpu.memory_space<vmem_shared>>
      tpu.enqueue_indirect_dma source(%dma_start3A_338 : memref<128x128xf32, #tpu.memory_space<vmem>>) target(%dma_start3A_344 : memref<10480x128xf32, #tpu.memory_space<vmem_shared>>) offsets(%dma_start3A_341 : memref<128xi32, #tpu.memory_space<vmem>>) semaphore(%arg13 : memref<!tpu.dma_semaphore, #tpu.memory_space<semaphore_mem>>) {add = true}
      %sub3A_345 = arith.constant 1 : i32
      %sub3A_346 = arith.subi %add3A_322, %sub3A_345 : i32
      %dma_wait3A_347 = arith.constant 1 : i32
      %dma_wait3A_348 = arith.constant 0 : i32
      %dma_wait3A_349 = arith.constant 0 : i32
      %dma_wait3A_350 = tpu.memref_slice %arg9[%dma_wait3A_347, %dma_wait3A_348, %dma_wait3A_349] : memref<2x128x128xf32, #tpu.memory_space<vmem>> -> memref<1x128x128xf32, #tpu.memory_space<vmem>>
      %dma_wait3A_351 = tpu.memref_squeeze %dma_wait3A_350 : memref<1x128x128xf32, #tpu.memory_space<vmem>> -> memref<128x128xf32, #tpu.memory_space<vmem>>
      %dma_wait3A_352 = arith.constant 0 : i32
      %dma_wait3A_353 = tpu.memref_slice %arg8[%sub3A_346, %dma_wait3A_352] : memref<40x128xi32, #tpu.memory_space<vmem>> -> memref<1x128xi32, #tpu.memory_space<vmem>>
      %dma_wait3A_354 = tpu.memref_squeeze %dma_wait3A_353 : memref<1x128xi32, #tpu.memory_space<vmem>> -> memref<128xi32, #tpu.memory_space<vmem>>
      %dma_wait3A_355 = arith.constant 0 : i32
      %dma_wait3A_356 = arith.constant 0 : i32
      %dma_wait3A_357 = tpu.memref_slice %arg10[%dma_wait3A_355, %dma_wait3A_356] : memref<10480x128xf32, #tpu.memory_space<vmem_shared>> -> memref<10480x128xf32, #tpu.memory_space<vmem_shared>>
      tpu.wait_indirect_dma semaphore(%arg14 : memref<!tpu.dma_semaphore, #tpu.memory_space<semaphore_mem>>) src(%dma_wait3A_351 : memref<128x128xf32, #tpu.memory_space<vmem>>) dst(%dma_wait3A_357 : memref<10480x128xf32, #tpu.memory_space<vmem_shared>>)
      %add3A_358 = arith.constant 1 : i32
      %add3A_359 = arith.addi %add3A_322, %add3A_358 : i32
      %dma_start3A_360 = arith.constant 1 : i32
      %dma_start3A_361 = arith.constant 0 : i32
      %dma_start3A_362 = arith.constant 0 : i32
      %dma_start3A_363 = tpu.memref_slice %arg9[%dma_start3A_360, %dma_start3A_361, %dma_start3A_362] : memref<2x128x128xf32, #tpu.memory_space<vmem>> -> memref<1x128x128xf32, #tpu.memory_space<vmem>>
      %dma_start3A_364 = tpu.memref_squeeze %dma_start3A_363 : memref<1x128x128xf32, #tpu.memory_space<vmem>> -> memref<128x128xf32, #tpu.memory_space<vmem>>
      %dma_start3A_365 = arith.constant 0 : i32
      %dma_start3A_366 = tpu.memref_slice %arg7[%add3A_359, %dma_start3A_365] : memref<40x128xi32, #tpu.memory_space<vmem>> -> memref<1x128xi32, #tpu.memory_space<vmem>>
      %dma_start3A_367 = tpu.memref_squeeze %dma_start3A_366 : memref<1x128xi32, #tpu.memory_space<vmem>> -> memref<128xi32, #tpu.memory_space<vmem>>
      %dma_start3A_368 = arith.constant 0 : i32
      %dma_start3A_369 = arith.constant 0 : i32
      %dma_start3A_370 = tpu.memref_slice %arg2[%dma_start3A_368, %dma_start3A_369] : memref<10000x128xf32, #tpu.memory_space<hbm>> -> memref<10000x128xf32, #tpu.memory_space<hbm>>
      tpu.enqueue_indirect_dma source(%dma_start3A_370 : memref<10000x128xf32, #tpu.memory_space<hbm>>) target(%dma_start3A_364 : memref<128x128xf32, #tpu.memory_space<vmem>>) offsets(%dma_start3A_367 : memref<128xi32, #tpu.memory_space<vmem>>) semaphore(%arg12 : memref<!tpu.dma_semaphore, #tpu.memory_space<semaphore_mem>>)
    }
    %scan3A_203 = arith.constant 19 : i32
    %dma_wait3A_204 = arith.constant 39 : i32
    %dma_wait3A_205 = arith.constant 1 : i32
    %dma_wait3A_206 = arith.constant 0 : i32
    %dma_wait3A_207 = arith.constant 0 : i32
    %dma_wait3A_208 = tpu.memref_slice %arg9[%dma_wait3A_205, %dma_wait3A_206, %dma_wait3A_207] : memref<2x128x128xf32, #tpu.memory_space<vmem>> -> memref<1x128x128xf32, #tpu.memory_space<vmem>>
    %dma_wait3A_209 = tpu.memref_squeeze %dma_wait3A_208 : memref<1x128x128xf32, #tpu.memory_space<vmem>> -> memref<128x128xf32, #tpu.memory_space<vmem>>
    %dma_wait3A_210 = arith.constant 0 : i32
    %dma_wait3A_211 = tpu.memref_slice %arg7[%dma_wait3A_204, %dma_wait3A_210] : memref<40x128xi32, #tpu.memory_space<vmem>> -> memref<1x128xi32, #tpu.memory_space<vmem>>
    %dma_wait3A_212 = tpu.memref_squeeze %dma_wait3A_211 : memref<1x128xi32, #tpu.memory_space<vmem>> -> memref<128xi32, #tpu.memory_space<vmem>>
    %dma_wait3A_213 = arith.constant 0 : i32
    %dma_wait3A_214 = arith.constant 0 : i32
    %dma_wait3A_215 = tpu.memref_slice %arg2[%dma_wait3A_213, %dma_wait3A_214] : memref<10000x128xf32, #tpu.memory_space<hbm>> -> memref<10000x128xf32, #tpu.memory_space<hbm>>
    tpu.wait_indirect_dma semaphore(%arg12 : memref<!tpu.dma_semaphore, #tpu.memory_space<semaphore_mem>>) src(%dma_wait3A_215 : memref<10000x128xf32, #tpu.memory_space<hbm>>) dst(%dma_wait3A_209 : memref<128x128xf32, #tpu.memory_space<vmem>>)
    %dma_start3A_216 = arith.constant 1 : i32
    %dma_start3A_217 = arith.constant 39 : i32
    %dma_start3A_218 = arith.constant 0 : i32
    %dma_start3A_219 = arith.constant 0 : i32
    %dma_start3A_220 = tpu.memref_slice %arg9[%dma_start3A_216, %dma_start3A_218, %dma_start3A_219] : memref<2x128x128xf32, #tpu.memory_space<vmem>> -> memref<1x128x128xf32, #tpu.memory_space<vmem>>
    %dma_start3A_221 = tpu.memref_squeeze %dma_start3A_220 : memref<1x128x128xf32, #tpu.memory_space<vmem>> -> memref<128x128xf32, #tpu.memory_space<vmem>>
    %dma_start3A_222 = arith.constant 0 : i32
    %dma_start3A_223 = tpu.memref_slice %arg8[%dma_start3A_217, %dma_start3A_222] : memref<40x128xi32, #tpu.memory_space<vmem>> -> memref<1x128xi32, #tpu.memory_space<vmem>>
    %dma_start3A_224 = tpu.memref_squeeze %dma_start3A_223 : memref<1x128xi32, #tpu.memory_space<vmem>> -> memref<128xi32, #tpu.memory_space<vmem>>
    %dma_start3A_225 = arith.constant 0 : i32
    %dma_start3A_226 = arith.constant 0 : i32
    %dma_start3A_227 = tpu.memref_slice %arg10[%dma_start3A_225, %dma_start3A_226] : memref<10480x128xf32, #tpu.memory_space<vmem_shared>> -> memref<10480x128xf32, #tpu.memory_space<vmem_shared>>
    tpu.enqueue_indirect_dma source(%dma_start3A_221 : memref<128x128xf32, #tpu.memory_space<vmem>>) target(%dma_start3A_227 : memref<10480x128xf32, #tpu.memory_space<vmem_shared>>) offsets(%dma_start3A_224 : memref<128xi32, #tpu.memory_space<vmem>>) semaphore(%arg14 : memref<!tpu.dma_semaphore, #tpu.memory_space<semaphore_mem>>) {add = true}
    %dma_wait3A_228 = arith.constant 0 : i32
    %dma_wait3A_229 = arith.constant 38 : i32
    %dma_wait3A_230 = arith.constant 0 : i32
    %dma_wait3A_231 = arith.constant 0 : i32
    %dma_wait3A_232 = tpu.memref_slice %arg9[%dma_wait3A_228, %dma_wait3A_230, %dma_wait3A_231] : memref<2x128x128xf32, #tpu.memory_space<vmem>> -> memref<1x128x128xf32, #tpu.memory_space<vmem>>
    %dma_wait3A_233 = tpu.memref_squeeze %dma_wait3A_232 : memref<1x128x128xf32, #tpu.memory_space<vmem>> -> memref<128x128xf32, #tpu.memory_space<vmem>>
    %dma_wait3A_234 = arith.constant 0 : i32
    %dma_wait3A_235 = tpu.memref_slice %arg8[%dma_wait3A_229, %dma_wait3A_234] : memref<40x128xi32, #tpu.memory_space<vmem>> -> memref<1x128xi32, #tpu.memory_space<vmem>>
    %dma_wait3A_236 = tpu.memref_squeeze %dma_wait3A_235 : memref<1x128xi32, #tpu.memory_space<vmem>> -> memref<128xi32, #tpu.memory_space<vmem>>
    %dma_wait3A_237 = arith.constant 0 : i32
    %dma_wait3A_238 = arith.constant 0 : i32
    %dma_wait3A_239 = tpu.memref_slice %arg10[%dma_wait3A_237, %dma_wait3A_238] : memref<10480x128xf32, #tpu.memory_space<vmem_shared>> -> memref<10480x128xf32, #tpu.memory_space<vmem_shared>>
    tpu.wait_indirect_dma semaphore(%arg13 : memref<!tpu.dma_semaphore, #tpu.memory_space<semaphore_mem>>) src(%dma_wait3A_233 : memref<128x128xf32, #tpu.memory_space<vmem>>) dst(%dma_wait3A_239 : memref<10480x128xf32, #tpu.memory_space<vmem_shared>>)
    %dma_wait3A_240 = arith.constant 1 : i32
    %dma_wait3A_241 = arith.constant 39 : i32
    %dma_wait3A_242 = arith.constant 0 : i32
    %dma_wait3A_243 = arith.constant 0 : i32
    %dma_wait3A_244 = tpu.memref_slice %arg9[%dma_wait3A_240, %dma_wait3A_242, %dma_wait3A_243] : memref<2x128x128xf32, #tpu.memory_space<vmem>> -> memref<1x128x128xf32, #tpu.memory_space<vmem>>
    %dma_wait3A_245 = tpu.memref_squeeze %dma_wait3A_244 : memref<1x128x128xf32, #tpu.memory_space<vmem>> -> memref<128x128xf32, #tpu.memory_space<vmem>>
    %dma_wait3A_246 = arith.constant 0 : i32
    %dma_wait3A_247 = tpu.memref_slice %arg8[%dma_wait3A_241, %dma_wait3A_246] : memref<40x128xi32, #tpu.memory_space<vmem>> -> memref<1x128xi32, #tpu.memory_space<vmem>>
    %dma_wait3A_248 = tpu.memref_squeeze %dma_wait3A_247 : memref<1x128xi32, #tpu.memory_space<vmem>> -> memref<128xi32, #tpu.memory_space<vmem>>
    %dma_wait3A_249 = arith.constant 0 : i32
    %dma_wait3A_250 = arith.constant 0 : i32
    %dma_wait3A_251 = tpu.memref_slice %arg10[%dma_wait3A_249, %dma_wait3A_250] : memref<10480x128xf32, #tpu.memory_space<vmem_shared>> -> memref<10480x128xf32, #tpu.memory_space<vmem_shared>>
    tpu.wait_indirect_dma semaphore(%arg14 : memref<!tpu.dma_semaphore, #tpu.memory_space<semaphore_mem>>) src(%dma_wait3A_245 : memref<128x128xf32, #tpu.memory_space<vmem>>) dst(%dma_wait3A_251 : memref<10480x128xf32, #tpu.memory_space<vmem_shared>>)
    %barrier3A_252 = arith.constant 0 : index
    tpu.barrier barrier_id(%barrier3A_252)
    %lt3A_253 = arith.constant 15 : i32
    %lt3A_254 = arith.cmpi slt, %arg1, %lt3A_253 : i32
    %convert_element_type3A_255 = arith.extui %lt3A_254 : i1 to i32
    %cond3A_256 = arith.constant 0 : i32
    %cond3A_257 = arith.cmpi ne, %convert_element_type3A_255, %cond3A_256 : i32
    scf.if %cond3A_257 {
      %mul3A_263 = arith.constant 656 : i32
      %mul3A_264 = arith.muli %arg1, %mul3A_263 : i32
      %mul3A_265 = arith.constant 656 : i32
      %mul3A_266 = arith.muli %arg1, %mul3A_265 : i32
      "tpu.region"() ({
        %run_scoped3A = tpu.sem_alloc : memref<!tpu.dma_semaphore, #tpu.memory_space<semaphore_mem>>
        %dma_start3A_267 = arith.constant 0 : i32
        %dma_start3A_268 = tpu.memref_slice %arg6[%arg0, %mul3A_266, %dma_start3A_267] : memref<2x10000x128xf32, #tpu.memory_space<hbm>> -> memref<1x656x128xf32, #tpu.memory_space<hbm>>
        %dma_start3A_269 = tpu.memref_squeeze %dma_start3A_268 : memref<1x656x128xf32, #tpu.memory_space<hbm>> -> memref<656x128xf32, #tpu.memory_space<hbm>>
        %dma_start3A_270 = arith.constant 0 : i32
        %dma_start3A_271 = tpu.memref_slice %arg10[%mul3A_264, %dma_start3A_270] : memref<10480x128xf32, #tpu.memory_space<vmem_shared>> -> memref<656x128xf32, #tpu.memory_space<vmem_shared>>
        tpu.enqueue_dma source(%dma_start3A_271 : memref<656x128xf32, #tpu.memory_space<vmem_shared>>) target(%dma_start3A_269 : memref<656x128xf32, #tpu.memory_space<hbm>>) target_semaphore(%run_scoped3A : memref<!tpu.dma_semaphore, #tpu.memory_space<semaphore_mem>>)
        %dma_wait3A_272 = arith.constant 0 : i32
        %dma_wait3A_273 = tpu.memref_slice %arg6[%arg0, %mul3A_266, %dma_wait3A_272] : memref<2x10000x128xf32, #tpu.memory_space<hbm>> -> memref<1x656x128xf32, #tpu.memory_space<hbm>>
        %dma_wait3A_274 = tpu.memref_squeeze %dma_wait3A_273 : memref<1x656x128xf32, #tpu.memory_space<hbm>> -> memref<656x128xf32, #tpu.memory_space<hbm>>
        %dma_wait3A_275 = arith.constant 0 : i32
        %dma_wait3A_276 = tpu.memref_slice %arg10[%mul3A_264, %dma_wait3A_275] : memref<10480x128xf32, #tpu.memory_space<vmem_shared>> -> memref<656x128xf32, #tpu.memory_space<vmem_shared>>
        tpu.wait_dma2 semaphore(%run_scoped3A : memref<!tpu.dma_semaphore, #tpu.memory_space<semaphore_mem>>) src(%dma_wait3A_276 : memref<656x128xf32, #tpu.memory_space<vmem_shared>>) dst(%dma_wait3A_274 : memref<656x128xf32, #tpu.memory_space<hbm>>)
        tpu.yield
      }) : () -> ()
    } else {
    }
    %eq3A_258 = arith.constant 15 : i32
    %eq3A_259 = arith.cmpi eq, %arg1, %eq3A_258 : i32
    %convert_element_type3A_260 = arith.extui %eq3A_259 : i1 to i32
    %cond3A_261 = arith.constant 0 : i32
    %cond3A_262 = arith.cmpi ne, %convert_element_type3A_260, %cond3A_261 : i32
    scf.if %cond3A_262 {
      %mul3A_263 = arith.constant 656 : i32
      %mul3A_264 = arith.muli %arg1, %mul3A_263 : i32
      %mul3A_265 = arith.constant 656 : i32
      %mul3A_266 = arith.muli %arg1, %mul3A_265 : i32
      "tpu.region"() ({
        %run_scoped3A = tpu.sem_alloc : memref<!tpu.dma_semaphore, #tpu.memory_space<semaphore_mem>>
        %dma_start3A_267 = arith.constant 0 : i32
        %dma_start3A_268 = tpu.memref_slice %arg6[%arg0, %mul3A_266, %dma_start3A_267] : memref<2x10000x128xf32, #tpu.memory_space<hbm>> -> memref<1x160x128xf32, #tpu.memory_space<hbm>>
        %dma_start3A_269 = tpu.memref_squeeze %dma_start3A_268 : memref<1x160x128xf32, #tpu.memory_space<hbm>> -> memref<160x128xf32, #tpu.memory_space<hbm>>
        %dma_start3A_270 = arith.constant 0 : i32
        %dma_start3A_271 = tpu.memref_slice %arg10[%mul3A_264, %dma_start3A_270] : memref<10480x128xf32, #tpu.memory_space<vmem_shared>> -> memref<160x128xf32, #tpu.memory_space<vmem_shared>>
        tpu.enqueue_dma source(%dma_start3A_271 : memref<160x128xf32, #tpu.memory_space<vmem_shared>>) target(%dma_start3A_269 : memref<160x128xf32, #tpu.memory_space<hbm>>) target_semaphore(%run_scoped3A : memref<!tpu.dma_semaphore, #tpu.memory_space<semaphore_mem>>)
        %dma_wait3A_272 = arith.constant 0 : i32
        %dma_wait3A_273 = tpu.memref_slice %arg6[%arg0, %mul3A_266, %dma_wait3A_272] : memref<2x10000x128xf32, #tpu.memory_space<hbm>> -> memref<1x160x128xf32, #tpu.memory_space<hbm>>
        %dma_wait3A_274 = tpu.memref_squeeze %dma_wait3A_273 : memref<1x160x128xf32, #tpu.memory_space<hbm>> -> memref<160x128xf32, #tpu.memory_space<hbm>>
        %dma_wait3A_275 = arith.constant 0 : i32
        %dma_wait3A_276 = tpu.memref_slice %arg10[%mul3A_264, %dma_wait3A_275] : memref<10480x128xf32, #tpu.memory_space<vmem_shared>> -> memref<160x128xf32, #tpu.memory_space<vmem_shared>>
        tpu.wait_dma2 semaphore(%run_scoped3A : memref<!tpu.dma_semaphore, #tpu.memory_space<semaphore_mem>>) src(%dma_wait3A_276 : memref<160x128xf32, #tpu.memory_space<vmem_shared>>) dst(%dma_wait3A_274 : memref<160x128xf32, #tpu.memory_space<hbm>>)
        tpu.yield
      }) : () -> ()
    } else {
    }
    return
  }
}

#map = affine_map<(d0, d1) -> (0, 0)>
#map1 = affine_map<(d0, d1) -> (0, 0, 0)>
module attributes {stable_mosaic.version = 14 : i64} {
  func.func @_agg_sc(%arg0: i32, %arg1: i32, %arg2: memref<10000x128xf32, #tpu.memory_space<hbm>>, %arg3: memref<32x80x128xi32, #tpu.memory_space<hbm>>, %arg4: memref<32x80x128xi32, #tpu.memory_space<hbm>>, %arg5: memref<10480x128xf32, #tpu.memory_space<hbm>>, %arg6: memref<2x10000x128xf32, #tpu.memory_space<hbm>>, %arg7: memref<40x128xi32, #tpu.memory_space<vmem>>, %arg8: memref<40x128xi32, #tpu.memory_space<vmem>>, %arg9: memref<2x128x128xf32, #tpu.memory_space<vmem>>, %arg10: memref<10480x128xf32, #tpu.memory_space<vmem_shared>>, %arg11: memref<!tpu.dma_semaphore, #tpu.memory_space<semaphore_mem>>, %arg12: memref<!tpu.dma_semaphore, #tpu.memory_space<semaphore_mem>>, %arg13: memref<!tpu.dma_semaphore, #tpu.memory_space<semaphore_mem>>, %arg14: memref<!tpu.dma_semaphore, #tpu.memory_space<semaphore_mem>>, %arg15: memref<!tpu.dma_semaphore, #tpu.memory_space<semaphore_mem>>) attributes {dimension_semantics = [#tpu.dimension_semantics<core_parallel>, #tpu.dimension_semantics<subcore_parallel>], iteration_bounds = array<i64: 2, 16>, scalar_prefetch = 0 : i64, scratch_operands = 9 : i64, tpu.core_type = #tpu.core_type<sc_vector_subcore>, window_params = [{transform_indices = #map}, {transform_indices = #map1}, {transform_indices = #map1}, {transform_indices = #map}, {transform_indices = #map1}]} {
    %mul3A = arith.constant 16 : i32
    %mul3A_0 = arith.muli %arg0, %mul3A : i32
    %add3A = arith.addi %mul3A_0, %arg1 : i32
    %dma_start3A = arith.constant 0 : i32
    %dma_start3A_1 = arith.constant 0 : i32
    %dma_start3A_2 = tpu.memref_slice %arg3[%add3A, %dma_start3A, %dma_start3A_1] : memref<32x80x128xi32, #tpu.memory_space<hbm>> -> memref<1x40x128xi32, #tpu.memory_space<hbm>>
    %dma_start3A_3 = tpu.memref_squeeze %dma_start3A_2 : memref<1x40x128xi32, #tpu.memory_space<hbm>> -> memref<40x128xi32, #tpu.memory_space<hbm>>
    %dma_start3A_4 = arith.constant 0 : i32
    %dma_start3A_5 = arith.constant 0 : i32
    %dma_start3A_6 = tpu.memref_slice %arg3[%add3A, %dma_start3A_4, %dma_start3A_5] : memref<32x80x128xi32, #tpu.memory_space<hbm>> -> memref<1x40x128xi32, #tpu.memory_space<hbm>>
    %dma_start3A_7 = tpu.memref_squeeze %dma_start3A_6 : memref<1x40x128xi32, #tpu.memory_space<hbm>> -> memref<40x128xi32, #tpu.memory_space<hbm>>
    tpu.enqueue_dma source(%dma_start3A_7 : memref<40x128xi32, #tpu.memory_space<hbm>>) target(%arg7 : memref<40x128xi32, #tpu.memory_space<vmem>>) target_semaphore(%arg15 : memref<!tpu.dma_semaphore, #tpu.memory_space<semaphore_mem>>)
    %dma_start3A_8 = arith.constant 0 : i32
    %dma_start3A_9 = arith.constant 0 : i32
    %dma_start3A_10 = tpu.memref_slice %arg4[%add3A, %dma_start3A_8, %dma_start3A_9] : memref<32x80x128xi32, #tpu.memory_space<hbm>> -> memref<1x40x128xi32, #tpu.memory_space<hbm>>
    %dma_start3A_11 = tpu.memref_squeeze %dma_start3A_10 : memref<1x40x128xi32, #tpu.memory_space<hbm>> -> memref<40x128xi32, #tpu.memory_space<hbm>>
    %dma_start3A_12 = arith.constant 0 : i32
    %dma_start3A_13 = arith.constant 0 : i32
    %dma_start3A_14 = tpu.memref_slice %arg4[%add3A, %dma_start3A_12, %dma_start3A_13] : memref<32x80x128xi32, #tpu.memory_space<hbm>> -> memref<1x40x128xi32, #tpu.memory_space<hbm>>
    %dma_start3A_15 = tpu.memref_squeeze %dma_start3A_14 : memref<1x40x128xi32, #tpu.memory_space<hbm>> -> memref<40x128xi32, #tpu.memory_space<hbm>>
    tpu.enqueue_dma source(%dma_start3A_15 : memref<40x128xi32, #tpu.memory_space<hbm>>) target(%arg8 : memref<40x128xi32, #tpu.memory_space<vmem>>) target_semaphore(%arg15 : memref<!tpu.dma_semaphore, #tpu.memory_space<semaphore_mem>>)
    %mul3A_16 = arith.constant 656 : i32
    %mul3A_17 = arith.muli %arg1, %mul3A_16 : i32
    %lt3A = arith.constant 15 : i32
    %lt3A_18 = arith.cmpi slt, %arg1, %lt3A : i32
    %convert_element_type3A = arith.extui %lt3A_18 : i1 to i32
    %cond3A = arith.constant 0 : i32
    %cond3A_19 = arith.cmpi ne, %convert_element_type3A, %cond3A : i32
    scf.if %cond3A_19 {
      %dma_start3A_263 = arith.constant 0 : i32
      %dma_start3A_264 = tpu.memref_slice %arg10[%mul3A_17, %dma_start3A_263] : memref<10480x128xf32, #tpu.memory_space<vmem_shared>> -> memref<656x128xf32, #tpu.memory_space<vmem_shared>>
      %dma_start3A_265 = arith.constant 0 : i32
      %dma_start3A_266 = tpu.memref_slice %arg5[%mul3A_17, %dma_start3A_265] : memref<10480x128xf32, #tpu.memory_space<hbm>> -> memref<656x128xf32, #tpu.memory_space<hbm>>
      tpu.enqueue_dma source(%dma_start3A_266 : memref<656x128xf32, #tpu.memory_space<hbm>>) target(%dma_start3A_264 : memref<656x128xf32, #tpu.memory_space<vmem_shared>>) target_semaphore(%arg15 : memref<!tpu.dma_semaphore, #tpu.memory_space<semaphore_mem>>)
    } else {
    }
    %eq3A = arith.constant 15 : i32
    %eq3A_20 = arith.cmpi eq, %arg1, %eq3A : i32
    %convert_element_type3A_21 = arith.extui %eq3A_20 : i1 to i32
    %cond3A_22 = arith.constant 0 : i32
    %cond3A_23 = arith.cmpi ne, %convert_element_type3A_21, %cond3A_22 : i32
    scf.if %cond3A_23 {
      %dma_start3A_263 = arith.constant 0 : i32
      %dma_start3A_264 = tpu.memref_slice %arg10[%mul3A_17, %dma_start3A_263] : memref<10480x128xf32, #tpu.memory_space<vmem_shared>> -> memref<640x128xf32, #tpu.memory_space<vmem_shared>>
      %dma_start3A_265 = arith.constant 0 : i32
      %dma_start3A_266 = tpu.memref_slice %arg5[%mul3A_17, %dma_start3A_265] : memref<10480x128xf32, #tpu.memory_space<hbm>> -> memref<640x128xf32, #tpu.memory_space<hbm>>
      tpu.enqueue_dma source(%dma_start3A_266 : memref<640x128xf32, #tpu.memory_space<hbm>>) target(%dma_start3A_264 : memref<640x128xf32, #tpu.memory_space<vmem_shared>>) target_semaphore(%arg15 : memref<!tpu.dma_semaphore, #tpu.memory_space<semaphore_mem>>)
    } else {
    }
    %dma_wait3A = arith.constant 0 : i32
    %dma_wait3A_24 = arith.constant 0 : i32
    %dma_wait3A_25 = tpu.memref_slice %arg3[%add3A, %dma_wait3A, %dma_wait3A_24] : memref<32x80x128xi32, #tpu.memory_space<hbm>> -> memref<1x40x128xi32, #tpu.memory_space<hbm>>
    %dma_wait3A_26 = tpu.memref_squeeze %dma_wait3A_25 : memref<1x40x128xi32, #tpu.memory_space<hbm>> -> memref<40x128xi32, #tpu.memory_space<hbm>>
    %dma_wait3A_27 = arith.constant 0 : i32
    %dma_wait3A_28 = arith.constant 0 : i32
    %dma_wait3A_29 = tpu.memref_slice %arg3[%add3A, %dma_wait3A_27, %dma_wait3A_28] : memref<32x80x128xi32, #tpu.memory_space<hbm>> -> memref<1x40x128xi32, #tpu.memory_space<hbm>>
    %dma_wait3A_30 = tpu.memref_squeeze %dma_wait3A_29 : memref<1x40x128xi32, #tpu.memory_space<hbm>> -> memref<40x128xi32, #tpu.memory_space<hbm>>
    tpu.wait_dma2 semaphore(%arg15 : memref<!tpu.dma_semaphore, #tpu.memory_space<semaphore_mem>>) src(%dma_wait3A_30 : memref<40x128xi32, #tpu.memory_space<hbm>>) dst(%arg7 : memref<40x128xi32, #tpu.memory_space<vmem>>)
    %dma_wait3A_31 = arith.constant 0 : i32
    %dma_wait3A_32 = arith.constant 0 : i32
    %dma_wait3A_33 = tpu.memref_slice %arg4[%add3A, %dma_wait3A_31, %dma_wait3A_32] : memref<32x80x128xi32, #tpu.memory_space<hbm>> -> memref<1x40x128xi32, #tpu.memory_space<hbm>>
    %dma_wait3A_34 = tpu.memref_squeeze %dma_wait3A_33 : memref<1x40x128xi32, #tpu.memory_space<hbm>> -> memref<40x128xi32, #tpu.memory_space<hbm>>
    %dma_wait3A_35 = arith.constant 0 : i32
    %dma_wait3A_36 = arith.constant 0 : i32
    %dma_wait3A_37 = tpu.memref_slice %arg4[%add3A, %dma_wait3A_35, %dma_wait3A_36] : memref<32x80x128xi32, #tpu.memory_space<hbm>> -> memref<1x40x128xi32, #tpu.memory_space<hbm>>
    %dma_wait3A_38 = tpu.memref_squeeze %dma_wait3A_37 : memref<1x40x128xi32, #tpu.memory_space<hbm>> -> memref<40x128xi32, #tpu.memory_space<hbm>>
    tpu.wait_dma2 semaphore(%arg15 : memref<!tpu.dma_semaphore, #tpu.memory_space<semaphore_mem>>) src(%dma_wait3A_38 : memref<40x128xi32, #tpu.memory_space<hbm>>) dst(%arg8 : memref<40x128xi32, #tpu.memory_space<vmem>>)
    %lt3A_39 = arith.constant 15 : i32
    %lt3A_40 = arith.cmpi slt, %arg1, %lt3A_39 : i32
    %convert_element_type3A_41 = arith.extui %lt3A_40 : i1 to i32
    %cond3A_42 = arith.constant 0 : i32
    %cond3A_43 = arith.cmpi ne, %convert_element_type3A_41, %cond3A_42 : i32
    scf.if %cond3A_43 {
      %dma_wait3A_263 = arith.constant 0 : i32
      %dma_wait3A_264 = tpu.memref_slice %arg10[%mul3A_17, %dma_wait3A_263] : memref<10480x128xf32, #tpu.memory_space<vmem_shared>> -> memref<656x128xf32, #tpu.memory_space<vmem_shared>>
      %dma_wait3A_265 = arith.constant 0 : i32
      %dma_wait3A_266 = tpu.memref_slice %arg5[%mul3A_17, %dma_wait3A_265] : memref<10480x128xf32, #tpu.memory_space<hbm>> -> memref<656x128xf32, #tpu.memory_space<hbm>>
      tpu.wait_dma2 semaphore(%arg15 : memref<!tpu.dma_semaphore, #tpu.memory_space<semaphore_mem>>) src(%dma_wait3A_266 : memref<656x128xf32, #tpu.memory_space<hbm>>) dst(%dma_wait3A_264 : memref<656x128xf32, #tpu.memory_space<vmem_shared>>)
    } else {
    }
    %eq3A_44 = arith.constant 15 : i32
    %eq3A_45 = arith.cmpi eq, %arg1, %eq3A_44 : i32
    %convert_element_type3A_46 = arith.extui %eq3A_45 : i1 to i32
    %cond3A_47 = arith.constant 0 : i32
    %cond3A_48 = arith.cmpi ne, %convert_element_type3A_46, %cond3A_47 : i32
    scf.if %cond3A_48 {
      %dma_wait3A_263 = arith.constant 0 : i32
      %dma_wait3A_264 = tpu.memref_slice %arg10[%mul3A_17, %dma_wait3A_263] : memref<10480x128xf32, #tpu.memory_space<vmem_shared>> -> memref<640x128xf32, #tpu.memory_space<vmem_shared>>
      %dma_wait3A_265 = arith.constant 0 : i32
      %dma_wait3A_266 = tpu.memref_slice %arg5[%mul3A_17, %dma_wait3A_265] : memref<10480x128xf32, #tpu.memory_space<hbm>> -> memref<640x128xf32, #tpu.memory_space<hbm>>
      tpu.wait_dma2 semaphore(%arg15 : memref<!tpu.dma_semaphore, #tpu.memory_space<semaphore_mem>>) src(%dma_wait3A_266 : memref<640x128xf32, #tpu.memory_space<hbm>>) dst(%dma_wait3A_264 : memref<640x128xf32, #tpu.memory_space<vmem_shared>>)
    } else {
    }
    %barrier3A = arith.constant 0 : index
    tpu.barrier barrier_id(%barrier3A)
    %dma_start3A_49 = arith.constant 0 : i32
    %dma_start3A_50 = arith.constant 0 : i32
    %dma_start3A_51 = arith.constant 0 : i32
    %dma_start3A_52 = arith.constant 0 : i32
    %dma_start3A_53 = tpu.memref_slice %arg9[%dma_start3A_50, %dma_start3A_51, %dma_start3A_52] : memref<2x128x128xf32, #tpu.memory_space<vmem>> -> memref<1x128x128xf32, #tpu.memory_space<vmem>>
    %dma_start3A_54 = tpu.memref_squeeze %dma_start3A_53 : memref<1x128x128xf32, #tpu.memory_space<vmem>> -> memref<128x128xf32, #tpu.memory_space<vmem>>
    %dma_start3A_55 = arith.constant 0 : i32
    %dma_start3A_56 = tpu.memref_slice %arg7[%dma_start3A_49, %dma_start3A_55] : memref<40x128xi32, #tpu.memory_space<vmem>> -> memref<1x128xi32, #tpu.memory_space<vmem>>
    %dma_start3A_57 = tpu.memref_squeeze %dma_start3A_56 : memref<1x128xi32, #tpu.memory_space<vmem>> -> memref<128xi32, #tpu.memory_space<vmem>>
    %dma_start3A_58 = arith.constant 0 : i32
    %dma_start3A_59 = arith.constant 0 : i32
    %dma_start3A_60 = tpu.memref_slice %arg2[%dma_start3A_58, %dma_start3A_59] : memref<10000x128xf32, #tpu.memory_space<hbm>> -> memref<10000x128xf32, #tpu.memory_space<hbm>>
    tpu.enqueue_indirect_dma source(%dma_start3A_60 : memref<10000x128xf32, #tpu.memory_space<hbm>>) target(%dma_start3A_54 : memref<128x128xf32, #tpu.memory_space<vmem>>) offsets(%dma_start3A_57 : memref<128xi32, #tpu.memory_space<vmem>>) semaphore(%arg11 : memref<!tpu.dma_semaphore, #tpu.memory_space<semaphore_mem>>)
    %dma_wait3A_61 = arith.constant 0 : i32
    %dma_wait3A_62 = arith.constant 0 : i32
    %dma_wait3A_63 = arith.constant 0 : i32
    %dma_wait3A_64 = arith.constant 0 : i32
    %dma_wait3A_65 = tpu.memref_slice %arg9[%dma_wait3A_62, %dma_wait3A_63, %dma_wait3A_64] : memref<2x128x128xf32, #tpu.memory_space<vmem>> -> memref<1x128x128xf32, #tpu.memory_space<vmem>>
    %dma_wait3A_66 = tpu.memref_squeeze %dma_wait3A_65 : memref<1x128x128xf32, #tpu.memory_space<vmem>> -> memref<128x128xf32, #tpu.memory_space<vmem>>
    %dma_wait3A_67 = arith.constant 0 : i32
    %dma_wait3A_68 = tpu.memref_slice %arg7[%dma_wait3A_61, %dma_wait3A_67] : memref<40x128xi32, #tpu.memory_space<vmem>> -> memref<1x128xi32, #tpu.memory_space<vmem>>
    %dma_wait3A_69 = tpu.memref_squeeze %dma_wait3A_68 : memref<1x128xi32, #tpu.memory_space<vmem>> -> memref<128xi32, #tpu.memory_space<vmem>>
    %dma_wait3A_70 = arith.constant 0 : i32
    %dma_wait3A_71 = arith.constant 0 : i32
    %dma_wait3A_72 = tpu.memref_slice %arg2[%dma_wait3A_70, %dma_wait3A_71] : memref<10000x128xf32, #tpu.memory_space<hbm>> -> memref<10000x128xf32, #tpu.memory_space<hbm>>
    tpu.wait_indirect_dma semaphore(%arg11 : memref<!tpu.dma_semaphore, #tpu.memory_space<semaphore_mem>>) src(%dma_wait3A_72 : memref<10000x128xf32, #tpu.memory_space<hbm>>) dst(%dma_wait3A_66 : memref<128x128xf32, #tpu.memory_space<vmem>>)
    %dma_start3A_73 = arith.constant 0 : i32
    %dma_start3A_74 = arith.constant 0 : i32
    %dma_start3A_75 = arith.constant 0 : i32
    %dma_start3A_76 = arith.constant 0 : i32
    %dma_start3A_77 = tpu.memref_slice %arg9[%dma_start3A_73, %dma_start3A_75, %dma_start3A_76] : memref<2x128x128xf32, #tpu.memory_space<vmem>> -> memref<1x128x128xf32, #tpu.memory_space<vmem>>
    %dma_start3A_78 = tpu.memref_squeeze %dma_start3A_77 : memref<1x128x128xf32, #tpu.memory_space<vmem>> -> memref<128x128xf32, #tpu.memory_space<vmem>>
    %dma_start3A_79 = arith.constant 0 : i32
    %dma_start3A_80 = tpu.memref_slice %arg8[%dma_start3A_74, %dma_start3A_79] : memref<40x128xi32, #tpu.memory_space<vmem>> -> memref<1x128xi32, #tpu.memory_space<vmem>>
    %dma_start3A_81 = tpu.memref_squeeze %dma_start3A_80 : memref<1x128xi32, #tpu.memory_space<vmem>> -> memref<128xi32, #tpu.memory_space<vmem>>
    %dma_start3A_82 = arith.constant 0 : i32
    %dma_start3A_83 = arith.constant 0 : i32
    %dma_start3A_84 = tpu.memref_slice %arg10[%dma_start3A_82, %dma_start3A_83] : memref<10480x128xf32, #tpu.memory_space<vmem_shared>> -> memref<10480x128xf32, #tpu.memory_space<vmem_shared>>
    tpu.enqueue_indirect_dma source(%dma_start3A_78 : memref<128x128xf32, #tpu.memory_space<vmem>>) target(%dma_start3A_84 : memref<10480x128xf32, #tpu.memory_space<vmem_shared>>) offsets(%dma_start3A_81 : memref<128xi32, #tpu.memory_space<vmem>>) semaphore(%arg13 : memref<!tpu.dma_semaphore, #tpu.memory_space<semaphore_mem>>) {add = true}
    %dma_start3A_85 = arith.constant 1 : i32
    %dma_start3A_86 = arith.constant 1 : i32
    %dma_start3A_87 = arith.constant 0 : i32
    %dma_start3A_88 = arith.constant 0 : i32
    %dma_start3A_89 = tpu.memref_slice %arg9[%dma_start3A_86, %dma_start3A_87, %dma_start3A_88] : memref<2x128x128xf32, #tpu.memory_space<vmem>> -> memref<1x128x128xf32, #tpu.memory_space<vmem>>
    %dma_start3A_90 = tpu.memref_squeeze %dma_start3A_89 : memref<1x128x128xf32, #tpu.memory_space<vmem>> -> memref<128x128xf32, #tpu.memory_space<vmem>>
    %dma_start3A_91 = arith.constant 0 : i32
    %dma_start3A_92 = tpu.memref_slice %arg7[%dma_start3A_85, %dma_start3A_91] : memref<40x128xi32, #tpu.memory_space<vmem>> -> memref<1x128xi32, #tpu.memory_space<vmem>>
    %dma_start3A_93 = tpu.memref_squeeze %dma_start3A_92 : memref<1x128xi32, #tpu.memory_space<vmem>> -> memref<128xi32, #tpu.memory_space<vmem>>
    %dma_start3A_94 = arith.constant 0 : i32
    %dma_start3A_95 = arith.constant 0 : i32
    %dma_start3A_96 = tpu.memref_slice %arg2[%dma_start3A_94, %dma_start3A_95] : memref<10000x128xf32, #tpu.memory_space<hbm>> -> memref<10000x128xf32, #tpu.memory_space<hbm>>
    tpu.enqueue_indirect_dma source(%dma_start3A_96 : memref<10000x128xf32, #tpu.memory_space<hbm>>) target(%dma_start3A_90 : memref<128x128xf32, #tpu.memory_space<vmem>>) offsets(%dma_start3A_93 : memref<128xi32, #tpu.memory_space<vmem>>) semaphore(%arg12 : memref<!tpu.dma_semaphore, #tpu.memory_space<semaphore_mem>>)
    %scan3A = arith.constant 0 : i32
    %scan3A_97 = arith.constant 0 : i32
    %scan3A_98 = arith.constant 19 : i32
    %scan3A_99 = arith.addi %scan3A_97, %scan3A_98 : i32
    %scan3A_100 = arith.constant 1 : i32
    scf.for %scan3A_263 = %scan3A_97 to %scan3A_99 step %scan3A_100  : i32 {
      %mul3A_264 = arith.constant 2 : i32
      %mul3A_265 = arith.muli %mul3A_264, %scan3A_263 : i32
      %add3A_266 = arith.constant 1 : i32
      %add3A_267 = arith.addi %mul3A_265, %add3A_266 : i32
      %add3A_268 = arith.constant 0 : i32
      %add3A_269 = arith.addi %add3A_267, %add3A_268 : i32
      %dma_wait3A_270 = arith.constant 1 : i32
      %dma_wait3A_271 = arith.constant 0 : i32
      %dma_wait3A_272 = arith.constant 0 : i32
      %dma_wait3A_273 = tpu.memref_slice %arg9[%dma_wait3A_270, %dma_wait3A_271, %dma_wait3A_272] : memref<2x128x128xf32, #tpu.memory_space<vmem>> -> memref<1x128x128xf32, #tpu.memory_space<vmem>>
      %dma_wait3A_274 = tpu.memref_squeeze %dma_wait3A_273 : memref<1x128x128xf32, #tpu.memory_space<vmem>> -> memref<128x128xf32, #tpu.memory_space<vmem>>
      %dma_wait3A_275 = arith.constant 0 : i32
      %dma_wait3A_276 = tpu.memref_slice %arg7[%add3A_269, %dma_wait3A_275] : memref<40x128xi32, #tpu.memory_space<vmem>> -> memref<1x128xi32, #tpu.memory_space<vmem>>
      %dma_wait3A_277 = tpu.memref_squeeze %dma_wait3A_276 : memref<1x128xi32, #tpu.memory_space<vmem>> -> memref<128xi32, #tpu.memory_space<vmem>>
      %dma_wait3A_278 = arith.constant 0 : i32
      %dma_wait3A_279 = arith.constant 0 : i32
      %dma_wait3A_280 = tpu.memref_slice %arg2[%dma_wait3A_278, %dma_wait3A_279] : memref<10000x128xf32, #tpu.memory_space<hbm>> -> memref<10000x128xf32, #tpu.memory_space<hbm>>
      tpu.wait_indirect_dma semaphore(%arg12 : memref<!tpu.dma_semaphore, #tpu.memory_space<semaphore_mem>>) src(%dma_wait3A_280 : memref<10000x128xf32, #tpu.memory_space<hbm>>) dst(%dma_wait3A_274 : memref<128x128xf32, #tpu.memory_space<vmem>>)
      %dma_start3A_281 = arith.constant 1 : i32
      %dma_start3A_282 = arith.constant 0 : i32
      %dma_start3A_283 = arith.constant 0 : i32
      %dma_start3A_284 = tpu.memref_slice %arg9[%dma_start3A_281, %dma_start3A_282, %dma_start3A_283] : memref<2x128x128xf32, #tpu.memory_space<vmem>> -> memref<1x128x128xf32, #tpu.memory_space<vmem>>
      %dma_start3A_285 = tpu.memref_squeeze %dma_start3A_284 : memref<1x128x128xf32, #tpu.memory_space<vmem>> -> memref<128x128xf32, #tpu.memory_space<vmem>>
      %dma_start3A_286 = arith.constant 0 : i32
      %dma_start3A_287 = tpu.memref_slice %arg8[%add3A_269, %dma_start3A_286] : memref<40x128xi32, #tpu.memory_space<vmem>> -> memref<1x128xi32, #tpu.memory_space<vmem>>
      %dma_start3A_288 = tpu.memref_squeeze %dma_start3A_287 : memref<1x128xi32, #tpu.memory_space<vmem>> -> memref<128xi32, #tpu.memory_space<vmem>>
      %dma_start3A_289 = arith.constant 0 : i32
      %dma_start3A_290 = arith.constant 0 : i32
      %dma_start3A_291 = tpu.memref_slice %arg10[%dma_start3A_289, %dma_start3A_290] : memref<10480x128xf32, #tpu.memory_space<vmem_shared>> -> memref<10480x128xf32, #tpu.memory_space<vmem_shared>>
      tpu.enqueue_indirect_dma source(%dma_start3A_285 : memref<128x128xf32, #tpu.memory_space<vmem>>) target(%dma_start3A_291 : memref<10480x128xf32, #tpu.memory_space<vmem_shared>>) offsets(%dma_start3A_288 : memref<128xi32, #tpu.memory_space<vmem>>) semaphore(%arg14 : memref<!tpu.dma_semaphore, #tpu.memory_space<semaphore_mem>>) {add = true}
      %sub3A = arith.constant 1 : i32
      %sub3A_292 = arith.subi %add3A_269, %sub3A : i32
      %dma_wait3A_293 = arith.constant 0 : i32
      %dma_wait3A_294 = arith.constant 0 : i32
      %dma_wait3A_295 = arith.constant 0 : i32
      %dma_wait3A_296 = tpu.memref_slice %arg9[%dma_wait3A_293, %dma_wait3A_294, %dma_wait3A_295] : memref<2x128x128xf32, #tpu.memory_space<vmem>> -> memref<1x128x128xf32, #tpu.memory_space<vmem>>
      %dma_wait3A_297 = tpu.memref_squeeze %dma_wait3A_296 : memref<1x128x128xf32, #tpu.memory_space<vmem>> -> memref<128x128xf32, #tpu.memory_space<vmem>>
      %dma_wait3A_298 = arith.constant 0 : i32
      %dma_wait3A_299 = tpu.memref_slice %arg8[%sub3A_292, %dma_wait3A_298] : memref<40x128xi32, #tpu.memory_space<vmem>> -> memref<1x128xi32, #tpu.memory_space<vmem>>
      %dma_wait3A_300 = tpu.memref_squeeze %dma_wait3A_299 : memref<1x128xi32, #tpu.memory_space<vmem>> -> memref<128xi32, #tpu.memory_space<vmem>>
      %dma_wait3A_301 = arith.constant 0 : i32
      %dma_wait3A_302 = arith.constant 0 : i32
      %dma_wait3A_303 = tpu.memref_slice %arg10[%dma_wait3A_301, %dma_wait3A_302] : memref<10480x128xf32, #tpu.memory_space<vmem_shared>> -> memref<10480x128xf32, #tpu.memory_space<vmem_shared>>
      tpu.wait_indirect_dma semaphore(%arg13 : memref<!tpu.dma_semaphore, #tpu.memory_space<semaphore_mem>>) src(%dma_wait3A_297 : memref<128x128xf32, #tpu.memory_space<vmem>>) dst(%dma_wait3A_303 : memref<10480x128xf32, #tpu.memory_space<vmem_shared>>)
      %add3A_304 = arith.constant 1 : i32
      %add3A_305 = arith.addi %add3A_269, %add3A_304 : i32
      %dma_start3A_306 = arith.constant 0 : i32
      %dma_start3A_307 = arith.constant 0 : i32
      %dma_start3A_308 = arith.constant 0 : i32
      %dma_start3A_309 = tpu.memref_slice %arg9[%dma_start3A_306, %dma_start3A_307, %dma_start3A_308] : memref<2x128x128xf32, #tpu.memory_space<vmem>> -> memref<1x128x128xf32, #tpu.memory_space<vmem>>
      %dma_start3A_310 = tpu.memref_squeeze %dma_start3A_309 : memref<1x128x128xf32, #tpu.memory_space<vmem>> -> memref<128x128xf32, #tpu.memory_space<vmem>>
      %dma_start3A_311 = arith.constant 0 : i32
      %dma_start3A_312 = tpu.memref_slice %arg7[%add3A_305, %dma_start3A_311] : memref<40x128xi32, #tpu.memory_space<vmem>> -> memref<1x128xi32, #tpu.memory_space<vmem>>
      %dma_start3A_313 = tpu.memref_squeeze %dma_start3A_312 : memref<1x128xi32, #tpu.memory_space<vmem>> -> memref<128xi32, #tpu.memory_space<vmem>>
      %dma_start3A_314 = arith.constant 0 : i32
      %dma_start3A_315 = arith.constant 0 : i32
      %dma_start3A_316 = tpu.memref_slice %arg2[%dma_start3A_314, %dma_start3A_315] : memref<10000x128xf32, #tpu.memory_space<hbm>> -> memref<10000x128xf32, #tpu.memory_space<hbm>>
      tpu.enqueue_indirect_dma source(%dma_start3A_316 : memref<10000x128xf32, #tpu.memory_space<hbm>>) target(%dma_start3A_310 : memref<128x128xf32, #tpu.memory_space<vmem>>) offsets(%dma_start3A_313 : memref<128xi32, #tpu.memory_space<vmem>>) semaphore(%arg11 : memref<!tpu.dma_semaphore, #tpu.memory_space<semaphore_mem>>)
      %mul3A_317 = arith.constant 2 : i32
      %mul3A_318 = arith.muli %mul3A_317, %scan3A_263 : i32
      %add3A_319 = arith.constant 1 : i32
      %add3A_320 = arith.addi %mul3A_318, %add3A_319 : i32
      %add3A_321 = arith.constant 1 : i32
      %add3A_322 = arith.addi %add3A_320, %add3A_321 : i32
      %dma_wait3A_323 = arith.constant 0 : i32
      %dma_wait3A_324 = arith.constant 0 : i32
      %dma_wait3A_325 = arith.constant 0 : i32
      %dma_wait3A_326 = tpu.memref_slice %arg9[%dma_wait3A_323, %dma_wait3A_324, %dma_wait3A_325] : memref<2x128x128xf32, #tpu.memory_space<vmem>> -> memref<1x128x128xf32, #tpu.memory_space<vmem>>
      %dma_wait3A_327 = tpu.memref_squeeze %dma_wait3A_326 : memref<1x128x128xf32, #tpu.memory_space<vmem>> -> memref<128x128xf32, #tpu.memory_space<vmem>>
      %dma_wait3A_328 = arith.constant 0 : i32
      %dma_wait3A_329 = tpu.memref_slice %arg7[%add3A_322, %dma_wait3A_328] : memref<40x128xi32, #tpu.memory_space<vmem>> -> memref<1x128xi32, #tpu.memory_space<vmem>>
      %dma_wait3A_330 = tpu.memref_squeeze %dma_wait3A_329 : memref<1x128xi32, #tpu.memory_space<vmem>> -> memref<128xi32, #tpu.memory_space<vmem>>
      %dma_wait3A_331 = arith.constant 0 : i32
      %dma_wait3A_332 = arith.constant 0 : i32
      %dma_wait3A_333 = tpu.memref_slice %arg2[%dma_wait3A_331, %dma_wait3A_332] : memref<10000x128xf32, #tpu.memory_space<hbm>> -> memref<10000x128xf32, #tpu.memory_space<hbm>>
      tpu.wait_indirect_dma semaphore(%arg11 : memref<!tpu.dma_semaphore, #tpu.memory_space<semaphore_mem>>) src(%dma_wait3A_333 : memref<10000x128xf32, #tpu.memory_space<hbm>>) dst(%dma_wait3A_327 : memref<128x128xf32, #tpu.memory_space<vmem>>)
      %dma_start3A_334 = arith.constant 0 : i32
      %dma_start3A_335 = arith.constant 0 : i32
      %dma_start3A_336 = arith.constant 0 : i32
      %dma_start3A_337 = tpu.memref_slice %arg9[%dma_start3A_334, %dma_start3A_335, %dma_start3A_336] : memref<2x128x128xf32, #tpu.memory_space<vmem>> -> memref<1x128x128xf32, #tpu.memory_space<vmem>>
      %dma_start3A_338 = tpu.memref_squeeze %dma_start3A_337 : memref<1x128x128xf32, #tpu.memory_space<vmem>> -> memref<128x128xf32, #tpu.memory_space<vmem>>
      %dma_start3A_339 = arith.constant 0 : i32
      %dma_start3A_340 = tpu.memref_slice %arg8[%add3A_322, %dma_start3A_339] : memref<40x128xi32, #tpu.memory_space<vmem>> -> memref<1x128xi32, #tpu.memory_space<vmem>>
      %dma_start3A_341 = tpu.memref_squeeze %dma_start3A_340 : memref<1x128xi32, #tpu.memory_space<vmem>> -> memref<128xi32, #tpu.memory_space<vmem>>
      %dma_start3A_342 = arith.constant 0 : i32
      %dma_start3A_343 = arith.constant 0 : i32
      %dma_start3A_344 = tpu.memref_slice %arg10[%dma_start3A_342, %dma_start3A_343] : memref<10480x128xf32, #tpu.memory_space<vmem_shared>> -> memref<10480x128xf32, #tpu.memory_space<vmem_shared>>
      tpu.enqueue_indirect_dma source(%dma_start3A_338 : memref<128x128xf32, #tpu.memory_space<vmem>>) target(%dma_start3A_344 : memref<10480x128xf32, #tpu.memory_space<vmem_shared>>) offsets(%dma_start3A_341 : memref<128xi32, #tpu.memory_space<vmem>>) semaphore(%arg13 : memref<!tpu.dma_semaphore, #tpu.memory_space<semaphore_mem>>) {add = true}
      %sub3A_345 = arith.constant 1 : i32
      %sub3A_346 = arith.subi %add3A_322, %sub3A_345 : i32
      %dma_wait3A_347 = arith.constant 1 : i32
      %dma_wait3A_348 = arith.constant 0 : i32
      %dma_wait3A_349 = arith.constant 0 : i32
      %dma_wait3A_350 = tpu.memref_slice %arg9[%dma_wait3A_347, %dma_wait3A_348, %dma_wait3A_349] : memref<2x128x128xf32, #tpu.memory_space<vmem>> -> memref<1x128x128xf32, #tpu.memory_space<vmem>>
      %dma_wait3A_351 = tpu.memref_squeeze %dma_wait3A_350 : memref<1x128x128xf32, #tpu.memory_space<vmem>> -> memref<128x128xf32, #tpu.memory_space<vmem>>
      %dma_wait3A_352 = arith.constant 0 : i32
      %dma_wait3A_353 = tpu.memref_slice %arg8[%sub3A_346, %dma_wait3A_352] : memref<40x128xi32, #tpu.memory_space<vmem>> -> memref<1x128xi32, #tpu.memory_space<vmem>>
      %dma_wait3A_354 = tpu.memref_squeeze %dma_wait3A_353 : memref<1x128xi32, #tpu.memory_space<vmem>> -> memref<128xi32, #tpu.memory_space<vmem>>
      %dma_wait3A_355 = arith.constant 0 : i32
      %dma_wait3A_356 = arith.constant 0 : i32
      %dma_wait3A_357 = tpu.memref_slice %arg10[%dma_wait3A_355, %dma_wait3A_356] : memref<10480x128xf32, #tpu.memory_space<vmem_shared>> -> memref<10480x128xf32, #tpu.memory_space<vmem_shared>>
      tpu.wait_indirect_dma semaphore(%arg14 : memref<!tpu.dma_semaphore, #tpu.memory_space<semaphore_mem>>) src(%dma_wait3A_351 : memref<128x128xf32, #tpu.memory_space<vmem>>) dst(%dma_wait3A_357 : memref<10480x128xf32, #tpu.memory_space<vmem_shared>>)
      %add3A_358 = arith.constant 1 : i32
      %add3A_359 = arith.addi %add3A_322, %add3A_358 : i32
      %dma_start3A_360 = arith.constant 1 : i32
      %dma_start3A_361 = arith.constant 0 : i32
      %dma_start3A_362 = arith.constant 0 : i32
      %dma_start3A_363 = tpu.memref_slice %arg9[%dma_start3A_360, %dma_start3A_361, %dma_start3A_362] : memref<2x128x128xf32, #tpu.memory_space<vmem>> -> memref<1x128x128xf32, #tpu.memory_space<vmem>>
      %dma_start3A_364 = tpu.memref_squeeze %dma_start3A_363 : memref<1x128x128xf32, #tpu.memory_space<vmem>> -> memref<128x128xf32, #tpu.memory_space<vmem>>
      %dma_start3A_365 = arith.constant 0 : i32
      %dma_start3A_366 = tpu.memref_slice %arg7[%add3A_359, %dma_start3A_365] : memref<40x128xi32, #tpu.memory_space<vmem>> -> memref<1x128xi32, #tpu.memory_space<vmem>>
      %dma_start3A_367 = tpu.memref_squeeze %dma_start3A_366 : memref<1x128xi32, #tpu.memory_space<vmem>> -> memref<128xi32, #tpu.memory_space<vmem>>
      %dma_start3A_368 = arith.constant 0 : i32
      %dma_start3A_369 = arith.constant 0 : i32
      %dma_start3A_370 = tpu.memref_slice %arg2[%dma_start3A_368, %dma_start3A_369] : memref<10000x128xf32, #tpu.memory_space<hbm>> -> memref<10000x128xf32, #tpu.memory_space<hbm>>
      tpu.enqueue_indirect_dma source(%dma_start3A_370 : memref<10000x128xf32, #tpu.memory_space<hbm>>) target(%dma_start3A_364 : memref<128x128xf32, #tpu.memory_space<vmem>>) offsets(%dma_start3A_367 : memref<128xi32, #tpu.memory_space<vmem>>) semaphore(%arg12 : memref<!tpu.dma_semaphore, #tpu.memory_space<semaphore_mem>>)
    }
    %scan3A_101 = arith.constant 19 : i32
    %dma_wait3A_102 = arith.constant 39 : i32
    %dma_wait3A_103 = arith.constant 1 : i32
    %dma_wait3A_104 = arith.constant 0 : i32
    %dma_wait3A_105 = arith.constant 0 : i32
    %dma_wait3A_106 = tpu.memref_slice %arg9[%dma_wait3A_103, %dma_wait3A_104, %dma_wait3A_105] : memref<2x128x128xf32, #tpu.memory_space<vmem>> -> memref<1x128x128xf32, #tpu.memory_space<vmem>>
    %dma_wait3A_107 = tpu.memref_squeeze %dma_wait3A_106 : memref<1x128x128xf32, #tpu.memory_space<vmem>> -> memref<128x128xf32, #tpu.memory_space<vmem>>
    %dma_wait3A_108 = arith.constant 0 : i32
    %dma_wait3A_109 = tpu.memref_slice %arg7[%dma_wait3A_102, %dma_wait3A_108] : memref<40x128xi32, #tpu.memory_space<vmem>> -> memref<1x128xi32, #tpu.memory_space<vmem>>
    %dma_wait3A_110 = tpu.memref_squeeze %dma_wait3A_109 : memref<1x128xi32, #tpu.memory_space<vmem>> -> memref<128xi32, #tpu.memory_space<vmem>>
    %dma_wait3A_111 = arith.constant 0 : i32
    %dma_wait3A_112 = arith.constant 0 : i32
    %dma_wait3A_113 = tpu.memref_slice %arg2[%dma_wait3A_111, %dma_wait3A_112] : memref<10000x128xf32, #tpu.memory_space<hbm>> -> memref<10000x128xf32, #tpu.memory_space<hbm>>
    tpu.wait_indirect_dma semaphore(%arg12 : memref<!tpu.dma_semaphore, #tpu.memory_space<semaphore_mem>>) src(%dma_wait3A_113 : memref<10000x128xf32, #tpu.memory_space<hbm>>) dst(%dma_wait3A_107 : memref<128x128xf32, #tpu.memory_space<vmem>>)
    %dma_start3A_114 = arith.constant 1 : i32
    %dma_start3A_115 = arith.constant 39 : i32
    %dma_start3A_116 = arith.constant 0 : i32
    %dma_start3A_117 = arith.constant 0 : i32
    %dma_start3A_118 = tpu.memref_slice %arg9[%dma_start3A_114, %dma_start3A_116, %dma_start3A_117] : memref<2x128x128xf32, #tpu.memory_space<vmem>> -> memref<1x128x128xf32, #tpu.memory_space<vmem>>
    %dma_start3A_119 = tpu.memref_squeeze %dma_start3A_118 : memref<1x128x128xf32, #tpu.memory_space<vmem>> -> memref<128x128xf32, #tpu.memory_space<vmem>>
    %dma_start3A_120 = arith.constant 0 : i32
    %dma_start3A_121 = tpu.memref_slice %arg8[%dma_start3A_115, %dma_start3A_120] : memref<40x128xi32, #tpu.memory_space<vmem>> -> memref<1x128xi32, #tpu.memory_space<vmem>>
    %dma_start3A_122 = tpu.memref_squeeze %dma_start3A_121 : memref<1x128xi32, #tpu.memory_space<vmem>> -> memref<128xi32, #tpu.memory_space<vmem>>
    %dma_start3A_123 = arith.constant 0 : i32
    %dma_start3A_124 = arith.constant 0 : i32
    %dma_start3A_125 = tpu.memref_slice %arg10[%dma_start3A_123, %dma_start3A_124] : memref<10480x128xf32, #tpu.memory_space<vmem_shared>> -> memref<10480x128xf32, #tpu.memory_space<vmem_shared>>
    tpu.enqueue_indirect_dma source(%dma_start3A_119 : memref<128x128xf32, #tpu.memory_space<vmem>>) target(%dma_start3A_125 : memref<10480x128xf32, #tpu.memory_space<vmem_shared>>) offsets(%dma_start3A_122 : memref<128xi32, #tpu.memory_space<vmem>>) semaphore(%arg14 : memref<!tpu.dma_semaphore, #tpu.memory_space<semaphore_mem>>) {add = true}
    %dma_wait3A_126 = arith.constant 0 : i32
    %dma_wait3A_127 = arith.constant 38 : i32
    %dma_wait3A_128 = arith.constant 0 : i32
    %dma_wait3A_129 = arith.constant 0 : i32
    %dma_wait3A_130 = tpu.memref_slice %arg9[%dma_wait3A_126, %dma_wait3A_128, %dma_wait3A_129] : memref<2x128x128xf32, #tpu.memory_space<vmem>> -> memref<1x128x128xf32, #tpu.memory_space<vmem>>
    %dma_wait3A_131 = tpu.memref_squeeze %dma_wait3A_130 : memref<1x128x128xf32, #tpu.memory_space<vmem>> -> memref<128x128xf32, #tpu.memory_space<vmem>>
    %dma_wait3A_132 = arith.constant 0 : i32
    %dma_wait3A_133 = tpu.memref_slice %arg8[%dma_wait3A_127, %dma_wait3A_132] : memref<40x128xi32, #tpu.memory_space<vmem>> -> memref<1x128xi32, #tpu.memory_space<vmem>>
    %dma_wait3A_134 = tpu.memref_squeeze %dma_wait3A_133 : memref<1x128xi32, #tpu.memory_space<vmem>> -> memref<128xi32, #tpu.memory_space<vmem>>
    %dma_wait3A_135 = arith.constant 0 : i32
    %dma_wait3A_136 = arith.constant 0 : i32
    %dma_wait3A_137 = tpu.memref_slice %arg10[%dma_wait3A_135, %dma_wait3A_136] : memref<10480x128xf32, #tpu.memory_space<vmem_shared>> -> memref<10480x128xf32, #tpu.memory_space<vmem_shared>>
    tpu.wait_indirect_dma semaphore(%arg13 : memref<!tpu.dma_semaphore, #tpu.memory_space<semaphore_mem>>) src(%dma_wait3A_131 : memref<128x128xf32, #tpu.memory_space<vmem>>) dst(%dma_wait3A_137 : memref<10480x128xf32, #tpu.memory_space<vmem_shared>>)
    %dma_wait3A_138 = arith.constant 1 : i32
    %dma_wait3A_139 = arith.constant 39 : i32
    %dma_wait3A_140 = arith.constant 0 : i32
    %dma_wait3A_141 = arith.constant 0 : i32
    %dma_wait3A_142 = tpu.memref_slice %arg9[%dma_wait3A_138, %dma_wait3A_140, %dma_wait3A_141] : memref<2x128x128xf32, #tpu.memory_space<vmem>> -> memref<1x128x128xf32, #tpu.memory_space<vmem>>
    %dma_wait3A_143 = tpu.memref_squeeze %dma_wait3A_142 : memref<1x128x128xf32, #tpu.memory_space<vmem>> -> memref<128x128xf32, #tpu.memory_space<vmem>>
    %dma_wait3A_144 = arith.constant 0 : i32
    %dma_wait3A_145 = tpu.memref_slice %arg8[%dma_wait3A_139, %dma_wait3A_144] : memref<40x128xi32, #tpu.memory_space<vmem>> -> memref<1x128xi32, #tpu.memory_space<vmem>>
    %dma_wait3A_146 = tpu.memref_squeeze %dma_wait3A_145 : memref<1x128xi32, #tpu.memory_space<vmem>> -> memref<128xi32, #tpu.memory_space<vmem>>
    %dma_wait3A_147 = arith.constant 0 : i32
    %dma_wait3A_148 = arith.constant 0 : i32
    %dma_wait3A_149 = tpu.memref_slice %arg10[%dma_wait3A_147, %dma_wait3A_148] : memref<10480x128xf32, #tpu.memory_space<vmem_shared>> -> memref<10480x128xf32, #tpu.memory_space<vmem_shared>>
    tpu.wait_indirect_dma semaphore(%arg14 : memref<!tpu.dma_semaphore, #tpu.memory_space<semaphore_mem>>) src(%dma_wait3A_143 : memref<128x128xf32, #tpu.memory_space<vmem>>) dst(%dma_wait3A_149 : memref<10480x128xf32, #tpu.memory_space<vmem_shared>>)
    "tpu.region"() ({
      %run_scoped3A = tpu.sem_alloc : memref<!tpu.dma_semaphore, #tpu.memory_space<semaphore_mem>>
      %dma_start3A_263 = arith.constant 40 : i32
      %dma_start3A_264 = arith.constant 0 : i32
      %dma_start3A_265 = tpu.memref_slice %arg3[%add3A, %dma_start3A_263, %dma_start3A_264] : memref<32x80x128xi32, #tpu.memory_space<hbm>> -> memref<1x40x128xi32, #tpu.memory_space<hbm>>
      %dma_start3A_266 = tpu.memref_squeeze %dma_start3A_265 : memref<1x40x128xi32, #tpu.memory_space<hbm>> -> memref<40x128xi32, #tpu.memory_space<hbm>>
      %dma_start3A_267 = arith.constant 40 : i32
      %dma_start3A_268 = arith.constant 0 : i32
      %dma_start3A_269 = tpu.memref_slice %arg3[%add3A, %dma_start3A_267, %dma_start3A_268] : memref<32x80x128xi32, #tpu.memory_space<hbm>> -> memref<1x40x128xi32, #tpu.memory_space<hbm>>
      %dma_start3A_270 = tpu.memref_squeeze %dma_start3A_269 : memref<1x40x128xi32, #tpu.memory_space<hbm>> -> memref<40x128xi32, #tpu.memory_space<hbm>>
      tpu.enqueue_dma source(%dma_start3A_270 : memref<40x128xi32, #tpu.memory_space<hbm>>) target(%arg7 : memref<40x128xi32, #tpu.memory_space<vmem>>) target_semaphore(%run_scoped3A : memref<!tpu.dma_semaphore, #tpu.memory_space<semaphore_mem>>)
      %dma_wait3A_271 = arith.constant 40 : i32
      %dma_wait3A_272 = arith.constant 0 : i32
      %dma_wait3A_273 = tpu.memref_slice %arg3[%add3A, %dma_wait3A_271, %dma_wait3A_272] : memref<32x80x128xi32, #tpu.memory_space<hbm>> -> memref<1x40x128xi32, #tpu.memory_space<hbm>>
      %dma_wait3A_274 = tpu.memref_squeeze %dma_wait3A_273 : memref<1x40x128xi32, #tpu.memory_space<hbm>> -> memref<40x128xi32, #tpu.memory_space<hbm>>
      %dma_wait3A_275 = arith.constant 40 : i32
      %dma_wait3A_276 = arith.constant 0 : i32
      %dma_wait3A_277 = tpu.memref_slice %arg3[%add3A, %dma_wait3A_275, %dma_wait3A_276] : memref<32x80x128xi32, #tpu.memory_space<hbm>> -> memref<1x40x128xi32, #tpu.memory_space<hbm>>
      %dma_wait3A_278 = tpu.memref_squeeze %dma_wait3A_277 : memref<1x40x128xi32, #tpu.memory_space<hbm>> -> memref<40x128xi32, #tpu.memory_space<hbm>>
      tpu.wait_dma2 semaphore(%run_scoped3A : memref<!tpu.dma_semaphore, #tpu.memory_space<semaphore_mem>>) src(%dma_wait3A_278 : memref<40x128xi32, #tpu.memory_space<hbm>>) dst(%arg7 : memref<40x128xi32, #tpu.memory_space<vmem>>)
      tpu.yield
    }) : () -> ()
    "tpu.region"() ({
      %run_scoped3A = tpu.sem_alloc : memref<!tpu.dma_semaphore, #tpu.memory_space<semaphore_mem>>
      %dma_start3A_263 = arith.constant 40 : i32
      %dma_start3A_264 = arith.constant 0 : i32
      %dma_start3A_265 = tpu.memref_slice %arg4[%add3A, %dma_start3A_263, %dma_start3A_264] : memref<32x80x128xi32, #tpu.memory_space<hbm>> -> memref<1x40x128xi32, #tpu.memory_space<hbm>>
      %dma_start3A_266 = tpu.memref_squeeze %dma_start3A_265 : memref<1x40x128xi32, #tpu.memory_space<hbm>> -> memref<40x128xi32, #tpu.memory_space<hbm>>
      %dma_start3A_267 = arith.constant 40 : i32
      %dma_start3A_268 = arith.constant 0 : i32
      %dma_start3A_269 = tpu.memref_slice %arg4[%add3A, %dma_start3A_267, %dma_start3A_268] : memref<32x80x128xi32, #tpu.memory_space<hbm>> -> memref<1x40x128xi32, #tpu.memory_space<hbm>>
      %dma_start3A_270 = tpu.memref_squeeze %dma_start3A_269 : memref<1x40x128xi32, #tpu.memory_space<hbm>> -> memref<40x128xi32, #tpu.memory_space<hbm>>
      tpu.enqueue_dma source(%dma_start3A_270 : memref<40x128xi32, #tpu.memory_space<hbm>>) target(%arg8 : memref<40x128xi32, #tpu.memory_space<vmem>>) target_semaphore(%run_scoped3A : memref<!tpu.dma_semaphore, #tpu.memory_space<semaphore_mem>>)
      %dma_wait3A_271 = arith.constant 40 : i32
      %dma_wait3A_272 = arith.constant 0 : i32
      %dma_wait3A_273 = tpu.memref_slice %arg4[%add3A, %dma_wait3A_271, %dma_wait3A_272] : memref<32x80x128xi32, #tpu.memory_space<hbm>> -> memref<1x40x128xi32, #tpu.memory_space<hbm>>
      %dma_wait3A_274 = tpu.memref_squeeze %dma_wait3A_273 : memref<1x40x128xi32, #tpu.memory_space<hbm>> -> memref<40x128xi32, #tpu.memory_space<hbm>>
      %dma_wait3A_275 = arith.constant 40 : i32
      %dma_wait3A_276 = arith.constant 0 : i32
      %dma_wait3A_277 = tpu.memref_slice %arg4[%add3A, %dma_wait3A_275, %dma_wait3A_276] : memref<32x80x128xi32, #tpu.memory_space<hbm>> -> memref<1x40x128xi32, #tpu.memory_space<hbm>>
      %dma_wait3A_278 = tpu.memref_squeeze %dma_wait3A_277 : memref<1x40x128xi32, #tpu.memory_space<hbm>> -> memref<40x128xi32, #tpu.memory_space<hbm>>
      tpu.wait_dma2 semaphore(%run_scoped3A : memref<!tpu.dma_semaphore, #tpu.memory_space<semaphore_mem>>) src(%dma_wait3A_278 : memref<40x128xi32, #tpu.memory_space<hbm>>) dst(%arg8 : memref<40x128xi32, #tpu.memory_space<vmem>>)
      tpu.yield
    }) : () -> ()
    %dma_start3A_150 = arith.constant 0 : i32
    %dma_start3A_151 = arith.constant 0 : i32
    %dma_start3A_152 = arith.constant 0 : i32
    %dma_start3A_153 = arith.constant 0 : i32
    %dma_start3A_154 = tpu.memref_slice %arg9[%dma_start3A_151, %dma_start3A_152, %dma_start3A_153] : memref<2x128x128xf32, #tpu.memory_space<vmem>> -> memref<1x128x128xf32, #tpu.memory_space<vmem>>
    %dma_start3A_155 = tpu.memref_squeeze %dma_start3A_154 : memref<1x128x128xf32, #tpu.memory_space<vmem>> -> memref<128x128xf32, #tpu.memory_space<vmem>>
    %dma_start3A_156 = arith.constant 0 : i32
    %dma_start3A_157 = tpu.memref_slice %arg7[%dma_start3A_150, %dma_start3A_156] : memref<40x128xi32, #tpu.memory_space<vmem>> -> memref<1x128xi32, #tpu.memory_space<vmem>>
    %dma_start3A_158 = tpu.memref_squeeze %dma_start3A_157 : memref<1x128xi32, #tpu.memory_space<vmem>> -> memref<128xi32, #tpu.memory_space<vmem>>
    %dma_start3A_159 = arith.constant 0 : i32
    %dma_start3A_160 = arith.constant 0 : i32
    %dma_start3A_161 = tpu.memref_slice %arg2[%dma_start3A_159, %dma_start3A_160] : memref<10000x128xf32, #tpu.memory_space<hbm>> -> memref<10000x128xf32, #tpu.memory_space<hbm>>
    tpu.enqueue_indirect_dma source(%dma_start3A_161 : memref<10000x128xf32, #tpu.memory_space<hbm>>) target(%dma_start3A_155 : memref<128x128xf32, #tpu.memory_space<vmem>>) offsets(%dma_start3A_158 : memref<128xi32, #tpu.memory_space<vmem>>) semaphore(%arg11 : memref<!tpu.dma_semaphore, #tpu.memory_space<semaphore_mem>>)
    %dma_wait3A_162 = arith.constant 0 : i32
    %dma_wait3A_163 = arith.constant 0 : i32
    %dma_wait3A_164 = arith.constant 0 : i32
    %dma_wait3A_165 = arith.constant 0 : i32
    %dma_wait3A_166 = tpu.memref_slice %arg9[%dma_wait3A_163, %dma_wait3A_164, %dma_wait3A_165] : memref<2x128x128xf32, #tpu.memory_space<vmem>> -> memref<1x128x128xf32, #tpu.memory_space<vmem>>
    %dma_wait3A_167 = tpu.memref_squeeze %dma_wait3A_166 : memref<1x128x128xf32, #tpu.memory_space<vmem>> -> memref<128x128xf32, #tpu.memory_space<vmem>>
    %dma_wait3A_168 = arith.constant 0 : i32
    %dma_wait3A_169 = tpu.memref_slice %arg7[%dma_wait3A_162, %dma_wait3A_168] : memref<40x128xi32, #tpu.memory_space<vmem>> -> memref<1x128xi32, #tpu.memory_space<vmem>>
    %dma_wait3A_170 = tpu.memref_squeeze %dma_wait3A_169 : memref<1x128xi32, #tpu.memory_space<vmem>> -> memref<128xi32, #tpu.memory_space<vmem>>
    %dma_wait3A_171 = arith.constant 0 : i32
    %dma_wait3A_172 = arith.constant 0 : i32
    %dma_wait3A_173 = tpu.memref_slice %arg2[%dma_wait3A_171, %dma_wait3A_172] : memref<10000x128xf32, #tpu.memory_space<hbm>> -> memref<10000x128xf32, #tpu.memory_space<hbm>>
    tpu.wait_indirect_dma semaphore(%arg11 : memref<!tpu.dma_semaphore, #tpu.memory_space<semaphore_mem>>) src(%dma_wait3A_173 : memref<10000x128xf32, #tpu.memory_space<hbm>>) dst(%dma_wait3A_167 : memref<128x128xf32, #tpu.memory_space<vmem>>)
    %dma_start3A_174 = arith.constant 0 : i32
    %dma_start3A_175 = arith.constant 0 : i32
    %dma_start3A_176 = arith.constant 0 : i32
    %dma_start3A_177 = arith.constant 0 : i32
    %dma_start3A_178 = tpu.memref_slice %arg9[%dma_start3A_174, %dma_start3A_176, %dma_start3A_177] : memref<2x128x128xf32, #tpu.memory_space<vmem>> -> memref<1x128x128xf32, #tpu.memory_space<vmem>>
    %dma_start3A_179 = tpu.memref_squeeze %dma_start3A_178 : memref<1x128x128xf32, #tpu.memory_space<vmem>> -> memref<128x128xf32, #tpu.memory_space<vmem>>
    %dma_start3A_180 = arith.constant 0 : i32
    %dma_start3A_181 = tpu.memref_slice %arg8[%dma_start3A_175, %dma_start3A_180] : memref<40x128xi32, #tpu.memory_space<vmem>> -> memref<1x128xi32, #tpu.memory_space<vmem>>
    %dma_start3A_182 = tpu.memref_squeeze %dma_start3A_181 : memref<1x128xi32, #tpu.memory_space<vmem>> -> memref<128xi32, #tpu.memory_space<vmem>>
    %dma_start3A_183 = arith.constant 0 : i32
    %dma_start3A_184 = arith.constant 0 : i32
    %dma_start3A_185 = tpu.memref_slice %arg10[%dma_start3A_183, %dma_start3A_184] : memref<10480x128xf32, #tpu.memory_space<vmem_shared>> -> memref<10480x128xf32, #tpu.memory_space<vmem_shared>>
    tpu.enqueue_indirect_dma source(%dma_start3A_179 : memref<128x128xf32, #tpu.memory_space<vmem>>) target(%dma_start3A_185 : memref<10480x128xf32, #tpu.memory_space<vmem_shared>>) offsets(%dma_start3A_182 : memref<128xi32, #tpu.memory_space<vmem>>) semaphore(%arg13 : memref<!tpu.dma_semaphore, #tpu.memory_space<semaphore_mem>>) {add = true}
    %dma_start3A_186 = arith.constant 1 : i32
    %dma_start3A_187 = arith.constant 1 : i32
    %dma_start3A_188 = arith.constant 0 : i32
    %dma_start3A_189 = arith.constant 0 : i32
    %dma_start3A_190 = tpu.memref_slice %arg9[%dma_start3A_187, %dma_start3A_188, %dma_start3A_189] : memref<2x128x128xf32, #tpu.memory_space<vmem>> -> memref<1x128x128xf32, #tpu.memory_space<vmem>>
    %dma_start3A_191 = tpu.memref_squeeze %dma_start3A_190 : memref<1x128x128xf32, #tpu.memory_space<vmem>> -> memref<128x128xf32, #tpu.memory_space<vmem>>
    %dma_start3A_192 = arith.constant 0 : i32
    %dma_start3A_193 = tpu.memref_slice %arg7[%dma_start3A_186, %dma_start3A_192] : memref<40x128xi32, #tpu.memory_space<vmem>> -> memref<1x128xi32, #tpu.memory_space<vmem>>
    %dma_start3A_194 = tpu.memref_squeeze %dma_start3A_193 : memref<1x128xi32, #tpu.memory_space<vmem>> -> memref<128xi32, #tpu.memory_space<vmem>>
    %dma_start3A_195 = arith.constant 0 : i32
    %dma_start3A_196 = arith.constant 0 : i32
    %dma_start3A_197 = tpu.memref_slice %arg2[%dma_start3A_195, %dma_start3A_196] : memref<10000x128xf32, #tpu.memory_space<hbm>> -> memref<10000x128xf32, #tpu.memory_space<hbm>>
    tpu.enqueue_indirect_dma source(%dma_start3A_197 : memref<10000x128xf32, #tpu.memory_space<hbm>>) target(%dma_start3A_191 : memref<128x128xf32, #tpu.memory_space<vmem>>) offsets(%dma_start3A_194 : memref<128xi32, #tpu.memory_space<vmem>>) semaphore(%arg12 : memref<!tpu.dma_semaphore, #tpu.memory_space<semaphore_mem>>)
    %scan3A_198 = arith.constant 0 : i32
    %scan3A_199 = arith.constant 0 : i32
    %scan3A_200 = arith.constant 19 : i32
    %scan3A_201 = arith.addi %scan3A_199, %scan3A_200 : i32
    %scan3A_202 = arith.constant 1 : i32
    scf.for %scan3A_263 = %scan3A_199 to %scan3A_201 step %scan3A_202  : i32 {
      %mul3A_264 = arith.constant 2 : i32
      %mul3A_265 = arith.muli %mul3A_264, %scan3A_263 : i32
      %add3A_266 = arith.constant 1 : i32
      %add3A_267 = arith.addi %mul3A_265, %add3A_266 : i32
      %add3A_268 = arith.constant 0 : i32
      %add3A_269 = arith.addi %add3A_267, %add3A_268 : i32
      %dma_wait3A_270 = arith.constant 1 : i32
      %dma_wait3A_271 = arith.constant 0 : i32
      %dma_wait3A_272 = arith.constant 0 : i32
      %dma_wait3A_273 = tpu.memref_slice %arg9[%dma_wait3A_270, %dma_wait3A_271, %dma_wait3A_272] : memref<2x128x128xf32, #tpu.memory_space<vmem>> -> memref<1x128x128xf32, #tpu.memory_space<vmem>>
      %dma_wait3A_274 = tpu.memref_squeeze %dma_wait3A_273 : memref<1x128x128xf32, #tpu.memory_space<vmem>> -> memref<128x128xf32, #tpu.memory_space<vmem>>
      %dma_wait3A_275 = arith.constant 0 : i32
      %dma_wait3A_276 = tpu.memref_slice %arg7[%add3A_269, %dma_wait3A_275] : memref<40x128xi32, #tpu.memory_space<vmem>> -> memref<1x128xi32, #tpu.memory_space<vmem>>
      %dma_wait3A_277 = tpu.memref_squeeze %dma_wait3A_276 : memref<1x128xi32, #tpu.memory_space<vmem>> -> memref<128xi32, #tpu.memory_space<vmem>>
      %dma_wait3A_278 = arith.constant 0 : i32
      %dma_wait3A_279 = arith.constant 0 : i32
      %dma_wait3A_280 = tpu.memref_slice %arg2[%dma_wait3A_278, %dma_wait3A_279] : memref<10000x128xf32, #tpu.memory_space<hbm>> -> memref<10000x128xf32, #tpu.memory_space<hbm>>
      tpu.wait_indirect_dma semaphore(%arg12 : memref<!tpu.dma_semaphore, #tpu.memory_space<semaphore_mem>>) src(%dma_wait3A_280 : memref<10000x128xf32, #tpu.memory_space<hbm>>) dst(%dma_wait3A_274 : memref<128x128xf32, #tpu.memory_space<vmem>>)
      %dma_start3A_281 = arith.constant 1 : i32
      %dma_start3A_282 = arith.constant 0 : i32
      %dma_start3A_283 = arith.constant 0 : i32
      %dma_start3A_284 = tpu.memref_slice %arg9[%dma_start3A_281, %dma_start3A_282, %dma_start3A_283] : memref<2x128x128xf32, #tpu.memory_space<vmem>> -> memref<1x128x128xf32, #tpu.memory_space<vmem>>
      %dma_start3A_285 = tpu.memref_squeeze %dma_start3A_284 : memref<1x128x128xf32, #tpu.memory_space<vmem>> -> memref<128x128xf32, #tpu.memory_space<vmem>>
      %dma_start3A_286 = arith.constant 0 : i32
      %dma_start3A_287 = tpu.memref_slice %arg8[%add3A_269, %dma_start3A_286] : memref<40x128xi32, #tpu.memory_space<vmem>> -> memref<1x128xi32, #tpu.memory_space<vmem>>
      %dma_start3A_288 = tpu.memref_squeeze %dma_start3A_287 : memref<1x128xi32, #tpu.memory_space<vmem>> -> memref<128xi32, #tpu.memory_space<vmem>>
      %dma_start3A_289 = arith.constant 0 : i32
      %dma_start3A_290 = arith.constant 0 : i32
      %dma_start3A_291 = tpu.memref_slice %arg10[%dma_start3A_289, %dma_start3A_290] : memref<10480x128xf32, #tpu.memory_space<vmem_shared>> -> memref<10480x128xf32, #tpu.memory_space<vmem_shared>>
      tpu.enqueue_indirect_dma source(%dma_start3A_285 : memref<128x128xf32, #tpu.memory_space<vmem>>) target(%dma_start3A_291 : memref<10480x128xf32, #tpu.memory_space<vmem_shared>>) offsets(%dma_start3A_288 : memref<128xi32, #tpu.memory_space<vmem>>) semaphore(%arg14 : memref<!tpu.dma_semaphore, #tpu.memory_space<semaphore_mem>>) {add = true}
      %sub3A = arith.constant 1 : i32
      %sub3A_292 = arith.subi %add3A_269, %sub3A : i32
      %dma_wait3A_293 = arith.constant 0 : i32
      %dma_wait3A_294 = arith.constant 0 : i32
      %dma_wait3A_295 = arith.constant 0 : i32
      %dma_wait3A_296 = tpu.memref_slice %arg9[%dma_wait3A_293, %dma_wait3A_294, %dma_wait3A_295] : memref<2x128x128xf32, #tpu.memory_space<vmem>> -> memref<1x128x128xf32, #tpu.memory_space<vmem>>
      %dma_wait3A_297 = tpu.memref_squeeze %dma_wait3A_296 : memref<1x128x128xf32, #tpu.memory_space<vmem>> -> memref<128x128xf32, #tpu.memory_space<vmem>>
      %dma_wait3A_298 = arith.constant 0 : i32
      %dma_wait3A_299 = tpu.memref_slice %arg8[%sub3A_292, %dma_wait3A_298] : memref<40x128xi32, #tpu.memory_space<vmem>> -> memref<1x128xi32, #tpu.memory_space<vmem>>
      %dma_wait3A_300 = tpu.memref_squeeze %dma_wait3A_299 : memref<1x128xi32, #tpu.memory_space<vmem>> -> memref<128xi32, #tpu.memory_space<vmem>>
      %dma_wait3A_301 = arith.constant 0 : i32
      %dma_wait3A_302 = arith.constant 0 : i32
      %dma_wait3A_303 = tpu.memref_slice %arg10[%dma_wait3A_301, %dma_wait3A_302] : memref<10480x128xf32, #tpu.memory_space<vmem_shared>> -> memref<10480x128xf32, #tpu.memory_space<vmem_shared>>
      tpu.wait_indirect_dma semaphore(%arg13 : memref<!tpu.dma_semaphore, #tpu.memory_space<semaphore_mem>>) src(%dma_wait3A_297 : memref<128x128xf32, #tpu.memory_space<vmem>>) dst(%dma_wait3A_303 : memref<10480x128xf32, #tpu.memory_space<vmem_shared>>)
      %add3A_304 = arith.constant 1 : i32
      %add3A_305 = arith.addi %add3A_269, %add3A_304 : i32
      %dma_start3A_306 = arith.constant 0 : i32
      %dma_start3A_307 = arith.constant 0 : i32
      %dma_start3A_308 = arith.constant 0 : i32
      %dma_start3A_309 = tpu.memref_slice %arg9[%dma_start3A_306, %dma_start3A_307, %dma_start3A_308] : memref<2x128x128xf32, #tpu.memory_space<vmem>> -> memref<1x128x128xf32, #tpu.memory_space<vmem>>
      %dma_start3A_310 = tpu.memref_squeeze %dma_start3A_309 : memref<1x128x128xf32, #tpu.memory_space<vmem>> -> memref<128x128xf32, #tpu.memory_space<vmem>>
      %dma_start3A_311 = arith.constant 0 : i32
      %dma_start3A_312 = tpu.memref_slice %arg7[%add3A_305, %dma_start3A_311] : memref<40x128xi32, #tpu.memory_space<vmem>> -> memref<1x128xi32, #tpu.memory_space<vmem>>
      %dma_start3A_313 = tpu.memref_squeeze %dma_start3A_312 : memref<1x128xi32, #tpu.memory_space<vmem>> -> memref<128xi32, #tpu.memory_space<vmem>>
      %dma_start3A_314 = arith.constant 0 : i32
      %dma_start3A_315 = arith.constant 0 : i32
      %dma_start3A_316 = tpu.memref_slice %arg2[%dma_start3A_314, %dma_start3A_315] : memref<10000x128xf32, #tpu.memory_space<hbm>> -> memref<10000x128xf32, #tpu.memory_space<hbm>>
      tpu.enqueue_indirect_dma source(%dma_start3A_316 : memref<10000x128xf32, #tpu.memory_space<hbm>>) target(%dma_start3A_310 : memref<128x128xf32, #tpu.memory_space<vmem>>) offsets(%dma_start3A_313 : memref<128xi32, #tpu.memory_space<vmem>>) semaphore(%arg11 : memref<!tpu.dma_semaphore, #tpu.memory_space<semaphore_mem>>)
      %mul3A_317 = arith.constant 2 : i32
      %mul3A_318 = arith.muli %mul3A_317, %scan3A_263 : i32
      %add3A_319 = arith.constant 1 : i32
      %add3A_320 = arith.addi %mul3A_318, %add3A_319 : i32
      %add3A_321 = arith.constant 1 : i32
      %add3A_322 = arith.addi %add3A_320, %add3A_321 : i32
      %dma_wait3A_323 = arith.constant 0 : i32
      %dma_wait3A_324 = arith.constant 0 : i32
      %dma_wait3A_325 = arith.constant 0 : i32
      %dma_wait3A_326 = tpu.memref_slice %arg9[%dma_wait3A_323, %dma_wait3A_324, %dma_wait3A_325] : memref<2x128x128xf32, #tpu.memory_space<vmem>> -> memref<1x128x128xf32, #tpu.memory_space<vmem>>
      %dma_wait3A_327 = tpu.memref_squeeze %dma_wait3A_326 : memref<1x128x128xf32, #tpu.memory_space<vmem>> -> memref<128x128xf32, #tpu.memory_space<vmem>>
      %dma_wait3A_328 = arith.constant 0 : i32
      %dma_wait3A_329 = tpu.memref_slice %arg7[%add3A_322, %dma_wait3A_328] : memref<40x128xi32, #tpu.memory_space<vmem>> -> memref<1x128xi32, #tpu.memory_space<vmem>>
      %dma_wait3A_330 = tpu.memref_squeeze %dma_wait3A_329 : memref<1x128xi32, #tpu.memory_space<vmem>> -> memref<128xi32, #tpu.memory_space<vmem>>
      %dma_wait3A_331 = arith.constant 0 : i32
      %dma_wait3A_332 = arith.constant 0 : i32
      %dma_wait3A_333 = tpu.memref_slice %arg2[%dma_wait3A_331, %dma_wait3A_332] : memref<10000x128xf32, #tpu.memory_space<hbm>> -> memref<10000x128xf32, #tpu.memory_space<hbm>>
      tpu.wait_indirect_dma semaphore(%arg11 : memref<!tpu.dma_semaphore, #tpu.memory_space<semaphore_mem>>) src(%dma_wait3A_333 : memref<10000x128xf32, #tpu.memory_space<hbm>>) dst(%dma_wait3A_327 : memref<128x128xf32, #tpu.memory_space<vmem>>)
      %dma_start3A_334 = arith.constant 0 : i32
      %dma_start3A_335 = arith.constant 0 : i32
      %dma_start3A_336 = arith.constant 0 : i32
      %dma_start3A_337 = tpu.memref_slice %arg9[%dma_start3A_334, %dma_start3A_335, %dma_start3A_336] : memref<2x128x128xf32, #tpu.memory_space<vmem>> -> memref<1x128x128xf32, #tpu.memory_space<vmem>>
      %dma_start3A_338 = tpu.memref_squeeze %dma_start3A_337 : memref<1x128x128xf32, #tpu.memory_space<vmem>> -> memref<128x128xf32, #tpu.memory_space<vmem>>
      %dma_start3A_339 = arith.constant 0 : i32
      %dma_start3A_340 = tpu.memref_slice %arg8[%add3A_322, %dma_start3A_339] : memref<40x128xi32, #tpu.memory_space<vmem>> -> memref<1x128xi32, #tpu.memory_space<vmem>>
      %dma_start3A_341 = tpu.memref_squeeze %dma_start3A_340 : memref<1x128xi32, #tpu.memory_space<vmem>> -> memref<128xi32, #tpu.memory_space<vmem>>
      %dma_start3A_342 = arith.constant 0 : i32
      %dma_start3A_343 = arith.constant 0 : i32
      %dma_start3A_344 = tpu.memref_slice %arg10[%dma_start3A_342, %dma_start3A_343] : memref<10480x128xf32, #tpu.memory_space<vmem_shared>> -> memref<10480x128xf32, #tpu.memory_space<vmem_shared>>
      tpu.enqueue_indirect_dma source(%dma_start3A_338 : memref<128x128xf32, #tpu.memory_space<vmem>>) target(%dma_start3A_344 : memref<10480x128xf32, #tpu.memory_space<vmem_shared>>) offsets(%dma_start3A_341 : memref<128xi32, #tpu.memory_space<vmem>>) semaphore(%arg13 : memref<!tpu.dma_semaphore, #tpu.memory_space<semaphore_mem>>) {add = true}
      %sub3A_345 = arith.constant 1 : i32
      %sub3A_346 = arith.subi %add3A_322, %sub3A_345 : i32
      %dma_wait3A_347 = arith.constant 1 : i32
      %dma_wait3A_348 = arith.constant 0 : i32
      %dma_wait3A_349 = arith.constant 0 : i32
      %dma_wait3A_350 = tpu.memref_slice %arg9[%dma_wait3A_347, %dma_wait3A_348, %dma_wait3A_349] : memref<2x128x128xf32, #tpu.memory_space<vmem>> -> memref<1x128x128xf32, #tpu.memory_space<vmem>>
      %dma_wait3A_351 = tpu.memref_squeeze %dma_wait3A_350 : memref<1x128x128xf32, #tpu.memory_space<vmem>> -> memref<128x128xf32, #tpu.memory_space<vmem>>
      %dma_wait3A_352 = arith.constant 0 : i32
      %dma_wait3A_353 = tpu.memref_slice %arg8[%sub3A_346, %dma_wait3A_352] : memref<40x128xi32, #tpu.memory_space<vmem>> -> memref<1x128xi32, #tpu.memory_space<vmem>>
      %dma_wait3A_354 = tpu.memref_squeeze %dma_wait3A_353 : memref<1x128xi32, #tpu.memory_space<vmem>> -> memref<128xi32, #tpu.memory_space<vmem>>
      %dma_wait3A_355 = arith.constant 0 : i32
      %dma_wait3A_356 = arith.constant 0 : i32
      %dma_wait3A_357 = tpu.memref_slice %arg10[%dma_wait3A_355, %dma_wait3A_356] : memref<10480x128xf32, #tpu.memory_space<vmem_shared>> -> memref<10480x128xf32, #tpu.memory_space<vmem_shared>>
      tpu.wait_indirect_dma semaphore(%arg14 : memref<!tpu.dma_semaphore, #tpu.memory_space<semaphore_mem>>) src(%dma_wait3A_351 : memref<128x128xf32, #tpu.memory_space<vmem>>) dst(%dma_wait3A_357 : memref<10480x128xf32, #tpu.memory_space<vmem_shared>>)
      %add3A_358 = arith.constant 1 : i32
      %add3A_359 = arith.addi %add3A_322, %add3A_358 : i32
      %dma_start3A_360 = arith.constant 1 : i32
      %dma_start3A_361 = arith.constant 0 : i32
      %dma_start3A_362 = arith.constant 0 : i32
      %dma_start3A_363 = tpu.memref_slice %arg9[%dma_start3A_360, %dma_start3A_361, %dma_start3A_362] : memref<2x128x128xf32, #tpu.memory_space<vmem>> -> memref<1x128x128xf32, #tpu.memory_space<vmem>>
      %dma_start3A_364 = tpu.memref_squeeze %dma_start3A_363 : memref<1x128x128xf32, #tpu.memory_space<vmem>> -> memref<128x128xf32, #tpu.memory_space<vmem>>
      %dma_start3A_365 = arith.constant 0 : i32
      %dma_start3A_366 = tpu.memref_slice %arg7[%add3A_359, %dma_start3A_365] : memref<40x128xi32, #tpu.memory_space<vmem>> -> memref<1x128xi32, #tpu.memory_space<vmem>>
      %dma_start3A_367 = tpu.memref_squeeze %dma_start3A_366 : memref<1x128xi32, #tpu.memory_space<vmem>> -> memref<128xi32, #tpu.memory_space<vmem>>
      %dma_start3A_368 = arith.constant 0 : i32
      %dma_start3A_369 = arith.constant 0 : i32
      %dma_start3A_370 = tpu.memref_slice %arg2[%dma_start3A_368, %dma_start3A_369] : memref<10000x128xf32, #tpu.memory_space<hbm>> -> memref<10000x128xf32, #tpu.memory_space<hbm>>
      tpu.enqueue_indirect_dma source(%dma_start3A_370 : memref<10000x128xf32, #tpu.memory_space<hbm>>) target(%dma_start3A_364 : memref<128x128xf32, #tpu.memory_space<vmem>>) offsets(%dma_start3A_367 : memref<128xi32, #tpu.memory_space<vmem>>) semaphore(%arg12 : memref<!tpu.dma_semaphore, #tpu.memory_space<semaphore_mem>>)
    }
    %scan3A_203 = arith.constant 19 : i32
    %dma_wait3A_204 = arith.constant 39 : i32
    %dma_wait3A_205 = arith.constant 1 : i32
    %dma_wait3A_206 = arith.constant 0 : i32
    %dma_wait3A_207 = arith.constant 0 : i32
    %dma_wait3A_208 = tpu.memref_slice %arg9[%dma_wait3A_205, %dma_wait3A_206, %dma_wait3A_207] : memref<2x128x128xf32, #tpu.memory_space<vmem>> -> memref<1x128x128xf32, #tpu.memory_space<vmem>>
    %dma_wait3A_209 = tpu.memref_squeeze %dma_wait3A_208 : memref<1x128x128xf32, #tpu.memory_space<vmem>> -> memref<128x128xf32, #tpu.memory_space<vmem>>
    %dma_wait3A_210 = arith.constant 0 : i32
    %dma_wait3A_211 = tpu.memref_slice %arg7[%dma_wait3A_204, %dma_wait3A_210] : memref<40x128xi32, #tpu.memory_space<vmem>> -> memref<1x128xi32, #tpu.memory_space<vmem>>
    %dma_wait3A_212 = tpu.memref_squeeze %dma_wait3A_211 : memref<1x128xi32, #tpu.memory_space<vmem>> -> memref<128xi32, #tpu.memory_space<vmem>>
    %dma_wait3A_213 = arith.constant 0 : i32
    %dma_wait3A_214 = arith.constant 0 : i32
    %dma_wait3A_215 = tpu.memref_slice %arg2[%dma_wait3A_213, %dma_wait3A_214] : memref<10000x128xf32, #tpu.memory_space<hbm>> -> memref<10000x128xf32, #tpu.memory_space<hbm>>
    tpu.wait_indirect_dma semaphore(%arg12 : memref<!tpu.dma_semaphore, #tpu.memory_space<semaphore_mem>>) src(%dma_wait3A_215 : memref<10000x128xf32, #tpu.memory_space<hbm>>) dst(%dma_wait3A_209 : memref<128x128xf32, #tpu.memory_space<vmem>>)
    %dma_start3A_216 = arith.constant 1 : i32
    %dma_start3A_217 = arith.constant 39 : i32
    %dma_start3A_218 = arith.constant 0 : i32
    %dma_start3A_219 = arith.constant 0 : i32
    %dma_start3A_220 = tpu.memref_slice %arg9[%dma_start3A_216, %dma_start3A_218, %dma_start3A_219] : memref<2x128x128xf32, #tpu.memory_space<vmem>> -> memref<1x128x128xf32, #tpu.memory_space<vmem>>
    %dma_start3A_221 = tpu.memref_squeeze %dma_start3A_220 : memref<1x128x128xf32, #tpu.memory_space<vmem>> -> memref<128x128xf32, #tpu.memory_space<vmem>>
    %dma_start3A_222 = arith.constant 0 : i32
    %dma_start3A_223 = tpu.memref_slice %arg8[%dma_start3A_217, %dma_start3A_222] : memref<40x128xi32, #tpu.memory_space<vmem>> -> memref<1x128xi32, #tpu.memory_space<vmem>>
    %dma_start3A_224 = tpu.memref_squeeze %dma_start3A_223 : memref<1x128xi32, #tpu.memory_space<vmem>> -> memref<128xi32, #tpu.memory_space<vmem>>
    %dma_start3A_225 = arith.constant 0 : i32
    %dma_start3A_226 = arith.constant 0 : i32
    %dma_start3A_227 = tpu.memref_slice %arg10[%dma_start3A_225, %dma_start3A_226] : memref<10480x128xf32, #tpu.memory_space<vmem_shared>> -> memref<10480x128xf32, #tpu.memory_space<vmem_shared>>
    tpu.enqueue_indirect_dma source(%dma_start3A_221 : memref<128x128xf32, #tpu.memory_space<vmem>>) target(%dma_start3A_227 : memref<10480x128xf32, #tpu.memory_space<vmem_shared>>) offsets(%dma_start3A_224 : memref<128xi32, #tpu.memory_space<vmem>>) semaphore(%arg14 : memref<!tpu.dma_semaphore, #tpu.memory_space<semaphore_mem>>) {add = true}
    %dma_wait3A_228 = arith.constant 0 : i32
    %dma_wait3A_229 = arith.constant 38 : i32
    %dma_wait3A_230 = arith.constant 0 : i32
    %dma_wait3A_231 = arith.constant 0 : i32
    %dma_wait3A_232 = tpu.memref_slice %arg9[%dma_wait3A_228, %dma_wait3A_230, %dma_wait3A_231] : memref<2x128x128xf32, #tpu.memory_space<vmem>> -> memref<1x128x128xf32, #tpu.memory_space<vmem>>
    %dma_wait3A_233 = tpu.memref_squeeze %dma_wait3A_232 : memref<1x128x128xf32, #tpu.memory_space<vmem>> -> memref<128x128xf32, #tpu.memory_space<vmem>>
    %dma_wait3A_234 = arith.constant 0 : i32
    %dma_wait3A_235 = tpu.memref_slice %arg8[%dma_wait3A_229, %dma_wait3A_234] : memref<40x128xi32, #tpu.memory_space<vmem>> -> memref<1x128xi32, #tpu.memory_space<vmem>>
    %dma_wait3A_236 = tpu.memref_squeeze %dma_wait3A_235 : memref<1x128xi32, #tpu.memory_space<vmem>> -> memref<128xi32, #tpu.memory_space<vmem>>
    %dma_wait3A_237 = arith.constant 0 : i32
    %dma_wait3A_238 = arith.constant 0 : i32
    %dma_wait3A_239 = tpu.memref_slice %arg10[%dma_wait3A_237, %dma_wait3A_238] : memref<10480x128xf32, #tpu.memory_space<vmem_shared>> -> memref<10480x128xf32, #tpu.memory_space<vmem_shared>>
    tpu.wait_indirect_dma semaphore(%arg13 : memref<!tpu.dma_semaphore, #tpu.memory_space<semaphore_mem>>) src(%dma_wait3A_233 : memref<128x128xf32, #tpu.memory_space<vmem>>) dst(%dma_wait3A_239 : memref<10480x128xf32, #tpu.memory_space<vmem_shared>>)
    %dma_wait3A_240 = arith.constant 1 : i32
    %dma_wait3A_241 = arith.constant 39 : i32
    %dma_wait3A_242 = arith.constant 0 : i32
    %dma_wait3A_243 = arith.constant 0 : i32
    %dma_wait3A_244 = tpu.memref_slice %arg9[%dma_wait3A_240, %dma_wait3A_242, %dma_wait3A_243] : memref<2x128x128xf32, #tpu.memory_space<vmem>> -> memref<1x128x128xf32, #tpu.memory_space<vmem>>
    %dma_wait3A_245 = tpu.memref_squeeze %dma_wait3A_244 : memref<1x128x128xf32, #tpu.memory_space<vmem>> -> memref<128x128xf32, #tpu.memory_space<vmem>>
    %dma_wait3A_246 = arith.constant 0 : i32
    %dma_wait3A_247 = tpu.memref_slice %arg8[%dma_wait3A_241, %dma_wait3A_246] : memref<40x128xi32, #tpu.memory_space<vmem>> -> memref<1x128xi32, #tpu.memory_space<vmem>>
    %dma_wait3A_248 = tpu.memref_squeeze %dma_wait3A_247 : memref<1x128xi32, #tpu.memory_space<vmem>> -> memref<128xi32, #tpu.memory_space<vmem>>
    %dma_wait3A_249 = arith.constant 0 : i32
    %dma_wait3A_250 = arith.constant 0 : i32
    %dma_wait3A_251 = tpu.memref_slice %arg10[%dma_wait3A_249, %dma_wait3A_250] : memref<10480x128xf32, #tpu.memory_space<vmem_shared>> -> memref<10480x128xf32, #tpu.memory_space<vmem_shared>>
    tpu.wait_indirect_dma semaphore(%arg14 : memref<!tpu.dma_semaphore, #tpu.memory_space<semaphore_mem>>) src(%dma_wait3A_245 : memref<128x128xf32, #tpu.memory_space<vmem>>) dst(%dma_wait3A_251 : memref<10480x128xf32, #tpu.memory_space<vmem_shared>>)
    %barrier3A_252 = arith.constant 0 : index
    tpu.barrier barrier_id(%barrier3A_252)
    %lt3A_253 = arith.constant 15 : i32
    %lt3A_254 = arith.cmpi slt, %arg1, %lt3A_253 : i32
    %convert_element_type3A_255 = arith.extui %lt3A_254 : i1 to i32
    %cond3A_256 = arith.constant 0 : i32
    %cond3A_257 = arith.cmpi ne, %convert_element_type3A_255, %cond3A_256 : i32
    scf.if %cond3A_257 {
      %mul3A_263 = arith.constant 656 : i32
      %mul3A_264 = arith.muli %arg1, %mul3A_263 : i32
      %mul3A_265 = arith.constant 656 : i32
      %mul3A_266 = arith.muli %arg1, %mul3A_265 : i32
      "tpu.region"() ({
        %run_scoped3A = tpu.sem_alloc : memref<!tpu.dma_semaphore, #tpu.memory_space<semaphore_mem>>
        %dma_start3A_267 = arith.constant 0 : i32
        %dma_start3A_268 = tpu.memref_slice %arg6[%arg0, %mul3A_266, %dma_start3A_267] : memref<2x10000x128xf32, #tpu.memory_space<hbm>> -> memref<1x656x128xf32, #tpu.memory_space<hbm>>
        %dma_start3A_269 = tpu.memref_squeeze %dma_start3A_268 : memref<1x656x128xf32, #tpu.memory_space<hbm>> -> memref<656x128xf32, #tpu.memory_space<hbm>>
        %dma_start3A_270 = arith.constant 0 : i32
        %dma_start3A_271 = tpu.memref_slice %arg10[%mul3A_264, %dma_start3A_270] : memref<10480x128xf32, #tpu.memory_space<vmem_shared>> -> memref<656x128xf32, #tpu.memory_space<vmem_shared>>
        tpu.enqueue_dma source(%dma_start3A_271 : memref<656x128xf32, #tpu.memory_space<vmem_shared>>) target(%dma_start3A_269 : memref<656x128xf32, #tpu.memory_space<hbm>>) target_semaphore(%run_scoped3A : memref<!tpu.dma_semaphore, #tpu.memory_space<semaphore_mem>>)
        %dma_wait3A_272 = arith.constant 0 : i32
        %dma_wait3A_273 = tpu.memref_slice %arg6[%arg0, %mul3A_266, %dma_wait3A_272] : memref<2x10000x128xf32, #tpu.memory_space<hbm>> -> memref<1x656x128xf32, #tpu.memory_space<hbm>>
        %dma_wait3A_274 = tpu.memref_squeeze %dma_wait3A_273 : memref<1x656x128xf32, #tpu.memory_space<hbm>> -> memref<656x128xf32, #tpu.memory_space<hbm>>
        %dma_wait3A_275 = arith.constant 0 : i32
        %dma_wait3A_276 = tpu.memref_slice %arg10[%mul3A_264, %dma_wait3A_275] : memref<10480x128xf32, #tpu.memory_space<vmem_shared>> -> memref<656x128xf32, #tpu.memory_space<vmem_shared>>
        tpu.wait_dma2 semaphore(%run_scoped3A : memref<!tpu.dma_semaphore, #tpu.memory_space<semaphore_mem>>) src(%dma_wait3A_276 : memref<656x128xf32, #tpu.memory_space<vmem_shared>>) dst(%dma_wait3A_274 : memref<656x128xf32, #tpu.memory_space<hbm>>)
        tpu.yield
      }) : () -> ()
    } else {
    }
    %eq3A_258 = arith.constant 15 : i32
    %eq3A_259 = arith.cmpi eq, %arg1, %eq3A_258 : i32
    %convert_element_type3A_260 = arith.extui %eq3A_259 : i1 to i32
    %cond3A_261 = arith.constant 0 : i32
    %cond3A_262 = arith.cmpi ne, %convert_element_type3A_260, %cond3A_261 : i32
    scf.if %cond3A_262 {
      %mul3A_263 = arith.constant 656 : i32
      %mul3A_264 = arith.muli %arg1, %mul3A_263 : i32
      %mul3A_265 = arith.constant 656 : i32
      %mul3A_266 = arith.muli %arg1, %mul3A_265 : i32
      "tpu.region"() ({
        %run_scoped3A = tpu.sem_alloc : memref<!tpu.dma_semaphore, #tpu.memory_space<semaphore_mem>>
        %dma_start3A_267 = arith.constant 0 : i32
        %dma_start3A_268 = tpu.memref_slice %arg6[%arg0, %mul3A_266, %dma_start3A_267] : memref<2x10000x128xf32, #tpu.memory_space<hbm>> -> memref<1x160x128xf32, #tpu.memory_space<hbm>>
        %dma_start3A_269 = tpu.memref_squeeze %dma_start3A_268 : memref<1x160x128xf32, #tpu.memory_space<hbm>> -> memref<160x128xf32, #tpu.memory_space<hbm>>
        %dma_start3A_270 = arith.constant 0 : i32
        %dma_start3A_271 = tpu.memref_slice %arg10[%mul3A_264, %dma_start3A_270] : memref<10480x128xf32, #tpu.memory_space<vmem_shared>> -> memref<160x128xf32, #tpu.memory_space<vmem_shared>>
        tpu.enqueue_dma source(%dma_start3A_271 : memref<160x128xf32, #tpu.memory_space<vmem_shared>>) target(%dma_start3A_269 : memref<160x128xf32, #tpu.memory_space<hbm>>) target_semaphore(%run_scoped3A : memref<!tpu.dma_semaphore, #tpu.memory_space<semaphore_mem>>)
        %dma_wait3A_272 = arith.constant 0 : i32
        %dma_wait3A_273 = tpu.memref_slice %arg6[%arg0, %mul3A_266, %dma_wait3A_272] : memref<2x10000x128xf32, #tpu.memory_space<hbm>> -> memref<1x160x128xf32, #tpu.memory_space<hbm>>
        %dma_wait3A_274 = tpu.memref_squeeze %dma_wait3A_273 : memref<1x160x128xf32, #tpu.memory_space<hbm>> -> memref<160x128xf32, #tpu.memory_space<hbm>>
        %dma_wait3A_275 = arith.constant 0 : i32
        %dma_wait3A_276 = tpu.memref_slice %arg10[%mul3A_264, %dma_wait3A_275] : memref<10480x128xf32, #tpu.memory_space<vmem_shared>> -> memref<160x128xf32, #tpu.memory_space<vmem_shared>>
        tpu.wait_dma2 semaphore(%run_scoped3A : memref<!tpu.dma_semaphore, #tpu.memory_space<semaphore_mem>>) src(%dma_wait3A_276 : memref<160x128xf32, #tpu.memory_space<vmem_shared>>) dst(%dma_wait3A_274 : memref<160x128xf32, #tpu.memory_space<hbm>>)
        tpu.yield
      }) : () -> ()
    } else {
    }
    return
  }
}

module attributes {stable_mosaic.version = 14 : i64} {
  func.func @_t1_body(%arg0: i32, %arg1: memref<2048x128xf32, #tpu.memory_space<vmem>>, %arg2: memref<128x128xf32, #tpu.memory_space<vmem>>, %arg3: memref<1x128xf32, #tpu.memory_space<vmem>>, %arg4: memref<2x2x10240xf32, #tpu.memory_space<vmem>>, %arg5: memref<2048x128xf32, #tpu.memory_space<vmem>>) attributes {dimension_semantics = [#tpu.dimension_semantics<arbitrary>], iteration_bounds = array<i64: 5>, scalar_prefetch = 0 : i64, scratch_operands = 0 : i64, tpu.core_type = #tpu.core_type<tc>, window_params = [{transform_indices = @transform_0, window_bounds = array<i64: 2048, 128>}, {pipeline_mode = #tpu.pipeline_mode<synchronous>, transform_indices = @transform_1, window_bounds = array<i64: 128, 128>}, {pipeline_mode = #tpu.pipeline_mode<synchronous>, transform_indices = @transform_2, window_bounds = array<i64: 1, 128>}, {pipeline_mode = #tpu.pipeline_mode<synchronous>, transform_indices = @transform_3, window_bounds = array<i64: 2, 2, 10240>}, {transform_indices = @transform_4, window_bounds = array<i64: 2048, 128>}]} {
    %mul3A = arith.constant 2048 : i32
    %mul3A_0 = arith.muli %arg0, %mul3A : i32
    %get3A = arith.constant 0 : index
    %get3A_1 = arith.constant 0 : index
    %get3A_2 = arith.index_cast %mul3A_0 : i32 to index
    %get3A_3 = vector.load %arg4[%get3A, %get3A_1, %get3A_2] : memref<2x2x10240xf32, #tpu.memory_space<vmem>>, vector<1x1x2048xf32>
    %get3A_4 = vector.shape_cast %get3A_3 : vector<1x1x2048xf32> to vector<2048xf32>
    %get3A_5 = arith.constant 1 : index
    %get3A_6 = arith.constant 0 : index
    %get3A_7 = arith.index_cast %mul3A_0 : i32 to index
    %get3A_8 = vector.load %arg4[%get3A_5, %get3A_6, %get3A_7] : memref<2x2x10240xf32, #tpu.memory_space<vmem>>, vector<1x1x2048xf32>
    %get3A_9 = vector.shape_cast %get3A_8 : vector<1x1x2048xf32> to vector<2048xf32>
    %add3A = arith.addf %get3A_4, %get3A_9 : vector<2048xf32>
    %reshape3A = vector.shape_cast %add3A : vector<2048xf32> to vector<1x2048xf32>
    %transpose3A = tpu.transpose %reshape3A, [1, 0] : vector<1x2048xf32> -> vector<2048x1xf32>
    %max3A = arith.constant 1.000000e+00 : f32
    %max3A_10 = vector.broadcast %max3A : f32 to vector<2048x1xf32>
    %max3A_11 = arith.maximumf %transpose3A, %max3A_10 : vector<2048x1xf32>
    %rsqrt3A = math.rsqrt %max3A_11 : vector<2048x1xf32>
    %get3A_12 = arith.constant 0 : index
    %get3A_13 = arith.constant 0 : index
    %get3A_14 = vector.load %arg1[%get3A_12, %get3A_13] : memref<2048x128xf32, #tpu.memory_space<vmem>>, vector<2048x128xf32>
    %get3A_15 = arith.constant 0 : index
    %get3A_16 = arith.constant 0 : index
    %get3A_17 = vector.load %arg2[%get3A_15, %get3A_16] : memref<128x128xf32, #tpu.memory_space<vmem>>, vector<128x128xf32>
    %dot_general3A = arith.constant dense<0.000000e+00> : vector<2048x128xf32>
    %dot_general3A_18 = tpu.matmul %get3A_14, %get3A_17, %dot_general3A {dimension_numbers = #tpu.dot_dimension_numbers<[1], [0], [0], [1], [0, 0, 1, 1], [], []>, transpose_lhs_hint = false} : vector<2048x128xf32>, vector<128x128xf32>, vector<2048x128xf32> -> vector<2048x128xf32>
    %get3A_19 = arith.constant 0 : index
    %get3A_20 = arith.constant 0 : index
    %get3A_21 = vector.load %arg3[%get3A_19, %get3A_20] : memref<1x128xf32, #tpu.memory_space<vmem>>, vector<1x128xf32>
    %add3A_22 = vector.broadcast %get3A_21 : vector<1x128xf32> to vector<2048x128xf32>
    %add3A_23 = arith.addf %dot_general3A_18, %add3A_22 : vector<2048x128xf32>
    %mul3A_24 = vector.broadcast %rsqrt3A : vector<2048x1xf32> to vector<2048x128xf32>
    %mul3A_25 = arith.mulf %add3A_23, %mul3A_24 : vector<2048x128xf32>
    %swap3A = arith.constant 0 : index
    %swap3A_26 = arith.constant 0 : index
    %swap3A_27 = vector.load %arg5[%swap3A, %swap3A_26] : memref<2048x128xf32, #tpu.memory_space<vmem>>, vector<2048x128xf32>
    tpu.vector_store %arg5[%swap3A, %swap3A_26], %mul3A_25 {strides = array<i32>} : memref<2048x128xf32, #tpu.memory_space<vmem>>, vector<2048x128xf32>,
    return
  }
  func.func @transform_0(%arg0: i32) -> (i32, i32) {
    %c0_i32 = arith.constant 0 : i32
    %c0_i32_0 = arith.constant 0 : i32
    return %arg0, %c0_i32 : i32, i32
  }
  func.func @transform_1(%arg0: i32) -> (i32, i32) {
    %c0_i32 = arith.constant 0 : i32
    %c0_i32_0 = arith.constant 0 : i32
    %c0_i32_1 = arith.constant 0 : i32
    return %c0_i32, %c0_i32_0 : i32, i32
  }
  func.func @transform_2(%arg0: i32) -> (i32, i32) {
    %c0_i32 = arith.constant 0 : i32
    %c0_i32_0 = arith.constant 0 : i32
    %c0_i32_1 = arith.constant 0 : i32
    return %c0_i32, %c0_i32_0 : i32, i32
  }
  func.func @transform_3(%arg0: i32) -> (i32, i32, i32) {
    %c0_i32 = arith.constant 0 : i32
    %c0_i32_0 = arith.constant 0 : i32
    %c0_i32_1 = arith.constant 0 : i32
    %c0_i32_2 = arith.constant 0 : i32
    return %c0_i32, %c0_i32_0, %c0_i32_1 : i32, i32, i32
  }
  func.func @transform_4(%arg0: i32) -> (i32, i32) {
    %c0_i32 = arith.constant 0 : i32
    %c0_i32_0 = arith.constant 0 : i32
    return %arg0, %c0_i32 : i32, i32
  }
}

module attributes {stable_mosaic.version = 14 : i64} {
  func.func @_t2_body(%arg0: i32, %arg1: memref<2x2048x128xf32, #tpu.memory_space<vmem>>, %arg2: memref<128x128xf32, #tpu.memory_space<vmem>>, %arg3: memref<1x128xf32, #tpu.memory_space<vmem>>, %arg4: memref<2x2x10240xf32, #tpu.memory_space<vmem>>, %arg5: memref<2048x128xf32, #tpu.memory_space<vmem>>) attributes {dimension_semantics = [#tpu.dimension_semantics<arbitrary>], iteration_bounds = array<i64: 5>, scalar_prefetch = 0 : i64, scratch_operands = 0 : i64, tpu.core_type = #tpu.core_type<tc>, window_params = [{transform_indices = @transform_0, window_bounds = array<i64: 2, 2048, 128>}, {pipeline_mode = #tpu.pipeline_mode<synchronous>, transform_indices = @transform_1, window_bounds = array<i64: 128, 128>}, {pipeline_mode = #tpu.pipeline_mode<synchronous>, transform_indices = @transform_2, window_bounds = array<i64: 1, 128>}, {pipeline_mode = #tpu.pipeline_mode<synchronous>, transform_indices = @transform_3, window_bounds = array<i64: 2, 2, 10240>}, {transform_indices = @transform_4, window_bounds = array<i64: 2048, 128>}]} {
    %mul3A = arith.constant 2048 : i32
    %mul3A_0 = arith.muli %arg0, %mul3A : i32
    %get3A = arith.constant 0 : index
    %get3A_1 = arith.constant 0 : index
    %get3A_2 = arith.index_cast %mul3A_0 : i32 to index
    %get3A_3 = vector.load %arg4[%get3A, %get3A_1, %get3A_2] : memref<2x2x10240xf32, #tpu.memory_space<vmem>>, vector<1x1x2048xf32>
    %get3A_4 = vector.shape_cast %get3A_3 : vector<1x1x2048xf32> to vector<2048xf32>
    %get3A_5 = arith.constant 1 : index
    %get3A_6 = arith.constant 0 : index
    %get3A_7 = arith.index_cast %mul3A_0 : i32 to index
    %get3A_8 = vector.load %arg4[%get3A_5, %get3A_6, %get3A_7] : memref<2x2x10240xf32, #tpu.memory_space<vmem>>, vector<1x1x2048xf32>
    %get3A_9 = vector.shape_cast %get3A_8 : vector<1x1x2048xf32> to vector<2048xf32>
    %add3A = arith.addf %get3A_4, %get3A_9 : vector<2048xf32>
    %reshape3A = vector.shape_cast %add3A : vector<2048xf32> to vector<1x2048xf32>
    %get3A_10 = arith.constant 0 : index
    %get3A_11 = arith.constant 1 : index
    %get3A_12 = arith.index_cast %mul3A_0 : i32 to index
    %get3A_13 = vector.load %arg4[%get3A_10, %get3A_11, %get3A_12] : memref<2x2x10240xf32, #tpu.memory_space<vmem>>, vector<1x1x2048xf32>
    %get3A_14 = vector.shape_cast %get3A_13 : vector<1x1x2048xf32> to vector<2048xf32>
    %get3A_15 = arith.constant 1 : index
    %get3A_16 = arith.constant 1 : index
    %get3A_17 = arith.index_cast %mul3A_0 : i32 to index
    %get3A_18 = vector.load %arg4[%get3A_15, %get3A_16, %get3A_17] : memref<2x2x10240xf32, #tpu.memory_space<vmem>>, vector<1x1x2048xf32>
    %get3A_19 = vector.shape_cast %get3A_18 : vector<1x1x2048xf32> to vector<2048xf32>
    %add3A_20 = arith.addf %get3A_14, %get3A_19 : vector<2048xf32>
    %reshape3A_21 = vector.shape_cast %add3A_20 : vector<2048xf32> to vector<1x2048xf32>
    %transpose3A = tpu.transpose %reshape3A, [1, 0] : vector<1x2048xf32> -> vector<2048x1xf32>
    %transpose3A_22 = tpu.transpose %reshape3A_21, [1, 0] : vector<1x2048xf32> -> vector<2048x1xf32>
    %max3A = arith.constant 1.000000e+00 : f32
    %max3A_23 = vector.broadcast %max3A : f32 to vector<2048x1xf32>
    %max3A_24 = arith.maximumf %transpose3A_22, %max3A_23 : vector<2048x1xf32>
    %rsqrt3A = math.rsqrt %max3A_24 : vector<2048x1xf32>
    %max3A_25 = arith.constant 1.000000e+00 : f32
    %max3A_26 = vector.broadcast %max3A_25 : f32 to vector<2048x1xf32>
    %max3A_27 = arith.maximumf %transpose3A, %max3A_26 : vector<2048x1xf32>
    %rsqrt3A_28 = math.rsqrt %max3A_27 : vector<2048x1xf32>
    %get3A_29 = arith.constant 0 : index
    %get3A_30 = arith.constant 0 : index
    %get3A_31 = arith.constant 0 : index
    %get3A_32 = vector.load %arg1[%get3A_29, %get3A_30, %get3A_31] : memref<2x2048x128xf32, #tpu.memory_space<vmem>>, vector<1x2048x128xf32>
    %get3A_33 = vector.shape_cast %get3A_32 : vector<1x2048x128xf32> to vector<2048x128xf32>
    %get3A_34 = arith.constant 1 : index
    %get3A_35 = arith.constant 0 : index
    %get3A_36 = arith.constant 0 : index
    %get3A_37 = vector.load %arg1[%get3A_34, %get3A_35, %get3A_36] : memref<2x2048x128xf32, #tpu.memory_space<vmem>>, vector<1x2048x128xf32>
    %get3A_38 = vector.shape_cast %get3A_37 : vector<1x2048x128xf32> to vector<2048x128xf32>
    %add3A_39 = arith.addf %get3A_33, %get3A_38 : vector<2048x128xf32>
    %mul3A_40 = vector.broadcast %rsqrt3A : vector<2048x1xf32> to vector<2048x128xf32>
    %mul3A_41 = arith.mulf %add3A_39, %mul3A_40 : vector<2048x128xf32>
    %max3A_42 = arith.constant 0.000000e+00 : f32
    %max3A_43 = vector.broadcast %max3A_42 : f32 to vector<2048x128xf32>
    %max3A_44 = arith.maximumf %mul3A_41, %max3A_43 : vector<2048x128xf32>
    %get3A_45 = arith.constant 0 : index
    %get3A_46 = arith.constant 0 : index
    %get3A_47 = vector.load %arg2[%get3A_45, %get3A_46] : memref<128x128xf32, #tpu.memory_space<vmem>>, vector<128x128xf32>
    %dot_general3A = arith.constant dense<0.000000e+00> : vector<2048x128xf32>
    %dot_general3A_48 = tpu.matmul %max3A_44, %get3A_47, %dot_general3A {dimension_numbers = #tpu.dot_dimension_numbers<[1], [0], [0], [1], [0, 0, 1, 1], [], []>, transpose_lhs_hint = false} : vector<2048x128xf32>, vector<128x128xf32>, vector<2048x128xf32> -> vector<2048x128xf32>
    %get3A_49 = arith.constant 0 : index
    %get3A_50 = arith.constant 0 : index
    %get3A_51 = vector.load %arg3[%get3A_49, %get3A_50] : memref<1x128xf32, #tpu.memory_space<vmem>>, vector<1x128xf32>
    %add3A_52 = vector.broadcast %get3A_51 : vector<1x128xf32> to vector<2048x128xf32>
    %add3A_53 = arith.addf %dot_general3A_48, %add3A_52 : vector<2048x128xf32>
    %mul3A_54 = vector.broadcast %rsqrt3A_28 : vector<2048x1xf32> to vector<2048x128xf32>
    %mul3A_55 = arith.mulf %add3A_53, %mul3A_54 : vector<2048x128xf32>
    %swap3A = arith.constant 0 : index
    %swap3A_56 = arith.constant 0 : index
    %swap3A_57 = vector.load %arg5[%swap3A, %swap3A_56] : memref<2048x128xf32, #tpu.memory_space<vmem>>, vector<2048x128xf32>
    tpu.vector_store %arg5[%swap3A, %swap3A_56], %mul3A_55 {strides = array<i32>} : memref<2048x128xf32, #tpu.memory_space<vmem>>, vector<2048x128xf32>,
    return
  }
  func.func @transform_0(%arg0: i32) -> (i32, i32, i32) {
    %c0_i32 = arith.constant 0 : i32
    %c0_i32_0 = arith.constant 0 : i32
    %c0_i32_1 = arith.constant 0 : i32
    return %c0_i32, %arg0, %c0_i32_0 : i32, i32, i32
  }
  func.func @transform_1(%arg0: i32) -> (i32, i32) {
    %c0_i32 = arith.constant 0 : i32
    %c0_i32_0 = arith.constant 0 : i32
    %c0_i32_1 = arith.constant 0 : i32
    return %c0_i32, %c0_i32_0 : i32, i32
  }
  func.func @transform_2(%arg0: i32) -> (i32, i32) {
    %c0_i32 = arith.constant 0 : i32
    %c0_i32_0 = arith.constant 0 : i32
    %c0_i32_1 = arith.constant 0 : i32
    return %c0_i32, %c0_i32_0 : i32, i32
  }
  func.func @transform_3(%arg0: i32) -> (i32, i32, i32) {
    %c0_i32 = arith.constant 0 : i32
    %c0_i32_0 = arith.constant 0 : i32
    %c0_i32_1 = arith.constant 0 : i32
    %c0_i32_2 = arith.constant 0 : i32
    return %c0_i32, %c0_i32_0, %c0_i32_1 : i32, i32, i32
  }
  func.func @transform_4(%arg0: i32) -> (i32, i32) {
    %c0_i32 = arith.constant 0 : i32
    %c0_i32_0 = arith.constant 0 : i32
    return %arg0, %c0_i32 : i32, i32
  }
}

module attributes {stable_mosaic.version = 14 : i64} {
  func.func @_t3_body(%arg0: i32, %arg1: memref<2x2048x128xf32, #tpu.memory_space<vmem>>, %arg2: memref<2x2x10240xf32, #tpu.memory_space<vmem>>, %arg3: memref<128x128xf32, #tpu.memory_space<vmem>>, %arg4: memref<1x128xf32, #tpu.memory_space<vmem>>, %arg5: memref<128x128xf32, #tpu.memory_space<vmem>>, %arg6: memref<1x128xf32, #tpu.memory_space<vmem>>, %arg7: memref<128x128xf32, #tpu.memory_space<vmem>>, %arg8: memref<1x128xf32, #tpu.memory_space<vmem>>, %arg9: memref<128x128xf32, #tpu.memory_space<vmem>>, %arg10: memref<1x128xf32, #tpu.memory_space<vmem>>, %arg11: memref<2048x128xf32, #tpu.memory_space<vmem>>) attributes {dimension_semantics = [#tpu.dimension_semantics<arbitrary>], iteration_bounds = array<i64: 5>, scalar_prefetch = 0 : i64, scratch_operands = 0 : i64, tpu.core_type = #tpu.core_type<tc>, window_params = [{transform_indices = @transform_0, window_bounds = array<i64: 2, 2048, 128>}, {pipeline_mode = #tpu.pipeline_mode<synchronous>, transform_indices = @transform_1, window_bounds = array<i64: 2, 2, 10240>}, {pipeline_mode = #tpu.pipeline_mode<synchronous>, transform_indices = @transform_2, window_bounds = array<i64: 128, 128>}, {pipeline_mode = #tpu.pipeline_mode<synchronous>, transform_indices = @transform_3, window_bounds = array<i64: 1, 128>}, {pipeline_mode = #tpu.pipeline_mode<synchronous>, transform_indices = @transform_4, window_bounds = array<i64: 128, 128>}, {pipeline_mode = #tpu.pipeline_mode<synchronous>, transform_indices = @transform_5, window_bounds = array<i64: 1, 128>}, {pipeline_mode = #tpu.pipeline_mode<synchronous>, transform_indices = @transform_6, window_bounds = array<i64: 128, 128>}, {pipeline_mode = #tpu.pipeline_mode<synchronous>, transform_indices = @transform_7, window_bounds = array<i64: 1, 128>}, {pipeline_mode = #tpu.pipeline_mode<synchronous>, transform_indices = @transform_8, window_bounds = array<i64: 128, 128>}, {pipeline_mode = #tpu.pipeline_mode<synchronous>, transform_indices = @transform_9, window_bounds = array<i64: 1, 128>}, {transform_indices = @transform_10, window_bounds = array<i64: 2048, 128>}]} {
    %mul3A = arith.constant 2048 : i32
    %mul3A_0 = arith.muli %arg0, %mul3A : i32
    %get3A = arith.constant 0 : index
    %get3A_1 = arith.constant 1 : index
    %get3A_2 = arith.index_cast %mul3A_0 : i32 to index
    %get3A_3 = vector.load %arg2[%get3A, %get3A_1, %get3A_2] : memref<2x2x10240xf32, #tpu.memory_space<vmem>>, vector<1x1x2048xf32>
    %get3A_4 = vector.shape_cast %get3A_3 : vector<1x1x2048xf32> to vector<2048xf32>
    %get3A_5 = arith.constant 1 : index
    %get3A_6 = arith.constant 1 : index
    %get3A_7 = arith.index_cast %mul3A_0 : i32 to index
    %get3A_8 = vector.load %arg2[%get3A_5, %get3A_6, %get3A_7] : memref<2x2x10240xf32, #tpu.memory_space<vmem>>, vector<1x1x2048xf32>
    %get3A_9 = vector.shape_cast %get3A_8 : vector<1x1x2048xf32> to vector<2048xf32>
    %add3A = arith.addf %get3A_4, %get3A_9 : vector<2048xf32>
    %reshape3A = vector.shape_cast %add3A : vector<2048xf32> to vector<1x2048xf32>
    %transpose3A = tpu.transpose %reshape3A, [1, 0] : vector<1x2048xf32> -> vector<2048x1xf32>
    %max3A = arith.constant 1.000000e+00 : f32
    %max3A_10 = vector.broadcast %max3A : f32 to vector<2048x1xf32>
    %max3A_11 = arith.maximumf %transpose3A, %max3A_10 : vector<2048x1xf32>
    %rsqrt3A = math.rsqrt %max3A_11 : vector<2048x1xf32>
    %get3A_12 = arith.constant 0 : index
    %get3A_13 = arith.constant 0 : index
    %get3A_14 = arith.constant 0 : index
    %get3A_15 = vector.load %arg1[%get3A_12, %get3A_13, %get3A_14] : memref<2x2048x128xf32, #tpu.memory_space<vmem>>, vector<1x2048x128xf32>
    %get3A_16 = vector.shape_cast %get3A_15 : vector<1x2048x128xf32> to vector<2048x128xf32>
    %get3A_17 = arith.constant 1 : index
    %get3A_18 = arith.constant 0 : index
    %get3A_19 = arith.constant 0 : index
    %get3A_20 = vector.load %arg1[%get3A_17, %get3A_18, %get3A_19] : memref<2x2048x128xf32, #tpu.memory_space<vmem>>, vector<1x2048x128xf32>
    %get3A_21 = vector.shape_cast %get3A_20 : vector<1x2048x128xf32> to vector<2048x128xf32>
    %add3A_22 = arith.addf %get3A_16, %get3A_21 : vector<2048x128xf32>
    %mul3A_23 = vector.broadcast %rsqrt3A : vector<2048x1xf32> to vector<2048x128xf32>
    %mul3A_24 = arith.mulf %add3A_22, %mul3A_23 : vector<2048x128xf32>
    %get3A_25 = arith.constant 0 : index
    %get3A_26 = arith.constant 0 : index
    %get3A_27 = vector.load %arg3[%get3A_25, %get3A_26] : memref<128x128xf32, #tpu.memory_space<vmem>>, vector<128x128xf32>
    %dot_general3A = arith.constant dense<0.000000e+00> : vector<2048x128xf32>
    %dot_general3A_28 = tpu.matmul %mul3A_24, %get3A_27, %dot_general3A {dimension_numbers = #tpu.dot_dimension_numbers<[1], [0], [0], [1], [0, 0, 1, 1], [], []>, transpose_lhs_hint = false} : vector<2048x128xf32>, vector<128x128xf32>, vector<2048x128xf32> -> vector<2048x128xf32>
    %get3A_29 = arith.constant 0 : index
    %get3A_30 = arith.constant 0 : index
    %get3A_31 = vector.load %arg4[%get3A_29, %get3A_30] : memref<1x128xf32, #tpu.memory_space<vmem>>, vector<1x128xf32>
    %add3A_32 = vector.broadcast %get3A_31 : vector<1x128xf32> to vector<2048x128xf32>
    %add3A_33 = arith.addf %dot_general3A_28, %add3A_32 : vector<2048x128xf32>
    %max3A_34 = arith.constant 0.000000e+00 : f32
    %max3A_35 = vector.broadcast %max3A_34 : f32 to vector<2048x128xf32>
    %max3A_36 = arith.maximumf %add3A_33, %max3A_35 : vector<2048x128xf32>
    %get3A_37 = arith.constant 0 : index
    %get3A_38 = arith.constant 0 : index
    %get3A_39 = vector.load %arg5[%get3A_37, %get3A_38] : memref<128x128xf32, #tpu.memory_space<vmem>>, vector<128x128xf32>
    %dot_general3A_40 = arith.constant dense<0.000000e+00> : vector<2048x128xf32>
    %dot_general3A_41 = tpu.matmul %max3A_36, %get3A_39, %dot_general3A_40 {dimension_numbers = #tpu.dot_dimension_numbers<[1], [0], [0], [1], [0, 0, 1, 1], [], []>, transpose_lhs_hint = false} : vector<2048x128xf32>, vector<128x128xf32>, vector<2048x128xf32> -> vector<2048x128xf32>
    %get3A_42 = arith.constant 0 : index
    %get3A_43 = arith.constant 0 : index
    %get3A_44 = vector.load %arg6[%get3A_42, %get3A_43] : memref<1x128xf32, #tpu.memory_space<vmem>>, vector<1x128xf32>
    %add3A_45 = vector.broadcast %get3A_44 : vector<1x128xf32> to vector<2048x128xf32>
    %add3A_46 = arith.addf %dot_general3A_41, %add3A_45 : vector<2048x128xf32>
    %max3A_47 = arith.constant 0.000000e+00 : f32
    %max3A_48 = vector.broadcast %max3A_47 : f32 to vector<2048x128xf32>
    %max3A_49 = arith.maximumf %add3A_46, %max3A_48 : vector<2048x128xf32>
    %get3A_50 = arith.constant 0 : index
    %get3A_51 = arith.constant 0 : index
    %get3A_52 = vector.load %arg7[%get3A_50, %get3A_51] : memref<128x128xf32, #tpu.memory_space<vmem>>, vector<128x128xf32>
    %dot_general3A_53 = arith.constant dense<0.000000e+00> : vector<2048x128xf32>
    %dot_general3A_54 = tpu.matmul %max3A_49, %get3A_52, %dot_general3A_53 {dimension_numbers = #tpu.dot_dimension_numbers<[1], [0], [0], [1], [0, 0, 1, 1], [], []>, transpose_lhs_hint = false} : vector<2048x128xf32>, vector<128x128xf32>, vector<2048x128xf32> -> vector<2048x128xf32>
    %get3A_55 = arith.constant 0 : index
    %get3A_56 = arith.constant 0 : index
    %get3A_57 = vector.load %arg8[%get3A_55, %get3A_56] : memref<1x128xf32, #tpu.memory_space<vmem>>, vector<1x128xf32>
    %add3A_58 = vector.broadcast %get3A_57 : vector<1x128xf32> to vector<2048x128xf32>
    %add3A_59 = arith.addf %dot_general3A_54, %add3A_58 : vector<2048x128xf32>
    %max3A_60 = arith.constant 0.000000e+00 : f32
    %max3A_61 = vector.broadcast %max3A_60 : f32 to vector<2048x128xf32>
    %max3A_62 = arith.maximumf %add3A_59, %max3A_61 : vector<2048x128xf32>
    %get3A_63 = arith.constant 0 : index
    %get3A_64 = arith.constant 0 : index
    %get3A_65 = vector.load %arg9[%get3A_63, %get3A_64] : memref<128x128xf32, #tpu.memory_space<vmem>>, vector<128x128xf32>
    %dot_general3A_66 = arith.constant dense<0.000000e+00> : vector<2048x128xf32>
    %dot_general3A_67 = tpu.matmul %mul3A_24, %get3A_65, %dot_general3A_66 {dimension_numbers = #tpu.dot_dimension_numbers<[1], [0], [0], [1], [0, 0, 1, 1], [], []>, transpose_lhs_hint = false} : vector<2048x128xf32>, vector<128x128xf32>, vector<2048x128xf32> -> vector<2048x128xf32>
    %add3A_68 = arith.addf %max3A_62, %dot_general3A_67 : vector<2048x128xf32>
    %get3A_69 = arith.constant 0 : index
    %get3A_70 = arith.constant 0 : index
    %get3A_71 = vector.load %arg10[%get3A_69, %get3A_70] : memref<1x128xf32, #tpu.memory_space<vmem>>, vector<1x128xf32>
    %add3A_72 = vector.broadcast %get3A_71 : vector<1x128xf32> to vector<2048x128xf32>
    %add3A_73 = arith.addf %add3A_68, %add3A_72 : vector<2048x128xf32>
    %swap3A = arith.constant 0 : index
    %swap3A_74 = arith.constant 0 : index
    %swap3A_75 = vector.load %arg11[%swap3A, %swap3A_74] : memref<2048x128xf32, #tpu.memory_space<vmem>>, vector<2048x128xf32>
    tpu.vector_store %arg11[%swap3A, %swap3A_74], %add3A_73 {strides = array<i32>} : memref<2048x128xf32, #tpu.memory_space<vmem>>, vector<2048x128xf32>,
    return
  }
  func.func @transform_0(%arg0: i32) -> (i32, i32, i32) {
    %c0_i32 = arith.constant 0 : i32
    %c0_i32_0 = arith.constant 0 : i32
    %c0_i32_1 = arith.constant 0 : i32
    return %c0_i32, %arg0, %c0_i32_0 : i32, i32, i32
  }
  func.func @transform_1(%arg0: i32) -> (i32, i32, i32) {
    %c0_i32 = arith.constant 0 : i32
    %c0_i32_0 = arith.constant 0 : i32
    %c0_i32_1 = arith.constant 0 : i32
    %c0_i32_2 = arith.constant 0 : i32
    return %c0_i32, %c0_i32_0, %c0_i32_1 : i32, i32, i32
  }
  func.func @transform_2(%arg0: i32) -> (i32, i32) {
    %c0_i32 = arith.constant 0 : i32
    %c0_i32_0 = arith.constant 0 : i32
    %c0_i32_1 = arith.constant 0 : i32
    return %c0_i32, %c0_i32_0 : i32, i32
  }
  func.func @transform_3(%arg0: i32) -> (i32, i32) {
    %c0_i32 = arith.constant 0 : i32
    %c0_i32_0 = arith.constant 0 : i32
    %c0_i32_1 = arith.constant 0 : i32
    return %c0_i32, %c0_i32_0 : i32, i32
  }
  func.func @transform_4(%arg0: i32) -> (i32, i32) {
    %c0_i32 = arith.constant 0 : i32
    %c0_i32_0 = arith.constant 0 : i32
    %c0_i32_1 = arith.constant 0 : i32
    return %c0_i32, %c0_i32_0 : i32, i32
  }
  func.func @transform_5(%arg0: i32) -> (i32, i32) {
    %c0_i32 = arith.constant 0 : i32
    %c0_i32_0 = arith.constant 0 : i32
    %c0_i32_1 = arith.constant 0 : i32
    return %c0_i32, %c0_i32_0 : i32, i32
  }
  func.func @transform_6(%arg0: i32) -> (i32, i32) {
    %c0_i32 = arith.constant 0 : i32
    %c0_i32_0 = arith.constant 0 : i32
    %c0_i32_1 = arith.constant 0 : i32
    return %c0_i32, %c0_i32_0 : i32, i32
  }
  func.func @transform_7(%arg0: i32) -> (i32, i32) {
    %c0_i32 = arith.constant 0 : i32
    %c0_i32_0 = arith.constant 0 : i32
    %c0_i32_1 = arith.constant 0 : i32
    return %c0_i32, %c0_i32_0 : i32, i32
  }
  func.func @transform_8(%arg0: i32) -> (i32, i32) {
    %c0_i32 = arith.constant 0 : i32
    %c0_i32_0 = arith.constant 0 : i32
    %c0_i32_1 = arith.constant 0 : i32
    return %c0_i32, %c0_i32_0 : i32, i32
  }
  func.func @transform_9(%arg0: i32) -> (i32, i32) {
    %c0_i32 = arith.constant 0 : i32
    %c0_i32_0 = arith.constant 0 : i32
    %c0_i32_1 = arith.constant 0 : i32
    return %c0_i32, %c0_i32_0 : i32, i32
  }
  func.func @transform_10(%arg0: i32) -> (i32, i32) {
    %c0_i32 = arith.constant 0 : i32
    %c0_i32_0 = arith.constant 0 : i32
    return %arg0, %c0_i32 : i32, i32
  }
}

</mosaic_0001>

<sc_bundles>
// kernel: kernel.11.cloned.1.call-start
scs
__scs_entry_jumppad:
0x0: {  	(pc) =	sbr.rel $0x88, $3  }
0x1: {  	(tag) =	ssettag $0x0;
	lr =	simm.s32 $0x1  }
0x2: {  	[smem:$0x3F93] =	sst lr;
	_ =	strace $0xD0000000  }
0x3: {  	_ = 	snop  }
0x4: {  	_ = 	snop  }
0x5: {  	_ = 	snop  }
0x6: {  	_ = 	snop  }
0x7: {  	_ = 	snop  }
__scs_overlays_trampoline_lowered:
0x8: {  	[smem:$0x3FA2] =	sst s0  }
0x9: {  	[smem:$0x3FA3] =	sst s1  }
0xa: {  	[smem:$0x3FA4] =	sst s2  }
0xb: {  	[smem:$0x3FA5] =	sst s3  }
0xc: {  	[smem:$0x3FA6] =	sst s4  }
0xd: {  	[smem:$0x3FA7] =	sst s5  }
0xe: {  	[smem:$0x3FA8] =	sst s6  }
0xf: {  	[smem:$0x3FA9] =	sst s7  }
0x10: {  	[smem:$0x3FAA] =	sst s8  }
0x11: {  	[smem:$0x3FAB] =	sst s9;
	s0 =	simm.s32 @!p0 $0x0  }
0x12: {  	s1 =	sld [smem:$0x3F91];
	s0 =	simm.s32 @p0 $0x1  }
0x13: {  	[smem:$0x3FAC] =	sst s0;
	s0 =	simm.s32 @!p1 $0x0  }
0x14: {  	s2 =	sld [smem:$0x3F90];
	s0 =	simm.s32 @p1 $0x1  }
0x15: {  	[smem:$0x3FAD] =	sst s0;
	s0 =	simm.s32 @!p2 $0x0  }
0x16: {  	s3 =	sld [smem:$0x3FDB];
	s0 =	simm.s32 @p2 $0x1  }
0x17: {  	s4 =	simm.s32 $0x1BF5;
	[smem:$0x3FAF] =	sst s0  }
0x18: {  	s0 =	sld [smem:$0x3F92];
	_ =	swait.ge [sflag:s4], $0x0  }
0x19: {  	s7 =	sld [smem:$0x3F93]  }
0x1a: {  	s8 =	sadd.s32 $0xFFFFE003, lr  }
0x1b: {  	s9 =	sadd.s32 $0xFFFFFEF7, lr;
	s5 =	simm.s32 $0xFFFFFFFF;
	p2 =	slt.u32 s8, $0xFFFFF086  }
0x1c: {  	p1 =	slt.u32 s9, $0xF7A;
	s5 =	simm.s32 @!p2 $0x0  }
0x1d: {  	s5 =	simm.s32 @p1 $0x1;
	p0 =	seq.s32 s7, s2  }
0x1e: {  	s7 =	smul.u32 @!p0 $0xF7A, s2;
	p2 =	seq.s32 @!p0 s5, $0x0  }
0x1f: {  	s9 =	smul.u32 $0xF7A, s1;
	s8 =	simm.s32 @!p0 $0x1BF5;
	p2 =	por !p2, p0  }
0x20: {  	[sflag:s8] =	ssyncset.s32 @!p0 $0xFFFFF086;
	s6 =	sadd.s32 @!p0 s3, s7;
	s7 =	simm.s32 @!p0 $0x108  }
0x21: {  	s3 =	sadd.s32 s3, s9;
	s6 =	sadd.s32 @!p0 $0x88, s6;
	s7 =	simm.s32 @p2 $0x1082  }
0x22: {  	[simem:s7], [sflag:s8] =	dma.local @!p0 [hbm:s6], $0xF7A  }
0x23: {  	s9 =	sor.u32 $0xD0000000, s2;
	s6 =	simm.s32 $0x108;
	_ =	swait.ge @!p0 [sflag:s8], $0x0  }
0x24: {  	s3 =	sadd.s32 $0x88, s3;
	s6 =	simm.s32 @!p1 $0x1082;
	[sflag:s4] =	ssyncset.s32 $0xFFFFF086  }
0x25: {  	[simem:s6], [sflag:s4] =	dma.local [hbm:s3], $0xF7A  }
0x26: {  	[smem:$0x3F93] =	sst s1;
	(tag) =	ssettag s2;
	_ =	strace s9  }
0x27: {  	s1 =	sld [smem:$0x3FA3]  }
0x28: {  	s2 =	sld [smem:$0x3FA4]  }
0x29: {  	s4 =	sld [smem:$0x3FA6]  }
0x2a: {  	p0 =	seq.s32 s5, $0x0;
	s5 =	sld [smem:$0x3FA7]  }
0x2b: {  	s6 =	sld [smem:$0x3FA8]  }
0x2c: {  	s7 =	sld [smem:$0x3FA9]  }
0x2d: {  	s3 =	simm.s32 $0x108;
	s8 =	sld [smem:$0x3FAA]  }
0x2e: {  	s3 =	simm.s32 @!p0 $0x1082;
	s9 =	sld [smem:$0x3FAB]  }
0x2f: {  	lr =	sadd.s32 s0, s3;
	s0 =	sld [smem:$0x3FA2]  }
0x30: {  	s3 =	sld [smem:$0x3FA5]  }
0x31: {  	[smem:$0x3FAE] =	sst s10  }
0x32: {  	s10 =	sld [smem:$0x3FAC];
	_ =	sdelay $0x3  }
0x33: {  	p0 =	seq.s32 s10, $0x1;
	s10 =	sld [smem:$0x3FAE];
	_ =	sdelay $0x3  }
0x34: {  	[smem:$0x3FAE] =	sst s10  }
0x35: {  	s10 =	sld [smem:$0x3FAD];
	_ =	sdelay $0x3  }
0x36: {  	p1 =	seq.s32 s10, $0x1;
	s10 =	sld [smem:$0x3FAE];
	_ =	sdelay $0x3  }
0x37: {  	[smem:$0x3FAE] =	sst s10  }
0x38: {  	s10 =	sld [smem:$0x3FAF]  }
0x39: {  	_ = 	snop;
	(pc) =	sbr.ind lr, $3  }
0x3a: {  	_ = 	snop  }
0x3b: {  	_ = 	snop  }
0x3c: {  	p2 =	seq.s32 s10, $0x1;
	s10 =	sld [smem:$0x3FAE]  }
0x3d: {  	_ =	shalt  }
0x3e: {  	_ =	shalt  }
0x3f: {  	_ =	shalt  }
0x40: {  	_ =	shalt  }
0x41: {  	_ =	shalt  }
0x42: {  	_ =	shalt  }
0x43: {  	_ =	shalt  }
0x44: {  	_ =	shalt  }
0x45: {  	_ =	shalt  }
0x46: {  	_ =	shalt  }
0x47: {  	_ =	shalt  }
0x48: {  	_ =	shalt  }
0x49: {  	_ =	shalt  }
0x4a: {  	_ =	shalt  }
0x4b: {  	_ =	shalt  }
0x4c: {  	_ =	shalt  }
0x4d: {  	_ =	shalt  }
0x4e: {  	_ =	shalt  }
0x4f: {  	_ =	shalt  }
0x50: {  	_ =	shalt  }
0x51: {  	_ =	shalt  }
0x52: {  	_ =	shalt  }
0x53: {  	_ =	shalt  }
0x54: {  	_ =	shalt  }
0x55: {  	_ =	shalt  }
0x56: {  	_ =	shalt  }
0x57: {  	_ =	shalt  }
0x58: {  	_ =	shalt  }
0x59: {  	_ =	shalt  }
0x5a: {  	_ =	shalt  }
0x5b: {  	_ =	shalt  }
0x5c: {  	_ =	shalt  }
0x5d: {  	_ =	shalt  }
0x5e: {  	_ =	shalt  }
0x5f: {  	_ =	shalt  }
0x60: {  	_ =	shalt  }
0x61: {  	_ =	shalt  }
0x62: {  	_ =	shalt  }
0x63: {  	_ =	shalt  }
0x64: {  	_ =	shalt  }
0x65: {  	_ =	shalt  }
0x66: {  	_ =	shalt  }
0x67: {  	_ =	shalt  }
0x68: {  	_ =	shalt  }
0x69: {  	_ =	shalt  }
0x6a: {  	_ =	shalt  }
0x6b: {  	_ =	shalt  }
0x6c: {  	_ =	shalt  }
0x6d: {  	_ =	shalt  }
0x6e: {  	_ =	shalt  }
0x6f: {  	_ =	shalt  }
0x70: {  	_ =	shalt  }
0x71: {  	_ =	shalt  }
0x72: {  	_ =	shalt  }
0x73: {  	_ =	shalt  }
0x74: {  	_ =	shalt  }
0x75: {  	_ =	shalt  }
0x76: {  	_ =	shalt  }
0x77: {  	_ =	shalt  }
0x78: {  	_ =	shalt  }
0x79: {  	_ =	shalt  }
0x7a: {  	_ =	shalt  }
0x7b: {  	_ =	shalt  }
0x7c: {  	_ =	shalt  }
0x7d: {  	_ =	shalt  }
0x7e: {  	_ =	shalt  }
0x7f: {  	_ =	shalt  }
0x80: {  	_ =	shalt  }
0x81: {  	_ =	shalt  }
0x82: {  	_ =	shalt  }
0x83: {  	_ =	shalt  }
0x84: {  	_ =	shalt  }
0x85: {  	_ =	shalt  }
0x86: {  	_ =	shalt  }
0x87: {  	_ =	shalt  }
.Lfunc_end0:
.L_simem_size_0:
called_computation.1_lowered:
.L_overlay_start_0:
0x88: {  	s2 =	sld [smem:$0x3FD9]  }
0x89: {  	s3 =	sld [smem:$0x3FFE];
	_ =	sdelay $0x1  }
0x8a: {  	s1 =	srdreg.scid  }
0x8b: {  	s0 =	sand.u32 $0x1, s1  }
0x8c: {  	s17 =	sshll.u32 s0, $0xA;
	s2 =	sadd.s32 s3, s2  }
0x8d: {  	s2 =	sadd.s32 s2, s17  }
0x8e: {  	[smem:$0x3FBA] =	sst s2  }
0x8f: {  	_ = 	snop  }
0x90: {  	s2 =	sld [smem:$0x3FD0];
	(tm) =	ssettm $0x1  }
0x91: {  	s18 =	sld [smem:$0x3FFB];
	_ =	sdelay $0x3  }
0x92: {  	_ =	strace s18  }
0x93: {  	s3 =	sld [smem:$0x3FFC];
	_ =	sdelay $0x3  }
0x94: {  	_ =	strace s3  }
0x95: {  	s3 =	sld [smem:$0x3FFD];
	_ =	sdelay $0x3  }
0x96: {  	_ =	strace s3  }
0x97: {  	_ =	strace $0x8FFFFFFF  }
0x98: {  	s19 =	sld [smem:$0x3FDB];
	_ =	sdelay $0x1  }
0x99: {  	s4 =	simm.s32 $_scs_section_size  }
0x9a: {  	s5 =	simm.s32 $_size__tile_overlayer_lowered;
	s6 =	simm.s32 $_tile_overlayer_lowered  }
0x9b: {  	s22 =	simm.s32 $0x1BFF;
	s21 =	sshll.u32 s6, $0x1;
	s3 =	sadd.s32 s4, s19  }
0x9c: {  	s7 =	simm.s32 $0x0;
	s20 =	sshll.u32 s5, $0x1;
	s5 =	sadd.s32 s21, s3  }
0x9d: {  	[timem:s7], [sflag:s22] =	dma.local [hbm:s5], s20  }
0x9e: {  	_ =	swait.ge [sflag:s22], s20  }
0x9f: {  	s4 =	ssub.s32 $0x0, s20;
	[sflag:s22] =	ssyncset.done $0x0  }
0xa0: {  	[sflag:s22] =	ssyncadd.s32 s4;
	_ =	sdelay $0x1  }
0xa1: {  	s23 =	simm.s32 $0x1B8B  }
0xa2: {  	_ =	swait.ge [sflag:s23], $0x1  }
0xa3: {  	[sflag:s23] =	ssyncset.done $0x0  }
0xa4: {  	s25 =	simm.s32 $0x1B8E;
	s24 =	sld [smem:$0x3FFE];
	[sflag:s23] =	ssyncadd.s32 $0xFFFFFFFF  }
0xa5: {  	s26 =	simm.s32 $execute0_lowered;
	[smem:$0x3FD2] =	sst s25  }
0xa6: {  	s5 =	sshll.u32 s26, $0x1;
	_ =	strace $0x80000049;
	[dreg:$0x1] =	wrdreg $0xFFFFFFFF  }
0xa7: {  	s28 =	simm.s32 $_size_execute0_lowered;
	s3 =	sadd.s32 s3, s5;
	[dreg:$0x0] =	wrdreg $0x0  }
0xa8: {  	s5 =	sshll.u32 s28, $0x1;
	[dreg:$0x2] =	wrdreg s3  }
0xa9: {  	[dreg:$0x3] =	wrdreg s5  }
0xaa: {  	[dreg:$0x4] =	wrdreg $0xC0  }
0xab: {  	_ =	task [dreg:s7], $0x5FFFF  }
0xac: {  	[dreg:$0x1] =	wrdreg $0xFFFFFFFF  }
0xad: {  	[dreg:$0x0] =	wrdreg $0x60  }
0xae: {  	[dreg:$0x2] =	wrdreg s2  }
0xaf: {  	[dreg:$0x3] =	wrdreg s24  }
0xb0: {  	[dreg:$0x4] =	wrdreg $0xA8000  }
0xb1: {  	[dreg:$0x5] =	wrdreg $0x9  }
0xb2: {  	_ =	task.clear_ibuf [dreg:s7], $0x6FFFF;
	_ =	strace $0x90000049  }
0xb3: {  	s29 =	simm.s32 $0x9;
	_ =	strace $0x8000004B  }
0xb4: {  	_ =	swait.ge [sflag:s29], $0x1  }
0xb5: {  	[sflag:s29] =	ssyncadd.s32 $0xFFFFFFFF  }
0xb6: {  	_ =	strace $0x9000004B  }
0xb7: {  	_ =	sfence  }
0xb8: {  	s30 =	sld [smem:$0x0];
	_ =	sdelay $0x2  }
0xb9: {  	s31 =	sshll.u32 s1, $0xD;
	s1 =	sshrl.u32 s1, $0x2  }
0xba: {  	s3 =	sand.u32 $0x4000, s31;
	s1 =	sadd.s32 s1, s30  }
0xbb: {  	s0 =	sor.u32 s3, s0;
	s1 =	sshll.u32 s1, $0x11  }
0xbc: {  	s0 =	sor.u32 s1, s0  }
0xbd: {  	s0 =	sadd.s32 $0x8F2B, s0  }
0xbe: {  	[sflag:s0] =	ssyncadd.remote.s32 $0x1  }
0xbf: {  	_ =	sfence.sel $0xFFFF  }
0xc0: {  	[dreg:$0x0] =	wrdreg $0xFFFFFFFF;
	(pc) =	sbr.abs _section_cstart, $3  }
0xc1: {  	[dreg:$0x1] =	wrdreg $0xFFFFFFFF  }
0xc2: {  	_ =	task.clear_ibuf [dreg:s7], $0x2FFFF;
	_ =	strace $0x9FFFFFFF  }
0xc3: {  	(tm) =	ssettm $0x7FFFFFFF  }
tec
execute0_lowered:
.L_overlay_start_1:
0x0: {  	(tag) =	ssettag $0x1  }
0x1: {  	s1 =	rddreg [dreg:$0x0]  }
0x2: {  	s0 =	rddreg [dreg:$0x1]  }
0x3: {  	s2 =	rddreg [dreg:$0x2];
	s3 =	simm.s32 $0x0  }
0x4: {  	s4 =	srdreg.scid;
	s19 =	simm.s32 $0x5;
	s20 =	simm.s32 $0x80  }
0x5: {  	s21 =	simm.s32 $0x2800;
	s28 =	simm.s32 $0x2780;
	s29 =	simm.s32 $0x6  }
0x6: {  	[smem:$0x7FF] =	sst s3;
	s6 =	sand.u32 $0x1, s4;
	s4 =	stileid.u32  }
0x7: {  	s9 =	sadd.s32 $0x1E600, s0;
	s10 =	sadd.s32 $0x14600, s0;
	s7 =	smul.u32 $0x2900, s4  }
0x8: {  	s13 =	sadd.s32 $0x51600, s0;
	s16 =	sadd.s32 $0x133800, s2;
	s12 =	smul.u32 $0x52000, s4  }
0x9: {  	s30 =	simm.s32 $0x0;
	_ =	strace $0x8000004A;
	s24 =	smul.u32 $0x138800, s6  }
0xa: {  	s5 =	sshll.u32 s6, $0x4;
	s8 =	ssub.s32 $0x2, s6;
	s25 =	smul.u32 $0x14800, s4  }
0xb: {  	p0 =	seq.s32 s4, $0xF;
	s5 =	sor.u32 s4, s5;
	s11 =	sshrl.u32 s8, $0x1  }
0xc: {  	s16 =	sshrl.u32 @p0 s16, $0x3;
	s5 =	smul.u32 $0x2800, s5;
	s7 =	sadd.s32 s7, s0  }
0xd: {  	s14 =	ssub.s32 s8, s11;
	s23 =	sshrl.u32 s12, $0x2;
	s8 =	sadd.s32 $0x4ED00, s0  }
0xe: {  	s26 =	sadd.s32 s25, s24;
	s12 =	sshrl.u32 s24, $0x3;
	s24 =	simm.s32 $0x2  }
0xf: {  	s25 =	simm.s32 $0x3;
	s18 =	sadd.s32 s23, s2;
	s7 =	sadd.s32 $0x28600, s7  }
0x10: {  	s0 =	sshrl.u32 s26, $0x3;
	s31 =	sadd.s32 s13, s12;
	s23 =	simm.s32 $0x6800  }
0x11: {  	s26 =	simm.s32 $0x4;
	s22 =	sshrl.u32 s5, $0x3;
	s11 =	sadd.s32 s13, s0  }
0x12: {  	s12 =	sadd.s32 $0x26700, s31;
	s13 =	smax.u32 s14, $0x1;
	s14 =	sshll.u32 @!p0 s4, $0x6  }
0x13: {  	s18 =	sshrl.u32 @!p0 s18, $0x3;
	s5 =	sadd.s32 s9, s22;
	s6 =	sadd.s32 s10, s22  }
0x14: {  	s15 =	sadd.s32 $0x280, s22;
	s17 =	sor.u32 @!p0 $0x1C05, s14;
	s22 =	simm.s32 $0x1  }
0x15: {  	s9 =	sadd.s32 s9, s15;
	s10 =	sadd.s32 s10, s15;
	s15 =	simm.s32 $0x1400  }
.LBB2_1:
0x16: {  	[tilespmem:s3], [sflag:$0x5] =	stream.linear.gather [hbm4b:s5+s3], $0x1400, $0x38;
	[tilespmem:$0x1EF80] =	vst v63  }
0x17: {  	s0 =	simm.s32 @p0 $0x1FC5  }
0x18: {  	[tilespmem:s15], [sflag:$0x5] =	stream.linear.gather [hbm4b:s6+s3], $0x1400, $0x38;
	[tilespmem:$0x1EF80] =	vst v63  }
0x19: {  	[spmem:s16], [sflag:s0] =	dma.local @p0 [hbm:s8], $0x2800  }
0x1a: {  	[spmem:s18], [sflag:s17] =	dma.local @!p0 [hbm:s7], $0x2900  }
0x1b: {  	_ =	swait.ge [sflag:s19], $0x1400  }
0x1c: {  	[sflag:s19] =	ssyncset.done $0x0  }
0x1d: {  	[sflag:s19] =	ssyncadd.s32 $0xFFFFEC00  }
0x1e: {  	_ =	swait.ge [sflag:s19], $0x1400  }
0x1f: {  	[sflag:s19] =	ssyncset.done $0x0  }
0x20: {  	s0 =	simm.s32 @p0 $0x5;
	[sflag:s19] =	ssyncadd.s32 $0xFFFFEC00  }
0x21: {  	_ =	swait.ge @p0 [sflag:s0], $0x2800  }
0x22: {  	[sflag:s0] =	ssyncset.done @p0 $0x0  }
0x23: {  	[sflag:s0] =	ssyncadd.s32 @p0 $0xFFFFD800;
	s0 =	simm.s32 @!p0 $0x5  }
0x24: {  	_ =	swait.ge @!p0 [sflag:s0], $0x2900  }
0x25: {  	[sflag:s0] =	ssyncset.done @!p0 $0x0  }
0x26: {  	[sflag:s0] =	ssyncadd.s32 @!p0 $0xFFFFD700  }
0x27: {  	[bflag:$0x0] =	sbarrier.arrive $0xFFFF  }
0x28: {  	[tilespmem:s21], [sflag:$0x1] =	stream.indirect.gather [hbm4b:s1+s20], $0x80, s3, s20, $0xb8;
	[tilespmem:$0x1EF80] =	vst v63  }
0x29: {  	_ =	swait.ge [sflag:s22], $0x4000  }
0x2a: {  	[sflag:s22] =	ssyncset.done $0x0  }
0x2b: {  	[sflag:s22] =	ssyncadd.s32 $0xFFFFC000  }
0x2c: {  	[spmem:s2] =	stream.indirect.scatter.add.f32 [tilespmem:s21], [sflag:$0x3], $0x80, s15, s20, $0xb8;
	[tilespmem:$0x1EF80] =	vst v63  }
0x2d: {  	_ = 	snop  }
0x2e: {  	[tilespmem:s23], [sflag:$0x2] =	stream.indirect.gather [hbm4b:s1+s20], $0x80, s20, s20, $0xb8;
	[tilespmem:$0x1EF80] =	vst v63  }
0x2f: {  	_ =	swait.ge [sflag:s24], $0x4000  }
0x30: {  	[sflag:s24] =	ssyncset.done $0x0  }
0x31: {  	s4 =	simm.s32 $0x1480;
	[sflag:s24] =	ssyncadd.s32 $0xFFFFC000  }
0x32: {  	[spmem:s2] =	stream.indirect.scatter.add.f32 [tilespmem:s23], [sflag:$0x4], $0x80, s4, s20, $0xb8;
	[tilespmem:$0x1EF80] =	vst v63  }
0x33: {  	_ =	swait.ge [sflag:s25], $0x4000  }
0x34: {  	[sflag:s25] =	ssyncset.done $0x0  }
0x35: {  	s4 =	simm.s32 $0x100;
	[sflag:s25] =	ssyncadd.s32 $0xFFFFC000  }
0x36: {  	[tilespmem:s21], [sflag:$0x1] =	stream.indirect.gather [hbm4b:s1+s20], $0x80, s4, s20, $0xb8;
	[tilespmem:$0x1EF80] =	vst v63  }
0x37: {  	_ =	swait.ge [sflag:s22], $0x4000  }
0x38: {  	[sflag:s22] =	ssyncset.done $0x0  }
0x39: {  	s4 =	simm.s32 $0x1500;
	[sflag:s22] =	ssyncadd.s32 $0xFFFFC000  }
0x3a: {  	[spmem:s2] =	stream.indirect.scatter.add.f32 [tilespmem:s21], [sflag:$0x3], $0x80, s4, s20, $0xb8;
	[tilespmem:$0x1EF80] =	vst v63  }
0x3b: {  	_ =	swait.ge [sflag:s26], $0x4000  }
0x3c: {  	[sflag:s26] =	ssyncset.done $0x0  }
0x3d: {  	s31 =	simm.s32 $0xFFFFB800;
	s0 =	simm.s32 $0x180;
	[sflag:s26] =	ssyncadd.s32 $0xFFFFC000  }
.LBB2_2:
0x3e: {  	[tilespmem:s23], [sflag:$0x2] =	stream.indirect.gather [hbm4b:s1+s20], $0x80, s0, s20, $0xb8;
	[tilespmem:$0x1EF80] =	vst v63  }
0x3f: {  	s0 =	smov.u32 s31  }
0x40: {  	p1 =	sne.s32 s31, $0xFFFFFC00;
	s31 =	sadd.s32 $0x400, s31;
	_ =	swait.ge [sflag:s24], $0x4000  }
0x41: {  	s0 =	sshra.s32 s0, $0x2;
	[sflag:s24] =	ssyncset.done $0x0  }
0x42: {  	s4 =	sadd.s32 $0x2780, s0;
	[sflag:s24] =	ssyncadd.s32 $0xFFFFC000  }
0x43: {  	[spmem:s2] =	stream.indirect.scatter.add.f32 [tilespmem:s23], [sflag:$0x4], $0x80, s4, s20, $0xb8;
	[tilespmem:$0x1EF80] =	vst v63  }
0x44: {  	_ =	swait.ge [sflag:s25], $0x4000  }
0x45: {  	[sflag:s25] =	ssyncset.done $0x0  }
0x46: {  	s4 =	sadd.s32 $0x1400, s0;
	[sflag:s25] =	ssyncadd.s32 $0xFFFFC000  }
0x47: {  	[tilespmem:s21], [sflag:$0x1] =	stream.indirect.gather [hbm4b:s1+s20], $0x80, s4, s20, $0xb8;
	[tilespmem:$0x1EF80] =	vst v63  }
0x48: {  	_ =	swait.ge [sflag:s22], $0x4000  }
0x49: {  	[sflag:s22] =	ssyncset.done $0x0  }
.Ltmp0:
0x4a: {  	s4 =	sadd.s32 $0x2800, s0;
	[sflag:s22] =	ssyncadd.s32 $0xFFFFC000;
	(pc) =	sbr.rel @p1 .LBB2_2-.Ltmp0, $4  }
0x4b: {  	[spmem:s2] =	stream.indirect.scatter.add.f32 [tilespmem:s21], [sflag:$0x3], $0x80, s4, s20, $0xb8;
	[tilespmem:$0x1EF80] =	vst v63  }
0x4c: {  	_ =	swait.ge [sflag:s26], $0x4000  }
0x4d: {  	[sflag:s26] =	ssyncset.done $0x0  }
0x4e: {  	s0 =	sadd.s32 $0x1480, s0;
	[sflag:s26] =	ssyncadd.s32 $0xFFFFC000  }
0x4f: {  	[tilespmem:s23], [sflag:$0x2] =	stream.indirect.gather [hbm4b:s1+s20], $0x80, s0, s20, $0xb8;
	[tilespmem:$0x1EF80] =	vst v63  }
0x50: {  	_ =	swait.ge [sflag:s24], $0x4000  }
0x51: {  	[sflag:s24] =	ssyncset.done $0x0  }
0x52: {  	[sflag:s24] =	ssyncadd.s32 $0xFFFFC000  }
0x53: {  	[spmem:s2] =	stream.indirect.scatter.add.f32 [tilespmem:s23], [sflag:$0x4], $0x80, s28, s20, $0xb8;
	[tilespmem:$0x1EF80] =	vst v63  }
0x54: {  	_ =	swait.ge [sflag:s25], $0x4000  }
0x55: {  	[sflag:s25] =	ssyncset.done $0x0  }
0x56: {  	[sflag:s25] =	ssyncadd.s32 $0xFFFFC000  }
0x57: {  	_ =	swait.ge [sflag:s26], $0x4000  }
0x58: {  	[sflag:s26] =	ssyncset.done $0x0  }
0x59: {  	[sflag:s26] =	ssyncadd.s32 $0xFFFFC000  }
0x5a: {  	[tilespmem:s3], [sflag:$0x6] =	stream.linear.gather [hbm4b:s9+s3], $0x1400, $0x38;
	[tilespmem:$0x1EF80] =	vst v63  }
0x5b: {  	_ =	swait.ge [sflag:s29], $0x1400  }
0x5c: {  	[sflag:s29] =	ssyncset.done $0x0  }
0x5d: {  	[sflag:s29] =	ssyncadd.s32 $0xFFFFEC00  }
0x5e: {  	[tilespmem:s15], [sflag:$0x6] =	stream.linear.gather [hbm4b:s10+s3], $0x1400, $0x38;
	[tilespmem:$0x1EF80] =	vst v63  }
0x5f: {  	_ =	swait.ge [sflag:s29], $0x1400  }
0x60: {  	[sflag:s29] =	ssyncset.done $0x0  }
0x61: {  	[sflag:s29] =	ssyncadd.s32 $0xFFFFEC00  }
0x62: {  	[tilespmem:s21], [sflag:$0x1] =	stream.indirect.gather [hbm4b:s1+s20], $0x80, s3, s20, $0xb8;
	[tilespmem:$0x1EF80] =	vst v63  }
0x63: {  	_ =	swait.ge [sflag:s22], $0x4000  }
0x64: {  	[sflag:s22] =	ssyncset.done $0x0  }
0x65: {  	[sflag:s22] =	ssyncadd.s32 $0xFFFFC000  }
0x66: {  	[spmem:s2] =	stream.indirect.scatter.add.f32 [tilespmem:s21], [sflag:$0x3], $0x80, s15, s20, $0xb8;
	[tilespmem:$0x1EF80] =	vst v63  }
0x67: {  	_ = 	snop  }
0x68: {  	[tilespmem:s23], [sflag:$0x2] =	stream.indirect.gather [hbm4b:s1+s20], $0x80, s20, s20, $0xb8;
	[tilespmem:$0x1EF80] =	vst v63  }
0x69: {  	_ =	swait.ge [sflag:s24], $0x4000  }
0x6a: {  	[sflag:s24] =	ssyncset.done $0x0  }
0x6b: {  	s4 =	simm.s32 $0x1480;
	[sflag:s24] =	ssyncadd.s32 $0xFFFFC000  }
0x6c: {  	[spmem:s2] =	stream.indirect.scatter.add.f32 [tilespmem:s23], [sflag:$0x4], $0x80, s4, s20, $0xb8;
	[tilespmem:$0x1EF80] =	vst v63  }
0x6d: {  	_ =	swait.ge [sflag:s25], $0x4000  }
0x6e: {  	[sflag:s25] =	ssyncset.done $0x0  }
0x6f: {  	s4 =	simm.s32 $0x100;
	[sflag:s25] =	ssyncadd.s32 $0xFFFFC000  }
0x70: {  	[tilespmem:s21], [sflag:$0x1] =	stream.indirect.gather [hbm4b:s1+s20], $0x80, s4, s20, $0xb8;
	[tilespmem:$0x1EF80] =	vst v63  }
0x71: {  	_ =	swait.ge [sflag:s22], $0x4000  }
0x72: {  	[sflag:s22] =	ssyncset.done $0x0  }
0x73: {  	s4 =	simm.s32 $0x1500;
	[sflag:s22] =	ssyncadd.s32 $0xFFFFC000  }
0x74: {  	[spmem:s2] =	stream.indirect.scatter.add.f32 [tilespmem:s21], [sflag:$0x3], $0x80, s4, s20, $0xb8;
	[tilespmem:$0x1EF80] =	vst v63  }
0x75: {  	_ =	swait.ge [sflag:s26], $0x4000  }
0x76: {  	[sflag:s26] =	ssyncset.done $0x0  }
0x77: {  	s31 =	simm.s32 $0xFFFFB800;
	s0 =	simm.s32 $0x180;
	[sflag:s26] =	ssyncadd.s32 $0xFFFFC000  }
.LBB2_4:
0x78: {  	[tilespmem:s23], [sflag:$0x2] =	stream.indirect.gather [hbm4b:s1+s20], $0x80, s0, s20, $0xb8;
	[tilespmem:$0x1EF80] =	vst v63  }
0x79: {  	s0 =	smov.u32 s31  }
0x7a: {  	p1 =	sne.s32 s31, $0xFFFFFC00;
	s31 =	sadd.s32 $0x400, s31;
	_ =	swait.ge [sflag:s24], $0x4000  }
0x7b: {  	s0 =	sshra.s32 s0, $0x2;
	[sflag:s24] =	ssyncset.done $0x0  }
0x7c: {  	s4 =	sadd.s32 $0x2780, s0;
	[sflag:s24] =	ssyncadd.s32 $0xFFFFC000  }
0x7d: {  	[spmem:s2] =	stream.indirect.scatter.add.f32 [tilespmem:s23], [sflag:$0x4], $0x80, s4, s20, $0xb8;
	[tilespmem:$0x1EF80] =	vst v63  }
0x7e: {  	_ =	swait.ge [sflag:s25], $0x4000  }
0x7f: {  	[sflag:s25] =	ssyncset.done $0x0  }
0x80: {  	s4 =	sadd.s32 $0x1400, s0;
	[sflag:s25] =	ssyncadd.s32 $0xFFFFC000  }
0x81: {  	[tilespmem:s21], [sflag:$0x1] =	stream.indirect.gather [hbm4b:s1+s20], $0x80, s4, s20, $0xb8;
	[tilespmem:$0x1EF80] =	vst v63  }
0x82: {  	_ =	swait.ge [sflag:s22], $0x4000  }
0x83: {  	[sflag:s22] =	ssyncset.done $0x0  }
.Ltmp1:
0x84: {  	s4 =	sadd.s32 $0x2800, s0;
	[sflag:s22] =	ssyncadd.s32 $0xFFFFC000;
	(pc) =	sbr.rel @p1 .LBB2_4-.Ltmp1, $4  }
0x85: {  	[spmem:s2] =	stream.indirect.scatter.add.f32 [tilespmem:s21], [sflag:$0x3], $0x80, s4, s20, $0xb8;
	[tilespmem:$0x1EF80] =	vst v63  }
0x86: {  	_ =	swait.ge [sflag:s26], $0x4000  }
0x87: {  	[sflag:s26] =	ssyncset.done $0x0  }
0x88: {  	s0 =	sadd.s32 $0x1480, s0;
	[sflag:s26] =	ssyncadd.s32 $0xFFFFC000  }
0x89: {  	[tilespmem:s23], [sflag:$0x2] =	stream.indirect.gather [hbm4b:s1+s20], $0x80, s0, s20, $0xb8;
	[tilespmem:$0x1EF80] =	vst v63  }
0x8a: {  	_ =	swait.ge [sflag:s24], $0x4000  }
0x8b: {  	[sflag:s24] =	ssyncset.done $0x0  }
0x8c: {  	[sflag:s24] =	ssyncadd.s32 $0xFFFFC000  }
0x8d: {  	[spmem:s2] =	stream.indirect.scatter.add.f32 [tilespmem:s23], [sflag:$0x4], $0x80, s28, s20, $0xb8;
	[tilespmem:$0x1EF80] =	vst v63  }
0x8e: {  	_ =	swait.ge [sflag:s25], $0x4000  }
0x8f: {  	[sflag:s25] =	ssyncset.done $0x0  }
0x90: {  	[sflag:s25] =	ssyncadd.s32 $0xFFFFC000  }
0x91: {  	_ =	swait.ge [sflag:s26], $0x4000  }
0x92: {  	[sflag:s26] =	ssyncset.done $0x0  }
0x93: {  	[sflag:s26] =	ssyncadd.s32 $0xFFFFC000  }
0x94: {  	s0 =	simm.s32 @p0 $0x1FC6;
	[bflag:$0x0] =	sbarrier.arrive $0xFFFF  }
0x95: {  	[hbm:s12], [sflag:s0] =	dma.local @p0 [spmem:s16], $0xA00  }
0x96: {  	s0 =	simm.s32 @p0 $0x6  }
0x97: {  	_ =	swait.ge @p0 [sflag:s0], $0xA00  }
0x98: {  	s30 =	sadd.s32 $0x1, s30;
	[sflag:s0] =	ssyncset.done @p0 $0x0  }
0x99: {  	p1 =	sne.s32 s30, s13;
	[sflag:s0] =	ssyncadd.s32 @p0 $0xFFFFF600;
	s0 =	sor.u32 @!p0 $0x1C06, s14  }
0x9a: {  	[hbm:s11], [sflag:s0] =	dma.local @!p0 [spmem:s18], $0x2900  }
.Ltmp2:
0x9b: {  	_ = 	snop;
	(pc) =	sbr.rel @p1 .LBB2_1-.Ltmp2, $4  }
0x9c: {  	s0 =	simm.s32 @!p0 $0x6  }
0x9d: {  	_ =	swait.ge @!p0 [sflag:s0], $0x2900  }
0x9e: {  	[sflag:s0] =	ssyncset.done @!p0 $0x0  }
0x9f: {  	[sflag:s0] =	ssyncadd.s32 @!p0 $0xFFFFD700  }
0xa0: {  	_ =	sfence.sel $0x180000  }
0xa1: {  	[bflag:$0x0] =	sbarrier.arrive $0xFFFF  }
0xa2: {  	_ =	strace $0x9000004A  }
0xa3: {  	s0 =	stileid.u32;
	[bflag:$0x2] =	sbarrier.arrive $0xFFFF  }
0xa4: {  	p0 =	sne.s32 s0, $0x0;
	s0 =	rddreg [dreg:$0x3]  }
0xa5: {  	s0 =	sadd.s32 @!p0 $0x100000, s0  }
0xa6: {  	[sflag:s0] =	ssyncadd.tile.s32 @!p0 $0x1;
	_ =	shalt  }
.Lfunc_end2:
_tile_overlayer_lowered:
.L_overlay_start_2:
0xa7: {  	(tag) =	ssettag $0x2  }
0xa8: {  	s0 =	rddreg [dreg:$0x0];
	s2 =	stileid.u32  }
0xa9: {  	s1 =	rddreg [dreg:$0x1];
	p0 =	sne.s32 s2, $0x0  }
0xaa: {  	s3 =	rddreg [dreg:$0x2];
	[bflag:$0x3] =	sbarrier.arrive $0xFFFF;
	s2 =	simm.s32 @!p0 $0x1C06  }
0xab: {  	[timem:s3], [sflag:s2] =	dma.local @!p0 [hbm:s0], s1  }
0xac: {  	s0 =	simm.s32 @!p0 $0x6  }
0xad: {  	_ =	swait.ge @!p0 [sflag:s0], s1  }
0xae: {  	s1 =	ssub.s32 @!p0 $0x0, s1;
	[sflag:s0] =	ssyncset.done @!p0 $0x0  }
0xaf: {  	[sflag:s0] =	ssyncadd.s32 @!p0 s1  }
0xb0: {  	[bflag:$0x3] =	sbarrier.arrive $0xFFFF  }
0xb1: {  	_ =	shalt  }

// kernel: kernel.14.cloned.1.call-start
scs
__scs_entry_jumppad:
0x0: {  	(pc) =	sbr.rel $0x88, $3  }
0x1: {  	(tag) =	ssettag $0x0;
	lr =	simm.s32 $0x1  }
0x2: {  	[smem:$0x3F93] =	sst lr;
	_ =	strace $0xD0000000  }
0x3: {  	_ = 	snop  }
0x4: {  	_ = 	snop  }
0x5: {  	_ = 	snop  }
0x6: {  	_ = 	snop  }
0x7: {  	_ = 	snop  }
__scs_overlays_trampoline_lowered:
0x8: {  	[smem:$0x3FA2] =	sst s0  }
0x9: {  	[smem:$0x3FA3] =	sst s1  }
0xa: {  	[smem:$0x3FA4] =	sst s2  }
0xb: {  	[smem:$0x3FA5] =	sst s3  }
0xc: {  	[smem:$0x3FA6] =	sst s4  }
0xd: {  	[smem:$0x3FA7] =	sst s5  }
0xe: {  	[smem:$0x3FA8] =	sst s6  }
0xf: {  	[smem:$0x3FA9] =	sst s7  }
0x10: {  	[smem:$0x3FAA] =	sst s8  }
0x11: {  	[smem:$0x3FAB] =	sst s9;
	s0 =	simm.s32 @!p0 $0x0  }
0x12: {  	s1 =	sld [smem:$0x3F91];
	s0 =	simm.s32 @p0 $0x1  }
0x13: {  	[smem:$0x3FAC] =	sst s0;
	s0 =	simm.s32 @!p1 $0x0  }
0x14: {  	s2 =	sld [smem:$0x3F90];
	s0 =	simm.s32 @p1 $0x1  }
0x15: {  	[smem:$0x3FAD] =	sst s0;
	s0 =	simm.s32 @!p2 $0x0  }
0x16: {  	s3 =	sld [smem:$0x3FDB];
	s0 =	simm.s32 @p2 $0x1  }
0x17: {  	s4 =	simm.s32 $0x1BF5;
	[smem:$0x3FAF] =	sst s0  }
0x18: {  	s0 =	sld [smem:$0x3F92];
	_ =	swait.ge [sflag:s4], $0x0  }
0x19: {  	s7 =	sld [smem:$0x3F93]  }
0x1a: {  	s8 =	sadd.s32 $0xFFFFE003, lr  }
0x1b: {  	s9 =	sadd.s32 $0xFFFFFEF7, lr;
	s5 =	simm.s32 $0xFFFFFFFF;
	p2 =	slt.u32 s8, $0xFFFFF086  }
0x1c: {  	p1 =	slt.u32 s9, $0xF7A;
	s5 =	simm.s32 @!p2 $0x0  }
0x1d: {  	s5 =	simm.s32 @p1 $0x1;
	p0 =	seq.s32 s7, s2  }
0x1e: {  	s7 =	smul.u32 @!p0 $0xF7A, s2;
	p2 =	seq.s32 @!p0 s5, $0x0  }
0x1f: {  	s9 =	smul.u32 $0xF7A, s1;
	s8 =	simm.s32 @!p0 $0x1BF5;
	p2 =	por !p2, p0  }
0x20: {  	[sflag:s8] =	ssyncset.s32 @!p0 $0xFFFFF086;
	s6 =	sadd.s32 @!p0 s3, s7;
	s7 =	simm.s32 @!p0 $0x108  }
0x21: {  	s3 =	sadd.s32 s3, s9;
	s6 =	sadd.s32 @!p0 $0x88, s6;
	s7 =	simm.s32 @p2 $0x1082  }
0x22: {  	[simem:s7], [sflag:s8] =	dma.local @!p0 [hbm:s6], $0xF7A  }
0x23: {  	s9 =	sor.u32 $0xD0000000, s2;
	s6 =	simm.s32 $0x108;
	_ =	swait.ge @!p0 [sflag:s8], $0x0  }
0x24: {  	s3 =	sadd.s32 $0x88, s3;
	s6 =	simm.s32 @!p1 $0x1082;
	[sflag:s4] =	ssyncset.s32 $0xFFFFF086  }
0x25: {  	[simem:s6], [sflag:s4] =	dma.local [hbm:s3], $0xF7A  }
0x26: {  	[smem:$0x3F93] =	sst s1;
	(tag) =	ssettag s2;
	_ =	strace s9  }
0x27: {  	s1 =	sld [smem:$0x3FA3]  }
0x28: {  	s2 =	sld [smem:$0x3FA4]  }
0x29: {  	s4 =	sld [smem:$0x3FA6]  }
0x2a: {  	p0 =	seq.s32 s5, $0x0;
	s5 =	sld [smem:$0x3FA7]  }
0x2b: {  	s6 =	sld [smem:$0x3FA8]  }
0x2c: {  	s7 =	sld [smem:$0x3FA9]  }
0x2d: {  	s3 =	simm.s32 $0x108;
	s8 =	sld [smem:$0x3FAA]  }
0x2e: {  	s3 =	simm.s32 @!p0 $0x1082;
	s9 =	sld [smem:$0x3FAB]  }
0x2f: {  	lr =	sadd.s32 s0, s3;
	s0 =	sld [smem:$0x3FA2]  }
0x30: {  	s3 =	sld [smem:$0x3FA5]  }
0x31: {  	[smem:$0x3FAE] =	sst s10  }
0x32: {  	s10 =	sld [smem:$0x3FAC];
	_ =	sdelay $0x3  }
0x33: {  	p0 =	seq.s32 s10, $0x1;
	s10 =	sld [smem:$0x3FAE];
	_ =	sdelay $0x3  }
0x34: {  	[smem:$0x3FAE] =	sst s10  }
0x35: {  	s10 =	sld [smem:$0x3FAD];
	_ =	sdelay $0x3  }
0x36: {  	p1 =	seq.s32 s10, $0x1;
	s10 =	sld [smem:$0x3FAE];
	_ =	sdelay $0x3  }
0x37: {  	[smem:$0x3FAE] =	sst s10  }
0x38: {  	s10 =	sld [smem:$0x3FAF]  }
0x39: {  	_ = 	snop;
	(pc) =	sbr.ind lr, $3  }
0x3a: {  	_ = 	snop  }
0x3b: {  	_ = 	snop  }
0x3c: {  	p2 =	seq.s32 s10, $0x1;
	s10 =	sld [smem:$0x3FAE]  }
0x3d: {  	_ =	shalt  }
0x3e: {  	_ =	shalt  }
0x3f: {  	_ =	shalt  }
0x40: {  	_ =	shalt  }
0x41: {  	_ =	shalt  }
0x42: {  	_ =	shalt  }
0x43: {  	_ =	shalt  }
0x44: {  	_ =	shalt  }
0x45: {  	_ =	shalt  }
0x46: {  	_ =	shalt  }
0x47: {  	_ =	shalt  }
0x48: {  	_ =	shalt  }
0x49: {  	_ =	shalt  }
0x4a: {  	_ =	shalt  }
0x4b: {  	_ =	shalt  }
0x4c: {  	_ =	shalt  }
0x4d: {  	_ =	shalt  }
0x4e: {  	_ =	shalt  }
0x4f: {  	_ =	shalt  }
0x50: {  	_ =	shalt  }
0x51: {  	_ =	shalt  }
0x52: {  	_ =	shalt  }
0x53: {  	_ =	shalt  }
0x54: {  	_ =	shalt  }
0x55: {  	_ =	shalt  }
0x56: {  	_ =	shalt  }
0x57: {  	_ =	shalt  }
0x58: {  	_ =	shalt  }
0x59: {  	_ =	shalt  }
0x5a: {  	_ =	shalt  }
0x5b: {  	_ =	shalt  }
0x5c: {  	_ =	shalt  }
0x5d: {  	_ =	shalt  }
0x5e: {  	_ =	shalt  }
0x5f: {  	_ =	shalt  }
0x60: {  	_ =	shalt  }
0x61: {  	_ =	shalt  }
0x62: {  	_ =	shalt  }
0x63: {  	_ =	shalt  }
0x64: {  	_ =	shalt  }
0x65: {  	_ =	shalt  }
0x66: {  	_ =	shalt  }
0x67: {  	_ =	shalt  }
0x68: {  	_ =	shalt  }
0x69: {  	_ =	shalt  }
0x6a: {  	_ =	shalt  }
0x6b: {  	_ =	shalt  }
0x6c: {  	_ =	shalt  }
0x6d: {  	_ =	shalt  }
0x6e: {  	_ =	shalt  }
0x6f: {  	_ =	shalt  }
0x70: {  	_ =	shalt  }
0x71: {  	_ =	shalt  }
0x72: {  	_ =	shalt  }
0x73: {  	_ =	shalt  }
0x74: {  	_ =	shalt  }
0x75: {  	_ =	shalt  }
0x76: {  	_ =	shalt  }
0x77: {  	_ =	shalt  }
0x78: {  	_ =	shalt  }
0x79: {  	_ =	shalt  }
0x7a: {  	_ =	shalt  }
0x7b: {  	_ =	shalt  }
0x7c: {  	_ =	shalt  }
0x7d: {  	_ =	shalt  }
0x7e: {  	_ =	shalt  }
0x7f: {  	_ =	shalt  }
0x80: {  	_ =	shalt  }
0x81: {  	_ =	shalt  }
0x82: {  	_ =	shalt  }
0x83: {  	_ =	shalt  }
0x84: {  	_ =	shalt  }
0x85: {  	_ =	shalt  }
0x86: {  	_ =	shalt  }
0x87: {  	_ =	shalt  }
.Lfunc_end0:
.L_simem_size_0:
called_computation.2_lowered:
.L_overlay_start_0:
0x88: {  	s2 =	sld [smem:$0x3FD9]  }
0x89: {  	s3 =	sld [smem:$0x3FFE];
	_ =	sdelay $0x1  }
0x8a: {  	s1 =	srdreg.scid  }
0x8b: {  	s0 =	sand.u32 $0x1, s1  }
0x8c: {  	s17 =	sshll.u32 s0, $0xA;
	s2 =	sadd.s32 s3, s2  }
0x8d: {  	s2 =	sadd.s32 s2, s17  }
0x8e: {  	[smem:$0x3FBA] =	sst s2  }
0x8f: {  	_ = 	snop  }
0x90: {  	s2 =	sld [smem:$0x3FD0];
	(tm) =	ssettm $0x1  }
0x91: {  	s18 =	sld [smem:$0x3FFB];
	_ =	sdelay $0x3  }
0x92: {  	_ =	strace s18  }
0x93: {  	s3 =	sld [smem:$0x3FFC];
	_ =	sdelay $0x3  }
0x94: {  	_ =	strace s3  }
0x95: {  	s3 =	sld [smem:$0x3FFD];
	_ =	sdelay $0x3  }
0x96: {  	_ =	strace s3  }
0x97: {  	_ =	strace $0x8FFFFFFF  }
0x98: {  	s19 =	sld [smem:$0x3FDB];
	_ =	sdelay $0x1  }
0x99: {  	s4 =	simm.s32 $_scs_section_size  }
0x9a: {  	s5 =	simm.s32 $_size__tile_overlayer_lowered;
	s6 =	simm.s32 $_tile_overlayer_lowered  }
0x9b: {  	s22 =	simm.s32 $0x1BFF;
	s21 =	sshll.u32 s6, $0x1;
	s3 =	sadd.s32 s4, s19  }
0x9c: {  	s7 =	simm.s32 $0x0;
	s20 =	sshll.u32 s5, $0x1;
	s5 =	sadd.s32 s21, s3  }
0x9d: {  	[timem:s7], [sflag:s22] =	dma.local [hbm:s5], s20  }
0x9e: {  	_ =	swait.ge [sflag:s22], s20  }
0x9f: {  	s4 =	ssub.s32 $0x0, s20;
	[sflag:s22] =	ssyncset.done $0x0  }
0xa0: {  	[sflag:s22] =	ssyncadd.s32 s4;
	_ =	sdelay $0x1  }
0xa1: {  	s23 =	simm.s32 $0x1B8B  }
0xa2: {  	_ =	swait.ge [sflag:s23], $0x1  }
0xa3: {  	[sflag:s23] =	ssyncset.done $0x0  }
0xa4: {  	s25 =	simm.s32 $0x1B8E;
	s24 =	sld [smem:$0x3FFE];
	[sflag:s23] =	ssyncadd.s32 $0xFFFFFFFF  }
0xa5: {  	s26 =	simm.s32 $execute0_lowered;
	[smem:$0x3FD2] =	sst s25  }
0xa6: {  	s5 =	sshll.u32 s26, $0x1;
	_ =	strace $0x8000004C;
	[dreg:$0x1] =	wrdreg $0xFFFFFFFF  }
0xa7: {  	s28 =	simm.s32 $_size_execute0_lowered;
	s3 =	sadd.s32 s3, s5;
	[dreg:$0x0] =	wrdreg $0x0  }
0xa8: {  	s5 =	sshll.u32 s28, $0x1;
	[dreg:$0x2] =	wrdreg s3  }
0xa9: {  	[dreg:$0x3] =	wrdreg s5  }
0xaa: {  	[dreg:$0x4] =	wrdreg $0xC0  }
0xab: {  	_ =	task [dreg:s7], $0x5FFFF  }
0xac: {  	[dreg:$0x1] =	wrdreg $0xFFFFFFFF  }
0xad: {  	[dreg:$0x0] =	wrdreg $0x60  }
0xae: {  	[dreg:$0x2] =	wrdreg s2  }
0xaf: {  	[dreg:$0x3] =	wrdreg s24  }
0xb0: {  	[dreg:$0x4] =	wrdreg $0xA8000  }
0xb1: {  	[dreg:$0x5] =	wrdreg $0x9  }
0xb2: {  	_ =	task.clear_ibuf [dreg:s7], $0x6FFFF;
	_ =	strace $0x9000004C  }
0xb3: {  	s29 =	simm.s32 $0x9;
	_ =	strace $0x8000004E  }
0xb4: {  	_ =	swait.ge [sflag:s29], $0x1  }
0xb5: {  	[sflag:s29] =	ssyncadd.s32 $0xFFFFFFFF  }
0xb6: {  	_ =	strace $0x9000004E  }
0xb7: {  	_ =	sfence  }
0xb8: {  	s30 =	sld [smem:$0x0];
	_ =	sdelay $0x2  }
0xb9: {  	s31 =	sshll.u32 s1, $0xD;
	s1 =	sshrl.u32 s1, $0x2  }
0xba: {  	s3 =	sand.u32 $0x4000, s31;
	s1 =	sadd.s32 s1, s30  }
0xbb: {  	s0 =	sor.u32 s3, s0;
	s1 =	sshll.u32 s1, $0x11  }
0xbc: {  	s0 =	sor.u32 s1, s0  }
0xbd: {  	s0 =	sadd.s32 $0x8F2B, s0  }
0xbe: {  	[sflag:s0] =	ssyncadd.remote.s32 $0x1  }
0xbf: {  	_ =	sfence.sel $0xFFFF  }
0xc0: {  	[dreg:$0x0] =	wrdreg $0xFFFFFFFF;
	(pc) =	sbr.abs _section_cstart, $3  }
0xc1: {  	[dreg:$0x1] =	wrdreg $0xFFFFFFFF  }
0xc2: {  	_ =	task.clear_ibuf [dreg:s7], $0x2FFFF;
	_ =	strace $0x9FFFFFFF  }
0xc3: {  	(tm) =	ssettm $0x7FFFFFFF  }
tec
execute0_lowered:
.L_overlay_start_1:
0x0: {  	(tag) =	ssettag $0x1  }
0x1: {  	s1 =	rddreg [dreg:$0x0]  }
0x2: {  	s0 =	rddreg [dreg:$0x1]  }
0x3: {  	s2 =	rddreg [dreg:$0x2];
	s3 =	simm.s32 $0x0  }
0x4: {  	s4 =	srdreg.scid;
	s19 =	simm.s32 $0x5;
	s20 =	simm.s32 $0x80  }
0x5: {  	s21 =	simm.s32 $0x2800;
	s28 =	simm.s32 $0x2780;
	s29 =	simm.s32 $0x6  }
0x6: {  	[smem:$0x7FF] =	sst s3;
	s6 =	sand.u32 $0x1, s4;
	s4 =	stileid.u32  }
0x7: {  	s9 =	sadd.s32 $0x1E600, s0;
	s10 =	sadd.s32 $0x14600, s0;
	s7 =	smul.u32 $0x2900, s4  }
0x8: {  	s13 =	sadd.s32 $0x51600, s0;
	s16 =	sadd.s32 $0x133800, s2;
	s12 =	smul.u32 $0x52000, s4  }
0x9: {  	s30 =	simm.s32 $0x0;
	_ =	strace $0x8000004D;
	s24 =	smul.u32 $0x138800, s6  }
0xa: {  	s5 =	sshll.u32 s6, $0x4;
	s8 =	ssub.s32 $0x2, s6;
	s25 =	smul.u32 $0x14800, s4  }
0xb: {  	p0 =	seq.s32 s4, $0xF;
	s5 =	sor.u32 s4, s5;
	s11 =	sshrl.u32 s8, $0x1  }
0xc: {  	s16 =	sshrl.u32 @p0 s16, $0x3;
	s5 =	smul.u32 $0x2800, s5;
	s7 =	sadd.s32 s7, s0  }
0xd: {  	s14 =	ssub.s32 s8, s11;
	s23 =	sshrl.u32 s12, $0x2;
	s8 =	sadd.s32 $0x4ED00, s0  }
0xe: {  	s26 =	sadd.s32 s25, s24;
	s12 =	sshrl.u32 s24, $0x3;
	s24 =	simm.s32 $0x2  }
0xf: {  	s25 =	simm.s32 $0x3;
	s18 =	sadd.s32 s23, s2;
	s7 =	sadd.s32 $0x28600, s7  }
0x10: {  	s0 =	sshrl.u32 s26, $0x3;
	s31 =	sadd.s32 s13, s12;
	s23 =	simm.s32 $0x6800  }
0x11: {  	s26 =	simm.s32 $0x4;
	s22 =	sshrl.u32 s5, $0x3;
	s11 =	sadd.s32 s13, s0  }
0x12: {  	s12 =	sadd.s32 $0x26700, s31;
	s13 =	smax.u32 s14, $0x1;
	s14 =	sshll.u32 @!p0 s4, $0x6  }
0x13: {  	s18 =	sshrl.u32 @!p0 s18, $0x3;
	s5 =	sadd.s32 s9, s22;
	s6 =	sadd.s32 s10, s22  }
0x14: {  	s15 =	sadd.s32 $0x280, s22;
	s17 =	sor.u32 @!p0 $0x1C05, s14;
	s22 =	simm.s32 $0x1  }
0x15: {  	s9 =	sadd.s32 s9, s15;
	s10 =	sadd.s32 s10, s15;
	s15 =	simm.s32 $0x1400  }
.LBB2_1:
0x16: {  	[tilespmem:s3], [sflag:$0x5] =	stream.linear.gather [hbm4b:s5+s3], $0x1400, $0x38;
	[tilespmem:$0x1EF80] =	vst v63  }
0x17: {  	s0 =	simm.s32 @p0 $0x1FC5  }
0x18: {  	[tilespmem:s15], [sflag:$0x5] =	stream.linear.gather [hbm4b:s6+s3], $0x1400, $0x38;
	[tilespmem:$0x1EF80] =	vst v63  }
0x19: {  	[spmem:s16], [sflag:s0] =	dma.local @p0 [hbm:s8], $0x2800  }
0x1a: {  	[spmem:s18], [sflag:s17] =	dma.local @!p0 [hbm:s7], $0x2900  }
0x1b: {  	_ =	swait.ge [sflag:s19], $0x1400  }
0x1c: {  	[sflag:s19] =	ssyncset.done $0x0  }
0x1d: {  	[sflag:s19] =	ssyncadd.s32 $0xFFFFEC00  }
0x1e: {  	_ =	swait.ge [sflag:s19], $0x1400  }
0x1f: {  	[sflag:s19] =	ssyncset.done $0x0  }
0x20: {  	s0 =	simm.s32 @p0 $0x5;
	[sflag:s19] =	ssyncadd.s32 $0xFFFFEC00  }
0x21: {  	_ =	swait.ge @p0 [sflag:s0], $0x2800  }
0x22: {  	[sflag:s0] =	ssyncset.done @p0 $0x0  }
0x23: {  	[sflag:s0] =	ssyncadd.s32 @p0 $0xFFFFD800;
	s0 =	simm.s32 @!p0 $0x5  }
0x24: {  	_ =	swait.ge @!p0 [sflag:s0], $0x2900  }
0x25: {  	[sflag:s0] =	ssyncset.done @!p0 $0x0  }
0x26: {  	[sflag:s0] =	ssyncadd.s32 @!p0 $0xFFFFD700  }
0x27: {  	[bflag:$0x0] =	sbarrier.arrive $0xFFFF  }
0x28: {  	[tilespmem:s21], [sflag:$0x1] =	stream.indirect.gather [hbm4b:s1+s20], $0x80, s3, s20, $0xb8;
	[tilespmem:$0x1EF80] =	vst v63  }
0x29: {  	_ =	swait.ge [sflag:s22], $0x4000  }
0x2a: {  	[sflag:s22] =	ssyncset.done $0x0  }
0x2b: {  	[sflag:s22] =	ssyncadd.s32 $0xFFFFC000  }
0x2c: {  	[spmem:s2] =	stream.indirect.scatter.add.f32 [tilespmem:s21], [sflag:$0x3], $0x80, s15, s20, $0xb8;
	[tilespmem:$0x1EF80] =	vst v63  }
0x2d: {  	_ = 	snop  }
0x2e: {  	[tilespmem:s23], [sflag:$0x2] =	stream.indirect.gather [hbm4b:s1+s20], $0x80, s20, s20, $0xb8;
	[tilespmem:$0x1EF80] =	vst v63  }
0x2f: {  	_ =	swait.ge [sflag:s24], $0x4000  }
0x30: {  	[sflag:s24] =	ssyncset.done $0x0  }
0x31: {  	s4 =	simm.s32 $0x1480;
	[sflag:s24] =	ssyncadd.s32 $0xFFFFC000  }
0x32: {  	[spmem:s2] =	stream.indirect.scatter.add.f32 [tilespmem:s23], [sflag:$0x4], $0x80, s4, s20, $0xb8;
	[tilespmem:$0x1EF80] =	vst v63  }
0x33: {  	_ =	swait.ge [sflag:s25], $0x4000  }
0x34: {  	[sflag:s25] =	ssyncset.done $0x0  }
0x35: {  	s4 =	simm.s32 $0x100;
	[sflag:s25] =	ssyncadd.s32 $0xFFFFC000  }
0x36: {  	[tilespmem:s21], [sflag:$0x1] =	stream.indirect.gather [hbm4b:s1+s20], $0x80, s4, s20, $0xb8;
	[tilespmem:$0x1EF80] =	vst v63  }
0x37: {  	_ =	swait.ge [sflag:s22], $0x4000  }
0x38: {  	[sflag:s22] =	ssyncset.done $0x0  }
0x39: {  	s4 =	simm.s32 $0x1500;
	[sflag:s22] =	ssyncadd.s32 $0xFFFFC000  }
0x3a: {  	[spmem:s2] =	stream.indirect.scatter.add.f32 [tilespmem:s21], [sflag:$0x3], $0x80, s4, s20, $0xb8;
	[tilespmem:$0x1EF80] =	vst v63  }
0x3b: {  	_ =	swait.ge [sflag:s26], $0x4000  }
0x3c: {  	[sflag:s26] =	ssyncset.done $0x0  }
0x3d: {  	s31 =	simm.s32 $0xFFFFB800;
	s0 =	simm.s32 $0x180;
	[sflag:s26] =	ssyncadd.s32 $0xFFFFC000  }
.LBB2_2:
0x3e: {  	[tilespmem:s23], [sflag:$0x2] =	stream.indirect.gather [hbm4b:s1+s20], $0x80, s0, s20, $0xb8;
	[tilespmem:$0x1EF80] =	vst v63  }
0x3f: {  	s0 =	smov.u32 s31  }
0x40: {  	p1 =	sne.s32 s31, $0xFFFFFC00;
	s31 =	sadd.s32 $0x400, s31;
	_ =	swait.ge [sflag:s24], $0x4000  }
0x41: {  	s0 =	sshra.s32 s0, $0x2;
	[sflag:s24] =	ssyncset.done $0x0  }
0x42: {  	s4 =	sadd.s32 $0x2780, s0;
	[sflag:s24] =	ssyncadd.s32 $0xFFFFC000  }
0x43: {  	[spmem:s2] =	stream.indirect.scatter.add.f32 [tilespmem:s23], [sflag:$0x4], $0x80, s4, s20, $0xb8;
	[tilespmem:$0x1EF80] =	vst v63  }
0x44: {  	_ =	swait.ge [sflag:s25], $0x4000  }
0x45: {  	[sflag:s25] =	ssyncset.done $0x0  }
0x46: {  	s4 =	sadd.s32 $0x1400, s0;
	[sflag:s25] =	ssyncadd.s32 $0xFFFFC000  }
0x47: {  	[tilespmem:s21], [sflag:$0x1] =	stream.indirect.gather [hbm4b:s1+s20], $0x80, s4, s20, $0xb8;
	[tilespmem:$0x1EF80] =	vst v63  }
0x48: {  	_ =	swait.ge [sflag:s22], $0x4000  }
0x49: {  	[sflag:s22] =	ssyncset.done $0x0  }
.Ltmp0:
0x4a: {  	s4 =	sadd.s32 $0x2800, s0;
	[sflag:s22] =	ssyncadd.s32 $0xFFFFC000;
	(pc) =	sbr.rel @p1 .LBB2_2-.Ltmp0, $4  }
0x4b: {  	[spmem:s2] =	stream.indirect.scatter.add.f32 [tilespmem:s21], [sflag:$0x3], $0x80, s4, s20, $0xb8;
	[tilespmem:$0x1EF80] =	vst v63  }
0x4c: {  	_ =	swait.ge [sflag:s26], $0x4000  }
0x4d: {  	[sflag:s26] =	ssyncset.done $0x0  }
0x4e: {  	s0 =	sadd.s32 $0x1480, s0;
	[sflag:s26] =	ssyncadd.s32 $0xFFFFC000  }
0x4f: {  	[tilespmem:s23], [sflag:$0x2] =	stream.indirect.gather [hbm4b:s1+s20], $0x80, s0, s20, $0xb8;
	[tilespmem:$0x1EF80] =	vst v63  }
0x50: {  	_ =	swait.ge [sflag:s24], $0x4000  }
0x51: {  	[sflag:s24] =	ssyncset.done $0x0  }
0x52: {  	[sflag:s24] =	ssyncadd.s32 $0xFFFFC000  }
0x53: {  	[spmem:s2] =	stream.indirect.scatter.add.f32 [tilespmem:s23], [sflag:$0x4], $0x80, s28, s20, $0xb8;
	[tilespmem:$0x1EF80] =	vst v63  }
0x54: {  	_ =	swait.ge [sflag:s25], $0x4000  }
0x55: {  	[sflag:s25] =	ssyncset.done $0x0  }
0x56: {  	[sflag:s25] =	ssyncadd.s32 $0xFFFFC000  }
0x57: {  	_ =	swait.ge [sflag:s26], $0x4000  }
0x58: {  	[sflag:s26] =	ssyncset.done $0x0  }
0x59: {  	[sflag:s26] =	ssyncadd.s32 $0xFFFFC000  }
0x5a: {  	[tilespmem:s3], [sflag:$0x6] =	stream.linear.gather [hbm4b:s9+s3], $0x1400, $0x38;
	[tilespmem:$0x1EF80] =	vst v63  }
0x5b: {  	_ =	swait.ge [sflag:s29], $0x1400  }
0x5c: {  	[sflag:s29] =	ssyncset.done $0x0  }
0x5d: {  	[sflag:s29] =	ssyncadd.s32 $0xFFFFEC00  }
0x5e: {  	[tilespmem:s15], [sflag:$0x6] =	stream.linear.gather [hbm4b:s10+s3], $0x1400, $0x38;
	[tilespmem:$0x1EF80] =	vst v63  }
0x5f: {  	_ =	swait.ge [sflag:s29], $0x1400  }
0x60: {  	[sflag:s29] =	ssyncset.done $0x0  }
0x61: {  	[sflag:s29] =	ssyncadd.s32 $0xFFFFEC00  }
0x62: {  	[tilespmem:s21], [sflag:$0x1] =	stream.indirect.gather [hbm4b:s1+s20], $0x80, s3, s20, $0xb8;
	[tilespmem:$0x1EF80] =	vst v63  }
0x63: {  	_ =	swait.ge [sflag:s22], $0x4000  }
0x64: {  	[sflag:s22] =	ssyncset.done $0x0  }
0x65: {  	[sflag:s22] =	ssyncadd.s32 $0xFFFFC000  }
0x66: {  	[spmem:s2] =	stream.indirect.scatter.add.f32 [tilespmem:s21], [sflag:$0x3], $0x80, s15, s20, $0xb8;
	[tilespmem:$0x1EF80] =	vst v63  }
0x67: {  	_ = 	snop  }
0x68: {  	[tilespmem:s23], [sflag:$0x2] =	stream.indirect.gather [hbm4b:s1+s20], $0x80, s20, s20, $0xb8;
	[tilespmem:$0x1EF80] =	vst v63  }
0x69: {  	_ =	swait.ge [sflag:s24], $0x4000  }
0x6a: {  	[sflag:s24] =	ssyncset.done $0x0  }
0x6b: {  	s4 =	simm.s32 $0x1480;
	[sflag:s24] =	ssyncadd.s32 $0xFFFFC000  }
0x6c: {  	[spmem:s2] =	stream.indirect.scatter.add.f32 [tilespmem:s23], [sflag:$0x4], $0x80, s4, s20, $0xb8;
	[tilespmem:$0x1EF80] =	vst v63  }
0x6d: {  	_ =	swait.ge [sflag:s25], $0x4000  }
0x6e: {  	[sflag:s25] =	ssyncset.done $0x0  }
0x6f: {  	s4 =	simm.s32 $0x100;
	[sflag:s25] =	ssyncadd.s32 $0xFFFFC000  }
0x70: {  	[tilespmem:s21], [sflag:$0x1] =	stream.indirect.gather [hbm4b:s1+s20], $0x80, s4, s20, $0xb8;
	[tilespmem:$0x1EF80] =	vst v63  }
0x71: {  	_ =	swait.ge [sflag:s22], $0x4000  }
0x72: {  	[sflag:s22] =	ssyncset.done $0x0  }
0x73: {  	s4 =	simm.s32 $0x1500;
	[sflag:s22] =	ssyncadd.s32 $0xFFFFC000  }
0x74: {  	[spmem:s2] =	stream.indirect.scatter.add.f32 [tilespmem:s21], [sflag:$0x3], $0x80, s4, s20, $0xb8;
	[tilespmem:$0x1EF80] =	vst v63  }
0x75: {  	_ =	swait.ge [sflag:s26], $0x4000  }
0x76: {  	[sflag:s26] =	ssyncset.done $0x0  }
0x77: {  	s31 =	simm.s32 $0xFFFFB800;
	s0 =	simm.s32 $0x180;
	[sflag:s26] =	ssyncadd.s32 $0xFFFFC000  }
.LBB2_4:
0x78: {  	[tilespmem:s23], [sflag:$0x2] =	stream.indirect.gather [hbm4b:s1+s20], $0x80, s0, s20, $0xb8;
	[tilespmem:$0x1EF80] =	vst v63  }
0x79: {  	s0 =	smov.u32 s31  }
0x7a: {  	p1 =	sne.s32 s31, $0xFFFFFC00;
	s31 =	sadd.s32 $0x400, s31;
	_ =	swait.ge [sflag:s24], $0x4000  }
0x7b: {  	s0 =	sshra.s32 s0, $0x2;
	[sflag:s24] =	ssyncset.done $0x0  }
0x7c: {  	s4 =	sadd.s32 $0x2780, s0;
	[sflag:s24] =	ssyncadd.s32 $0xFFFFC000  }
0x7d: {  	[spmem:s2] =	stream.indirect.scatter.add.f32 [tilespmem:s23], [sflag:$0x4], $0x80, s4, s20, $0xb8;
	[tilespmem:$0x1EF80] =	vst v63  }
0x7e: {  	_ =	swait.ge [sflag:s25], $0x4000  }
0x7f: {  	[sflag:s25] =	ssyncset.done $0x0  }
0x80: {  	s4 =	sadd.s32 $0x1400, s0;
	[sflag:s25] =	ssyncadd.s32 $0xFFFFC000  }
0x81: {  	[tilespmem:s21], [sflag:$0x1] =	stream.indirect.gather [hbm4b:s1+s20], $0x80, s4, s20, $0xb8;
	[tilespmem:$0x1EF80] =	vst v63  }
0x82: {  	_ =	swait.ge [sflag:s22], $0x4000  }
0x83: {  	[sflag:s22] =	ssyncset.done $0x0  }
.Ltmp1:
0x84: {  	s4 =	sadd.s32 $0x2800, s0;
	[sflag:s22] =	ssyncadd.s32 $0xFFFFC000;
	(pc) =	sbr.rel @p1 .LBB2_4-.Ltmp1, $4  }
0x85: {  	[spmem:s2] =	stream.indirect.scatter.add.f32 [tilespmem:s21], [sflag:$0x3], $0x80, s4, s20, $0xb8;
	[tilespmem:$0x1EF80] =	vst v63  }
0x86: {  	_ =	swait.ge [sflag:s26], $0x4000  }
0x87: {  	[sflag:s26] =	ssyncset.done $0x0  }
0x88: {  	s0 =	sadd.s32 $0x1480, s0;
	[sflag:s26] =	ssyncadd.s32 $0xFFFFC000  }
0x89: {  	[tilespmem:s23], [sflag:$0x2] =	stream.indirect.gather [hbm4b:s1+s20], $0x80, s0, s20, $0xb8;
	[tilespmem:$0x1EF80] =	vst v63  }
0x8a: {  	_ =	swait.ge [sflag:s24], $0x4000  }
0x8b: {  	[sflag:s24] =	ssyncset.done $0x0  }
0x8c: {  	[sflag:s24] =	ssyncadd.s32 $0xFFFFC000  }
0x8d: {  	[spmem:s2] =	stream.indirect.scatter.add.f32 [tilespmem:s23], [sflag:$0x4], $0x80, s28, s20, $0xb8;
	[tilespmem:$0x1EF80] =	vst v63  }
0x8e: {  	_ =	swait.ge [sflag:s25], $0x4000  }
0x8f: {  	[sflag:s25] =	ssyncset.done $0x0  }
0x90: {  	[sflag:s25] =	ssyncadd.s32 $0xFFFFC000  }
0x91: {  	_ =	swait.ge [sflag:s26], $0x4000  }
0x92: {  	[sflag:s26] =	ssyncset.done $0x0  }
0x93: {  	[sflag:s26] =	ssyncadd.s32 $0xFFFFC000  }
0x94: {  	s0 =	simm.s32 @p0 $0x1FC6;
	[bflag:$0x0] =	sbarrier.arrive $0xFFFF  }
0x95: {  	[hbm:s12], [sflag:s0] =	dma.local @p0 [spmem:s16], $0xA00  }
0x96: {  	s0 =	simm.s32 @p0 $0x6  }
0x97: {  	_ =	swait.ge @p0 [sflag:s0], $0xA00  }
0x98: {  	s30 =	sadd.s32 $0x1, s30;
	[sflag:s0] =	ssyncset.done @p0 $0x0  }
0x99: {  	p1 =	sne.s32 s30, s13;
	[sflag:s0] =	ssyncadd.s32 @p0 $0xFFFFF600;
	s0 =	sor.u32 @!p0 $0x1C06, s14  }
0x9a: {  	[hbm:s11], [sflag:s0] =	dma.local @!p0 [spmem:s18], $0x2900  }
.Ltmp2:
0x9b: {  	_ = 	snop;
	(pc) =	sbr.rel @p1 .LBB2_1-.Ltmp2, $4  }
0x9c: {  	s0 =	simm.s32 @!p0 $0x6  }
0x9d: {  	_ =	swait.ge @!p0 [sflag:s0], $0x2900  }
0x9e: {  	[sflag:s0] =	ssyncset.done @!p0 $0x0  }
0x9f: {  	[sflag:s0] =	ssyncadd.s32 @!p0 $0xFFFFD700  }
0xa0: {  	_ =	sfence.sel $0x180000  }
0xa1: {  	[bflag:$0x0] =	sbarrier.arrive $0xFFFF  }
0xa2: {  	_ =	strace $0x9000004D  }
0xa3: {  	s0 =	stileid.u32;
	[bflag:$0x2] =	sbarrier.arrive $0xFFFF  }
0xa4: {  	p0 =	sne.s32 s0, $0x0;
	s0 =	rddreg [dreg:$0x3]  }
0xa5: {  	s0 =	sadd.s32 @!p0 $0x100000, s0  }
0xa6: {  	[sflag:s0] =	ssyncadd.tile.s32 @!p0 $0x1;
	_ =	shalt  }
.Lfunc_end2:
_tile_overlayer_lowered:
.L_overlay_start_2:
0xa7: {  	(tag) =	ssettag $0x2  }
0xa8: {  	s0 =	rddreg [dreg:$0x0];
	s2 =	stileid.u32  }
0xa9: {  	s1 =	rddreg [dreg:$0x1];
	p0 =	sne.s32 s2, $0x0  }
0xaa: {  	s3 =	rddreg [dreg:$0x2];
	[bflag:$0x3] =	sbarrier.arrive $0xFFFF;
	s2 =	simm.s32 @!p0 $0x1C06  }
0xab: {  	[timem:s3], [sflag:s2] =	dma.local @!p0 [hbm:s0], s1  }
0xac: {  	s0 =	simm.s32 @!p0 $0x6  }
0xad: {  	_ =	swait.ge @!p0 [sflag:s0], s1  }
0xae: {  	s1 =	ssub.s32 @!p0 $0x0, s1;
	[sflag:s0] =	ssyncset.done @!p0 $0x0  }
0xaf: {  	[sflag:s0] =	ssyncadd.s32 @!p0 s1  }
0xb0: {  	[bflag:$0x3] =	sbarrier.arrive $0xFFFF  }
0xb1: {  	_ =	shalt  }

// kernel: kernel.8.cloned.1.call-start
scs
__scs_entry_jumppad:
0x0: {  	(pc) =	sbr.rel $0x88, $3  }
0x1: {  	(tag) =	ssettag $0x0;
	lr =	simm.s32 $0x1  }
0x2: {  	[smem:$0x3F93] =	sst lr;
	_ =	strace $0xD0000000  }
0x3: {  	_ = 	snop  }
0x4: {  	_ = 	snop  }
0x5: {  	_ = 	snop  }
0x6: {  	_ = 	snop  }
0x7: {  	_ = 	snop  }
__scs_overlays_trampoline_lowered:
0x8: {  	[smem:$0x3FA2] =	sst s0  }
0x9: {  	[smem:$0x3FA3] =	sst s1  }
0xa: {  	[smem:$0x3FA4] =	sst s2  }
0xb: {  	[smem:$0x3FA5] =	sst s3  }
0xc: {  	[smem:$0x3FA6] =	sst s4  }
0xd: {  	[smem:$0x3FA7] =	sst s5  }
0xe: {  	[smem:$0x3FA8] =	sst s6  }
0xf: {  	[smem:$0x3FA9] =	sst s7  }
0x10: {  	[smem:$0x3FAA] =	sst s8  }
0x11: {  	[smem:$0x3FAB] =	sst s9;
	s0 =	simm.s32 @!p0 $0x0  }
0x12: {  	s1 =	sld [smem:$0x3F91];
	s0 =	simm.s32 @p0 $0x1  }
0x13: {  	[smem:$0x3FAC] =	sst s0;
	s0 =	simm.s32 @!p1 $0x0  }
0x14: {  	s2 =	sld [smem:$0x3F90];
	s0 =	simm.s32 @p1 $0x1  }
0x15: {  	[smem:$0x3FAD] =	sst s0;
	s0 =	simm.s32 @!p2 $0x0  }
0x16: {  	s3 =	sld [smem:$0x3FDB];
	s0 =	simm.s32 @p2 $0x1  }
0x17: {  	s4 =	simm.s32 $0x1BF5;
	[smem:$0x3FAF] =	sst s0  }
0x18: {  	s0 =	sld [smem:$0x3F92];
	_ =	swait.ge [sflag:s4], $0x0  }
0x19: {  	s7 =	sld [smem:$0x3F93]  }
0x1a: {  	s8 =	sadd.s32 $0xFFFFE003, lr  }
0x1b: {  	s9 =	sadd.s32 $0xFFFFFEF7, lr;
	s5 =	simm.s32 $0xFFFFFFFF;
	p2 =	slt.u32 s8, $0xFFFFF086  }
0x1c: {  	p1 =	slt.u32 s9, $0xF7A;
	s5 =	simm.s32 @!p2 $0x0  }
0x1d: {  	s5 =	simm.s32 @p1 $0x1;
	p0 =	seq.s32 s7, s2  }
0x1e: {  	s7 =	smul.u32 @!p0 $0xF7A, s2;
	p2 =	seq.s32 @!p0 s5, $0x0  }
0x1f: {  	s9 =	smul.u32 $0xF7A, s1;
	s8 =	simm.s32 @!p0 $0x1BF5;
	p2 =	por !p2, p0  }
0x20: {  	[sflag:s8] =	ssyncset.s32 @!p0 $0xFFFFF086;
	s6 =	sadd.s32 @!p0 s3, s7;
	s7 =	simm.s32 @!p0 $0x108  }
0x21: {  	s3 =	sadd.s32 s3, s9;
	s6 =	sadd.s32 @!p0 $0x88, s6;
	s7 =	simm.s32 @p2 $0x1082  }
0x22: {  	[simem:s7], [sflag:s8] =	dma.local @!p0 [hbm:s6], $0xF7A  }
0x23: {  	s9 =	sor.u32 $0xD0000000, s2;
	s6 =	simm.s32 $0x108;
	_ =	swait.ge @!p0 [sflag:s8], $0x0  }
0x24: {  	s3 =	sadd.s32 $0x88, s3;
	s6 =	simm.s32 @!p1 $0x1082;
	[sflag:s4] =	ssyncset.s32 $0xFFFFF086  }
0x25: {  	[simem:s6], [sflag:s4] =	dma.local [hbm:s3], $0xF7A  }
0x26: {  	[smem:$0x3F93] =	sst s1;
	(tag) =	ssettag s2;
	_ =	strace s9  }
0x27: {  	s1 =	sld [smem:$0x3FA3]  }
0x28: {  	s2 =	sld [smem:$0x3FA4]  }
0x29: {  	s4 =	sld [smem:$0x3FA6]  }
0x2a: {  	p0 =	seq.s32 s5, $0x0;
	s5 =	sld [smem:$0x3FA7]  }
0x2b: {  	s6 =	sld [smem:$0x3FA8]  }
0x2c: {  	s7 =	sld [smem:$0x3FA9]  }
0x2d: {  	s3 =	simm.s32 $0x108;
	s8 =	sld [smem:$0x3FAA]  }
0x2e: {  	s3 =	simm.s32 @!p0 $0x1082;
	s9 =	sld [smem:$0x3FAB]  }
0x2f: {  	lr =	sadd.s32 s0, s3;
	s0 =	sld [smem:$0x3FA2]  }
0x30: {  	s3 =	sld [smem:$0x3FA5]  }
0x31: {  	[smem:$0x3FAE] =	sst s10  }
0x32: {  	s10 =	sld [smem:$0x3FAC];
	_ =	sdelay $0x3  }
0x33: {  	p0 =	seq.s32 s10, $0x1;
	s10 =	sld [smem:$0x3FAE];
	_ =	sdelay $0x3  }
0x34: {  	[smem:$0x3FAE] =	sst s10  }
0x35: {  	s10 =	sld [smem:$0x3FAD];
	_ =	sdelay $0x3  }
0x36: {  	p1 =	seq.s32 s10, $0x1;
	s10 =	sld [smem:$0x3FAE];
	_ =	sdelay $0x3  }
0x37: {  	[smem:$0x3FAE] =	sst s10  }
0x38: {  	s10 =	sld [smem:$0x3FAF]  }
0x39: {  	_ = 	snop;
	(pc) =	sbr.ind lr, $3  }
0x3a: {  	_ = 	snop  }
0x3b: {  	_ = 	snop  }
0x3c: {  	p2 =	seq.s32 s10, $0x1;
	s10 =	sld [smem:$0x3FAE]  }
0x3d: {  	_ =	shalt  }
0x3e: {  	_ =	shalt  }
0x3f: {  	_ =	shalt  }
0x40: {  	_ =	shalt  }
0x41: {  	_ =	shalt  }
0x42: {  	_ =	shalt  }
0x43: {  	_ =	shalt  }
0x44: {  	_ =	shalt  }
0x45: {  	_ =	shalt  }
0x46: {  	_ =	shalt  }
0x47: {  	_ =	shalt  }
0x48: {  	_ =	shalt  }
0x49: {  	_ =	shalt  }
0x4a: {  	_ =	shalt  }
0x4b: {  	_ =	shalt  }
0x4c: {  	_ =	shalt  }
0x4d: {  	_ =	shalt  }
0x4e: {  	_ =	shalt  }
0x4f: {  	_ =	shalt  }
0x50: {  	_ =	shalt  }
0x51: {  	_ =	shalt  }
0x52: {  	_ =	shalt  }
0x53: {  	_ =	shalt  }
0x54: {  	_ =	shalt  }
0x55: {  	_ =	shalt  }
0x56: {  	_ =	shalt  }
0x57: {  	_ =	shalt  }
0x58: {  	_ =	shalt  }
0x59: {  	_ =	shalt  }
0x5a: {  	_ =	shalt  }
0x5b: {  	_ =	shalt  }
0x5c: {  	_ =	shalt  }
0x5d: {  	_ =	shalt  }
0x5e: {  	_ =	shalt  }
0x5f: {  	_ =	shalt  }
0x60: {  	_ =	shalt  }
0x61: {  	_ =	shalt  }
0x62: {  	_ =	shalt  }
0x63: {  	_ =	shalt  }
0x64: {  	_ =	shalt  }
0x65: {  	_ =	shalt  }
0x66: {  	_ =	shalt  }
0x67: {  	_ =	shalt  }
0x68: {  	_ =	shalt  }
0x69: {  	_ =	shalt  }
0x6a: {  	_ =	shalt  }
0x6b: {  	_ =	shalt  }
0x6c: {  	_ =	shalt  }
0x6d: {  	_ =	shalt  }
0x6e: {  	_ =	shalt  }
0x6f: {  	_ =	shalt  }
0x70: {  	_ =	shalt  }
0x71: {  	_ =	shalt  }
0x72: {  	_ =	shalt  }
0x73: {  	_ =	shalt  }
0x74: {  	_ =	shalt  }
0x75: {  	_ =	shalt  }
0x76: {  	_ =	shalt  }
0x77: {  	_ =	shalt  }
0x78: {  	_ =	shalt  }
0x79: {  	_ =	shalt  }
0x7a: {  	_ =	shalt  }
0x7b: {  	_ =	shalt  }
0x7c: {  	_ =	shalt  }
0x7d: {  	_ =	shalt  }
0x7e: {  	_ =	shalt  }
0x7f: {  	_ =	shalt  }
0x80: {  	_ =	shalt  }
0x81: {  	_ =	shalt  }
0x82: {  	_ =	shalt  }
0x83: {  	_ =	shalt  }
0x84: {  	_ =	shalt  }
0x85: {  	_ =	shalt  }
0x86: {  	_ =	shalt  }
0x87: {  	_ =	shalt  }
.Lfunc_end0:
.L_simem_size_0:
called_computation_lowered:
.L_overlay_start_0:
0x88: {  	s2 =	sld [smem:$0x3FD9]  }
0x89: {  	s3 =	sld [smem:$0x3FFE];
	_ =	sdelay $0x1  }
0x8a: {  	s1 =	srdreg.scid  }
0x8b: {  	s0 =	sand.u32 $0x1, s1  }
0x8c: {  	s17 =	sshll.u32 s0, $0xA;
	s2 =	sadd.s32 s3, s2  }
0x8d: {  	s2 =	sadd.s32 s2, s17  }
0x8e: {  	[smem:$0x3FBA] =	sst s2  }
0x8f: {  	_ = 	snop  }
0x90: {  	s2 =	sld [smem:$0x3FD0];
	(tm) =	ssettm $0x1  }
0x91: {  	s18 =	sld [smem:$0x3FFB];
	_ =	sdelay $0x3  }
0x92: {  	_ =	strace s18  }
0x93: {  	s3 =	sld [smem:$0x3FFC];
	_ =	sdelay $0x3  }
0x94: {  	_ =	strace s3  }
0x95: {  	s3 =	sld [smem:$0x3FFD];
	_ =	sdelay $0x3  }
0x96: {  	_ =	strace s3  }
0x97: {  	_ =	strace $0x8FFFFFFF  }
0x98: {  	s19 =	sld [smem:$0x3FDB];
	_ =	sdelay $0x1  }
0x99: {  	s4 =	simm.s32 $_scs_section_size  }
0x9a: {  	s5 =	simm.s32 $_size__tile_overlayer_lowered;
	s6 =	simm.s32 $_tile_overlayer_lowered  }
0x9b: {  	s22 =	simm.s32 $0x1BFF;
	s21 =	sshll.u32 s6, $0x1;
	s3 =	sadd.s32 s4, s19  }
0x9c: {  	s7 =	simm.s32 $0x0;
	s20 =	sshll.u32 s5, $0x1;
	s5 =	sadd.s32 s21, s3  }
0x9d: {  	[timem:s7], [sflag:s22] =	dma.local [hbm:s5], s20  }
0x9e: {  	_ =	swait.ge [sflag:s22], s20  }
0x9f: {  	s4 =	ssub.s32 $0x0, s20;
	[sflag:s22] =	ssyncset.done $0x0  }
0xa0: {  	[sflag:s22] =	ssyncadd.s32 s4;
	_ =	sdelay $0x1  }
0xa1: {  	s23 =	simm.s32 $0x1B8B  }
0xa2: {  	_ =	swait.ge [sflag:s23], $0x1  }
0xa3: {  	[sflag:s23] =	ssyncset.done $0x0  }
0xa4: {  	s25 =	simm.s32 $0x1B8E;
	s24 =	sld [smem:$0x3FFE];
	[sflag:s23] =	ssyncadd.s32 $0xFFFFFFFF  }
0xa5: {  	s26 =	simm.s32 $execute0_lowered;
	[smem:$0x3FD2] =	sst s25  }
0xa6: {  	s5 =	sshll.u32 s26, $0x1;
	_ =	strace $0x80000046;
	[dreg:$0x1] =	wrdreg $0xFFFFFFFF  }
0xa7: {  	s28 =	simm.s32 $_size_execute0_lowered;
	s3 =	sadd.s32 s3, s5;
	[dreg:$0x0] =	wrdreg $0x0  }
0xa8: {  	s5 =	sshll.u32 s28, $0x1;
	[dreg:$0x2] =	wrdreg s3  }
0xa9: {  	[dreg:$0x3] =	wrdreg s5  }
0xaa: {  	[dreg:$0x4] =	wrdreg $0xC0  }
0xab: {  	_ =	task [dreg:s7], $0x5FFFF  }
0xac: {  	[dreg:$0x1] =	wrdreg $0xFFFFFFFF  }
0xad: {  	[dreg:$0x0] =	wrdreg $0x60  }
0xae: {  	[dreg:$0x2] =	wrdreg s2  }
0xaf: {  	[dreg:$0x3] =	wrdreg s24  }
0xb0: {  	[dreg:$0x4] =	wrdreg $0x83000  }
0xb1: {  	[dreg:$0x5] =	wrdreg $0x85800  }
0xb2: {  	[dreg:$0x6] =	wrdreg $0x9  }
0xb3: {  	_ =	task.clear_ibuf [dreg:s7], $0x7FFFF;
	_ =	strace $0x90000046  }
0xb4: {  	s29 =	simm.s32 $0x9;
	_ =	strace $0x80000048  }
0xb5: {  	_ =	swait.ge [sflag:s29], $0x1  }
0xb6: {  	[sflag:s29] =	ssyncadd.s32 $0xFFFFFFFF  }
0xb7: {  	_ =	strace $0x90000048  }
0xb8: {  	_ =	sfence  }
0xb9: {  	s30 =	sld [smem:$0x0];
	_ =	sdelay $0x2  }
0xba: {  	s31 =	sshll.u32 s1, $0xD;
	s1 =	sshrl.u32 s1, $0x2  }
0xbb: {  	s3 =	sand.u32 $0x4000, s31;
	s1 =	sadd.s32 s1, s30  }
0xbc: {  	s0 =	sor.u32 s3, s0;
	s1 =	sshll.u32 s1, $0x11  }
0xbd: {  	s0 =	sor.u32 s1, s0  }
0xbe: {  	s0 =	sadd.s32 $0x8F2B, s0  }
0xbf: {  	[sflag:s0] =	ssyncadd.remote.s32 $0x1  }
0xc0: {  	_ =	sfence.sel $0xFFFF  }
0xc1: {  	[dreg:$0x0] =	wrdreg $0xFFFFFFFF;
	(pc) =	sbr.abs _section_cstart, $3  }
0xc2: {  	[dreg:$0x1] =	wrdreg $0xFFFFFFFF  }
0xc3: {  	_ =	task.clear_ibuf [dreg:s7], $0x2FFFF;
	_ =	strace $0x9FFFFFFF  }
0xc4: {  	(tm) =	ssettm $0x7FFFFFFF  }
0xc5: {  	_ =	shalt  }
tec
execute0_lowered:
.L_overlay_start_1:
0x0: {  	(tag) =	ssettag $0x1  }
0x1: {  	s5 =	rddreg [dreg:$0x0]  }
0x2: {  	s6 =	rddreg [dreg:$0x1]  }
0x3: {  	s2 =	rddreg [dreg:$0x2]  }
0x4: {  	s0 =	srdreg.scid;
	s3 =	rddreg [dreg:$0x3]  }
0x5: {  	s1 =	stileid.u32;
	s4 =	simm.s32 $0x0;
	s13 =	simm.s32 $0x8000  }
0x6: {  	s14 =	simm.s32 $0x3;
	s15 =	simm.s32 $0x2;
	s16 =	simm.s32 $0x50  }
0x7: {  	s17 =	simm.s32 $0x8280;
	s18 =	simm.s32 $0x1;
	s21 =	simm.s32 $0x20  }
0x8: {  	s22 =	simm.s32 $0x10;
	s7 =	sand.u32 $0x1, s0;
	s0 =	rddreg [dreg:$0x4]  }
0x9: {  	s23 =	simm.s32 $0x0;
	s9 =	smul.u32 $0x500, s1;
	[smem:$0x7FF] =	sst s4  }
0xa: {  	s11 =	sshll.u32 s1, $0xB;
	s31 =	smul.u32 $0x280, s1;
	s19 =	sshll.u32 s1, $0x6  }
0xb: {  	s8 =	smul.u32 $0x5000, s7;
	s10 =	sshll.u32 s7, $0xF;
	_ =	strace $0x80000047  }
0xc: {  	s7 =	ssub.s32 $0x2, s7;
	s19 =	sor.u32 $0x1C03, s19;
	s10 =	sor.u32 s11, s10  }
0xd: {  	s30 =	sshrl.u32 s7, $0x1;
	s8 =	sadd.s32 s9, s8;
	s28 =	sadd.s32 s10, s6  }
0xe: {  	s12 =	ssub.s32 s7, s30;
	s5 =	sadd.s32 s5, s10;
	s7 =	sadd.s32 s31, s2  }
0xf: {  	s8 =	sshrl.u32 s8, $0x3;
	s11 =	smax.u32 s12, $0x1;
	s12 =	simm.s32 $0x4000  }
0x10: {  	s20 =	sshrl.u32 s7, $0x3;
	s29 =	sadd.s32 s8, s6;
	s6 =	sadd.s32 $0x3200, s28  }
0x11: {  	v0 =	vimm.f32 $0.0e+00;
	v1 =	vimm.f32 $1.000000000e+00;
	s8 =	sadd.s32 s31, s3;
	s9 =	sadd.s32 $0x13200, s29;
	s10 =	sadd.s32 $0x13210, s29  }
.LBB2_1:
0x12: {  	[tilespmem:s4], [sflag:$0x2] =	stream.linear.gather [hbm4b:s5+s4], $0x3E80, $0x38;
	[tilespmem:$0x8800] =	vst v63  }
0x13: {  	_ = 	snop  }
0x14: {  	[tilespmem:s12], [sflag:$0x2] =	stream.linear.gather [hbm4b:s6+s4], $0x3E80, $0x38;
	[tilespmem:$0x8800] =	vst v63  }
0x15: {  	[tilespmem:$0x8000] =	vst v0  }
0x16: {  	[tilespmem:$0x8010] =	vst v0  }
0x17: {  	[tilespmem:$0x8020] =	vst v0  }
0x18: {  	[tilespmem:$0x8030] =	vst v0  }
0x19: {  	[tilespmem:$0x8040] =	vst v0  }
0x1a: {  	[tilespmem:$0x8050] =	vst v0  }
0x1b: {  	[tilespmem:$0x8060] =	vst v0  }
0x1c: {  	[tilespmem:$0x8070] =	vst v0  }
0x1d: {  	[tilespmem:$0x8080] =	vst v0  }
0x1e: {  	[tilespmem:$0x8090] =	vst v0  }
0x1f: {  	[tilespmem:$0x80A0] =	vst v0  }
0x20: {  	[tilespmem:$0x80B0] =	vst v0  }
0x21: {  	[tilespmem:$0x80C0] =	vst v0  }
0x22: {  	[tilespmem:$0x80D0] =	vst v0  }
0x23: {  	[tilespmem:$0x80E0] =	vst v0  }
0x24: {  	[tilespmem:$0x80F0] =	vst v0  }
0x25: {  	[tilespmem:$0x8100] =	vst v0  }
0x26: {  	[tilespmem:$0x8110] =	vst v0  }
0x27: {  	[tilespmem:$0x8120] =	vst v0  }
0x28: {  	[tilespmem:$0x8130] =	vst v0  }
0x29: {  	[tilespmem:$0x8140] =	vst v0  }
0x2a: {  	[tilespmem:$0x8150] =	vst v0  }
0x2b: {  	[tilespmem:$0x8160] =	vst v0  }
0x2c: {  	[tilespmem:$0x8170] =	vst v0  }
0x2d: {  	[tilespmem:$0x8180] =	vst v0  }
0x2e: {  	[tilespmem:$0x8190] =	vst v0  }
0x2f: {  	[tilespmem:$0x81A0] =	vst v0  }
0x30: {  	[tilespmem:$0x81B0] =	vst v0  }
0x31: {  	[tilespmem:$0x81C0] =	vst v0  }
0x32: {  	[tilespmem:$0x81D0] =	vst v0  }
0x33: {  	[tilespmem:$0x81E0] =	vst v0  }
0x34: {  	[tilespmem:$0x81F0] =	vst v0  }
0x35: {  	[tilespmem:$0x8200] =	vst v0  }
0x36: {  	[tilespmem:$0x8210] =	vst v0  }
0x37: {  	[tilespmem:$0x8220] =	vst v0  }
0x38: {  	[tilespmem:$0x8230] =	vst v0  }
0x39: {  	[tilespmem:$0x8240] =	vst v0  }
0x3a: {  	[tilespmem:$0x8250] =	vst v0  }
0x3b: {  	[tilespmem:$0x8260] =	vst v0  }
0x3c: {  	[tilespmem:$0x8270] =	vst v0  }
0x3d: {  	[tilespmem:$0x8280] =	vst v1  }
0x3e: {  	[tilespmem:$0x8290] =	vst v1  }
0x3f: {  	[tilespmem:$0x82A0] =	vst v1  }
0x40: {  	[tilespmem:$0x82B0] =	vst v1  }
0x41: {  	[tilespmem:$0x82C0] =	vst v1  }
0x42: {  	[spmem:s7] =	stream.linear.scatter [tilespmem:s13], [sflag:$0x3], $0x280, $0x38;
	[tilespmem:$0x8800] =	vst v63  }
0x43: {  	_ =	swait.ge [sflag:s14], $0x280  }
0x44: {  	[sflag:s14] =	ssyncset.done $0x0  }
0x45: {  	[sflag:s14] =	ssyncadd.s32 $0xFFFFFD80  }
0x46: {  	[spmem:s8] =	stream.linear.scatter [tilespmem:s13], [sflag:$0x3], $0x280, $0x38;
	[tilespmem:$0x8800] =	vst v63  }
0x47: {  	_ =	swait.ge [sflag:s14], $0x280  }
0x48: {  	[sflag:s14] =	ssyncset.done $0x0  }
0x49: {  	[sflag:s14] =	ssyncadd.s32 $0xFFFFFD80  }
0x4a: {  	_ =	swait.ge [sflag:s15], $0x3E80  }
0x4b: {  	[sflag:s15] =	ssyncset.done $0x0  }
0x4c: {  	[sflag:s15] =	ssyncadd.s32 $0xFFFFC180  }
0x4d: {  	_ =	swait.ge [sflag:s15], $0x3E80  }
0x4e: {  	[sflag:s15] =	ssyncset.done $0x0  }
0x4f: {  	[sflag:s15] =	ssyncadd.s32 $0xFFFFC180  }
0x50: {  	s24 =	simm.s32 $0x0;
	[bflag:$0x0] =	sbarrier.arrive $0xFFFF  }
0x51: {  	[spmem:s2] =	stream.indirect.scatter.add.f32 [tilespmem:s17], [sflag:$0x1], $0x1, s24, s16, $0xb8;
	[tilespmem:$0x8800] =	vst v63  }
0x52: {  	s26 =	simm.s32 $0x4000  }
0x53: {  	[spmem:s3] =	stream.indirect.scatter.add.f32 [tilespmem:s17], [sflag:$0x1], $0x1, s26, s16, $0xb8;
	[tilespmem:$0x8800] =	vst v63  }
0x54: {  	s29 =	simm.s32 $0x80  }
0x55: {  	[spmem:s2] =	stream.indirect.scatter.add.f32 [tilespmem:s17], [sflag:$0x1], $0x1, s29, s16, $0xb8;
	[tilespmem:$0x8800] =	vst v63  }
0x56: {  	s30 =	simm.s32 $0x4080  }
0x57: {  	[spmem:s3] =	stream.indirect.scatter.add.f32 [tilespmem:s17], [sflag:$0x1], $0x1, s30, s16, $0xb8;
	[tilespmem:$0x8800] =	vst v63  }
0x58: {  	s31 =	simm.s32 $0x100  }
0x59: {  	[spmem:s2] =	stream.indirect.scatter.add.f32 [tilespmem:s17], [sflag:$0x1], $0x1, s31, s16, $0xb8;
	[tilespmem:$0x8800] =	vst v63  }
0x5a: {  	s25 =	simm.s32 $0x4100  }
0x5b: {  	[spmem:s3] =	stream.indirect.scatter.add.f32 [tilespmem:s17], [sflag:$0x1], $0x1, s25, s16, $0xb8;
	[tilespmem:$0x8800] =	vst v63  }
0x5c: {  	s26 =	simm.s32 $0x180  }
0x5d: {  	[spmem:s2] =	stream.indirect.scatter.add.f32 [tilespmem:s17], [sflag:$0x1], $0x1, s26, s16, $0xb8;
	[tilespmem:$0x8800] =	vst v63  }
0x5e: {  	s29 =	simm.s32 $0x4180  }
0x5f: {  	[spmem:s3] =	stream.indirect.scatter.add.f32 [tilespmem:s17], [sflag:$0x1], $0x1, s29, s16, $0xb8;
	[tilespmem:$0x8800] =	vst v63  }
0x60: {  	s30 =	simm.s32 $0x200  }
0x61: {  	[spmem:s2] =	stream.indirect.scatter.add.f32 [tilespmem:s17], [sflag:$0x1], $0x1, s30, s16, $0xb8;
	[tilespmem:$0x8800] =	vst v63  }
0x62: {  	s31 =	simm.s32 $0x4200  }
0x63: {  	[spmem:s3] =	stream.indirect.scatter.add.f32 [tilespmem:s17], [sflag:$0x1], $0x1, s31, s16, $0xb8;
	[tilespmem:$0x8800] =	vst v63  }
0x64: {  	s25 =	simm.s32 $0x280  }
0x65: {  	[spmem:s2] =	stream.indirect.scatter.add.f32 [tilespmem:s17], [sflag:$0x1], $0x1, s25, s16, $0xb8;
	[tilespmem:$0x8800] =	vst v63  }
0x66: {  	s26 =	simm.s32 $0x4280  }
0x67: {  	[spmem:s3] =	stream.indirect.scatter.add.f32 [tilespmem:s17], [sflag:$0x1], $0x1, s26, s16, $0xb8;
	[tilespmem:$0x8800] =	vst v63  }
0x68: {  	s29 =	simm.s32 $0x300  }
0x69: {  	[spmem:s2] =	stream.indirect.scatter.add.f32 [tilespmem:s17], [sflag:$0x1], $0x1, s29, s16, $0xb8;
	[tilespmem:$0x8800] =	vst v63  }
0x6a: {  	s30 =	simm.s32 $0x4300  }
0x6b: {  	[spmem:s3] =	stream.indirect.scatter.add.f32 [tilespmem:s17], [sflag:$0x1], $0x1, s30, s16, $0xb8;
	[tilespmem:$0x8800] =	vst v63  }
0x6c: {  	s31 =	simm.s32 $0x380  }
0x6d: {  	[spmem:s2] =	stream.indirect.scatter.add.f32 [tilespmem:s17], [sflag:$0x1], $0x1, s31, s16, $0xb8;
	[tilespmem:$0x8800] =	vst v63  }
0x6e: {  	s25 =	simm.s32 $0x4380  }
0x6f: {  	[spmem:s3] =	stream.indirect.scatter.add.f32 [tilespmem:s17], [sflag:$0x1], $0x1, s25, s16, $0xb8;
	[tilespmem:$0x8800] =	vst v63  }
0x70: {  	s26 =	simm.s32 $0x400  }
0x71: {  	[spmem:s2] =	stream.indirect.scatter.add.f32 [tilespmem:s17], [sflag:$0x1], $0x1, s26, s16, $0xb8;
	[tilespmem:$0x8800] =	vst v63  }
0x72: {  	s29 =	simm.s32 $0x4400  }
0x73: {  	[spmem:s3] =	stream.indirect.scatter.add.f32 [tilespmem:s17], [sflag:$0x1], $0x1, s29, s16, $0xb8;
	[tilespmem:$0x8800] =	vst v63  }
0x74: {  	s30 =	simm.s32 $0x480  }
0x75: {  	[spmem:s2] =	stream.indirect.scatter.add.f32 [tilespmem:s17], [sflag:$0x1], $0x1, s30, s16, $0xb8;
	[tilespmem:$0x8800] =	vst v63  }
0x76: {  	s31 =	simm.s32 $0x4480  }
0x77: {  	[spmem:s3] =	stream.indirect.scatter.add.f32 [tilespmem:s17], [sflag:$0x1], $0x1, s31, s16, $0xb8;
	[tilespmem:$0x8800] =	vst v63  }
0x78: {  	s25 =	simm.s32 $0x500  }
0x79: {  	[spmem:s2] =	stream.indirect.scatter.add.f32 [tilespmem:s17], [sflag:$0x1], $0x1, s25, s16, $0xb8;
	[tilespmem:$0x8800] =	vst v63  }
0x7a: {  	s26 =	simm.s32 $0x4500  }
0x7b: {  	[spmem:s3] =	stream.indirect.scatter.add.f32 [tilespmem:s17], [sflag:$0x1], $0x1, s26, s16, $0xb8;
	[tilespmem:$0x8800] =	vst v63  }
0x7c: {  	s29 =	simm.s32 $0x580  }
0x7d: {  	[spmem:s2] =	stream.indirect.scatter.add.f32 [tilespmem:s17], [sflag:$0x1], $0x1, s29, s16, $0xb8;
	[tilespmem:$0x8800] =	vst v63  }
0x7e: {  	s30 =	simm.s32 $0x4580  }
0x7f: {  	[spmem:s3] =	stream.indirect.scatter.add.f32 [tilespmem:s17], [sflag:$0x1], $0x1, s30, s16, $0xb8;
	[tilespmem:$0x8800] =	vst v63  }
0x80: {  	s31 =	simm.s32 $0x600  }
0x81: {  	[spmem:s2] =	stream.indirect.scatter.add.f32 [tilespmem:s17], [sflag:$0x1], $0x1, s31, s16, $0xb8;
	[tilespmem:$0x8800] =	vst v63  }
0x82: {  	s25 =	simm.s32 $0x4600  }
0x83: {  	[spmem:s3] =	stream.indirect.scatter.add.f32 [tilespmem:s17], [sflag:$0x1], $0x1, s25, s16, $0xb8;
	[tilespmem:$0x8800] =	vst v63  }
0x84: {  	s26 =	simm.s32 $0x680  }
0x85: {  	[spmem:s2] =	stream.indirect.scatter.add.f32 [tilespmem:s17], [sflag:$0x1], $0x1, s26, s16, $0xb8;
	[tilespmem:$0x8800] =	vst v63  }
0x86: {  	s29 =	simm.s32 $0x4680  }
0x87: {  	[spmem:s3] =	stream.indirect.scatter.add.f32 [tilespmem:s17], [sflag:$0x1], $0x1, s29, s16, $0xb8;
	[tilespmem:$0x8800] =	vst v63  }
0x88: {  	s30 =	simm.s32 $0x700  }
0x89: {  	[spmem:s2] =	stream.indirect.scatter.add.f32 [tilespmem:s17], [sflag:$0x1], $0x1, s30, s16, $0xb8;
	[tilespmem:$0x8800] =	vst v63  }
0x8a: {  	s31 =	simm.s32 $0x4700  }
0x8b: {  	[spmem:s3] =	stream.indirect.scatter.add.f32 [tilespmem:s17], [sflag:$0x1], $0x1, s31, s16, $0xb8;
	[tilespmem:$0x8800] =	vst v63  }
0x8c: {  	s25 =	simm.s32 $0x780  }
0x8d: {  	[spmem:s2] =	stream.indirect.scatter.add.f32 [tilespmem:s17], [sflag:$0x1], $0x1, s25, s16, $0xb8;
	[tilespmem:$0x8800] =	vst v63  }
0x8e: {  	s26 =	simm.s32 $0x4780  }
0x8f: {  	[spmem:s3] =	stream.indirect.scatter.add.f32 [tilespmem:s17], [sflag:$0x1], $0x1, s26, s16, $0xb8;
	[tilespmem:$0x8800] =	vst v63  }
0x90: {  	s29 =	simm.s32 $0x800  }
0x91: {  	[spmem:s2] =	stream.indirect.scatter.add.f32 [tilespmem:s17], [sflag:$0x1], $0x1, s29, s16, $0xb8;
	[tilespmem:$0x8800] =	vst v63  }
0x92: {  	s30 =	simm.s32 $0x4800  }
0x93: {  	[spmem:s3] =	stream.indirect.scatter.add.f32 [tilespmem:s17], [sflag:$0x1], $0x1, s30, s16, $0xb8;
	[tilespmem:$0x8800] =	vst v63  }
0x94: {  	s31 =	simm.s32 $0x880  }
0x95: {  	[spmem:s2] =	stream.indirect.scatter.add.f32 [tilespmem:s17], [sflag:$0x1], $0x1, s31, s16, $0xb8;
	[tilespmem:$0x8800] =	vst v63  }
0x96: {  	s25 =	simm.s32 $0x4880  }
0x97: {  	[spmem:s3] =	stream.indirect.scatter.add.f32 [tilespmem:s17], [sflag:$0x1], $0x1, s25, s16, $0xb8;
	[tilespmem:$0x8800] =	vst v63  }
0x98: {  	s26 =	simm.s32 $0x900  }
0x99: {  	[spmem:s2] =	stream.indirect.scatter.add.f32 [tilespmem:s17], [sflag:$0x1], $0x1, s26, s16, $0xb8;
	[tilespmem:$0x8800] =	vst v63  }
0x9a: {  	s29 =	simm.s32 $0x4900  }
0x9b: {  	[spmem:s3] =	stream.indirect.scatter.add.f32 [tilespmem:s17], [sflag:$0x1], $0x1, s29, s16, $0xb8;
	[tilespmem:$0x8800] =	vst v63  }
0x9c: {  	s30 =	simm.s32 $0x980  }
0x9d: {  	[spmem:s2] =	stream.indirect.scatter.add.f32 [tilespmem:s17], [sflag:$0x1], $0x1, s30, s16, $0xb8;
	[tilespmem:$0x8800] =	vst v63  }
0x9e: {  	s31 =	simm.s32 $0x4980  }
0x9f: {  	[spmem:s3] =	stream.indirect.scatter.add.f32 [tilespmem:s17], [sflag:$0x1], $0x1, s31, s16, $0xb8;
	[tilespmem:$0x8800] =	vst v63  }
0xa0: {  	s25 =	simm.s32 $0xA00  }
0xa1: {  	[spmem:s2] =	stream.indirect.scatter.add.f32 [tilespmem:s17], [sflag:$0x1], $0x1, s25, s16, $0xb8;
	[tilespmem:$0x8800] =	vst v63  }
0xa2: {  	s26 =	simm.s32 $0x4A00  }
0xa3: {  	[spmem:s3] =	stream.indirect.scatter.add.f32 [tilespmem:s17], [sflag:$0x1], $0x1, s26, s16, $0xb8;
	[tilespmem:$0x8800] =	vst v63  }
0xa4: {  	s29 =	simm.s32 $0xA80  }
0xa5: {  	[spmem:s2] =	stream.indirect.scatter.add.f32 [tilespmem:s17], [sflag:$0x1], $0x1, s29, s16, $0xb8;
	[tilespmem:$0x8800] =	vst v63  }
0xa6: {  	s30 =	simm.s32 $0x4A80  }
0xa7: {  	[spmem:s3] =	stream.indirect.scatter.add.f32 [tilespmem:s17], [sflag:$0x1], $0x1, s30, s16, $0xb8;
	[tilespmem:$0x8800] =	vst v63  }
0xa8: {  	s31 =	simm.s32 $0xB00  }
0xa9: {  	[spmem:s2] =	stream.indirect.scatter.add.f32 [tilespmem:s17], [sflag:$0x1], $0x1, s31, s16, $0xb8;
	[tilespmem:$0x8800] =	vst v63  }
0xaa: {  	s25 =	simm.s32 $0x4B00  }
0xab: {  	[spmem:s3] =	stream.indirect.scatter.add.f32 [tilespmem:s17], [sflag:$0x1], $0x1, s25, s16, $0xb8;
	[tilespmem:$0x8800] =	vst v63  }
0xac: {  	s26 =	simm.s32 $0xB80  }
0xad: {  	[spmem:s2] =	stream.indirect.scatter.add.f32 [tilespmem:s17], [sflag:$0x1], $0x1, s26, s16, $0xb8;
	[tilespmem:$0x8800] =	vst v63  }
0xae: {  	s29 =	simm.s32 $0x4B80  }
0xaf: {  	[spmem:s3] =	stream.indirect.scatter.add.f32 [tilespmem:s17], [sflag:$0x1], $0x1, s29, s16, $0xb8;
	[tilespmem:$0x8800] =	vst v63  }
0xb0: {  	s30 =	simm.s32 $0xC00  }
0xb1: {  	[spmem:s2] =	stream.indirect.scatter.add.f32 [tilespmem:s17], [sflag:$0x1], $0x1, s30, s16, $0xb8;
	[tilespmem:$0x8800] =	vst v63  }
0xb2: {  	s31 =	simm.s32 $0x4C00  }
0xb3: {  	[spmem:s3] =	stream.indirect.scatter.add.f32 [tilespmem:s17], [sflag:$0x1], $0x1, s31, s16, $0xb8;
	[tilespmem:$0x8800] =	vst v63  }
0xb4: {  	_ =	swait.ge [sflag:s18], $0x50  }
0xb5: {  	[sflag:s18] =	ssyncset.done $0x0  }
0xb6: {  	[sflag:s18] =	ssyncadd.s32 $0xFFFFFFB0  }
0xb7: {  	_ =	swait.ge [sflag:s18], $0x50  }
0xb8: {  	[sflag:s18] =	ssyncset.done $0x0  }
0xb9: {  	[sflag:s18] =	ssyncadd.s32 $0xFFFFFFB0  }
0xba: {  	_ =	swait.ge [sflag:s18], $0x50  }
0xbb: {  	[sflag:s18] =	ssyncset.done $0x0  }
0xbc: {  	[sflag:s18] =	ssyncadd.s32 $0xFFFFFFB0  }
0xbd: {  	_ =	swait.ge [sflag:s18], $0x50  }
0xbe: {  	[sflag:s18] =	ssyncset.done $0x0  }
0xbf: {  	[sflag:s18] =	ssyncadd.s32 $0xFFFFFFB0  }
0xc0: {  	_ =	swait.ge [sflag:s18], $0x50  }
0xc1: {  	[sflag:s18] =	ssyncset.done $0x0  }
0xc2: {  	[sflag:s18] =	ssyncadd.s32 $0xFFFFFFB0  }
0xc3: {  	_ =	swait.ge [sflag:s18], $0x50  }
0xc4: {  	[sflag:s18] =	ssyncset.done $0x0  }
0xc5: {  	[sflag:s18] =	ssyncadd.s32 $0xFFFFFFB0  }
0xc6: {  	_ =	swait.ge [sflag:s18], $0x50  }
0xc7: {  	[sflag:s18] =	ssyncset.done $0x0  }
0xc8: {  	[sflag:s18] =	ssyncadd.s32 $0xFFFFFFB0  }
0xc9: {  	_ =	swait.ge [sflag:s18], $0x50  }
0xca: {  	[sflag:s18] =	ssyncset.done $0x0  }
0xcb: {  	[sflag:s18] =	ssyncadd.s32 $0xFFFFFFB0  }
0xcc: {  	_ =	swait.ge [sflag:s18], $0x50  }
0xcd: {  	[sflag:s18] =	ssyncset.done $0x0  }
0xce: {  	[sflag:s18] =	ssyncadd.s32 $0xFFFFFFB0  }
0xcf: {  	_ =	swait.ge [sflag:s18], $0x50  }
0xd0: {  	[sflag:s18] =	ssyncset.done $0x0  }
0xd1: {  	[sflag:s18] =	ssyncadd.s32 $0xFFFFFFB0  }
0xd2: {  	_ =	swait.ge [sflag:s18], $0x50  }
0xd3: {  	[sflag:s18] =	ssyncset.done $0x0  }
0xd4: {  	[sflag:s18] =	ssyncadd.s32 $0xFFFFFFB0  }
0xd5: {  	_ =	swait.ge [sflag:s18], $0x50  }
0xd6: {  	[sflag:s18] =	ssyncset.done $0x0  }
0xd7: {  	[sflag:s18] =	ssyncadd.s32 $0xFFFFFFB0  }
0xd8: {  	_ =	swait.ge [sflag:s18], $0x50  }
0xd9: {  	[sflag:s18] =	ssyncset.done $0x0  }
0xda: {  	[sflag:s18] =	ssyncadd.s32 $0xFFFFFFB0  }
0xdb: {  	_ =	swait.ge [sflag:s18], $0x50  }
0xdc: {  	[sflag:s18] =	ssyncset.done $0x0  }
0xdd: {  	[sflag:s18] =	ssyncadd.s32 $0xFFFFFFB0  }
0xde: {  	_ =	swait.ge [sflag:s18], $0x50  }
0xdf: {  	[sflag:s18] =	ssyncset.done $0x0  }
0xe0: {  	[sflag:s18] =	ssyncadd.s32 $0xFFFFFFB0  }
0xe1: {  	_ =	swait.ge [sflag:s18], $0x50  }
0xe2: {  	[sflag:s18] =	ssyncset.done $0x0  }
0xe3: {  	[sflag:s18] =	ssyncadd.s32 $0xFFFFFFB0  }
0xe4: {  	_ =	swait.ge [sflag:s18], $0x50  }
0xe5: {  	[sflag:s18] =	ssyncset.done $0x0  }
0xe6: {  	[sflag:s18] =	ssyncadd.s32 $0xFFFFFFB0  }
0xe7: {  	_ =	swait.ge [sflag:s18], $0x50  }
0xe8: {  	[sflag:s18] =	ssyncset.done $0x0  }
0xe9: {  	[sflag:s18] =	ssyncadd.s32 $0xFFFFFFB0  }
0xea: {  	_ =	swait.ge [sflag:s18], $0x50  }
0xeb: {  	[sflag:s18] =	ssyncset.done $0x0  }
0xec: {  	[sflag:s18] =	ssyncadd.s32 $0xFFFFFFB0  }
0xed: {  	_ =	swait.ge [sflag:s18], $0x50  }
0xee: {  	[sflag:s18] =	ssyncset.done $0x0  }
0xef: {  	[sflag:s18] =	ssyncadd.s32 $0xFFFFFFB0  }
0xf0: {  	_ =	swait.ge [sflag:s18], $0x50  }
0xf1: {  	[sflag:s18] =	ssyncset.done $0x0  }
0xf2: {  	[sflag:s18] =	ssyncadd.s32 $0xFFFFFFB0  }
0xf3: {  	_ =	swait.ge [sflag:s18], $0x50  }
0xf4: {  	[sflag:s18] =	ssyncset.done $0x0  }
0xf5: {  	[sflag:s18] =	ssyncadd.s32 $0xFFFFFFB0  }
0xf6: {  	_ =	swait.ge [sflag:s18], $0x50  }
0xf7: {  	[sflag:s18] =	ssyncset.done $0x0  }
0xf8: {  	[sflag:s18] =	ssyncadd.s32 $0xFFFFFFB0  }
0xf9: {  	_ =	swait.ge [sflag:s18], $0x50  }
0xfa: {  	[sflag:s18] =	ssyncset.done $0x0  }
0xfb: {  	[sflag:s18] =	ssyncadd.s32 $0xFFFFFFB0  }
0xfc: {  	_ =	swait.ge [sflag:s18], $0x50  }
0xfd: {  	[sflag:s18] =	ssyncset.done $0x0  }
0xfe: {  	[sflag:s18] =	ssyncadd.s32 $0xFFFFFFB0  }
0xff: {  	_ =	swait.ge [sflag:s18], $0x50  }
0x100: {  	[sflag:s18] =	ssyncset.done $0x0  }
0x101: {  	[sflag:s18] =	ssyncadd.s32 $0xFFFFFFB0  }
0x102: {  	_ =	swait.ge [sflag:s18], $0x50  }
0x103: {  	[sflag:s18] =	ssyncset.done $0x0  }
0x104: {  	[sflag:s18] =	ssyncadd.s32 $0xFFFFFFB0  }
0x105: {  	_ =	swait.ge [sflag:s18], $0x50  }
0x106: {  	[sflag:s18] =	ssyncset.done $0x0  }
0x107: {  	[sflag:s18] =	ssyncadd.s32 $0xFFFFFFB0  }
0x108: {  	_ =	swait.ge [sflag:s18], $0x50  }
0x109: {  	[sflag:s18] =	ssyncset.done $0x0  }
0x10a: {  	[sflag:s18] =	ssyncadd.s32 $0xFFFFFFB0  }
0x10b: {  	_ =	swait.ge [sflag:s18], $0x50  }
0x10c: {  	[sflag:s18] =	ssyncset.done $0x0  }
0x10d: {  	[sflag:s18] =	ssyncadd.s32 $0xFFFFFFB0  }
0x10e: {  	_ =	swait.ge [sflag:s18], $0x50  }
0x10f: {  	[sflag:s18] =	ssyncset.done $0x0  }
0x110: {  	[sflag:s18] =	ssyncadd.s32 $0xFFFFFFB0  }
0x111: {  	_ =	swait.ge [sflag:s18], $0x50  }
0x112: {  	[sflag:s18] =	ssyncset.done $0x0  }
0x113: {  	[sflag:s18] =	ssyncadd.s32 $0xFFFFFFB0  }
0x114: {  	_ =	swait.ge [sflag:s18], $0x50  }
0x115: {  	[sflag:s18] =	ssyncset.done $0x0  }
0x116: {  	[sflag:s18] =	ssyncadd.s32 $0xFFFFFFB0  }
0x117: {  	_ =	swait.ge [sflag:s18], $0x50  }
0x118: {  	[sflag:s18] =	ssyncset.done $0x0  }
0x119: {  	[sflag:s18] =	ssyncadd.s32 $0xFFFFFFB0  }
0x11a: {  	_ =	swait.ge [sflag:s18], $0x50  }
0x11b: {  	[sflag:s18] =	ssyncset.done $0x0  }
0x11c: {  	[sflag:s18] =	ssyncadd.s32 $0xFFFFFFB0  }
0x11d: {  	_ =	swait.ge [sflag:s18], $0x50  }
0x11e: {  	[sflag:s18] =	ssyncset.done $0x0  }
0x11f: {  	[sflag:s18] =	ssyncadd.s32 $0xFFFFFFB0  }
0x120: {  	_ =	swait.ge [sflag:s18], $0x50  }
0x121: {  	[sflag:s18] =	ssyncset.done $0x0  }
0x122: {  	[sflag:s18] =	ssyncadd.s32 $0xFFFFFFB0  }
0x123: {  	_ =	swait.ge [sflag:s18], $0x50  }
0x124: {  	[sflag:s18] =	ssyncset.done $0x0  }
0x125: {  	[sflag:s18] =	ssyncadd.s32 $0xFFFFFFB0  }
0x126: {  	_ =	swait.ge [sflag:s18], $0x50  }
0x127: {  	[sflag:s18] =	ssyncset.done $0x0  }
0x128: {  	[sflag:s18] =	ssyncadd.s32 $0xFFFFFFB0  }
0x129: {  	_ =	swait.ge [sflag:s18], $0x50  }
0x12a: {  	[sflag:s18] =	ssyncset.done $0x0  }
0x12b: {  	[sflag:s18] =	ssyncadd.s32 $0xFFFFFFB0  }
0x12c: {  	_ =	swait.ge [sflag:s18], $0x50  }
0x12d: {  	[sflag:s18] =	ssyncset.done $0x0  }
0x12e: {  	[sflag:s18] =	ssyncadd.s32 $0xFFFFFFB0  }
0x12f: {  	_ =	swait.ge [sflag:s18], $0x50  }
0x130: {  	[sflag:s18] =	ssyncset.done $0x0  }
0x131: {  	[sflag:s18] =	ssyncadd.s32 $0xFFFFFFB0  }
0x132: {  	_ =	swait.ge [sflag:s18], $0x50  }
0x133: {  	[sflag:s18] =	ssyncset.done $0x0  }
0x134: {  	[sflag:s18] =	ssyncadd.s32 $0xFFFFFFB0  }
0x135: {  	_ =	swait.ge [sflag:s18], $0x50  }
0x136: {  	[sflag:s18] =	ssyncset.done $0x0  }
0x137: {  	[sflag:s18] =	ssyncadd.s32 $0xFFFFFFB0  }
0x138: {  	_ =	swait.ge [sflag:s18], $0x50  }
0x139: {  	[sflag:s18] =	ssyncset.done $0x0  }
0x13a: {  	[sflag:s18] =	ssyncadd.s32 $0xFFFFFFB0  }
0x13b: {  	_ =	swait.ge [sflag:s18], $0x50  }
0x13c: {  	[sflag:s18] =	ssyncset.done $0x0  }
0x13d: {  	[sflag:s18] =	ssyncadd.s32 $0xFFFFFFB0  }
0x13e: {  	_ =	swait.ge [sflag:s18], $0x50  }
0x13f: {  	[sflag:s18] =	ssyncset.done $0x0  }
0x140: {  	[sflag:s18] =	ssyncadd.s32 $0xFFFFFFB0  }
0x141: {  	_ =	swait.ge [sflag:s18], $0x50  }
0x142: {  	[sflag:s18] =	ssyncset.done $0x0  }
0x143: {  	[sflag:s18] =	ssyncadd.s32 $0xFFFFFFB0  }
0x144: {  	_ =	swait.ge [sflag:s18], $0x50  }
0x145: {  	[sflag:s18] =	ssyncset.done $0x0  }
0x146: {  	[sflag:s18] =	ssyncadd.s32 $0xFFFFFFB0  }
0x147: {  	_ =	swait.ge [sflag:s18], $0x50  }
0x148: {  	s28 =	simm.s32 $0x6400;
	s24 =	simm.s32 $0x3200;
	[sflag:s18] =	ssyncset.done $0x0  }
.LBB2_2:
0x149: {  	s26 =	sshra.s32 s24, $0x2  }
0x14a: {  	[sflag:s18] =	ssyncadd.s32 $0xFFFFFFB0;
	s24 =	smov.u32 s28;
	s25 =	sadd.s32 $0x3200, s28  }
0x14b: {  	[spmem:s2] =	stream.indirect.scatter.add.f32 [tilespmem:s17], [sflag:$0x1], $0x1, s26, s16, $0xb8;
	[tilespmem:$0x8800] =	vst v63  }
0x14c: {  	p0 =	sne.s32 s28, $0xC800;
	s28 =	sadd.s32 $0x4000, s26  }
0x14d: {  	[spmem:s3] =	stream.indirect.scatter.add.f32 [tilespmem:s17], [sflag:$0x1], $0x1, s28, s16, $0xb8;
	[tilespmem:$0x8800] =	vst v63  }
0x14e: {  	s28 =	sadd.s32 $0x80, s26  }
0x14f: {  	[spmem:s2] =	stream.indirect.scatter.add.f32 [tilespmem:s17], [sflag:$0x1], $0x1, s28, s16, $0xb8;
	[tilespmem:$0x8800] =	vst v63  }
0x150: {  	s28 =	sadd.s32 $0x4080, s26  }
0x151: {  	[spmem:s3] =	stream.indirect.scatter.add.f32 [tilespmem:s17], [sflag:$0x1], $0x1, s28, s16, $0xb8;
	[tilespmem:$0x8800] =	vst v63  }
0x152: {  	s28 =	sadd.s32 $0x100, s26  }
0x153: {  	[spmem:s2] =	stream.indirect.scatter.add.f32 [tilespmem:s17], [sflag:$0x1], $0x1, s28, s16, $0xb8;
	[tilespmem:$0x8800] =	vst v63  }
0x154: {  	s28 =	sadd.s32 $0x4100, s26  }
0x155: {  	[spmem:s3] =	stream.indirect.scatter.add.f32 [tilespmem:s17], [sflag:$0x1], $0x1, s28, s16, $0xb8;
	[tilespmem:$0x8800] =	vst v63  }
0x156: {  	s28 =	sadd.s32 $0x180, s26  }
0x157: {  	[spmem:s2] =	stream.indirect.scatter.add.f32 [tilespmem:s17], [sflag:$0x1], $0x1, s28, s16, $0xb8;
	[tilespmem:$0x8800] =	vst v63  }
0x158: {  	s28 =	sadd.s32 $0x4180, s26  }
0x159: {  	[spmem:s3] =	stream.indirect.scatter.add.f32 [tilespmem:s17], [sflag:$0x1], $0x1, s28, s16, $0xb8;
	[tilespmem:$0x8800] =	vst v63  }
0x15a: {  	s28 =	sadd.s32 $0x200, s26  }
0x15b: {  	[spmem:s2] =	stream.indirect.scatter.add.f32 [tilespmem:s17], [sflag:$0x1], $0x1, s28, s16, $0xb8;
	[tilespmem:$0x8800] =	vst v63  }
0x15c: {  	s28 =	sadd.s32 $0x4200, s26  }
0x15d: {  	[spmem:s3] =	stream.indirect.scatter.add.f32 [tilespmem:s17], [sflag:$0x1], $0x1, s28, s16, $0xb8;
	[tilespmem:$0x8800] =	vst v63  }
0x15e: {  	s28 =	sadd.s32 $0x280, s26  }
0x15f: {  	[spmem:s2] =	stream.indirect.scatter.add.f32 [tilespmem:s17], [sflag:$0x1], $0x1, s28, s16, $0xb8;
	[tilespmem:$0x8800] =	vst v63  }
0x160: {  	s28 =	sadd.s32 $0x4280, s26  }
0x161: {  	[spmem:s3] =	stream.indirect.scatter.add.f32 [tilespmem:s17], [sflag:$0x1], $0x1, s28, s16, $0xb8;
	[tilespmem:$0x8800] =	vst v63  }
0x162: {  	s28 =	sadd.s32 $0x300, s26  }
0x163: {  	[spmem:s2] =	stream.indirect.scatter.add.f32 [tilespmem:s17], [sflag:$0x1], $0x1, s28, s16, $0xb8;
	[tilespmem:$0x8800] =	vst v63  }
0x164: {  	s28 =	sadd.s32 $0x4300, s26  }
0x165: {  	[spmem:s3] =	stream.indirect.scatter.add.f32 [tilespmem:s17], [sflag:$0x1], $0x1, s28, s16, $0xb8;
	[tilespmem:$0x8800] =	vst v63  }
0x166: {  	s28 =	sadd.s32 $0x380, s26  }
0x167: {  	[spmem:s2] =	stream.indirect.scatter.add.f32 [tilespmem:s17], [sflag:$0x1], $0x1, s28, s16, $0xb8;
	[tilespmem:$0x8800] =	vst v63  }
0x168: {  	s28 =	sadd.s32 $0x4380, s26  }
0x169: {  	[spmem:s3] =	stream.indirect.scatter.add.f32 [tilespmem:s17], [sflag:$0x1], $0x1, s28, s16, $0xb8;
	[tilespmem:$0x8800] =	vst v63  }
0x16a: {  	s28 =	sadd.s32 $0x400, s26  }
0x16b: {  	[spmem:s2] =	stream.indirect.scatter.add.f32 [tilespmem:s17], [sflag:$0x1], $0x1, s28, s16, $0xb8;
	[tilespmem:$0x8800] =	vst v63  }
0x16c: {  	s28 =	sadd.s32 $0x4400, s26  }
0x16d: {  	[spmem:s3] =	stream.indirect.scatter.add.f32 [tilespmem:s17], [sflag:$0x1], $0x1, s28, s16, $0xb8;
	[tilespmem:$0x8800] =	vst v63  }
0x16e: {  	s28 =	sadd.s32 $0x480, s26  }
0x16f: {  	[spmem:s2] =	stream.indirect.scatter.add.f32 [tilespmem:s17], [sflag:$0x1], $0x1, s28, s16, $0xb8;
	[tilespmem:$0x8800] =	vst v63  }
0x170: {  	s28 =	sadd.s32 $0x4480, s26  }
0x171: {  	[spmem:s3] =	stream.indirect.scatter.add.f32 [tilespmem:s17], [sflag:$0x1], $0x1, s28, s16, $0xb8;
	[tilespmem:$0x8800] =	vst v63  }
0x172: {  	s28 =	sadd.s32 $0x500, s26  }
0x173: {  	[spmem:s2] =	stream.indirect.scatter.add.f32 [tilespmem:s17], [sflag:$0x1], $0x1, s28, s16, $0xb8;
	[tilespmem:$0x8800] =	vst v63  }
0x174: {  	s28 =	sadd.s32 $0x4500, s26  }
0x175: {  	[spmem:s3] =	stream.indirect.scatter.add.f32 [tilespmem:s17], [sflag:$0x1], $0x1, s28, s16, $0xb8;
	[tilespmem:$0x8800] =	vst v63  }
0x176: {  	s28 =	sadd.s32 $0x580, s26  }
0x177: {  	[spmem:s2] =	stream.indirect.scatter.add.f32 [tilespmem:s17], [sflag:$0x1], $0x1, s28, s16, $0xb8;
	[tilespmem:$0x8800] =	vst v63  }
0x178: {  	s28 =	sadd.s32 $0x4580, s26  }
0x179: {  	[spmem:s3] =	stream.indirect.scatter.add.f32 [tilespmem:s17], [sflag:$0x1], $0x1, s28, s16, $0xb8;
	[tilespmem:$0x8800] =	vst v63  }
0x17a: {  	s28 =	sadd.s32 $0x600, s26  }
0x17b: {  	[spmem:s2] =	stream.indirect.scatter.add.f32 [tilespmem:s17], [sflag:$0x1], $0x1, s28, s16, $0xb8;
	[tilespmem:$0x8800] =	vst v63  }
0x17c: {  	s28 =	sadd.s32 $0x4600, s26  }
0x17d: {  	[spmem:s3] =	stream.indirect.scatter.add.f32 [tilespmem:s17], [sflag:$0x1], $0x1, s28, s16, $0xb8;
	[tilespmem:$0x8800] =	vst v63  }
0x17e: {  	s28 =	sadd.s32 $0x680, s26  }
0x17f: {  	[spmem:s2] =	stream.indirect.scatter.add.f32 [tilespmem:s17], [sflag:$0x1], $0x1, s28, s16, $0xb8;
	[tilespmem:$0x8800] =	vst v63  }
0x180: {  	s28 =	sadd.s32 $0x4680, s26  }
0x181: {  	[spmem:s3] =	stream.indirect.scatter.add.f32 [tilespmem:s17], [sflag:$0x1], $0x1, s28, s16, $0xb8;
	[tilespmem:$0x8800] =	vst v63  }
0x182: {  	s28 =	sadd.s32 $0x700, s26  }
0x183: {  	[spmem:s2] =	stream.indirect.scatter.add.f32 [tilespmem:s17], [sflag:$0x1], $0x1, s28, s16, $0xb8;
	[tilespmem:$0x8800] =	vst v63  }
0x184: {  	s28 =	sadd.s32 $0x4700, s26  }
0x185: {  	[spmem:s3] =	stream.indirect.scatter.add.f32 [tilespmem:s17], [sflag:$0x1], $0x1, s28, s16, $0xb8;
	[tilespmem:$0x8800] =	vst v63  }
0x186: {  	s28 =	sadd.s32 $0x780, s26  }
0x187: {  	[spmem:s2] =	stream.indirect.scatter.add.f32 [tilespmem:s17], [sflag:$0x1], $0x1, s28, s16, $0xb8;
	[tilespmem:$0x8800] =	vst v63  }
0x188: {  	s28 =	sadd.s32 $0x4780, s26  }
0x189: {  	[spmem:s3] =	stream.indirect.scatter.add.f32 [tilespmem:s17], [sflag:$0x1], $0x1, s28, s16, $0xb8;
	[tilespmem:$0x8800] =	vst v63  }
0x18a: {  	s28 =	sadd.s32 $0x800, s26  }
0x18b: {  	[spmem:s2] =	stream.indirect.scatter.add.f32 [tilespmem:s17], [sflag:$0x1], $0x1, s28, s16, $0xb8;
	[tilespmem:$0x8800] =	vst v63  }
0x18c: {  	s28 =	sadd.s32 $0x4800, s26  }
0x18d: {  	[spmem:s3] =	stream.indirect.scatter.add.f32 [tilespmem:s17], [sflag:$0x1], $0x1, s28, s16, $0xb8;
	[tilespmem:$0x8800] =	vst v63  }
0x18e: {  	s28 =	sadd.s32 $0x880, s26  }
0x18f: {  	[spmem:s2] =	stream.indirect.scatter.add.f32 [tilespmem:s17], [sflag:$0x1], $0x1, s28, s16, $0xb8;
	[tilespmem:$0x8800] =	vst v63  }
0x190: {  	s28 =	sadd.s32 $0x4880, s26  }
0x191: {  	[spmem:s3] =	stream.indirect.scatter.add.f32 [tilespmem:s17], [sflag:$0x1], $0x1, s28, s16, $0xb8;
	[tilespmem:$0x8800] =	vst v63  }
0x192: {  	s28 =	sadd.s32 $0x900, s26  }
0x193: {  	[spmem:s2] =	stream.indirect.scatter.add.f32 [tilespmem:s17], [sflag:$0x1], $0x1, s28, s16, $0xb8;
	[tilespmem:$0x8800] =	vst v63  }
0x194: {  	s28 =	sadd.s32 $0x4900, s26  }
0x195: {  	[spmem:s3] =	stream.indirect.scatter.add.f32 [tilespmem:s17], [sflag:$0x1], $0x1, s28, s16, $0xb8;
	[tilespmem:$0x8800] =	vst v63  }
0x196: {  	s28 =	sadd.s32 $0x980, s26  }
0x197: {  	[spmem:s2] =	stream.indirect.scatter.add.f32 [tilespmem:s17], [sflag:$0x1], $0x1, s28, s16, $0xb8;
	[tilespmem:$0x8800] =	vst v63  }
0x198: {  	s28 =	sadd.s32 $0x4980, s26  }
0x199: {  	[spmem:s3] =	stream.indirect.scatter.add.f32 [tilespmem:s17], [sflag:$0x1], $0x1, s28, s16, $0xb8;
	[tilespmem:$0x8800] =	vst v63  }
0x19a: {  	s28 =	sadd.s32 $0xA00, s26  }
0x19b: {  	[spmem:s2] =	stream.indirect.scatter.add.f32 [tilespmem:s17], [sflag:$0x1], $0x1, s28, s16, $0xb8;
	[tilespmem:$0x8800] =	vst v63  }
0x19c: {  	s28 =	sadd.s32 $0x4A00, s26  }
0x19d: {  	[spmem:s3] =	stream.indirect.scatter.add.f32 [tilespmem:s17], [sflag:$0x1], $0x1, s28, s16, $0xb8;
	[tilespmem:$0x8800] =	vst v63  }
0x19e: {  	s28 =	sadd.s32 $0xA80, s26  }
0x19f: {  	[spmem:s2] =	stream.indirect.scatter.add.f32 [tilespmem:s17], [sflag:$0x1], $0x1, s28, s16, $0xb8;
	[tilespmem:$0x8800] =	vst v63  }
0x1a0: {  	s28 =	sadd.s32 $0x4A80, s26  }
0x1a1: {  	[spmem:s3] =	stream.indirect.scatter.add.f32 [tilespmem:s17], [sflag:$0x1], $0x1, s28, s16, $0xb8;
	[tilespmem:$0x8800] =	vst v63  }
0x1a2: {  	s28 =	sadd.s32 $0xB00, s26  }
0x1a3: {  	[spmem:s2] =	stream.indirect.scatter.add.f32 [tilespmem:s17], [sflag:$0x1], $0x1, s28, s16, $0xb8;
	[tilespmem:$0x8800] =	vst v63  }
0x1a4: {  	s28 =	sadd.s32 $0x4B00, s26  }
0x1a5: {  	[spmem:s3] =	stream.indirect.scatter.add.f32 [tilespmem:s17], [sflag:$0x1], $0x1, s28, s16, $0xb8;
	[tilespmem:$0x8800] =	vst v63  }
0x1a6: {  	s28 =	sadd.s32 $0xB80, s26  }
0x1a7: {  	[spmem:s2] =	stream.indirect.scatter.add.f32 [tilespmem:s17], [sflag:$0x1], $0x1, s28, s16, $0xb8;
	[tilespmem:$0x8800] =	vst v63  }
0x1a8: {  	s28 =	sadd.s32 $0x4B80, s26  }
0x1a9: {  	[spmem:s3] =	stream.indirect.scatter.add.f32 [tilespmem:s17], [sflag:$0x1], $0x1, s28, s16, $0xb8;
	[tilespmem:$0x8800] =	vst v63  }
0x1aa: {  	s28 =	sadd.s32 $0xC00, s26  }
0x1ab: {  	[spmem:s2] =	stream.indirect.scatter.add.f32 [tilespmem:s17], [sflag:$0x1], $0x1, s28, s16, $0xb8;
	[tilespmem:$0x8800] =	vst v63  }
0x1ac: {  	s26 =	sadd.s32 $0x4C00, s26  }
0x1ad: {  	[spmem:s3] =	stream.indirect.scatter.add.f32 [tilespmem:s17], [sflag:$0x1], $0x1, s26, s16, $0xb8;
	[tilespmem:$0x8800] =	vst v63  }
0x1ae: {  	_ =	swait.ge [sflag:s18], $0x50  }
0x1af: {  	[sflag:s18] =	ssyncset.done $0x0  }
0x1b0: {  	[sflag:s18] =	ssyncadd.s32 $0xFFFFFFB0  }
0x1b1: {  	_ =	swait.ge [sflag:s18], $0x50  }
0x1b2: {  	[sflag:s18] =	ssyncset.done $0x0  }
0x1b3: {  	[sflag:s18] =	ssyncadd.s32 $0xFFFFFFB0  }
0x1b4: {  	_ =	swait.ge [sflag:s18], $0x50  }
0x1b5: {  	[sflag:s18] =	ssyncset.done $0x0  }
0x1b6: {  	[sflag:s18] =	ssyncadd.s32 $0xFFFFFFB0  }
0x1b7: {  	_ =	swait.ge [sflag:s18], $0x50  }
0x1b8: {  	[sflag:s18] =	ssyncset.done $0x0  }
0x1b9: {  	[sflag:s18] =	ssyncadd.s32 $0xFFFFFFB0  }
0x1ba: {  	_ =	swait.ge [sflag:s18], $0x50  }
0x1bb: {  	[sflag:s18] =	ssyncset.done $0x0  }
0x1bc: {  	[sflag:s18] =	ssyncadd.s32 $0xFFFFFFB0  }
0x1bd: {  	_ =	swait.ge [sflag:s18], $0x50  }
0x1be: {  	[sflag:s18] =	ssyncset.done $0x0  }
0x1bf: {  	[sflag:s18] =	ssyncadd.s32 $0xFFFFFFB0  }
0x1c0: {  	_ =	swait.ge [sflag:s18], $0x50  }
0x1c1: {  	[sflag:s18] =	ssyncset.done $0x0  }
0x1c2: {  	[sflag:s18] =	ssyncadd.s32 $0xFFFFFFB0  }
0x1c3: {  	_ =	swait.ge [sflag:s18], $0x50  }
0x1c4: {  	[sflag:s18] =	ssyncset.done $0x0  }
0x1c5: {  	[sflag:s18] =	ssyncadd.s32 $0xFFFFFFB0  }
0x1c6: {  	_ =	swait.ge [sflag:s18], $0x50  }
0x1c7: {  	[sflag:s18] =	ssyncset.done $0x0  }
0x1c8: {  	[sflag:s18] =	ssyncadd.s32 $0xFFFFFFB0  }
0x1c9: {  	_ =	swait.ge [sflag:s18], $0x50  }
0x1ca: {  	[sflag:s18] =	ssyncset.done $0x0  }
0x1cb: {  	[sflag:s18] =	ssyncadd.s32 $0xFFFFFFB0  }
0x1cc: {  	_ =	swait.ge [sflag:s18], $0x50  }
0x1cd: {  	[sflag:s18] =	ssyncset.done $0x0  }
0x1ce: {  	[sflag:s18] =	ssyncadd.s32 $0xFFFFFFB0  }
0x1cf: {  	_ =	swait.ge [sflag:s18], $0x50  }
0x1d0: {  	[sflag:s18] =	ssyncset.done $0x0  }
0x1d1: {  	[sflag:s18] =	ssyncadd.s32 $0xFFFFFFB0  }
0x1d2: {  	_ =	swait.ge [sflag:s18], $0x50  }
0x1d3: {  	[sflag:s18] =	ssyncset.done $0x0  }
0x1d4: {  	[sflag:s18] =	ssyncadd.s32 $0xFFFFFFB0  }
0x1d5: {  	_ =	swait.ge [sflag:s18], $0x50  }
0x1d6: {  	[sflag:s18] =	ssyncset.done $0x0  }
0x1d7: {  	[sflag:s18] =	ssyncadd.s32 $0xFFFFFFB0  }
0x1d8: {  	_ =	swait.ge [sflag:s18], $0x50  }
0x1d9: {  	[sflag:s18] =	ssyncset.done $0x0  }
0x1da: {  	[sflag:s18] =	ssyncadd.s32 $0xFFFFFFB0  }
0x1db: {  	_ =	swait.ge [sflag:s18], $0x50  }
0x1dc: {  	[sflag:s18] =	ssyncset.done $0x0  }
0x1dd: {  	[sflag:s18] =	ssyncadd.s32 $0xFFFFFFB0  }
0x1de: {  	_ =	swait.ge [sflag:s18], $0x50  }
0x1df: {  	[sflag:s18] =	ssyncset.done $0x0  }
0x1e0: {  	[sflag:s18] =	ssyncadd.s32 $0xFFFFFFB0  }
0x1e1: {  	_ =	swait.ge [sflag:s18], $0x50  }
0x1e2: {  	[sflag:s18] =	ssyncset.done $0x0  }
0x1e3: {  	[sflag:s18] =	ssyncadd.s32 $0xFFFFFFB0  }
0x1e4: {  	_ =	swait.ge [sflag:s18], $0x50  }
0x1e5: {  	[sflag:s18] =	ssyncset.done $0x0  }
0x1e6: {  	[sflag:s18] =	ssyncadd.s32 $0xFFFFFFB0  }
0x1e7: {  	_ =	swait.ge [sflag:s18], $0x50  }
0x1e8: {  	[sflag:s18] =	ssyncset.done $0x0  }
0x1e9: {  	[sflag:s18] =	ssyncadd.s32 $0xFFFFFFB0  }
0x1ea: {  	_ =	swait.ge [sflag:s18], $0x50  }
0x1eb: {  	[sflag:s18] =	ssyncset.done $0x0  }
0x1ec: {  	[sflag:s18] =	ssyncadd.s32 $0xFFFFFFB0  }
0x1ed: {  	_ =	swait.ge [sflag:s18], $0x50  }
0x1ee: {  	[sflag:s18] =	ssyncset.done $0x0  }
0x1ef: {  	[sflag:s18] =	ssyncadd.s32 $0xFFFFFFB0  }
0x1f0: {  	_ =	swait.ge [sflag:s18], $0x50  }
0x1f1: {  	[sflag:s18] =	ssyncset.done $0x0  }
0x1f2: {  	[sflag:s18] =	ssyncadd.s32 $0xFFFFFFB0  }
0x1f3: {  	_ =	swait.ge [sflag:s18], $0x50  }
0x1f4: {  	[sflag:s18] =	ssyncset.done $0x0  }
0x1f5: {  	[sflag:s18] =	ssyncadd.s32 $0xFFFFFFB0  }
0x1f6: {  	_ =	swait.ge [sflag:s18], $0x50  }
0x1f7: {  	[sflag:s18] =	ssyncset.done $0x0  }
0x1f8: {  	[sflag:s18] =	ssyncadd.s32 $0xFFFFFFB0  }
0x1f9: {  	_ =	swait.ge [sflag:s18], $0x50  }
0x1fa: {  	[sflag:s18] =	ssyncset.done $0x0  }
0x1fb: {  	[sflag:s18] =	ssyncadd.s32 $0xFFFFFFB0  }
0x1fc: {  	_ =	swait.ge [sflag:s18], $0x50  }
0x1fd: {  	[sflag:s18] =	ssyncset.done $0x0  }
0x1fe: {  	[sflag:s18] =	ssyncadd.s32 $0xFFFFFFB0  }
0x1ff: {  	_ =	swait.ge [sflag:s18], $0x50  }
0x200: {  	[sflag:s18] =	ssyncset.done $0x0  }
0x201: {  	[sflag:s18] =	ssyncadd.s32 $0xFFFFFFB0  }
0x202: {  	_ =	swait.ge [sflag:s18], $0x50  }
0x203: {  	[sflag:s18] =	ssyncset.done $0x0  }
0x204: {  	[sflag:s18] =	ssyncadd.s32 $0xFFFFFFB0  }
0x205: {  	_ =	swait.ge [sflag:s18], $0x50  }
0x206: {  	[sflag:s18] =	ssyncset.done $0x0  }
0x207: {  	[sflag:s18] =	ssyncadd.s32 $0xFFFFFFB0  }
0x208: {  	_ =	swait.ge [sflag:s18], $0x50  }
0x209: {  	[sflag:s18] =	ssyncset.done $0x0  }
0x20a: {  	[sflag:s18] =	ssyncadd.s32 $0xFFFFFFB0  }
0x20b: {  	_ =	swait.ge [sflag:s18], $0x50  }
0x20c: {  	[sflag:s18] =	ssyncset.done $0x0  }
0x20d: {  	[sflag:s18] =	ssyncadd.s32 $0xFFFFFFB0  }
0x20e: {  	_ =	swait.ge [sflag:s18], $0x50  }
0x20f: {  	[sflag:s18] =	ssyncset.done $0x0  }
0x210: {  	[sflag:s18] =	ssyncadd.s32 $0xFFFFFFB0  }
0x211: {  	_ =	swait.ge [sflag:s18], $0x50  }
0x212: {  	[sflag:s18] =	ssyncset.done $0x0  }
0x213: {  	[sflag:s18] =	ssyncadd.s32 $0xFFFFFFB0  }
0x214: {  	_ =	swait.ge [sflag:s18], $0x50  }
0x215: {  	[sflag:s18] =	ssyncset.done $0x0  }
0x216: {  	[sflag:s18] =	ssyncadd.s32 $0xFFFFFFB0  }
0x217: {  	_ =	swait.ge [sflag:s18], $0x50  }
0x218: {  	[sflag:s18] =	ssyncset.done $0x0  }
0x219: {  	[sflag:s18] =	ssyncadd.s32 $0xFFFFFFB0  }
0x21a: {  	_ =	swait.ge [sflag:s18], $0x50  }
0x21b: {  	[sflag:s18] =	ssyncset.done $0x0  }
0x21c: {  	[sflag:s18] =	ssyncadd.s32 $0xFFFFFFB0  }
0x21d: {  	_ =	swait.ge [sflag:s18], $0x50  }
0x21e: {  	[sflag:s18] =	ssyncset.done $0x0  }
0x21f: {  	[sflag:s18] =	ssyncadd.s32 $0xFFFFFFB0  }
0x220: {  	_ =	swait.ge [sflag:s18], $0x50  }
0x221: {  	[sflag:s18] =	ssyncset.done $0x0  }
0x222: {  	[sflag:s18] =	ssyncadd.s32 $0xFFFFFFB0  }
0x223: {  	_ =	swait.ge [sflag:s18], $0x50  }
0x224: {  	[sflag:s18] =	ssyncset.done $0x0  }
0x225: {  	[sflag:s18] =	ssyncadd.s32 $0xFFFFFFB0  }
0x226: {  	_ =	swait.ge [sflag:s18], $0x50  }
0x227: {  	[sflag:s18] =	ssyncset.done $0x0  }
0x228: {  	[sflag:s18] =	ssyncadd.s32 $0xFFFFFFB0  }
0x229: {  	_ =	swait.ge [sflag:s18], $0x50  }
0x22a: {  	[sflag:s18] =	ssyncset.done $0x0  }
0x22b: {  	[sflag:s18] =	ssyncadd.s32 $0xFFFFFFB0  }
0x22c: {  	_ =	swait.ge [sflag:s18], $0x50  }
0x22d: {  	[sflag:s18] =	ssyncset.done $0x0  }
0x22e: {  	[sflag:s18] =	ssyncadd.s32 $0xFFFFFFB0  }
0x22f: {  	_ =	swait.ge [sflag:s18], $0x50  }
0x230: {  	[sflag:s18] =	ssyncset.done $0x0  }
0x231: {  	[sflag:s18] =	ssyncadd.s32 $0xFFFFFFB0  }
0x232: {  	_ =	swait.ge [sflag:s18], $0x50  }
0x233: {  	[sflag:s18] =	ssyncset.done $0x0  }
0x234: {  	[sflag:s18] =	ssyncadd.s32 $0xFFFFFFB0  }
0x235: {  	_ =	swait.ge [sflag:s18], $0x50  }
0x236: {  	[sflag:s18] =	ssyncset.done $0x0  }
0x237: {  	[sflag:s18] =	ssyncadd.s32 $0xFFFFFFB0  }
0x238: {  	_ =	swait.ge [sflag:s18], $0x50  }
0x239: {  	[sflag:s18] =	ssyncset.done $0x0  }
0x23a: {  	[sflag:s18] =	ssyncadd.s32 $0xFFFFFFB0  }
0x23b: {  	_ =	swait.ge [sflag:s18], $0x50  }
0x23c: {  	[sflag:s18] =	ssyncset.done $0x0  }
0x23d: {  	[sflag:s18] =	ssyncadd.s32 $0xFFFFFFB0  }
.Ltmp0:
0x23e: {  	_ =	swait.ge [sflag:s18], $0x50;
	(pc) =	sbr.rel @p0 .LBB2_2-.Ltmp0, $4  }
0x23f: {  	[sflag:s18] =	ssyncset.done $0x0  }
0x240: {  	[sflag:s18] =	ssyncadd.s32 $0xFFFFFFB0  }
0x241: {  	_ =	swait.ge [sflag:s18], $0x50  }
0x242: {  	s28 =	smov.u32 s25;
	[sflag:s18] =	ssyncset.done $0x0  }
0x243: {  	s24 =	sshra.s32 s24, $0x2;
	[sflag:s18] =	ssyncadd.s32 $0xFFFFFFB0  }
0x244: {  	[spmem:s2] =	stream.indirect.scatter.add.f32 [tilespmem:s17], [sflag:$0x1], $0x1, s24, s16, $0xb8;
	[tilespmem:$0x8800] =	vst v63  }
0x245: {  	s25 =	sadd.s32 $0x4000, s24  }
0x246: {  	[spmem:s3] =	stream.indirect.scatter.add.f32 [tilespmem:s17], [sflag:$0x1], $0x1, s25, s16, $0xb8;
	[tilespmem:$0x8800] =	vst v63  }
0x247: {  	s29 =	sadd.s32 $0x80, s24  }
0x248: {  	[spmem:s2] =	stream.indirect.scatter.add.f32 [tilespmem:s17], [sflag:$0x1], $0x1, s29, s16, $0xb8;
	[tilespmem:$0x8800] =	vst v63  }
0x249: {  	s30 =	sadd.s32 $0x4080, s24  }
0x24a: {  	[spmem:s3] =	stream.indirect.scatter.add.f32 [tilespmem:s17], [sflag:$0x1], $0x1, s30, s16, $0xb8;
	[tilespmem:$0x8800] =	vst v63  }
0x24b: {  	s31 =	sadd.s32 $0x100, s24  }
0x24c: {  	[spmem:s2] =	stream.indirect.scatter.add.f32 [tilespmem:s17], [sflag:$0x1], $0x1, s31, s16, $0xb8;
	[tilespmem:$0x8800] =	vst v63  }
0x24d: {  	s26 =	sadd.s32 $0x4100, s24  }
0x24e: {  	[spmem:s3] =	stream.indirect.scatter.add.f32 [tilespmem:s17], [sflag:$0x1], $0x1, s26, s16, $0xb8;
	[tilespmem:$0x8800] =	vst v63  }
0x24f: {  	s28 =	sadd.s32 $0x180, s24  }
0x250: {  	[spmem:s2] =	stream.indirect.scatter.add.f32 [tilespmem:s17], [sflag:$0x1], $0x1, s28, s16, $0xb8;
	[tilespmem:$0x8800] =	vst v63  }
0x251: {  	s29 =	sadd.s32 $0x4180, s24  }
0x252: {  	[spmem:s3] =	stream.indirect.scatter.add.f32 [tilespmem:s17], [sflag:$0x1], $0x1, s29, s16, $0xb8;
	[tilespmem:$0x8800] =	vst v63  }
0x253: {  	s30 =	sadd.s32 $0x200, s24  }
0x254: {  	[spmem:s2] =	stream.indirect.scatter.add.f32 [tilespmem:s17], [sflag:$0x1], $0x1, s30, s16, $0xb8;
	[tilespmem:$0x8800] =	vst v63  }
0x255: {  	s31 =	sadd.s32 $0x4200, s24  }
0x256: {  	[spmem:s3] =	stream.indirect.scatter.add.f32 [tilespmem:s17], [sflag:$0x1], $0x1, s31, s16, $0xb8;
	[tilespmem:$0x8800] =	vst v63  }
0x257: {  	s26 =	sadd.s32 $0x280, s24  }
0x258: {  	[spmem:s2] =	stream.indirect.scatter.add.f32 [tilespmem:s17], [sflag:$0x1], $0x1, s26, s16, $0xb8;
	[tilespmem:$0x8800] =	vst v63  }
0x259: {  	s28 =	sadd.s32 $0x4280, s24  }
0x25a: {  	[spmem:s3] =	stream.indirect.scatter.add.f32 [tilespmem:s17], [sflag:$0x1], $0x1, s28, s16, $0xb8;
	[tilespmem:$0x8800] =	vst v63  }
0x25b: {  	s29 =	sadd.s32 $0x300, s24  }
0x25c: {  	[spmem:s2] =	stream.indirect.scatter.add.f32 [tilespmem:s17], [sflag:$0x1], $0x1, s29, s16, $0xb8;
	[tilespmem:$0x8800] =	vst v63  }
0x25d: {  	s30 =	sadd.s32 $0x4300, s24  }
0x25e: {  	[spmem:s3] =	stream.indirect.scatter.add.f32 [tilespmem:s17], [sflag:$0x1], $0x1, s30, s16, $0xb8;
	[tilespmem:$0x8800] =	vst v63  }
0x25f: {  	s31 =	sadd.s32 $0x380, s24  }
0x260: {  	[spmem:s2] =	stream.indirect.scatter.add.f32 [tilespmem:s17], [sflag:$0x1], $0x1, s31, s16, $0xb8;
	[tilespmem:$0x8800] =	vst v63  }
0x261: {  	s26 =	sadd.s32 $0x4380, s24  }
0x262: {  	[spmem:s3] =	stream.indirect.scatter.add.f32 [tilespmem:s17], [sflag:$0x1], $0x1, s26, s16, $0xb8;
	[tilespmem:$0x8800] =	vst v63  }
0x263: {  	s28 =	sadd.s32 $0x400, s24  }
0x264: {  	[spmem:s2] =	stream.indirect.scatter.add.f32 [tilespmem:s17], [sflag:$0x1], $0x1, s28, s16, $0xb8;
	[tilespmem:$0x8800] =	vst v63  }
0x265: {  	s29 =	sadd.s32 $0x4400, s24  }
0x266: {  	[spmem:s3] =	stream.indirect.scatter.add.f32 [tilespmem:s17], [sflag:$0x1], $0x1, s29, s16, $0xb8;
	[tilespmem:$0x8800] =	vst v63  }
0x267: {  	s30 =	sadd.s32 $0x480, s24  }
0x268: {  	[spmem:s2] =	stream.indirect.scatter.add.f32 [tilespmem:s17], [sflag:$0x1], $0x1, s30, s16, $0xb8;
	[tilespmem:$0x8800] =	vst v63  }
0x269: {  	s31 =	sadd.s32 $0x4480, s24  }
0x26a: {  	[spmem:s3] =	stream.indirect.scatter.add.f32 [tilespmem:s17], [sflag:$0x1], $0x1, s31, s16, $0xb8;
	[tilespmem:$0x8800] =	vst v63  }
0x26b: {  	s26 =	sadd.s32 $0x500, s24  }
0x26c: {  	[spmem:s2] =	stream.indirect.scatter.add.f32 [tilespmem:s17], [sflag:$0x1], $0x1, s26, s16, $0xb8;
	[tilespmem:$0x8800] =	vst v63  }
0x26d: {  	s28 =	sadd.s32 $0x4500, s24  }
0x26e: {  	[spmem:s3] =	stream.indirect.scatter.add.f32 [tilespmem:s17], [sflag:$0x1], $0x1, s28, s16, $0xb8;
	[tilespmem:$0x8800] =	vst v63  }
0x26f: {  	s29 =	sadd.s32 $0x580, s24  }
0x270: {  	[spmem:s2] =	stream.indirect.scatter.add.f32 [tilespmem:s17], [sflag:$0x1], $0x1, s29, s16, $0xb8;
	[tilespmem:$0x8800] =	vst v63  }
0x271: {  	s30 =	sadd.s32 $0x4580, s24  }
0x272: {  	[spmem:s3] =	stream.indirect.scatter.add.f32 [tilespmem:s17], [sflag:$0x1], $0x1, s30, s16, $0xb8;
	[tilespmem:$0x8800] =	vst v63  }
0x273: {  	s31 =	sadd.s32 $0x600, s24  }
0x274: {  	[spmem:s2] =	stream.indirect.scatter.add.f32 [tilespmem:s17], [sflag:$0x1], $0x1, s31, s16, $0xb8;
	[tilespmem:$0x8800] =	vst v63  }
0x275: {  	s26 =	sadd.s32 $0x4600, s24  }
0x276: {  	[spmem:s3] =	stream.indirect.scatter.add.f32 [tilespmem:s17], [sflag:$0x1], $0x1, s26, s16, $0xb8;
	[tilespmem:$0x8800] =	vst v63  }
0x277: {  	s28 =	sadd.s32 $0x680, s24  }
0x278: {  	[spmem:s2] =	stream.indirect.scatter.add.f32 [tilespmem:s17], [sflag:$0x1], $0x1, s28, s16, $0xb8;
	[tilespmem:$0x8800] =	vst v63  }
0x279: {  	s29 =	sadd.s32 $0x4680, s24  }
0x27a: {  	[spmem:s3] =	stream.indirect.scatter.add.f32 [tilespmem:s17], [sflag:$0x1], $0x1, s29, s16, $0xb8;
	[tilespmem:$0x8800] =	vst v63  }
0x27b: {  	s30 =	sadd.s32 $0x700, s24  }
0x27c: {  	[spmem:s2] =	stream.indirect.scatter.add.f32 [tilespmem:s17], [sflag:$0x1], $0x1, s30, s16, $0xb8;
	[tilespmem:$0x8800] =	vst v63  }
0x27d: {  	s31 =	sadd.s32 $0x4700, s24  }
0x27e: {  	[spmem:s3] =	stream.indirect.scatter.add.f32 [tilespmem:s17], [sflag:$0x1], $0x1, s31, s16, $0xb8;
	[tilespmem:$0x8800] =	vst v63  }
0x27f: {  	s26 =	sadd.s32 $0x780, s24  }
0x280: {  	[spmem:s2] =	stream.indirect.scatter.add.f32 [tilespmem:s17], [sflag:$0x1], $0x1, s26, s16, $0xb8;
	[tilespmem:$0x8800] =	vst v63  }
0x281: {  	s28 =	sadd.s32 $0x4780, s24  }
0x282: {  	[spmem:s3] =	stream.indirect.scatter.add.f32 [tilespmem:s17], [sflag:$0x1], $0x1, s28, s16, $0xb8;
	[tilespmem:$0x8800] =	vst v63  }
0x283: {  	s29 =	sadd.s32 $0x800, s24  }
0x284: {  	[spmem:s2] =	stream.indirect.scatter.add.f32 [tilespmem:s17], [sflag:$0x1], $0x1, s29, s16, $0xb8;
	[tilespmem:$0x8800] =	vst v63  }
0x285: {  	s30 =	sadd.s32 $0x4800, s24  }
0x286: {  	[spmem:s3] =	stream.indirect.scatter.add.f32 [tilespmem:s17], [sflag:$0x1], $0x1, s30, s16, $0xb8;
	[tilespmem:$0x8800] =	vst v63  }
0x287: {  	s31 =	sadd.s32 $0x880, s24  }
0x288: {  	[spmem:s2] =	stream.indirect.scatter.add.f32 [tilespmem:s17], [sflag:$0x1], $0x1, s31, s16, $0xb8;
	[tilespmem:$0x8800] =	vst v63  }
0x289: {  	s26 =	sadd.s32 $0x4880, s24  }
0x28a: {  	[spmem:s3] =	stream.indirect.scatter.add.f32 [tilespmem:s17], [sflag:$0x1], $0x1, s26, s16, $0xb8;
	[tilespmem:$0x8800] =	vst v63  }
0x28b: {  	s28 =	sadd.s32 $0x900, s24  }
0x28c: {  	[spmem:s2] =	stream.indirect.scatter.add.f32 [tilespmem:s17], [sflag:$0x1], $0x1, s28, s16, $0xb8;
	[tilespmem:$0x8800] =	vst v63  }
0x28d: {  	s29 =	sadd.s32 $0x4900, s24  }
0x28e: {  	[spmem:s3] =	stream.indirect.scatter.add.f32 [tilespmem:s17], [sflag:$0x1], $0x1, s29, s16, $0xb8;
	[tilespmem:$0x8800] =	vst v63  }
0x28f: {  	s30 =	sadd.s32 $0x980, s24  }
0x290: {  	[spmem:s2] =	stream.indirect.scatter.add.f32 [tilespmem:s17], [sflag:$0x1], $0x1, s30, s16, $0xb8;
	[tilespmem:$0x8800] =	vst v63  }
0x291: {  	s31 =	sadd.s32 $0x4980, s24  }
0x292: {  	[spmem:s3] =	stream.indirect.scatter.add.f32 [tilespmem:s17], [sflag:$0x1], $0x1, s31, s16, $0xb8;
	[tilespmem:$0x8800] =	vst v63  }
0x293: {  	s26 =	sadd.s32 $0xA00, s24  }
0x294: {  	[spmem:s2] =	stream.indirect.scatter.add.f32 [tilespmem:s17], [sflag:$0x1], $0x1, s26, s16, $0xb8;
	[tilespmem:$0x8800] =	vst v63  }
0x295: {  	s28 =	sadd.s32 $0x4A00, s24  }
0x296: {  	[spmem:s3] =	stream.indirect.scatter.add.f32 [tilespmem:s17], [sflag:$0x1], $0x1, s28, s16, $0xb8;
	[tilespmem:$0x8800] =	vst v63  }
0x297: {  	s29 =	sadd.s32 $0xA80, s24  }
0x298: {  	[spmem:s2] =	stream.indirect.scatter.add.f32 [tilespmem:s17], [sflag:$0x1], $0x1, s29, s16, $0xb8;
	[tilespmem:$0x8800] =	vst v63  }
0x299: {  	s30 =	sadd.s32 $0x4A80, s24  }
0x29a: {  	[spmem:s3] =	stream.indirect.scatter.add.f32 [tilespmem:s17], [sflag:$0x1], $0x1, s30, s16, $0xb8;
	[tilespmem:$0x8800] =	vst v63  }
0x29b: {  	s31 =	sadd.s32 $0xB00, s24  }
0x29c: {  	[spmem:s2] =	stream.indirect.scatter.add.f32 [tilespmem:s17], [sflag:$0x1], $0x1, s31, s16, $0xb8;
	[tilespmem:$0x8800] =	vst v63  }
0x29d: {  	s26 =	sadd.s32 $0x4B00, s24  }
0x29e: {  	[spmem:s3] =	stream.indirect.scatter.add.f32 [tilespmem:s17], [sflag:$0x1], $0x1, s26, s16, $0xb8;
	[tilespmem:$0x8800] =	vst v63  }
0x29f: {  	s28 =	sadd.s32 $0xB80, s24  }
0x2a0: {  	[spmem:s2] =	stream.indirect.scatter.add.f32 [tilespmem:s17], [sflag:$0x1], $0x1, s28, s16, $0xb8;
	[tilespmem:$0x8800] =	vst v63  }
0x2a1: {  	s29 =	sadd.s32 $0x4B80, s24  }
0x2a2: {  	[spmem:s3] =	stream.indirect.scatter.add.f32 [tilespmem:s17], [sflag:$0x1], $0x1, s29, s16, $0xb8;
	[tilespmem:$0x8800] =	vst v63  }
0x2a3: {  	s30 =	sadd.s32 $0xC00, s24  }
0x2a4: {  	[spmem:s2] =	stream.indirect.scatter.add.f32 [tilespmem:s17], [sflag:$0x1], $0x1, s30, s16, $0xb8;
	[tilespmem:$0x8800] =	vst v63  }
0x2a5: {  	s24 =	sadd.s32 $0x4C00, s24  }
0x2a6: {  	[spmem:s3] =	stream.indirect.scatter.add.f32 [tilespmem:s17], [sflag:$0x1], $0x1, s24, s16, $0xb8;
	[tilespmem:$0x8800] =	vst v63  }
0x2a7: {  	_ =	swait.ge [sflag:s18], $0x50  }
0x2a8: {  	[sflag:s18] =	ssyncset.done $0x0  }
0x2a9: {  	[sflag:s18] =	ssyncadd.s32 $0xFFFFFFB0  }
0x2aa: {  	_ =	swait.ge [sflag:s18], $0x50  }
0x2ab: {  	[sflag:s18] =	ssyncset.done $0x0  }
0x2ac: {  	[sflag:s18] =	ssyncadd.s32 $0xFFFFFFB0  }
0x2ad: {  	_ =	swait.ge [sflag:s18], $0x50  }
0x2ae: {  	[sflag:s18] =	ssyncset.done $0x0  }
0x2af: {  	[sflag:s18] =	ssyncadd.s32 $0xFFFFFFB0  }
0x2b0: {  	_ =	swait.ge [sflag:s18], $0x50  }
0x2b1: {  	[sflag:s18] =	ssyncset.done $0x0  }
0x2b2: {  	[sflag:s18] =	ssyncadd.s32 $0xFFFFFFB0  }
0x2b3: {  	_ =	swait.ge [sflag:s18], $0x50  }
0x2b4: {  	[sflag:s18] =	ssyncset.done $0x0  }
0x2b5: {  	[sflag:s18] =	ssyncadd.s32 $0xFFFFFFB0  }
0x2b6: {  	_ =	swait.ge [sflag:s18], $0x50  }
0x2b7: {  	[sflag:s18] =	ssyncset.done $0x0  }
0x2b8: {  	[sflag:s18] =	ssyncadd.s32 $0xFFFFFFB0  }
0x2b9: {  	_ =	swait.ge [sflag:s18], $0x50  }
0x2ba: {  	[sflag:s18] =	ssyncset.done $0x0  }
0x2bb: {  	[sflag:s18] =	ssyncadd.s32 $0xFFFFFFB0  }
0x2bc: {  	_ =	swait.ge [sflag:s18], $0x50  }
0x2bd: {  	[sflag:s18] =	ssyncset.done $0x0  }
0x2be: {  	[sflag:s18] =	ssyncadd.s32 $0xFFFFFFB0  }
0x2bf: {  	_ =	swait.ge [sflag:s18], $0x50  }
0x2c0: {  	[sflag:s18] =	ssyncset.done $0x0  }
0x2c1: {  	[sflag:s18] =	ssyncadd.s32 $0xFFFFFFB0  }
0x2c2: {  	_ =	swait.ge [sflag:s18], $0x50  }
0x2c3: {  	[sflag:s18] =	ssyncset.done $0x0  }
0x2c4: {  	[sflag:s18] =	ssyncadd.s32 $0xFFFFFFB0  }
0x2c5: {  	_ =	swait.ge [sflag:s18], $0x50  }
0x2c6: {  	[sflag:s18] =	ssyncset.done $0x0  }
0x2c7: {  	[sflag:s18] =	ssyncadd.s32 $0xFFFFFFB0  }
0x2c8: {  	_ =	swait.ge [sflag:s18], $0x50  }
0x2c9: {  	[sflag:s18] =	ssyncset.done $0x0  }
0x2ca: {  	[sflag:s18] =	ssyncadd.s32 $0xFFFFFFB0  }
0x2cb: {  	_ =	swait.ge [sflag:s18], $0x50  }
0x2cc: {  	[sflag:s18] =	ssyncset.done $0x0  }
0x2cd: {  	[sflag:s18] =	ssyncadd.s32 $0xFFFFFFB0  }
0x2ce: {  	_ =	swait.ge [sflag:s18], $0x50  }
0x2cf: {  	[sflag:s18] =	ssyncset.done $0x0  }
0x2d0: {  	[sflag:s18] =	ssyncadd.s32 $0xFFFFFFB0  }
0x2d1: {  	_ =	swait.ge [sflag:s18], $0x50  }
0x2d2: {  	[sflag:s18] =	ssyncset.done $0x0  }
0x2d3: {  	[sflag:s18] =	ssyncadd.s32 $0xFFFFFFB0  }
0x2d4: {  	_ =	swait.ge [sflag:s18], $0x50  }
0x2d5: {  	[sflag:s18] =	ssyncset.done $0x0  }
0x2d6: {  	[sflag:s18] =	ssyncadd.s32 $0xFFFFFFB0  }
0x2d7: {  	_ =	swait.ge [sflag:s18], $0x50  }
0x2d8: {  	[sflag:s18] =	ssyncset.done $0x0  }
0x2d9: {  	[sflag:s18] =	ssyncadd.s32 $0xFFFFFFB0  }
0x2da: {  	_ =	swait.ge [sflag:s18], $0x50  }
0x2db: {  	[sflag:s18] =	ssyncset.done $0x0  }
0x2dc: {  	[sflag:s18] =	ssyncadd.s32 $0xFFFFFFB0  }
0x2dd: {  	_ =	swait.ge [sflag:s18], $0x50  }
0x2de: {  	[sflag:s18] =	ssyncset.done $0x0  }
0x2df: {  	[sflag:s18] =	ssyncadd.s32 $0xFFFFFFB0  }
0x2e0: {  	_ =	swait.ge [sflag:s18], $0x50  }
0x2e1: {  	[sflag:s18] =	ssyncset.done $0x0  }
0x2e2: {  	[sflag:s18] =	ssyncadd.s32 $0xFFFFFFB0  }
0x2e3: {  	_ =	swait.ge [sflag:s18], $0x50  }
0x2e4: {  	[sflag:s18] =	ssyncset.done $0x0  }
0x2e5: {  	[sflag:s18] =	ssyncadd.s32 $0xFFFFFFB0  }
0x2e6: {  	_ =	swait.ge [sflag:s18], $0x50  }
0x2e7: {  	[sflag:s18] =	ssyncset.done $0x0  }
0x2e8: {  	[sflag:s18] =	ssyncadd.s32 $0xFFFFFFB0  }
0x2e9: {  	_ =	swait.ge [sflag:s18], $0x50  }
0x2ea: {  	[sflag:s18] =	ssyncset.done $0x0  }
0x2eb: {  	[sflag:s18] =	ssyncadd.s32 $0xFFFFFFB0  }
0x2ec: {  	_ =	swait.ge [sflag:s18], $0x50  }
0x2ed: {  	[sflag:s18] =	ssyncset.done $0x0  }
0x2ee: {  	[sflag:s18] =	ssyncadd.s32 $0xFFFFFFB0  }
0x2ef: {  	_ =	swait.ge [sflag:s18], $0x50  }
0x2f0: {  	[sflag:s18] =	ssyncset.done $0x0  }
0x2f1: {  	[sflag:s18] =	ssyncadd.s32 $0xFFFFFFB0  }
0x2f2: {  	_ =	swait.ge [sflag:s18], $0x50  }
0x2f3: {  	[sflag:s18] =	ssyncset.done $0x0  }
0x2f4: {  	[sflag:s18] =	ssyncadd.s32 $0xFFFFFFB0  }
0x2f5: {  	_ =	swait.ge [sflag:s18], $0x50  }
0x2f6: {  	[sflag:s18] =	ssyncset.done $0x0  }
0x2f7: {  	[sflag:s18] =	ssyncadd.s32 $0xFFFFFFB0  }
0x2f8: {  	_ =	swait.ge [sflag:s18], $0x50  }
0x2f9: {  	[sflag:s18] =	ssyncset.done $0x0  }
0x2fa: {  	[sflag:s18] =	ssyncadd.s32 $0xFFFFFFB0  }
0x2fb: {  	_ =	swait.ge [sflag:s18], $0x50  }
0x2fc: {  	[sflag:s18] =	ssyncset.done $0x0  }
0x2fd: {  	[sflag:s18] =	ssyncadd.s32 $0xFFFFFFB0  }
0x2fe: {  	_ =	swait.ge [sflag:s18], $0x50  }
0x2ff: {  	[sflag:s18] =	ssyncset.done $0x0  }
0x300: {  	[sflag:s18] =	ssyncadd.s32 $0xFFFFFFB0  }
0x301: {  	_ =	swait.ge [sflag:s18], $0x50  }
0x302: {  	[sflag:s18] =	ssyncset.done $0x0  }
0x303: {  	[sflag:s18] =	ssyncadd.s32 $0xFFFFFFB0  }
0x304: {  	_ =	swait.ge [sflag:s18], $0x50  }
0x305: {  	[sflag:s18] =	ssyncset.done $0x0  }
0x306: {  	[sflag:s18] =	ssyncadd.s32 $0xFFFFFFB0  }
0x307: {  	_ =	swait.ge [sflag:s18], $0x50  }
0x308: {  	[sflag:s18] =	ssyncset.done $0x0  }
0x309: {  	[sflag:s18] =	ssyncadd.s32 $0xFFFFFFB0  }
0x30a: {  	_ =	swait.ge [sflag:s18], $0x50  }
0x30b: {  	[sflag:s18] =	ssyncset.done $0x0  }
0x30c: {  	[sflag:s18] =	ssyncadd.s32 $0xFFFFFFB0  }
0x30d: {  	_ =	swait.ge [sflag:s18], $0x50  }
0x30e: {  	[sflag:s18] =	ssyncset.done $0x0  }
0x30f: {  	[sflag:s18] =	ssyncadd.s32 $0xFFFFFFB0  }
0x310: {  	_ =	swait.ge [sflag:s18], $0x50  }
0x311: {  	[sflag:s18] =	ssyncset.done $0x0  }
0x312: {  	[sflag:s18] =	ssyncadd.s32 $0xFFFFFFB0  }
0x313: {  	_ =	swait.ge [sflag:s18], $0x50  }
0x314: {  	[sflag:s18] =	ssyncset.done $0x0  }
0x315: {  	[sflag:s18] =	ssyncadd.s32 $0xFFFFFFB0  }
0x316: {  	_ =	swait.ge [sflag:s18], $0x50  }
0x317: {  	[sflag:s18] =	ssyncset.done $0x0  }
0x318: {  	[sflag:s18] =	ssyncadd.s32 $0xFFFFFFB0  }
0x319: {  	_ =	swait.ge [sflag:s18], $0x50  }
0x31a: {  	[sflag:s18] =	ssyncset.done $0x0  }
0x31b: {  	[sflag:s18] =	ssyncadd.s32 $0xFFFFFFB0  }
0x31c: {  	_ =	swait.ge [sflag:s18], $0x50  }
0x31d: {  	[sflag:s18] =	ssyncset.done $0x0  }
0x31e: {  	[sflag:s18] =	ssyncadd.s32 $0xFFFFFFB0  }
0x31f: {  	_ =	swait.ge [sflag:s18], $0x50  }
0x320: {  	[sflag:s18] =	ssyncset.done $0x0  }
0x321: {  	[sflag:s18] =	ssyncadd.s32 $0xFFFFFFB0  }
0x322: {  	_ =	swait.ge [sflag:s18], $0x50  }
0x323: {  	[sflag:s18] =	ssyncset.done $0x0  }
0x324: {  	[sflag:s18] =	ssyncadd.s32 $0xFFFFFFB0  }
0x325: {  	_ =	swait.ge [sflag:s18], $0x50  }
0x326: {  	[sflag:s18] =	ssyncset.done $0x0  }
0x327: {  	[sflag:s18] =	ssyncadd.s32 $0xFFFFFFB0  }
0x328: {  	_ =	swait.ge [sflag:s18], $0x50  }
0x329: {  	[sflag:s18] =	ssyncset.done $0x0  }
0x32a: {  	[sflag:s18] =	ssyncadd.s32 $0xFFFFFFB0  }
0x32b: {  	_ =	swait.ge [sflag:s18], $0x50  }
0x32c: {  	[sflag:s18] =	ssyncset.done $0x0  }
0x32d: {  	[sflag:s18] =	ssyncadd.s32 $0xFFFFFFB0  }
0x32e: {  	_ =	swait.ge [sflag:s18], $0x50  }
0x32f: {  	[sflag:s18] =	ssyncset.done $0x0  }
0x330: {  	[sflag:s18] =	ssyncadd.s32 $0xFFFFFFB0  }
0x331: {  	_ =	swait.ge [sflag:s18], $0x50  }
0x332: {  	[sflag:s18] =	ssyncset.done $0x0  }
0x333: {  	[sflag:s18] =	ssyncadd.s32 $0xFFFFFFB0  }
0x334: {  	_ =	swait.ge [sflag:s18], $0x50  }
0x335: {  	[sflag:s18] =	ssyncset.done $0x0  }
0x336: {  	[sflag:s18] =	ssyncadd.s32 $0xFFFFFFB0  }
0x337: {  	_ =	swait.ge [sflag:s18], $0x50  }
0x338: {  	[sflag:s18] =	ssyncset.done $0x0  }
0x339: {  	[sflag:s18] =	ssyncadd.s32 $0xFFFFFFB0  }
0x33a: {  	_ =	swait.ge [sflag:s18], $0x50  }
0x33b: {  	[sflag:s18] =	ssyncset.done $0x0  }
0x33c: {  	[sflag:s18] =	ssyncadd.s32 $0xFFFFFFB0  }
0x33d: {  	[bflag:$0x0] =	sbarrier.arrive $0xFFFF  }
0x33e: {  	[hbm:s9@s21], [sflag:s19] =	dma.strided [spmem:s20@s22], $0x50, s18, $0x10   }
0x33f: {  	s23 =	sadd.s32 $0x1, s23;
	_ =	swait.ge [sflag:s14], $0x50  }
0x340: {  	p0 =	sne.s32 s23, s11;
	[sflag:s14] =	ssyncset.done $0x0  }
.Ltmp1:
0x341: {  	s31 =	sshrl.u32 s8, $0x3;
	[sflag:s14] =	ssyncadd.s32 $0xFFFFFFB0;
	(pc) =	sbr.rel @p0 .LBB2_1-.Ltmp1, $4  }
0x342: {  	[hbm:s10@s21], [sflag:s19] =	dma.strided [spmem:s31@s22], $0x50, s18, $0x10   }
0x343: {  	_ =	swait.ge [sflag:s14], $0x50  }
0x344: {  	[sflag:s14] =	ssyncset.done $0x0  }
0x345: {  	[sflag:s14] =	ssyncadd.s32 $0xFFFFFFB0  }
0x346: {  	_ =	sfence.sel $0x180000  }
0x347: {  	[bflag:$0x0] =	sbarrier.arrive $0xFFFF  }
0x348: {  	p0 =	sne.s32 s1, $0x0;
	_ =	strace $0x90000047  }
0x349: {  	s0 =	sadd.s32 @!p0 $0x100000, s0;
	[bflag:$0x2] =	sbarrier.arrive $0xFFFF  }
0x34a: {  	[sflag:s0] =	ssyncadd.tile.s32 @!p0 $0x1;
	_ =	shalt  }
.Lfunc_end2:
_tile_overlayer_lowered:
.L_overlay_start_2:
0x34b: {  	(tag) =	ssettag $0x2  }
0x34c: {  	s0 =	rddreg [dreg:$0x0];
	s2 =	stileid.u32  }
0x34d: {  	s1 =	rddreg [dreg:$0x1];
	p0 =	sne.s32 s2, $0x0  }
0x34e: {  	s3 =	rddreg [dreg:$0x2];
	[bflag:$0x3] =	sbarrier.arrive $0xFFFF;
	s2 =	simm.s32 @!p0 $0x1C03  }
0x34f: {  	[timem:s3], [sflag:s2] =	dma.local @!p0 [hbm:s0], s1  }
0x350: {  	s0 =	simm.s32 @!p0 $0x3  }
0x351: {  	_ =	swait.ge @!p0 [sflag:s0], s1  }
0x352: {  	s1 =	ssub.s32 @!p0 $0x0, s1;
	[sflag:s0] =	ssyncset.done @!p0 $0x0  }
0x353: {  	[sflag:s0] =	ssyncadd.s32 @!p0 s1  }
0x354: {  	[bflag:$0x3] =	sbarrier.arrive $0xFFFF  }
0x355: {  	_ =	shalt  }

</sc_bundles>
